<compile_context>
chip_gen: v7x
topology: tpu7x:2x2x1
jax: 0.10.2.dev20260603
libtpu: 0.0.44.dev20260713+nightly
codegen_flags: <defaults>
</compile_context>

<pallas_src>
import dataclasses
import functools

import jax
import jax.numpy as jnp
from jax import lax
from jax.experimental import pallas as pl
from jax.experimental.pallas import tpu as pltpu
from jax.experimental.pallas import tpu_sc as plsc

N = 10000
E = 160000
HID = 128
EBLK = 128
NBLK = E // EBLK
NW = 32
NSUB = 16
L = 16
TBLK = 3200
SUBB = TBLK // EBLK
NTBLK = 1000
PREC = jax.lax.Precision.HIGHEST
F32 = jnp.float32


def _silu(v):
    return v / (1.0 + jnp.exp(-v))


def _dot(a, b):
    return jnp.dot(a, b, precision=PREC, preferred_element_type=F32)


def _dot_h(a, b):
    bf16 = jnp.bfloat16
    ah = a.astype(bf16)
    al = (a - ah.astype(F32)).astype(bf16)
    bh = b.astype(bf16)
    bl = (b - bh.astype(F32)).astype(bf16)

    def d(u, v):
        return jnp.dot(u, v, preferred_element_type=F32)

    return d(ah, bl) + d(al, bh) + d(ah, bh)



def _sc_params():
    cp = pltpu.CompilerParams()
    if "needs_layout_passes" in pltpu.CompilerParams.__dataclass_fields__:
        cp = dataclasses.replace(cp, needs_layout_passes=False)
    return cp


@functools.cache
def _sc_mesh():
    return plsc.VectorSubcoreMesh(core_axis_name="c", subcore_axis_name="s",
                                  num_cores=2, num_subcores=NSUB)


@jax.jit
def _sc_gather(tab_a, tab_b, xflat, rc, row, col):
    ec = row.shape[0]
    nblk = ec // EBLK

    npair = nblk // 2
    RCW = 4 * EBLK

    @functools.partial(
        pl.kernel,
        out_type=(jax.ShapeDtypeStruct((ec, HID), F32),
                  jax.ShapeDtypeStruct((ec, HID), F32),
                  jax.ShapeDtypeStruct((nblk * 8, EBLK), F32)),
        mesh=_sc_mesh(),
        scratch_types=[
            pltpu.VMEM((2, RCW), jnp.int32),
            pltpu.VMEM((2 * EBLK, HID), F32),
            pltpu.VMEM((2 * EBLK, HID), F32),
            pltpu.VMEM((3 * N,), F32),
            pltpu.VMEM((16, EBLK), F32),
            pltpu.SemaphoreType.DMA,
            pltpu.SemaphoreType.DMA,
            pltpu.SemaphoreType.DMA,
            pltpu.SemaphoreType.DMA,
        ],
        compiler_params=_sc_params(),
    )
    def k(ta_hbm, tb_hbm, x_hbm, rc_hbm, row_hbm, col_hbm,
          oa_hbm, ob_hbm, aux_hbm,
          idx, buf_a, buf_b, xbuf, stage, sem_a, sem_b, sem_x, sem_i):
        wid = lax.axis_index("s") * 2 + lax.axis_index("c")
        cp_x = pltpu.async_copy(x_hbm, xbuf, sem_x)
        pltpu.async_copy(rc_hbm.at[wid], idx.at[0], sem_i)
        cp_x.wait()

        def coords(nb, slot):
            for j in range(nb * (EBLK // L)):
                ro = 8 * (j // (EBLK // L))
                lo = (j % (EBLK // L)) * L
                ia3 = idx[slot, pl.ds(j * L, L)] * 3
                ib3 = idx[slot, pl.ds(2 * EBLK + j * L, L)] * 3
                rad = jnp.zeros((L,), F32)
                for d in range(3):
                    ds = jnp.full((L,), d, jnp.int32)
                    cd = (plsc.load_gather(xbuf, [ia3 + ds])
                          - plsc.load_gather(xbuf, [ib3 + ds]))
                    stage[ro + d, pl.ds(lo, L)] = cd
                    rad = rad + cd * cd
                stage[ro + 3, pl.ds(lo, L)] = rad

        @pl.loop(wid, npair, step=NW)
        def _(p):
            base = p * 2 * EBLK
            it = (p - wid) // NW
            slot = lax.rem(it, 2)
            pltpu.make_async_copy(rc_hbm.at[p], idx.at[slot], sem_i).wait()

            @pl.when(p + NW < npair)
            def _():
                pltpu.async_copy(rc_hbm.at[p + NW], idx.at[1 - slot], sem_i)

            cps = [
                pltpu.async_copy(ta_hbm.at[idx.at[slot, pl.ds(0, EBLK)]],
                                 buf_a.at[pl.ds(0, EBLK)], sem_a),
                pltpu.async_copy(ta_hbm.at[idx.at[slot, pl.ds(EBLK, EBLK)]],
                                 buf_a.at[pl.ds(EBLK, EBLK)], sem_a),
                pltpu.async_copy(
                    tb_hbm.at[idx.at[slot, pl.ds(2 * EBLK, EBLK)]],
                    buf_b.at[pl.ds(0, EBLK)], sem_b),
                pltpu.async_copy(
                    tb_hbm.at[idx.at[slot, pl.ds(3 * EBLK, EBLK)]],
                    buf_b.at[pl.ds(EBLK, EBLK)], sem_b),
            ]
            coords(2, slot)
            pltpu.sync_copy(stage, aux_hbm.at[pl.ds(p * 16, 16)])
            for cp in cps:
                cp.wait()
            pltpu.sync_copy(buf_a, oa_hbm.at[pl.ds(base, 2 * EBLK)])
            pltpu.sync_copy(buf_b, ob_hbm.at[pl.ds(base, 2 * EBLK)])

        @pl.loop(wid + 2 * npair, nblk, step=NW)
        def _(b):
            base = b * EBLK
            pltpu.sync_copy(row_hbm.at[pl.ds(base, EBLK)],
                            idx.at[0, pl.ds(0, EBLK)])
            pltpu.sync_copy(col_hbm.at[pl.ds(base, EBLK)],
                            idx.at[0, pl.ds(2 * EBLK, EBLK)])
            cp_a = pltpu.async_copy(ta_hbm.at[idx.at[0, pl.ds(0, EBLK)]],
                                    buf_a.at[pl.ds(0, EBLK)], sem_a)
            cp_b = pltpu.async_copy(
                tb_hbm.at[idx.at[0, pl.ds(2 * EBLK, EBLK)]],
                buf_b.at[pl.ds(0, EBLK)], sem_b)
            coords(1, 0)
            pltpu.sync_copy(stage.at[pl.ds(0, 8)], aux_hbm.at[pl.ds(b * 8, 8)])
            cp_a.wait()
            cp_b.wait()
            pltpu.sync_copy(buf_a.at[pl.ds(0, EBLK)],
                            oa_hbm.at[pl.ds(base, EBLK)])
            pltpu.sync_copy(buf_b.at[pl.ds(0, EBLK)],
                            ob_hbm.at[pl.ds(base, EBLK)])

    return k(tab_a, tab_b, xflat, rc, row, col)


@jax.jit
def _sc_scatter(m, tail, row, init2):
    ec = m.shape[0]
    nblk = ec // EBLK
    BB = 3
    ngrp = nblk // BB

    @functools.partial(
        pl.kernel,
        out_type=jax.ShapeDtypeStruct((2, N, HID), F32),
        mesh=_sc_mesh(),
        scratch_types=[
            pltpu.VMEM((BB * EBLK,), jnp.int32),
            pltpu.VMEM((BB * EBLK, HID), F32),
            pltpu.VMEM_SHARED((N, HID), F32),
        ],
        compiler_params=_sc_params(),
    )
    def k(m_hbm, tail_hbm, row_hbm, z_hbm, out_hbm, idx, buf, acc):
        cid = lax.axis_index("c")
        sid = lax.axis_index("s")
        chunk = 400

        @pl.loop(sid, N // chunk, step=NSUB)
        def _(g):
            sl = pl.ds(g * chunk, chunk)
            pltpu.sync_copy(z_hbm.at[cid, sl], acc.at[sl])

        plsc.subcore_barrier()

        def scat(src_hbm):
            @pl.loop(sid, ngrp, step=NSUB)
            def _(g):
                base = g * BB * EBLK
                pltpu.sync_copy(row_hbm.at[pl.ds(base, BB * EBLK)], idx)
                pltpu.sync_copy(src_hbm.at[pl.ds(base, BB * EBLK)], buf)
                for k in range(BB):
                    sl = pl.ds(k * EBLK, EBLK)
                    pltpu.sync_copy(buf.at[sl], acc.at[idx.at[sl]], add=True)

            @pl.loop(sid + BB * ngrp, nblk, step=NSUB)
            def _(b):
                base = b * EBLK
                sl = pl.ds(0, EBLK)
                pltpu.sync_copy(row_hbm.at[pl.ds(base, EBLK)], idx.at[sl])
                pltpu.sync_copy(src_hbm.at[pl.ds(base, EBLK)], buf.at[sl])
                pltpu.sync_copy(buf.at[sl], acc.at[idx.at[sl]], add=True)

        @pl.when(cid == 0)
        def _():
            scat(m_hbm)

        @pl.when(cid == 1)
        def _():
            scat(tail_hbm)

        plsc.subcore_barrier()

        @pl.loop(sid, N // chunk, step=NSUB)
        def _(g):
            sl = pl.ds(g * chunk, chunk)
            pltpu.sync_copy(acc.at[sl], out_hbm.at[cid, sl])

    return k(m, tail, row, init2)



def _full(shape):
    nd = len(shape)
    return pl.BlockSpec(shape, lambda *_: (0,) * nd)


def _init_tc(h, embw, embb, waw, wab, wbw):
    def body(h_ref, ew_ref, eb_ref, aw_ref, ab_ref, bw_ref,
             h0_ref, ta_ref, tb_ref):
        h0 = _dot(h_ref[...], ew_ref[...]) + eb_ref[...]
        h0_ref[...] = h0
        ta_ref[...] = _dot(h0, aw_ref[...]) + ab_ref[...]
        tb_ref[...] = _dot(h0, bw_ref[...])

    blk = pl.BlockSpec((NTBLK, HID), lambda i: (i, 0))
    return pl.pallas_call(
        body,
        grid=(N // NTBLK,),
        in_specs=[blk, _full((HID, HID)), _full((1, HID)),
                  _full((HID, HID)), _full((1, HID)), _full((HID, HID))],
        out_specs=[blk, blk, blk],
        out_shape=[jax.ShapeDtypeStruct((N, HID), F32)] * 3,
    )(h, embw, embb, waw, wab, wbw)


def _edge_tc(ga, gb, aux, e2w, e2b, c1w, c1b, c2r, wr):
    def body(ga_ref, gb_ref, aux_ref, e2w_ref, e2b_ref, c1w_ref, c1b_ref,
             c2r_ref, wr_ref, m_ref, tail_ref):
        a3 = aux_ref[...].reshape(SUBB, 8, EBLK)
        li = lax.broadcasted_iota(jnp.int32, (TBLK, EBLK), 1)
        ri = lax.broadcasted_iota(jnp.int32, (TBLK, EBLK), 0)
        dmask = (li == ri % EBLK).astype(F32)

        def col(d):
            b = jnp.broadcast_to(a3[:, d:d + 1, :],
                                 (SUBB, EBLK, EBLK)).reshape(TBLK, EBLK)
            return jnp.sum(b * dmask, axis=1, keepdims=True)

        cd0, cd1, cd2, radial = col(0), col(1), col(2), col(3)
        pre = ga_ref[...] + gb_ref[...] + radial * wr_ref[...]
        m = _silu(_dot_h(_silu(pre), e2w_ref[...]) + e2b_ref[...])
        t2 = _silu(_dot_h(m, c1w_ref[...]) + c1b_ref[...])
        t = jnp.sum(t2 * c2r_ref[...], axis=1, keepdims=True)
        m_ref[...] = m
        tail_ref[...] = jnp.concatenate(
            [cd0 * t, cd1 * t, cd2 * t, jnp.ones((TBLK, 1), F32),
             jnp.zeros((TBLK, HID - 4), F32)], axis=1)

    ec = ga.shape[0]
    eblk = pl.BlockSpec((TBLK, HID), lambda i: (i, 0))
    return pl.pallas_call(
        body,
        grid=(ec // TBLK,),
        in_specs=[
            eblk, eblk,
            pl.BlockSpec((SUBB * 8, EBLK), lambda i: (i, 0)),
            _full((HID, HID)), _full((1, HID)),
            _full((HID, HID)), _full((1, HID)),
            _full((1, HID)), _full((1, HID)),
        ],
        out_specs=[eblk, eblk],
        out_shape=[jax.ShapeDtypeStruct((ec, HID), F32)] * 2,
    )(ga, gb, aux, e2w, e2b, c1w, c1b, c2r, wr)


def _node_tc(h, x, parts, n1aw, n1bw, n1b, n2w, n2b, naw, nab, nbw):
    def body(h_ref, x_ref, p_ref, n1aw_ref, n1bw_ref, n1b_ref,
             n2w_ref, n2b_ref, naw_ref, nab_ref, nbw_ref,
             ho_ref, xo_ref, ta_ref, tb_ref):
        tlv = p_ref[1]
        tsum = tlv[:, :3]
        cnt = tlv[:, 3:4]
        xo_ref[...] = x_ref[...] + tsum / jnp.maximum(cnt, 1.0)
        agg = p_ref[0]
        h_in = h_ref[...]
        z = _silu(_dot(h_in, n1aw_ref[...]) + _dot(agg, n1bw_ref[...])
                  + n1b_ref[...])
        hn = h_in + _dot(z, n2w_ref[...]) + n2b_ref[...]
        ho_ref[...] = hn
        ta_ref[...] = _dot(hn, naw_ref[...]) + nab_ref[...]
        tb_ref[...] = _dot(hn, nbw_ref[...])

    blk = pl.BlockSpec((NTBLK, HID), lambda i: (i, 0))
    blk3 = pl.BlockSpec((NTBLK, 3), lambda i: (i, 0))
    pblk = pl.BlockSpec((2, NTBLK, HID), lambda i: (0, i, 0))
    return pl.pallas_call(
        body,
        grid=(N // NTBLK,),
        in_specs=[
            blk, blk3, pblk,
            _full((HID, HID)), _full((HID, HID)), _full((1, HID)),
            _full((HID, HID)), _full((1, HID)),
            _full((HID, HID)), _full((1, HID)), _full((HID, HID)),
        ],
        out_specs=[blk, blk3, blk, blk],
        out_shape=[
            jax.ShapeDtypeStruct((N, HID), F32),
            jax.ShapeDtypeStruct((N, 3), F32),
            jax.ShapeDtypeStruct((N, HID), F32),
            jax.ShapeDtypeStruct((N, HID), F32),
        ],
    )(h, x, parts, n1aw, n1bw, n1b, n2w, n2b, naw, nab, nbw)


def _head_tc(tab, ca2, l1w, l1b, l2w, l2b):
    ng = ca2.shape[0]

    def body(tab_ref, ca_ref, l1w_ref, l1b_ref, l2w_ref, l2b_ref, out_ref):
        iota = lax.broadcasted_iota(jnp.int32, (ng, N), 1)
        oh = (iota == ca_ref[...]).astype(F32)
        ch = _dot(oh, tab_ref[...])
        y = jnp.maximum(_dot(ch, l1w_ref[...]) + l1b_ref[...], 0.0)
        out_ref[...] = _dot(y, l2w_ref[...]) + l2b_ref[...]

    return pl.pallas_call(
        body,
        in_specs=[
            _full((N, HID)), _full((ng, 1)),
            _full((HID, 64)), _full((1, 64)),
            _full((64, HID)), _full((1, HID)),
        ],
        out_specs=_full((ng, HID)),
        out_shape=jax.ShapeDtypeStruct((ng, HID), F32),
    )(tab, ca2, l1w, l1b, l2w, l2b)



def kernel(h, x, edges, ca_idx, params):
    row = edges[0]
    col = edges[1]
    ech = E // 2
    rows = (row[:ech], row[ech:])
    cols = (col[:ech], col[ech:])

    def pack_rc(r, c):
        npair = (r.shape[0] // EBLK) // 2
        pe = npair * 2 * EBLK
        return jnp.concatenate([r[:pe].reshape(npair, 2 * EBLK),
                                c[:pe].reshape(npair, 2 * EBLK)], axis=1)

    rcs = (pack_rc(rows[0], cols[0]), pack_rc(rows[1], cols[1]))
    zeros_2nh = jnp.zeros((2, N, HID), F32)
    zeros_hh = jnp.zeros((HID, HID), F32)

    def r1(v):
        return v.reshape(1, -1)

    lps = params["layers"]

    def proj_w(lp):
        e1w = lp["e1"]["w"]
        return e1w[:HID], r1(lp["e1"]["b"]), e1w[HID:2 * HID], r1(e1w[2 * HID])

    wa0, ab0, wb0, _ = proj_w(lps[0])
    hcur, ta, tb = _init_tc(h, params["emb_in"]["w"], r1(params["emb_in"]["b"]),
                            wa0, ab0, wb0)
    xcur = x
    for li, lp in enumerate(lps):
        _, _, _, wr = proj_w(lp)
        xflat = xcur.reshape(-1)
        gs = [_sc_gather(ta, tb, xflat, rcs[c], rows[c], cols[c])
              for c in range(2)]
        parts = zeros_2nh
        for c in range(2):
            ga, gb, aux = gs[c]
            m, tail = _edge_tc(ga, gb, aux,
                               lp["e2"]["w"], r1(lp["e2"]["b"]),
                               lp["c1"]["w"], r1(lp["c1"]["b"]),
                               r1(lp["c2"]["w"]), wr)
            parts = _sc_scatter(m, tail, rows[c], parts)
        if li + 1 < len(lps):
            naw, nab, nbw, _ = proj_w(lps[li + 1])
        else:
            naw, nab, nbw = (params["emb_out"]["w"],
                             r1(params["emb_out"]["b"]), zeros_hh)
        n1w = lp["n1"]["w"]
        hcur, xcur, ta, tb = _node_tc(
            hcur, xcur, parts,
            n1w[:HID], n1w[HID:], r1(lp["n1"]["b"]),
            lp["n2"]["w"], r1(lp["n2"]["b"]),
            naw, nab, nbw)
    return _head_tc(ta, ca_idx.reshape(-1, 1).astype(jnp.int32),
                    params["mlp_l1"]["w"], r1(params["mlp_l1"]["b"]),
                    params["mlp_l2"]["w"], r1(params["mlp_l2"]["b"]))

# --- scband reference (transcript-rebuilt; emitter-appended) ---
"""Pipeline reference for scband-res-egnn-26001732010238 (READ-ONLY COPY).

The authoritative reference and input builder live on the scoring server;
editing this copy changes nothing except your own understanding.
"""

import jax, jax.numpy as jnp
import numpy as np

N = 10000
E = 160000
IN_NF = 128
HID = 128
OUT_NF = 128
N_LAYERS = 4
N_GRAPHS = 64

def _lin(key, fi, fo, scale=None, bias=True):
    w = jax.random.normal(key, (fi, fo), dtype=jnp.float32) * (scale if scale is not None else 1.0 / np.sqrt(fi))
    p = {"w": w}
    if bias:
        p["b"] = jnp.zeros((fo,), dtype=jnp.float32)
    return p

def _build_params(key):
    def pk(i):
        return jax.random.fold_in(key, i)
    params = {}
    params["emb_in"] = _lin(pk(0), IN_NF, HID)
    layers = []
    c = 1
    for _ in range(N_LAYERS):
        lp = {}
        lp["e1"] = _lin(pk(c), 2 * HID + 1, HID); c += 1
        lp["e2"] = _lin(pk(c), HID, HID); c += 1
        lp["n1"] = _lin(pk(c), 2 * HID, HID); c += 1
        lp["n2"] = _lin(pk(c), HID, HID); c += 1
        lp["c1"] = _lin(pk(c), HID, HID); c += 1
        lp["c2"] = _lin(pk(c), HID, 1, scale=0.001, bias=False); c += 1
        layers.append(lp)
    params["layers"] = layers
    params["emb_out"] = _lin(pk(c), HID, HID); c += 1
    params["mlp_l1"] = _lin(pk(c), HID, 64); c += 1
    params["mlp_l2"] = _lin(pk(c), 64, OUT_NF); c += 1
    return params

def setup_inputs(seed: int = 0):
    key = jax.random.key(seed)
    k = jax.random.split(key, 5)
    h = jax.random.normal(k[0], (N, IN_NF), dtype=jnp.float32)
    x = jax.random.normal(k[1], (N, 3), dtype=jnp.float32)
    edges = jax.random.randint(k[2], (2, E), 0, N)
    ca_idx = jax.random.randint(k[3], (N_GRAPHS,), 0, N)
    params = _build_params(k[4])
    return {"h": h, "x": x, "edges": edges, "ca_idx": ca_idx, "params": params}

def _silu(v):
    return v * jax.nn.sigmoid(v)

def _forward(h, x, params, edges, ca_idx):
    row = edges[0]
    col = edges[1]
    # EGNN input embedding
    h = h @ params["emb_in"]["w"] + params["emb_in"]["b"]
    for lp in params["layers"]:
        # edge model
        coord_diff = x[row] - x[col]
        radial = jnp.sum(coord_diff * coord_diff, axis=1, keepdims=True)
        einp = jnp.concatenate([h[row], h[col], radial], axis=1)
        m = _silu(einp @ lp["e1"]["w"] + lp["e1"]["b"])
        m = _silu(m @ lp["e2"]["w"] + lp["e2"]["b"])
        # coord model (mean aggregation as in official EGNN)
        t = _silu(m @ lp["c1"]["w"] + lp["c1"]["b"]) @ lp["c2"]["w"]
        trans = coord_diff * t
        tsum = jax.ops.segment_sum(trans, row, num_segments=N)
        cnt = jax.ops.segment_sum(jnp.ones((trans.shape[0], 1), dtype=jnp.float32), row, num_segments=N)
        x = x + tsum / jnp.maximum(cnt, 1.0)
        # node model (sum aggregation + residual)
        agg = jax.ops.segment_sum(m, row, num_segments=N)
        ninp = jnp.concatenate([h, agg], axis=1)
        h = h + (_silu(ninp @ lp["n1"]["w"] + lp["n1"]["b"]) @ lp["n2"]["w"] + lp["n2"]["b"])
    h = h @ params["emb_out"]["w"] + params["emb_out"]["b"]
    # central residue readout + MLP head (hidden=[64], ReLU)
    ch = h[ca_idx]
    out = jax.nn.relu(ch @ params["mlp_l1"]["w"] + params["mlp_l1"]["b"]) @ params["mlp_l2"]["w"] + params["mlp_l2"]["b"]
    return out

def reference(h, x, edges, ca_idx, params):
    return _forward(h, x, params, edges, ca_idx)

if __name__ == "__main__":
    import jax
    _d = setup_inputs()
    print(jax.jit(kernel)(*tuple(_d.values())))

</pallas_src>

<mosaic_0001>
#map = affine_map<(d0, d1) -> (0, 0)>
#map1 = affine_map<(d0, d1) -> (0)>
module attributes {stable_mosaic.version = 14 : i64} {
  func.func @k(%arg0: i32, %arg1: i32, %arg2: memref<10000x128xf32, #tpu.memory_space<hbm>>, %arg3: memref<10000x128xf32, #tpu.memory_space<hbm>>, %arg4: memref<30000xf32, #tpu.memory_space<hbm>>, %arg5: memref<312x512xi32, #tpu.memory_space<hbm>>, %arg6: memref<80000xi32, #tpu.memory_space<hbm>>, %arg7: memref<80000xi32, #tpu.memory_space<hbm>>, %arg8: memref<80000x128xf32, #tpu.memory_space<hbm>>, %arg9: memref<80000x128xf32, #tpu.memory_space<hbm>>, %arg10: memref<5000x128xf32, #tpu.memory_space<hbm>>, %arg11: memref<2x512xi32, #tpu.memory_space<vmem>>, %arg12: memref<256x128xf32, #tpu.memory_space<vmem>>, %arg13: memref<256x128xf32, #tpu.memory_space<vmem>>, %arg14: memref<30000xf32, #tpu.memory_space<vmem>>, %arg15: memref<16x128xf32, #tpu.memory_space<vmem>>, %arg16: memref<!tpu.dma_semaphore, #tpu.memory_space<semaphore_mem>>, %arg17: memref<!tpu.dma_semaphore, #tpu.memory_space<semaphore_mem>>, %arg18: memref<!tpu.dma_semaphore, #tpu.memory_space<semaphore_mem>>, %arg19: memref<!tpu.dma_semaphore, #tpu.memory_space<semaphore_mem>>) attributes {dimension_semantics = [#tpu.dimension_semantics<core_parallel>, #tpu.dimension_semantics<subcore_parallel>], iteration_bounds = array<i64: 2, 16>, scalar_prefetch = 0 : i64, scratch_operands = 9 : i64, tpu.core_type = #tpu.core_type<sc_vector_subcore>, window_params = [{transform_indices = #map}, {transform_indices = #map}, {transform_indices = #map1}, {transform_indices = #map}, {transform_indices = #map1}, {transform_indices = #map1}, {transform_indices = #map}, {transform_indices = #map}, {transform_indices = #map}]} {
    %mul3A = arith.constant 2 : i32
    %mul3A_0 = arith.muli %arg1, %mul3A : i32
    %add3A = arith.addi %mul3A_0, %arg0 : i32
    tpu.enqueue_dma source(%arg4 : memref<30000xf32, #tpu.memory_space<hbm>>) target(%arg14 : memref<30000xf32, #tpu.memory_space<vmem>>) target_semaphore(%arg18 : memref<!tpu.dma_semaphore, #tpu.memory_space<semaphore_mem>>)
    %dma_start3A = arith.constant 0 : i32
    %dma_start3A_1 = arith.constant 0 : i32
    %dma_start3A_2 = tpu.memref_slice %arg11[%dma_start3A, %dma_start3A_1] : memref<2x512xi32, #tpu.memory_space<vmem>> -> memref<1x512xi32, #tpu.memory_space<vmem>>
    %dma_start3A_3 = tpu.memref_squeeze %dma_start3A_2 : memref<1x512xi32, #tpu.memory_space<vmem>> -> memref<512xi32, #tpu.memory_space<vmem>>
    %dma_start3A_4 = arith.constant 0 : i32
    %dma_start3A_5 = tpu.memref_slice %arg5[%add3A, %dma_start3A_4] : memref<312x512xi32, #tpu.memory_space<hbm>> -> memref<1x512xi32, #tpu.memory_space<hbm>>
    %dma_start3A_6 = tpu.memref_squeeze %dma_start3A_5 : memref<1x512xi32, #tpu.memory_space<hbm>> -> memref<512xi32, #tpu.memory_space<hbm>>
    %dma_start3A_7 = arith.constant 0 : i32
    %dma_start3A_8 = tpu.memref_slice %arg11[%dma_start3A, %dma_start3A_7] : memref<2x512xi32, #tpu.memory_space<vmem>> -> memref<1x512xi32, #tpu.memory_space<vmem>>
    %dma_start3A_9 = tpu.memref_squeeze %dma_start3A_8 : memref<1x512xi32, #tpu.memory_space<vmem>> -> memref<512xi32, #tpu.memory_space<vmem>>
    %dma_start3A_10 = arith.constant 0 : i32
    %dma_start3A_11 = tpu.memref_slice %arg5[%add3A, %dma_start3A_10] : memref<312x512xi32, #tpu.memory_space<hbm>> -> memref<1x512xi32, #tpu.memory_space<hbm>>
    %dma_start3A_12 = tpu.memref_squeeze %dma_start3A_11 : memref<1x512xi32, #tpu.memory_space<hbm>> -> memref<512xi32, #tpu.memory_space<hbm>>
    tpu.enqueue_dma source(%dma_start3A_12 : memref<512xi32, #tpu.memory_space<hbm>>) target(%dma_start3A_9 : memref<512xi32, #tpu.memory_space<vmem>>) target_semaphore(%arg19 : memref<!tpu.dma_semaphore, #tpu.memory_space<semaphore_mem>>)
    tpu.wait_dma2 semaphore(%arg18 : memref<!tpu.dma_semaphore, #tpu.memory_space<semaphore_mem>>) src(%arg4 : memref<30000xf32, #tpu.memory_space<hbm>>) dst(%arg14 : memref<30000xf32, #tpu.memory_space<vmem>>)
    %sub3A = arith.constant 312 : i32
    %sub3A_13 = arith.subi %sub3A, %add3A : i32
    %sub3A_14 = arith.constant 32 : i32
    %sub3A_15 = arith.constant 1 : i32
    %sub3A_16 = arith.subi %sub3A_14, %sub3A_15 : i32
    %add3A_17 = arith.addi %sub3A_13, %sub3A_16 : i32
    %div3A = arith.constant 32 : i32
    %div3A_18 = arith.divsi %add3A_17, %div3A : i32
    %while3A = arith.constant 32 : i32
    %while3A_19 = arith.constant 0 : i32
    %while3A_20 = arith.subi %div3A_18, %while3A_19 : i32
    %while3A_21 = arith.addi %while3A_19, %while3A_20 : i32
    %while3A_22 = arith.constant 1 : i32
    %while3A_23 = arith.divsi %while3A_20, %while3A_22 : i32
    %while3A_24 = arith.muli %while3A_23, %while3A_22 : i32
    %while3A_25 = arith.addi %while3A_19, %while3A_24 : i32
    %while3A_26 = arith.constant 1 : i32
    scf.for %while3A_48 = %while3A_19 to %while3A_25 step %while3A_26  : i32 {
      %mul3A_49 = arith.muli %while3A_48, %while3A : i32
      %add3A_50 = arith.addi %add3A, %mul3A_49 : i32
      %mul3A_51 = arith.constant 2 : i32
      %mul3A_52 = arith.muli %add3A_50, %mul3A_51 : i32
      %mul3A_53 = arith.constant 128 : i32
      %mul3A_54 = arith.muli %mul3A_52, %mul3A_53 : i32
      %sub3A_55 = arith.subi %add3A_50, %add3A : i32
      %jit3A = arith.constant 32 : i32
      %div3A_56 = arith.divsi %sub3A_55, %jit3A : i32
      %sign3A = arith.constant 0 : i32
      %sign3A_57 = arith.cmpi sgt, %sub3A_55, %sign3A : i32
      %sign3A_58 = arith.extui %sign3A_57 : i1 to i32
      %sign3A_59 = arith.constant 0 : i32
      %sign3A_60 = arith.cmpi slt, %sub3A_55, %sign3A_59 : i32
      %sign3A_61 = arith.extui %sign3A_60 : i1 to i32
      %sign3A_62 = arith.subi %sign3A_58, %sign3A_61 : i32
      %sign3A_63 = arith.constant 0 : i32
      %sign3A_64 = arith.cmpi sgt, %jit3A, %sign3A_63 : i32
      %sign3A_65 = arith.extui %sign3A_64 : i1 to i32
      %sign3A_66 = arith.constant 0 : i32
      %sign3A_67 = arith.cmpi slt, %jit3A, %sign3A_66 : i32
      %sign3A_68 = arith.extui %sign3A_67 : i1 to i32
      %sign3A_69 = arith.subi %sign3A_65, %sign3A_68 : i32
      %ne3A = arith.cmpi ne, %sign3A_62, %sign3A_69 : i32
      %rem3A = arith.remsi %sub3A_55, %jit3A : i32
      %ne3A_70 = arith.constant 0 : i32
      %ne3A_71 = arith.cmpi ne, %rem3A, %ne3A_70 : i32
      %and3A = arith.andi %ne3A, %ne3A_71 : i1
      %sub3A_72 = arith.constant 1 : i32
      %sub3A_73 = arith.subi %div3A_56, %sub3A_72 : i32
      %select_n3A = arith.select %and3A, %sub3A_73, %div3A_56 : i32
      %rem3A_74 = arith.constant 2 : i32
      %rem3A_75 = arith.remsi %select_n3A, %rem3A_74 : i32
      %dma_wait3A = arith.constant 0 : i32
      %dma_wait3A_76 = tpu.memref_slice %arg11[%rem3A_75, %dma_wait3A] : memref<2x512xi32, #tpu.memory_space<vmem>> -> memref<1x512xi32, #tpu.memory_space<vmem>>
      %dma_wait3A_77 = tpu.memref_squeeze %dma_wait3A_76 : memref<1x512xi32, #tpu.memory_space<vmem>> -> memref<512xi32, #tpu.memory_space<vmem>>
      %dma_wait3A_78 = arith.constant 0 : i32
      %dma_wait3A_79 = tpu.memref_slice %arg5[%add3A_50, %dma_wait3A_78] : memref<312x512xi32, #tpu.memory_space<hbm>> -> memref<1x512xi32, #tpu.memory_space<hbm>>
      %dma_wait3A_80 = tpu.memref_squeeze %dma_wait3A_79 : memref<1x512xi32, #tpu.memory_space<hbm>> -> memref<512xi32, #tpu.memory_space<hbm>>
      %dma_wait3A_81 = arith.constant 0 : i32
      %dma_wait3A_82 = tpu.memref_slice %arg11[%rem3A_75, %dma_wait3A_81] : memref<2x512xi32, #tpu.memory_space<vmem>> -> memref<1x512xi32, #tpu.memory_space<vmem>>
      %dma_wait3A_83 = tpu.memref_squeeze %dma_wait3A_82 : memref<1x512xi32, #tpu.memory_space<vmem>> -> memref<512xi32, #tpu.memory_space<vmem>>
      %dma_wait3A_84 = arith.constant 0 : i32
      %dma_wait3A_85 = tpu.memref_slice %arg5[%add3A_50, %dma_wait3A_84] : memref<312x512xi32, #tpu.memory_space<hbm>> -> memref<1x512xi32, #tpu.memory_space<hbm>>
      %dma_wait3A_86 = tpu.memref_squeeze %dma_wait3A_85 : memref<1x512xi32, #tpu.memory_space<hbm>> -> memref<512xi32, #tpu.memory_space<hbm>>
      tpu.wait_dma2 semaphore(%arg19 : memref<!tpu.dma_semaphore, #tpu.memory_space<semaphore_mem>>) src(%dma_wait3A_86 : memref<512xi32, #tpu.memory_space<hbm>>) dst(%dma_wait3A_83 : memref<512xi32, #tpu.memory_space<vmem>>)
      %add3A_87 = arith.constant 32 : i32
      %add3A_88 = arith.addi %add3A_50, %add3A_87 : i32
      %lt3A = arith.constant 312 : i32
      %lt3A_89 = arith.cmpi slt, %add3A_88, %lt3A : i32
      %convert_element_type3A = arith.extui %lt3A_89 : i1 to i32
      %cond3A = arith.constant 0 : i32
      %cond3A_90 = arith.cmpi ne, %convert_element_type3A, %cond3A : i32
      scf.if %cond3A_90 {
        %add3A_1073 = arith.constant 32 : i32
        %add3A_1074 = arith.addi %add3A_50, %add3A_1073 : i32
        %sub3A_1075 = arith.constant 1 : i32
        %sub3A_1076 = arith.subi %sub3A_1075, %rem3A_75 : i32
        %dma_start3A_1077 = arith.constant 0 : i32
        %dma_start3A_1078 = tpu.memref_slice %arg11[%sub3A_1076, %dma_start3A_1077] : memref<2x512xi32, #tpu.memory_space<vmem>> -> memref<1x512xi32, #tpu.memory_space<vmem>>
        %dma_start3A_1079 = tpu.memref_squeeze %dma_start3A_1078 : memref<1x512xi32, #tpu.memory_space<vmem>> -> memref<512xi32, #tpu.memory_space<vmem>>
        %dma_start3A_1080 = arith.constant 0 : i32
        %dma_start3A_1081 = tpu.memref_slice %arg5[%add3A_1074, %dma_start3A_1080] : memref<312x512xi32, #tpu.memory_space<hbm>> -> memref<1x512xi32, #tpu.memory_space<hbm>>
        %dma_start3A_1082 = tpu.memref_squeeze %dma_start3A_1081 : memref<1x512xi32, #tpu.memory_space<hbm>> -> memref<512xi32, #tpu.memory_space<hbm>>
        %dma_start3A_1083 = arith.constant 0 : i32
        %dma_start3A_1084 = tpu.memref_slice %arg11[%sub3A_1076, %dma_start3A_1083] : memref<2x512xi32, #tpu.memory_space<vmem>> -> memref<1x512xi32, #tpu.memory_space<vmem>>
        %dma_start3A_1085 = tpu.memref_squeeze %dma_start3A_1084 : memref<1x512xi32, #tpu.memory_space<vmem>> -> memref<512xi32, #tpu.memory_space<vmem>>
        %dma_start3A_1086 = arith.constant 0 : i32
        %dma_start3A_1087 = tpu.memref_slice %arg5[%add3A_1074, %dma_start3A_1086] : memref<312x512xi32, #tpu.memory_space<hbm>> -> memref<1x512xi32, #tpu.memory_space<hbm>>
        %dma_start3A_1088 = tpu.memref_squeeze %dma_start3A_1087 : memref<1x512xi32, #tpu.memory_space<hbm>> -> memref<512xi32, #tpu.memory_space<hbm>>
        tpu.enqueue_dma source(%dma_start3A_1088 : memref<512xi32, #tpu.memory_space<hbm>>) target(%dma_start3A_1085 : memref<512xi32, #tpu.memory_space<vmem>>) target_semaphore(%arg19 : memref<!tpu.dma_semaphore, #tpu.memory_space<semaphore_mem>>)
      } else {
      }
      %dma_start3A_91 = arith.constant 0 : i32
      %dma_start3A_92 = arith.constant 0 : i32
      %dma_start3A_93 = tpu.memref_slice %arg12[%dma_start3A_91, %dma_start3A_92] : memref<256x128xf32, #tpu.memory_space<vmem>> -> memref<128x128xf32, #tpu.memory_space<vmem>>
      %dma_start3A_94 = arith.constant 0 : i32
      %dma_start3A_95 = tpu.memref_slice %arg11[%rem3A_75, %dma_start3A_94] : memref<2x512xi32, #tpu.memory_space<vmem>> -> memref<1x128xi32, #tpu.memory_space<vmem>>
      %dma_start3A_96 = tpu.memref_squeeze %dma_start3A_95 : memref<1x128xi32, #tpu.memory_space<vmem>> -> memref<128xi32, #tpu.memory_space<vmem>>
      %dma_start3A_97 = arith.constant 0 : i32
      %dma_start3A_98 = arith.constant 0 : i32
      %dma_start3A_99 = tpu.memref_slice %arg2[%dma_start3A_97, %dma_start3A_98] : memref<10000x128xf32, #tpu.memory_space<hbm>> -> memref<10000x128xf32, #tpu.memory_space<hbm>>
      tpu.enqueue_indirect_dma source(%dma_start3A_99 : memref<10000x128xf32, #tpu.memory_space<hbm>>) target(%dma_start3A_93 : memref<128x128xf32, #tpu.memory_space<vmem>>) offsets(%dma_start3A_96 : memref<128xi32, #tpu.memory_space<vmem>>) semaphore(%arg16 : memref<!tpu.dma_semaphore, #tpu.memory_space<semaphore_mem>>)
      %dma_start3A_100 = arith.constant 128 : i32
      %dma_start3A_101 = arith.constant 0 : i32
      %dma_start3A_102 = tpu.memref_slice %arg12[%dma_start3A_100, %dma_start3A_101] : memref<256x128xf32, #tpu.memory_space<vmem>> -> memref<128x128xf32, #tpu.memory_space<vmem>>
      %dma_start3A_103 = arith.constant 128 : i32
      %dma_start3A_104 = tpu.memref_slice %arg11[%rem3A_75, %dma_start3A_103] : memref<2x512xi32, #tpu.memory_space<vmem>> -> memref<1x128xi32, #tpu.memory_space<vmem>>
      %dma_start3A_105 = tpu.memref_squeeze %dma_start3A_104 : memref<1x128xi32, #tpu.memory_space<vmem>> -> memref<128xi32, #tpu.memory_space<vmem>>
      %dma_start3A_106 = arith.constant 0 : i32
      %dma_start3A_107 = arith.constant 0 : i32
      %dma_start3A_108 = tpu.memref_slice %arg2[%dma_start3A_106, %dma_start3A_107] : memref<10000x128xf32, #tpu.memory_space<hbm>> -> memref<10000x128xf32, #tpu.memory_space<hbm>>
      tpu.enqueue_indirect_dma source(%dma_start3A_108 : memref<10000x128xf32, #tpu.memory_space<hbm>>) target(%dma_start3A_102 : memref<128x128xf32, #tpu.memory_space<vmem>>) offsets(%dma_start3A_105 : memref<128xi32, #tpu.memory_space<vmem>>) semaphore(%arg16 : memref<!tpu.dma_semaphore, #tpu.memory_space<semaphore_mem>>)
      %dma_start3A_109 = arith.constant 0 : i32
      %dma_start3A_110 = arith.constant 0 : i32
      %dma_start3A_111 = tpu.memref_slice %arg13[%dma_start3A_109, %dma_start3A_110] : memref<256x128xf32, #tpu.memory_space<vmem>> -> memref<128x128xf32, #tpu.memory_space<vmem>>
      %dma_start3A_112 = arith.constant 256 : i32
      %dma_start3A_113 = tpu.memref_slice %arg11[%rem3A_75, %dma_start3A_112] : memref<2x512xi32, #tpu.memory_space<vmem>> -> memref<1x128xi32, #tpu.memory_space<vmem>>
      %dma_start3A_114 = tpu.memref_squeeze %dma_start3A_113 : memref<1x128xi32, #tpu.memory_space<vmem>> -> memref<128xi32, #tpu.memory_space<vmem>>
      %dma_start3A_115 = arith.constant 0 : i32
      %dma_start3A_116 = arith.constant 0 : i32
      %dma_start3A_117 = tpu.memref_slice %arg3[%dma_start3A_115, %dma_start3A_116] : memref<10000x128xf32, #tpu.memory_space<hbm>> -> memref<10000x128xf32, #tpu.memory_space<hbm>>
      tpu.enqueue_indirect_dma source(%dma_start3A_117 : memref<10000x128xf32, #tpu.memory_space<hbm>>) target(%dma_start3A_111 : memref<128x128xf32, #tpu.memory_space<vmem>>) offsets(%dma_start3A_114 : memref<128xi32, #tpu.memory_space<vmem>>) semaphore(%arg17 : memref<!tpu.dma_semaphore, #tpu.memory_space<semaphore_mem>>)
      %dma_start3A_118 = arith.constant 128 : i32
      %dma_start3A_119 = arith.constant 0 : i32
      %dma_start3A_120 = tpu.memref_slice %arg13[%dma_start3A_118, %dma_start3A_119] : memref<256x128xf32, #tpu.memory_space<vmem>> -> memref<128x128xf32, #tpu.memory_space<vmem>>
      %dma_start3A_121 = arith.constant 384 : i32
      %dma_start3A_122 = tpu.memref_slice %arg11[%rem3A_75, %dma_start3A_121] : memref<2x512xi32, #tpu.memory_space<vmem>> -> memref<1x128xi32, #tpu.memory_space<vmem>>
      %dma_start3A_123 = tpu.memref_squeeze %dma_start3A_122 : memref<1x128xi32, #tpu.memory_space<vmem>> -> memref<128xi32, #tpu.memory_space<vmem>>
      %dma_start3A_124 = arith.constant 0 : i32
      %dma_start3A_125 = arith.constant 0 : i32
      %dma_start3A_126 = tpu.memref_slice %arg3[%dma_start3A_124, %dma_start3A_125] : memref<10000x128xf32, #tpu.memory_space<hbm>> -> memref<10000x128xf32, #tpu.memory_space<hbm>>
      tpu.enqueue_indirect_dma source(%dma_start3A_126 : memref<10000x128xf32, #tpu.memory_space<hbm>>) target(%dma_start3A_120 : memref<128x128xf32, #tpu.memory_space<vmem>>) offsets(%dma_start3A_123 : memref<128xi32, #tpu.memory_space<vmem>>) semaphore(%arg17 : memref<!tpu.dma_semaphore, #tpu.memory_space<semaphore_mem>>)
      %get3A = arith.index_cast %rem3A_75 : i32 to index
      %get3A_127 = arith.constant 0 : index
      %get3A_128 = tpu.vector_load %arg11[%get3A, %get3A_127] {strides = array<i32>} : memref<2x512xi32, #tpu.memory_space<vmem>>, vector<16xi32>,
      %mul3A_129 = arith.constant 3 : i32
      %mul3A_130 = vector.broadcast %mul3A_129 : i32 to vector<16xi32>
      %mul3A_131 = arith.muli %get3A_128, %mul3A_130 : vector<16xi32>
      %get3A_132 = arith.index_cast %rem3A_75 : i32 to index
      %get3A_133 = arith.constant 256 : index
      %get3A_134 = tpu.vector_load %arg11[%get3A_132, %get3A_133] {strides = array<i32>} : memref<2x512xi32, #tpu.memory_space<vmem>>, vector<16xi32>,
      %mul3A_135 = arith.constant 3 : i32
      %mul3A_136 = vector.broadcast %mul3A_135 : i32 to vector<16xi32>
      %mul3A_137 = arith.muli %get3A_134, %mul3A_136 : vector<16xi32>
      %broadcast_in_dim3A = arith.constant 0.000000e+00 : f32
      %broadcast_in_dim3A_138 = vector.broadcast %broadcast_in_dim3A : f32 to vector<16xf32>
      %broadcast_in_dim3A_139 = arith.constant 0 : i32
      %broadcast_in_dim3A_140 = vector.broadcast %broadcast_in_dim3A_139 : i32 to vector<16xi32>
      %add3A_141 = arith.addi %mul3A_131, %broadcast_in_dim3A_140 : vector<16xi32>
      %gather3A = tpu.vector_load_idx %arg14[%add3A_141] : memref<30000xf32, #tpu.memory_space<vmem>>[vector<16xi32>], vector<16xf32>,
      %add3A_142 = arith.addi %mul3A_137, %broadcast_in_dim3A_140 : vector<16xi32>
      %gather3A_143 = tpu.vector_load_idx %arg14[%add3A_142] : memref<30000xf32, #tpu.memory_space<vmem>>[vector<16xi32>], vector<16xf32>,
      %sub3A_144 = arith.subf %gather3A, %gather3A_143 : vector<16xf32>
      %swap3A = arith.constant 0 : i32
      %swap3A_145 = arith.index_cast %swap3A : i32 to index
      %swap3A_146 = arith.constant 0 : index
      %swap3A_147 = tpu.vector_load %arg15[%swap3A_145, %swap3A_146] {strides = array<i32>} : memref<16x128xf32, #tpu.memory_space<vmem>>, vector<16xf32>,
      tpu.vector_store %arg15[%swap3A_145, %swap3A_146], %sub3A_144 {strides = array<i32>} : memref<16x128xf32, #tpu.memory_space<vmem>>, vector<16xf32>,
      %mul3A_148 = arith.mulf %sub3A_144, %sub3A_144 : vector<16xf32>
      %add3A_149 = arith.addf %broadcast_in_dim3A_138, %mul3A_148 : vector<16xf32>
      %broadcast_in_dim3A_150 = arith.constant 1 : i32
      %broadcast_in_dim3A_151 = vector.broadcast %broadcast_in_dim3A_150 : i32 to vector<16xi32>
      %add3A_152 = arith.addi %mul3A_131, %broadcast_in_dim3A_151 : vector<16xi32>
      %gather3A_153 = tpu.vector_load_idx %arg14[%add3A_152] : memref<30000xf32, #tpu.memory_space<vmem>>[vector<16xi32>], vector<16xf32>,
      %add3A_154 = arith.addi %mul3A_137, %broadcast_in_dim3A_151 : vector<16xi32>
      %gather3A_155 = tpu.vector_load_idx %arg14[%add3A_154] : memref<30000xf32, #tpu.memory_space<vmem>>[vector<16xi32>], vector<16xf32>,
      %sub3A_156 = arith.subf %gather3A_153, %gather3A_155 : vector<16xf32>
      %swap3A_157 = arith.constant 1 : i32
      %swap3A_158 = arith.index_cast %swap3A_157 : i32 to index
      %swap3A_159 = arith.constant 0 : index
      %swap3A_160 = tpu.vector_load %arg15[%swap3A_158, %swap3A_159] {strides = array<i32>} : memref<16x128xf32, #tpu.memory_space<vmem>>, vector<16xf32>,
      tpu.vector_store %arg15[%swap3A_158, %swap3A_159], %sub3A_156 {strides = array<i32>} : memref<16x128xf32, #tpu.memory_space<vmem>>, vector<16xf32>,
      %mul3A_161 = arith.mulf %sub3A_156, %sub3A_156 : vector<16xf32>
      %add3A_162 = arith.addf %add3A_149, %mul3A_161 : vector<16xf32>
      %broadcast_in_dim3A_163 = arith.constant 2 : i32
      %broadcast_in_dim3A_164 = vector.broadcast %broadcast_in_dim3A_163 : i32 to vector<16xi32>
      %add3A_165 = arith.addi %mul3A_131, %broadcast_in_dim3A_164 : vector<16xi32>
      %gather3A_166 = tpu.vector_load_idx %arg14[%add3A_165] : memref<30000xf32, #tpu.memory_space<vmem>>[vector<16xi32>], vector<16xf32>,
      %add3A_167 = arith.addi %mul3A_137, %broadcast_in_dim3A_164 : vector<16xi32>
      %gather3A_168 = tpu.vector_load_idx %arg14[%add3A_167] : memref<30000xf32, #tpu.memory_space<vmem>>[vector<16xi32>], vector<16xf32>,
      %sub3A_169 = arith.subf %gather3A_166, %gather3A_168 : vector<16xf32>
      %swap3A_170 = arith.constant 2 : i32
      %swap3A_171 = arith.index_cast %swap3A_170 : i32 to index
      %swap3A_172 = arith.constant 0 : index
      %swap3A_173 = tpu.vector_load %arg15[%swap3A_171, %swap3A_172] {strides = array<i32>} : memref<16x128xf32, #tpu.memory_space<vmem>>, vector<16xf32>,
      tpu.vector_store %arg15[%swap3A_171, %swap3A_172], %sub3A_169 {strides = array<i32>} : memref<16x128xf32, #tpu.memory_space<vmem>>, vector<16xf32>,
      %mul3A_174 = arith.mulf %sub3A_169, %sub3A_169 : vector<16xf32>
      %add3A_175 = arith.addf %add3A_162, %mul3A_174 : vector<16xf32>
      %swap3A_176 = arith.constant 3 : i32
      %swap3A_177 = arith.index_cast %swap3A_176 : i32 to index
      %swap3A_178 = arith.constant 0 : index
      %swap3A_179 = tpu.vector_load %arg15[%swap3A_177, %swap3A_178] {strides = array<i32>} : memref<16x128xf32, #tpu.memory_space<vmem>>, vector<16xf32>,
      tpu.vector_store %arg15[%swap3A_177, %swap3A_178], %add3A_175 {strides = array<i32>} : memref<16x128xf32, #tpu.memory_space<vmem>>, vector<16xf32>,
      %get3A_180 = arith.index_cast %rem3A_75 : i32 to index
      %get3A_181 = arith.constant 16 : index
      %get3A_182 = tpu.vector_load %arg11[%get3A_180, %get3A_181] {strides = array<i32>} : memref<2x512xi32, #tpu.memory_space<vmem>>, vector<16xi32>,
      %mul3A_183 = arith.constant 3 : i32
      %mul3A_184 = vector.broadcast %mul3A_183 : i32 to vector<16xi32>
      %mul3A_185 = arith.muli %get3A_182, %mul3A_184 : vector<16xi32>
      %get3A_186 = arith.index_cast %rem3A_75 : i32 to index
      %get3A_187 = arith.constant 272 : index
      %get3A_188 = tpu.vector_load %arg11[%get3A_186, %get3A_187] {strides = array<i32>} : memref<2x512xi32, #tpu.memory_space<vmem>>, vector<16xi32>,
      %mul3A_189 = arith.constant 3 : i32
      %mul3A_190 = vector.broadcast %mul3A_189 : i32 to vector<16xi32>
      %mul3A_191 = arith.muli %get3A_188, %mul3A_190 : vector<16xi32>
      %broadcast_in_dim3A_192 = arith.constant 0.000000e+00 : f32
      %broadcast_in_dim3A_193 = vector.broadcast %broadcast_in_dim3A_192 : f32 to vector<16xf32>
      %broadcast_in_dim3A_194 = arith.constant 0 : i32
      %broadcast_in_dim3A_195 = vector.broadcast %broadcast_in_dim3A_194 : i32 to vector<16xi32>
      %add3A_196 = arith.addi %mul3A_185, %broadcast_in_dim3A_195 : vector<16xi32>
      %gather3A_197 = tpu.vector_load_idx %arg14[%add3A_196] : memref<30000xf32, #tpu.memory_space<vmem>>[vector<16xi32>], vector<16xf32>,
      %add3A_198 = arith.addi %mul3A_191, %broadcast_in_dim3A_195 : vector<16xi32>
      %gather3A_199 = tpu.vector_load_idx %arg14[%add3A_198] : memref<30000xf32, #tpu.memory_space<vmem>>[vector<16xi32>], vector<16xf32>,
      %sub3A_200 = arith.subf %gather3A_197, %gather3A_199 : vector<16xf32>
      %swap3A_201 = arith.constant 0 : i32
      %swap3A_202 = arith.index_cast %swap3A_201 : i32 to index
      %swap3A_203 = arith.constant 16 : index
      %swap3A_204 = tpu.vector_load %arg15[%swap3A_202, %swap3A_203] {strides = array<i32>} : memref<16x128xf32, #tpu.memory_space<vmem>>, vector<16xf32>,
      tpu.vector_store %arg15[%swap3A_202, %swap3A_203], %sub3A_200 {strides = array<i32>} : memref<16x128xf32, #tpu.memory_space<vmem>>, vector<16xf32>,
      %mul3A_205 = arith.mulf %sub3A_200, %sub3A_200 : vector<16xf32>
      %add3A_206 = arith.addf %broadcast_in_dim3A_193, %mul3A_205 : vector<16xf32>
      %broadcast_in_dim3A_207 = arith.constant 1 : i32
      %broadcast_in_dim3A_208 = vector.broadcast %broadcast_in_dim3A_207 : i32 to vector<16xi32>
      %add3A_209 = arith.addi %mul3A_185, %broadcast_in_dim3A_208 : vector<16xi32>
      %gather3A_210 = tpu.vector_load_idx %arg14[%add3A_209] : memref<30000xf32, #tpu.memory_space<vmem>>[vector<16xi32>], vector<16xf32>,
      %add3A_211 = arith.addi %mul3A_191, %broadcast_in_dim3A_208 : vector<16xi32>
      %gather3A_212 = tpu.vector_load_idx %arg14[%add3A_211] : memref<30000xf32, #tpu.memory_space<vmem>>[vector<16xi32>], vector<16xf32>,
      %sub3A_213 = arith.subf %gather3A_210, %gather3A_212 : vector<16xf32>
      %swap3A_214 = arith.constant 1 : i32
      %swap3A_215 = arith.index_cast %swap3A_214 : i32 to index
      %swap3A_216 = arith.constant 16 : index
      %swap3A_217 = tpu.vector_load %arg15[%swap3A_215, %swap3A_216] {strides = array<i32>} : memref<16x128xf32, #tpu.memory_space<vmem>>, vector<16xf32>,
      tpu.vector_store %arg15[%swap3A_215, %swap3A_216], %sub3A_213 {strides = array<i32>} : memref<16x128xf32, #tpu.memory_space<vmem>>, vector<16xf32>,
      %mul3A_218 = arith.mulf %sub3A_213, %sub3A_213 : vector<16xf32>
      %add3A_219 = arith.addf %add3A_206, %mul3A_218 : vector<16xf32>
      %broadcast_in_dim3A_220 = arith.constant 2 : i32
      %broadcast_in_dim3A_221 = vector.broadcast %broadcast_in_dim3A_220 : i32 to vector<16xi32>
      %add3A_222 = arith.addi %mul3A_185, %broadcast_in_dim3A_221 : vector<16xi32>
      %gather3A_223 = tpu.vector_load_idx %arg14[%add3A_222] : memref<30000xf32, #tpu.memory_space<vmem>>[vector<16xi32>], vector<16xf32>,
      %add3A_224 = arith.addi %mul3A_191, %broadcast_in_dim3A_221 : vector<16xi32>
      %gather3A_225 = tpu.vector_load_idx %arg14[%add3A_224] : memref<30000xf32, #tpu.memory_space<vmem>>[vector<16xi32>], vector<16xf32>,
      %sub3A_226 = arith.subf %gather3A_223, %gather3A_225 : vector<16xf32>
      %swap3A_227 = arith.constant 2 : i32
      %swap3A_228 = arith.index_cast %swap3A_227 : i32 to index
      %swap3A_229 = arith.constant 16 : index
      %swap3A_230 = tpu.vector_load %arg15[%swap3A_228, %swap3A_229] {strides = array<i32>} : memref<16x128xf32, #tpu.memory_space<vmem>>, vector<16xf32>,
      tpu.vector_store %arg15[%swap3A_228, %swap3A_229], %sub3A_226 {strides = array<i32>} : memref<16x128xf32, #tpu.memory_space<vmem>>, vector<16xf32>,
      %mul3A_231 = arith.mulf %sub3A_226, %sub3A_226 : vector<16xf32>
      %add3A_232 = arith.addf %add3A_219, %mul3A_231 : vector<16xf32>
      %swap3A_233 = arith.constant 3 : i32
      %swap3A_234 = arith.index_cast %swap3A_233 : i32 to index
      %swap3A_235 = arith.constant 16 : index
      %swap3A_236 = tpu.vector_load %arg15[%swap3A_234, %swap3A_235] {strides = array<i32>} : memref<16x128xf32, #tpu.memory_space<vmem>>, vector<16xf32>,
      tpu.vector_store %arg15[%swap3A_234, %swap3A_235], %add3A_232 {strides = array<i32>} : memref<16x128xf32, #tpu.memory_space<vmem>>, vector<16xf32>,
      %get3A_237 = arith.index_cast %rem3A_75 : i32 to index
      %get3A_238 = arith.constant 32 : index
      %get3A_239 = tpu.vector_load %arg11[%get3A_237, %get3A_238] {strides = array<i32>} : memref<2x512xi32, #tpu.memory_space<vmem>>, vector<16xi32>,
      %mul3A_240 = arith.constant 3 : i32
      %mul3A_241 = vector.broadcast %mul3A_240 : i32 to vector<16xi32>
      %mul3A_242 = arith.muli %get3A_239, %mul3A_241 : vector<16xi32>
      %get3A_243 = arith.index_cast %rem3A_75 : i32 to index
      %get3A_244 = arith.constant 288 : index
      %get3A_245 = tpu.vector_load %arg11[%get3A_243, %get3A_244] {strides = array<i32>} : memref<2x512xi32, #tpu.memory_space<vmem>>, vector<16xi32>,
      %mul3A_246 = arith.constant 3 : i32
      %mul3A_247 = vector.broadcast %mul3A_246 : i32 to vector<16xi32>
      %mul3A_248 = arith.muli %get3A_245, %mul3A_247 : vector<16xi32>
      %broadcast_in_dim3A_249 = arith.constant 0.000000e+00 : f32
      %broadcast_in_dim3A_250 = vector.broadcast %broadcast_in_dim3A_249 : f32 to vector<16xf32>
      %broadcast_in_dim3A_251 = arith.constant 0 : i32
      %broadcast_in_dim3A_252 = vector.broadcast %broadcast_in_dim3A_251 : i32 to vector<16xi32>
      %add3A_253 = arith.addi %mul3A_242, %broadcast_in_dim3A_252 : vector<16xi32>
      %gather3A_254 = tpu.vector_load_idx %arg14[%add3A_253] : memref<30000xf32, #tpu.memory_space<vmem>>[vector<16xi32>], vector<16xf32>,
      %add3A_255 = arith.addi %mul3A_248, %broadcast_in_dim3A_252 : vector<16xi32>
      %gather3A_256 = tpu.vector_load_idx %arg14[%add3A_255] : memref<30000xf32, #tpu.memory_space<vmem>>[vector<16xi32>], vector<16xf32>,
      %sub3A_257 = arith.subf %gather3A_254, %gather3A_256 : vector<16xf32>
      %swap3A_258 = arith.constant 0 : i32
      %swap3A_259 = arith.index_cast %swap3A_258 : i32 to index
      %swap3A_260 = arith.constant 32 : index
      %swap3A_261 = tpu.vector_load %arg15[%swap3A_259, %swap3A_260] {strides = array<i32>} : memref<16x128xf32, #tpu.memory_space<vmem>>, vector<16xf32>,
      tpu.vector_store %arg15[%swap3A_259, %swap3A_260], %sub3A_257 {strides = array<i32>} : memref<16x128xf32, #tpu.memory_space<vmem>>, vector<16xf32>,
      %mul3A_262 = arith.mulf %sub3A_257, %sub3A_257 : vector<16xf32>
      %add3A_263 = arith.addf %broadcast_in_dim3A_250, %mul3A_262 : vector<16xf32>
      %broadcast_in_dim3A_264 = arith.constant 1 : i32
      %broadcast_in_dim3A_265 = vector.broadcast %broadcast_in_dim3A_264 : i32 to vector<16xi32>
      %add3A_266 = arith.addi %mul3A_242, %broadcast_in_dim3A_265 : vector<16xi32>
      %gather3A_267 = tpu.vector_load_idx %arg14[%add3A_266] : memref<30000xf32, #tpu.memory_space<vmem>>[vector<16xi32>], vector<16xf32>,
      %add3A_268 = arith.addi %mul3A_248, %broadcast_in_dim3A_265 : vector<16xi32>
      %gather3A_269 = tpu.vector_load_idx %arg14[%add3A_268] : memref<30000xf32, #tpu.memory_space<vmem>>[vector<16xi32>], vector<16xf32>,
      %sub3A_270 = arith.subf %gather3A_267, %gather3A_269 : vector<16xf32>
      %swap3A_271 = arith.constant 1 : i32
      %swap3A_272 = arith.index_cast %swap3A_271 : i32 to index
      %swap3A_273 = arith.constant 32 : index
      %swap3A_274 = tpu.vector_load %arg15[%swap3A_272, %swap3A_273] {strides = array<i32>} : memref<16x128xf32, #tpu.memory_space<vmem>>, vector<16xf32>,
      tpu.vector_store %arg15[%swap3A_272, %swap3A_273], %sub3A_270 {strides = array<i32>} : memref<16x128xf32, #tpu.memory_space<vmem>>, vector<16xf32>,
      %mul3A_275 = arith.mulf %sub3A_270, %sub3A_270 : vector<16xf32>
      %add3A_276 = arith.addf %add3A_263, %mul3A_275 : vector<16xf32>
      %broadcast_in_dim3A_277 = arith.constant 2 : i32
      %broadcast_in_dim3A_278 = vector.broadcast %broadcast_in_dim3A_277 : i32 to vector<16xi32>
      %add3A_279 = arith.addi %mul3A_242, %broadcast_in_dim3A_278 : vector<16xi32>
      %gather3A_280 = tpu.vector_load_idx %arg14[%add3A_279] : memref<30000xf32, #tpu.memory_space<vmem>>[vector<16xi32>], vector<16xf32>,
      %add3A_281 = arith.addi %mul3A_248, %broadcast_in_dim3A_278 : vector<16xi32>
      %gather3A_282 = tpu.vector_load_idx %arg14[%add3A_281] : memref<30000xf32, #tpu.memory_space<vmem>>[vector<16xi32>], vector<16xf32>,
      %sub3A_283 = arith.subf %gather3A_280, %gather3A_282 : vector<16xf32>
      %swap3A_284 = arith.constant 2 : i32
      %swap3A_285 = arith.index_cast %swap3A_284 : i32 to index
      %swap3A_286 = arith.constant 32 : index
      %swap3A_287 = tpu.vector_load %arg15[%swap3A_285, %swap3A_286] {strides = array<i32>} : memref<16x128xf32, #tpu.memory_space<vmem>>, vector<16xf32>,
      tpu.vector_store %arg15[%swap3A_285, %swap3A_286], %sub3A_283 {strides = array<i32>} : memref<16x128xf32, #tpu.memory_space<vmem>>, vector<16xf32>,
      %mul3A_288 = arith.mulf %sub3A_283, %sub3A_283 : vector<16xf32>
      %add3A_289 = arith.addf %add3A_276, %mul3A_288 : vector<16xf32>
      %swap3A_290 = arith.constant 3 : i32
      %swap3A_291 = arith.index_cast %swap3A_290 : i32 to index
      %swap3A_292 = arith.constant 32 : index
      %swap3A_293 = tpu.vector_load %arg15[%swap3A_291, %swap3A_292] {strides = array<i32>} : memref<16x128xf32, #tpu.memory_space<vmem>>, vector<16xf32>,
      tpu.vector_store %arg15[%swap3A_291, %swap3A_292], %add3A_289 {strides = array<i32>} : memref<16x128xf32, #tpu.memory_space<vmem>>, vector<16xf32>,
      %get3A_294 = arith.index_cast %rem3A_75 : i32 to index
      %get3A_295 = arith.constant 48 : index
      %get3A_296 = tpu.vector_load %arg11[%get3A_294, %get3A_295] {strides = array<i32>} : memref<2x512xi32, #tpu.memory_space<vmem>>, vector<16xi32>,
      %mul3A_297 = arith.constant 3 : i32
      %mul3A_298 = vector.broadcast %mul3A_297 : i32 to vector<16xi32>
      %mul3A_299 = arith.muli %get3A_296, %mul3A_298 : vector<16xi32>
      %get3A_300 = arith.index_cast %rem3A_75 : i32 to index
      %get3A_301 = arith.constant 304 : index
      %get3A_302 = tpu.vector_load %arg11[%get3A_300, %get3A_301] {strides = array<i32>} : memref<2x512xi32, #tpu.memory_space<vmem>>, vector<16xi32>,
      %mul3A_303 = arith.constant 3 : i32
      %mul3A_304 = vector.broadcast %mul3A_303 : i32 to vector<16xi32>
      %mul3A_305 = arith.muli %get3A_302, %mul3A_304 : vector<16xi32>
      %broadcast_in_dim3A_306 = arith.constant 0.000000e+00 : f32
      %broadcast_in_dim3A_307 = vector.broadcast %broadcast_in_dim3A_306 : f32 to vector<16xf32>
      %broadcast_in_dim3A_308 = arith.constant 0 : i32
      %broadcast_in_dim3A_309 = vector.broadcast %broadcast_in_dim3A_308 : i32 to vector<16xi32>
      %add3A_310 = arith.addi %mul3A_299, %broadcast_in_dim3A_309 : vector<16xi32>
      %gather3A_311 = tpu.vector_load_idx %arg14[%add3A_310] : memref<30000xf32, #tpu.memory_space<vmem>>[vector<16xi32>], vector<16xf32>,
      %add3A_312 = arith.addi %mul3A_305, %broadcast_in_dim3A_309 : vector<16xi32>
      %gather3A_313 = tpu.vector_load_idx %arg14[%add3A_312] : memref<30000xf32, #tpu.memory_space<vmem>>[vector<16xi32>], vector<16xf32>,
      %sub3A_314 = arith.subf %gather3A_311, %gather3A_313 : vector<16xf32>
      %swap3A_315 = arith.constant 0 : i32
      %swap3A_316 = arith.index_cast %swap3A_315 : i32 to index
      %swap3A_317 = arith.constant 48 : index
      %swap3A_318 = tpu.vector_load %arg15[%swap3A_316, %swap3A_317] {strides = array<i32>} : memref<16x128xf32, #tpu.memory_space<vmem>>, vector<16xf32>,
      tpu.vector_store %arg15[%swap3A_316, %swap3A_317], %sub3A_314 {strides = array<i32>} : memref<16x128xf32, #tpu.memory_space<vmem>>, vector<16xf32>,
      %mul3A_319 = arith.mulf %sub3A_314, %sub3A_314 : vector<16xf32>
      %add3A_320 = arith.addf %broadcast_in_dim3A_307, %mul3A_319 : vector<16xf32>
      %broadcast_in_dim3A_321 = arith.constant 1 : i32
      %broadcast_in_dim3A_322 = vector.broadcast %broadcast_in_dim3A_321 : i32 to vector<16xi32>
      %add3A_323 = arith.addi %mul3A_299, %broadcast_in_dim3A_322 : vector<16xi32>
      %gather3A_324 = tpu.vector_load_idx %arg14[%add3A_323] : memref<30000xf32, #tpu.memory_space<vmem>>[vector<16xi32>], vector<16xf32>,
      %add3A_325 = arith.addi %mul3A_305, %broadcast_in_dim3A_322 : vector<16xi32>
      %gather3A_326 = tpu.vector_load_idx %arg14[%add3A_325] : memref<30000xf32, #tpu.memory_space<vmem>>[vector<16xi32>], vector<16xf32>,
      %sub3A_327 = arith.subf %gather3A_324, %gather3A_326 : vector<16xf32>
      %swap3A_328 = arith.constant 1 : i32
      %swap3A_329 = arith.index_cast %swap3A_328 : i32 to index
      %swap3A_330 = arith.constant 48 : index
      %swap3A_331 = tpu.vector_load %arg15[%swap3A_329, %swap3A_330] {strides = array<i32>} : memref<16x128xf32, #tpu.memory_space<vmem>>, vector<16xf32>,
      tpu.vector_store %arg15[%swap3A_329, %swap3A_330], %sub3A_327 {strides = array<i32>} : memref<16x128xf32, #tpu.memory_space<vmem>>, vector<16xf32>,
      %mul3A_332 = arith.mulf %sub3A_327, %sub3A_327 : vector<16xf32>
      %add3A_333 = arith.addf %add3A_320, %mul3A_332 : vector<16xf32>
      %broadcast_in_dim3A_334 = arith.constant 2 : i32
      %broadcast_in_dim3A_335 = vector.broadcast %broadcast_in_dim3A_334 : i32 to vector<16xi32>
      %add3A_336 = arith.addi %mul3A_299, %broadcast_in_dim3A_335 : vector<16xi32>
      %gather3A_337 = tpu.vector_load_idx %arg14[%add3A_336] : memref<30000xf32, #tpu.memory_space<vmem>>[vector<16xi32>], vector<16xf32>,
      %add3A_338 = arith.addi %mul3A_305, %broadcast_in_dim3A_335 : vector<16xi32>
      %gather3A_339 = tpu.vector_load_idx %arg14[%add3A_338] : memref<30000xf32, #tpu.memory_space<vmem>>[vector<16xi32>], vector<16xf32>,
      %sub3A_340 = arith.subf %gather3A_337, %gather3A_339 : vector<16xf32>
      %swap3A_341 = arith.constant 2 : i32
      %swap3A_342 = arith.index_cast %swap3A_341 : i32 to index
      %swap3A_343 = arith.constant 48 : index
      %swap3A_344 = tpu.vector_load %arg15[%swap3A_342, %swap3A_343] {strides = array<i32>} : memref<16x128xf32, #tpu.memory_space<vmem>>, vector<16xf32>,
      tpu.vector_store %arg15[%swap3A_342, %swap3A_343], %sub3A_340 {strides = array<i32>} : memref<16x128xf32, #tpu.memory_space<vmem>>, vector<16xf32>,
      %mul3A_345 = arith.mulf %sub3A_340, %sub3A_340 : vector<16xf32>
      %add3A_346 = arith.addf %add3A_333, %mul3A_345 : vector<16xf32>
      %swap3A_347 = arith.constant 3 : i32
      %swap3A_348 = arith.index_cast %swap3A_347 : i32 to index
      %swap3A_349 = arith.constant 48 : index
      %swap3A_350 = tpu.vector_load %arg15[%swap3A_348, %swap3A_349] {strides = array<i32>} : memref<16x128xf32, #tpu.memory_space<vmem>>, vector<16xf32>,
      tpu.vector_store %arg15[%swap3A_348, %swap3A_349], %add3A_346 {strides = array<i32>} : memref<16x128xf32, #tpu.memory_space<vmem>>, vector<16xf32>,
      %get3A_351 = arith.index_cast %rem3A_75 : i32 to index
      %get3A_352 = arith.constant 64 : index
      %get3A_353 = tpu.vector_load %arg11[%get3A_351, %get3A_352] {strides = array<i32>} : memref<2x512xi32, #tpu.memory_space<vmem>>, vector<16xi32>,
      %mul3A_354 = arith.constant 3 : i32
      %mul3A_355 = vector.broadcast %mul3A_354 : i32 to vector<16xi32>
      %mul3A_356 = arith.muli %get3A_353, %mul3A_355 : vector<16xi32>
      %get3A_357 = arith.index_cast %rem3A_75 : i32 to index
      %get3A_358 = arith.constant 320 : index
      %get3A_359 = tpu.vector_load %arg11[%get3A_357, %get3A_358] {strides = array<i32>} : memref<2x512xi32, #tpu.memory_space<vmem>>, vector<16xi32>,
      %mul3A_360 = arith.constant 3 : i32
      %mul3A_361 = vector.broadcast %mul3A_360 : i32 to vector<16xi32>
      %mul3A_362 = arith.muli %get3A_359, %mul3A_361 : vector<16xi32>
      %broadcast_in_dim3A_363 = arith.constant 0.000000e+00 : f32
      %broadcast_in_dim3A_364 = vector.broadcast %broadcast_in_dim3A_363 : f32 to vector<16xf32>
      %broadcast_in_dim3A_365 = arith.constant 0 : i32
      %broadcast_in_dim3A_366 = vector.broadcast %broadcast_in_dim3A_365 : i32 to vector<16xi32>
      %add3A_367 = arith.addi %mul3A_356, %broadcast_in_dim3A_366 : vector<16xi32>
      %gather3A_368 = tpu.vector_load_idx %arg14[%add3A_367] : memref<30000xf32, #tpu.memory_space<vmem>>[vector<16xi32>], vector<16xf32>,
      %add3A_369 = arith.addi %mul3A_362, %broadcast_in_dim3A_366 : vector<16xi32>
      %gather3A_370 = tpu.vector_load_idx %arg14[%add3A_369] : memref<30000xf32, #tpu.memory_space<vmem>>[vector<16xi32>], vector<16xf32>,
      %sub3A_371 = arith.subf %gather3A_368, %gather3A_370 : vector<16xf32>
      %swap3A_372 = arith.constant 0 : i32
      %swap3A_373 = arith.index_cast %swap3A_372 : i32 to index
      %swap3A_374 = arith.constant 64 : index
      %swap3A_375 = tpu.vector_load %arg15[%swap3A_373, %swap3A_374] {strides = array<i32>} : memref<16x128xf32, #tpu.memory_space<vmem>>, vector<16xf32>,
      tpu.vector_store %arg15[%swap3A_373, %swap3A_374], %sub3A_371 {strides = array<i32>} : memref<16x128xf32, #tpu.memory_space<vmem>>, vector<16xf32>,
      %mul3A_376 = arith.mulf %sub3A_371, %sub3A_371 : vector<16xf32>
      %add3A_377 = arith.addf %broadcast_in_dim3A_364, %mul3A_376 : vector<16xf32>
      %broadcast_in_dim3A_378 = arith.constant 1 : i32
      %broadcast_in_dim3A_379 = vector.broadcast %broadcast_in_dim3A_378 : i32 to vector<16xi32>
      %add3A_380 = arith.addi %mul3A_356, %broadcast_in_dim3A_379 : vector<16xi32>
      %gather3A_381 = tpu.vector_load_idx %arg14[%add3A_380] : memref<30000xf32, #tpu.memory_space<vmem>>[vector<16xi32>], vector<16xf32>,
      %add3A_382 = arith.addi %mul3A_362, %broadcast_in_dim3A_379 : vector<16xi32>
      %gather3A_383 = tpu.vector_load_idx %arg14[%add3A_382] : memref<30000xf32, #tpu.memory_space<vmem>>[vector<16xi32>], vector<16xf32>,
      %sub3A_384 = arith.subf %gather3A_381, %gather3A_383 : vector<16xf32>
      %swap3A_385 = arith.constant 1 : i32
      %swap3A_386 = arith.index_cast %swap3A_385 : i32 to index
      %swap3A_387 = arith.constant 64 : index
      %swap3A_388 = tpu.vector_load %arg15[%swap3A_386, %swap3A_387] {strides = array<i32>} : memref<16x128xf32, #tpu.memory_space<vmem>>, vector<16xf32>,
      tpu.vector_store %arg15[%swap3A_386, %swap3A_387], %sub3A_384 {strides = array<i32>} : memref<16x128xf32, #tpu.memory_space<vmem>>, vector<16xf32>,
      %mul3A_389 = arith.mulf %sub3A_384, %sub3A_384 : vector<16xf32>
      %add3A_390 = arith.addf %add3A_377, %mul3A_389 : vector<16xf32>
      %broadcast_in_dim3A_391 = arith.constant 2 : i32
      %broadcast_in_dim3A_392 = vector.broadcast %broadcast_in_dim3A_391 : i32 to vector<16xi32>
      %add3A_393 = arith.addi %mul3A_356, %broadcast_in_dim3A_392 : vector<16xi32>
      %gather3A_394 = tpu.vector_load_idx %arg14[%add3A_393] : memref<30000xf32, #tpu.memory_space<vmem>>[vector<16xi32>], vector<16xf32>,
      %add3A_395 = arith.addi %mul3A_362, %broadcast_in_dim3A_392 : vector<16xi32>
      %gather3A_396 = tpu.vector_load_idx %arg14[%add3A_395] : memref<30000xf32, #tpu.memory_space<vmem>>[vector<16xi32>], vector<16xf32>,
      %sub3A_397 = arith.subf %gather3A_394, %gather3A_396 : vector<16xf32>
      %swap3A_398 = arith.constant 2 : i32
      %swap3A_399 = arith.index_cast %swap3A_398 : i32 to index
      %swap3A_400 = arith.constant 64 : index
      %swap3A_401 = tpu.vector_load %arg15[%swap3A_399, %swap3A_400] {strides = array<i32>} : memref<16x128xf32, #tpu.memory_space<vmem>>, vector<16xf32>,
      tpu.vector_store %arg15[%swap3A_399, %swap3A_400], %sub3A_397 {strides = array<i32>} : memref<16x128xf32, #tpu.memory_space<vmem>>, vector<16xf32>,
      %mul3A_402 = arith.mulf %sub3A_397, %sub3A_397 : vector<16xf32>
      %add3A_403 = arith.addf %add3A_390, %mul3A_402 : vector<16xf32>
      %swap3A_404 = arith.constant 3 : i32
      %swap3A_405 = arith.index_cast %swap3A_404 : i32 to index
      %swap3A_406 = arith.constant 64 : index
      %swap3A_407 = tpu.vector_load %arg15[%swap3A_405, %swap3A_406] {strides = array<i32>} : memref<16x128xf32, #tpu.memory_space<vmem>>, vector<16xf32>,
      tpu.vector_store %arg15[%swap3A_405, %swap3A_406], %add3A_403 {strides = array<i32>} : memref<16x128xf32, #tpu.memory_space<vmem>>, vector<16xf32>,
      %get3A_408 = arith.index_cast %rem3A_75 : i32 to index
      %get3A_409 = arith.constant 80 : index
      %get3A_410 = tpu.vector_load %arg11[%get3A_408, %get3A_409] {strides = array<i32>} : memref<2x512xi32, #tpu.memory_space<vmem>>, vector<16xi32>,
      %mul3A_411 = arith.constant 3 : i32
      %mul3A_412 = vector.broadcast %mul3A_411 : i32 to vector<16xi32>
      %mul3A_413 = arith.muli %get3A_410, %mul3A_412 : vector<16xi32>
      %get3A_414 = arith.index_cast %rem3A_75 : i32 to index
      %get3A_415 = arith.constant 336 : index
      %get3A_416 = tpu.vector_load %arg11[%get3A_414, %get3A_415] {strides = array<i32>} : memref<2x512xi32, #tpu.memory_space<vmem>>, vector<16xi32>,
      %mul3A_417 = arith.constant 3 : i32
      %mul3A_418 = vector.broadcast %mul3A_417 : i32 to vector<16xi32>
      %mul3A_419 = arith.muli %get3A_416, %mul3A_418 : vector<16xi32>
      %broadcast_in_dim3A_420 = arith.constant 0.000000e+00 : f32
      %broadcast_in_dim3A_421 = vector.broadcast %broadcast_in_dim3A_420 : f32 to vector<16xf32>
      %broadcast_in_dim3A_422 = arith.constant 0 : i32
      %broadcast_in_dim3A_423 = vector.broadcast %broadcast_in_dim3A_422 : i32 to vector<16xi32>
      %add3A_424 = arith.addi %mul3A_413, %broadcast_in_dim3A_423 : vector<16xi32>
      %gather3A_425 = tpu.vector_load_idx %arg14[%add3A_424] : memref<30000xf32, #tpu.memory_space<vmem>>[vector<16xi32>], vector<16xf32>,
      %add3A_426 = arith.addi %mul3A_419, %broadcast_in_dim3A_423 : vector<16xi32>
      %gather3A_427 = tpu.vector_load_idx %arg14[%add3A_426] : memref<30000xf32, #tpu.memory_space<vmem>>[vector<16xi32>], vector<16xf32>,
      %sub3A_428 = arith.subf %gather3A_425, %gather3A_427 : vector<16xf32>
      %swap3A_429 = arith.constant 0 : i32
      %swap3A_430 = arith.index_cast %swap3A_429 : i32 to index
      %swap3A_431 = arith.constant 80 : index
      %swap3A_432 = tpu.vector_load %arg15[%swap3A_430, %swap3A_431] {strides = array<i32>} : memref<16x128xf32, #tpu.memory_space<vmem>>, vector<16xf32>,
      tpu.vector_store %arg15[%swap3A_430, %swap3A_431], %sub3A_428 {strides = array<i32>} : memref<16x128xf32, #tpu.memory_space<vmem>>, vector<16xf32>,
      %mul3A_433 = arith.mulf %sub3A_428, %sub3A_428 : vector<16xf32>
      %add3A_434 = arith.addf %broadcast_in_dim3A_421, %mul3A_433 : vector<16xf32>
      %broadcast_in_dim3A_435 = arith.constant 1 : i32
      %broadcast_in_dim3A_436 = vector.broadcast %broadcast_in_dim3A_435 : i32 to vector<16xi32>
      %add3A_437 = arith.addi %mul3A_413, %broadcast_in_dim3A_436 : vector<16xi32>
      %gather3A_438 = tpu.vector_load_idx %arg14[%add3A_437] : memref<30000xf32, #tpu.memory_space<vmem>>[vector<16xi32>], vector<16xf32>,
      %add3A_439 = arith.addi %mul3A_419, %broadcast_in_dim3A_436 : vector<16xi32>
      %gather3A_440 = tpu.vector_load_idx %arg14[%add3A_439] : memref<30000xf32, #tpu.memory_space<vmem>>[vector<16xi32>], vector<16xf32>,
      %sub3A_441 = arith.subf %gather3A_438, %gather3A_440 : vector<16xf32>
      %swap3A_442 = arith.constant 1 : i32
      %swap3A_443 = arith.index_cast %swap3A_442 : i32 to index
      %swap3A_444 = arith.constant 80 : index
      %swap3A_445 = tpu.vector_load %arg15[%swap3A_443, %swap3A_444] {strides = array<i32>} : memref<16x128xf32, #tpu.memory_space<vmem>>, vector<16xf32>,
      tpu.vector_store %arg15[%swap3A_443, %swap3A_444], %sub3A_441 {strides = array<i32>} : memref<16x128xf32, #tpu.memory_space<vmem>>, vector<16xf32>,
      %mul3A_446 = arith.mulf %sub3A_441, %sub3A_441 : vector<16xf32>
      %add3A_447 = arith.addf %add3A_434, %mul3A_446 : vector<16xf32>
      %broadcast_in_dim3A_448 = arith.constant 2 : i32
      %broadcast_in_dim3A_449 = vector.broadcast %broadcast_in_dim3A_448 : i32 to vector<16xi32>
      %add3A_450 = arith.addi %mul3A_413, %broadcast_in_dim3A_449 : vector<16xi32>
      %gather3A_451 = tpu.vector_load_idx %arg14[%add3A_450] : memref<30000xf32, #tpu.memory_space<vmem>>[vector<16xi32>], vector<16xf32>,
      %add3A_452 = arith.addi %mul3A_419, %broadcast_in_dim3A_449 : vector<16xi32>
      %gather3A_453 = tpu.vector_load_idx %arg14[%add3A_452] : memref<30000xf32, #tpu.memory_space<vmem>>[vector<16xi32>], vector<16xf32>,
      %sub3A_454 = arith.subf %gather3A_451, %gather3A_453 : vector<16xf32>
      %swap3A_455 = arith.constant 2 : i32
      %swap3A_456 = arith.index_cast %swap3A_455 : i32 to index
      %swap3A_457 = arith.constant 80 : index
      %swap3A_458 = tpu.vector_load %arg15[%swap3A_456, %swap3A_457] {strides = array<i32>} : memref<16x128xf32, #tpu.memory_space<vmem>>, vector<16xf32>,
      tpu.vector_store %arg15[%swap3A_456, %swap3A_457], %sub3A_454 {strides = array<i32>} : memref<16x128xf32, #tpu.memory_space<vmem>>, vector<16xf32>,
      %mul3A_459 = arith.mulf %sub3A_454, %sub3A_454 : vector<16xf32>
      %add3A_460 = arith.addf %add3A_447, %mul3A_459 : vector<16xf32>
      %swap3A_461 = arith.constant 3 : i32
      %swap3A_462 = arith.index_cast %swap3A_461 : i32 to index
      %swap3A_463 = arith.constant 80 : index
      %swap3A_464 = tpu.vector_load %arg15[%swap3A_462, %swap3A_463] {strides = array<i32>} : memref<16x128xf32, #tpu.memory_space<vmem>>, vector<16xf32>,
      tpu.vector_store %arg15[%swap3A_462, %swap3A_463], %add3A_460 {strides = array<i32>} : memref<16x128xf32, #tpu.memory_space<vmem>>, vector<16xf32>,
      %get3A_465 = arith.index_cast %rem3A_75 : i32 to index
      %get3A_466 = arith.constant 96 : index
      %get3A_467 = tpu.vector_load %arg11[%get3A_465, %get3A_466] {strides = array<i32>} : memref<2x512xi32, #tpu.memory_space<vmem>>, vector<16xi32>,
      %mul3A_468 = arith.constant 3 : i32
      %mul3A_469 = vector.broadcast %mul3A_468 : i32 to vector<16xi32>
      %mul3A_470 = arith.muli %get3A_467, %mul3A_469 : vector<16xi32>
      %get3A_471 = arith.index_cast %rem3A_75 : i32 to index
      %get3A_472 = arith.constant 352 : index
      %get3A_473 = tpu.vector_load %arg11[%get3A_471, %get3A_472] {strides = array<i32>} : memref<2x512xi32, #tpu.memory_space<vmem>>, vector<16xi32>,
      %mul3A_474 = arith.constant 3 : i32
      %mul3A_475 = vector.broadcast %mul3A_474 : i32 to vector<16xi32>
      %mul3A_476 = arith.muli %get3A_473, %mul3A_475 : vector<16xi32>
      %broadcast_in_dim3A_477 = arith.constant 0.000000e+00 : f32
      %broadcast_in_dim3A_478 = vector.broadcast %broadcast_in_dim3A_477 : f32 to vector<16xf32>
      %broadcast_in_dim3A_479 = arith.constant 0 : i32
      %broadcast_in_dim3A_480 = vector.broadcast %broadcast_in_dim3A_479 : i32 to vector<16xi32>
      %add3A_481 = arith.addi %mul3A_470, %broadcast_in_dim3A_480 : vector<16xi32>
      %gather3A_482 = tpu.vector_load_idx %arg14[%add3A_481] : memref<30000xf32, #tpu.memory_space<vmem>>[vector<16xi32>], vector<16xf32>,
      %add3A_483 = arith.addi %mul3A_476, %broadcast_in_dim3A_480 : vector<16xi32>
      %gather3A_484 = tpu.vector_load_idx %arg14[%add3A_483] : memref<30000xf32, #tpu.memory_space<vmem>>[vector<16xi32>], vector<16xf32>,
      %sub3A_485 = arith.subf %gather3A_482, %gather3A_484 : vector<16xf32>
      %swap3A_486 = arith.constant 0 : i32
      %swap3A_487 = arith.index_cast %swap3A_486 : i32 to index
      %swap3A_488 = arith.constant 96 : index
      %swap3A_489 = tpu.vector_load %arg15[%swap3A_487, %swap3A_488] {strides = array<i32>} : memref<16x128xf32, #tpu.memory_space<vmem>>, vector<16xf32>,
      tpu.vector_store %arg15[%swap3A_487, %swap3A_488], %sub3A_485 {strides = array<i32>} : memref<16x128xf32, #tpu.memory_space<vmem>>, vector<16xf32>,
      %mul3A_490 = arith.mulf %sub3A_485, %sub3A_485 : vector<16xf32>
      %add3A_491 = arith.addf %broadcast_in_dim3A_478, %mul3A_490 : vector<16xf32>
      %broadcast_in_dim3A_492 = arith.constant 1 : i32
      %broadcast_in_dim3A_493 = vector.broadcast %broadcast_in_dim3A_492 : i32 to vector<16xi32>
      %add3A_494 = arith.addi %mul3A_470, %broadcast_in_dim3A_493 : vector<16xi32>
      %gather3A_495 = tpu.vector_load_idx %arg14[%add3A_494] : memref<30000xf32, #tpu.memory_space<vmem>>[vector<16xi32>], vector<16xf32>,
      %add3A_496 = arith.addi %mul3A_476, %broadcast_in_dim3A_493 : vector<16xi32>
      %gather3A_497 = tpu.vector_load_idx %arg14[%add3A_496] : memref<30000xf32, #tpu.memory_space<vmem>>[vector<16xi32>], vector<16xf32>,
      %sub3A_498 = arith.subf %gather3A_495, %gather3A_497 : vector<16xf32>
      %swap3A_499 = arith.constant 1 : i32
      %swap3A_500 = arith.index_cast %swap3A_499 : i32 to index
      %swap3A_501 = arith.constant 96 : index
      %swap3A_502 = tpu.vector_load %arg15[%swap3A_500, %swap3A_501] {strides = array<i32>} : memref<16x128xf32, #tpu.memory_space<vmem>>, vector<16xf32>,
      tpu.vector_store %arg15[%swap3A_500, %swap3A_501], %sub3A_498 {strides = array<i32>} : memref<16x128xf32, #tpu.memory_space<vmem>>, vector<16xf32>,
      %mul3A_503 = arith.mulf %sub3A_498, %sub3A_498 : vector<16xf32>
      %add3A_504 = arith.addf %add3A_491, %mul3A_503 : vector<16xf32>
      %broadcast_in_dim3A_505 = arith.constant 2 : i32
      %broadcast_in_dim3A_506 = vector.broadcast %broadcast_in_dim3A_505 : i32 to vector<16xi32>
      %add3A_507 = arith.addi %mul3A_470, %broadcast_in_dim3A_506 : vector<16xi32>
      %gather3A_508 = tpu.vector_load_idx %arg14[%add3A_507] : memref<30000xf32, #tpu.memory_space<vmem>>[vector<16xi32>], vector<16xf32>,
      %add3A_509 = arith.addi %mul3A_476, %broadcast_in_dim3A_506 : vector<16xi32>
      %gather3A_510 = tpu.vector_load_idx %arg14[%add3A_509] : memref<30000xf32, #tpu.memory_space<vmem>>[vector<16xi32>], vector<16xf32>,
      %sub3A_511 = arith.subf %gather3A_508, %gather3A_510 : vector<16xf32>
      %swap3A_512 = arith.constant 2 : i32
      %swap3A_513 = arith.index_cast %swap3A_512 : i32 to index
      %swap3A_514 = arith.constant 96 : index
      %swap3A_515 = tpu.vector_load %arg15[%swap3A_513, %swap3A_514] {strides = array<i32>} : memref<16x128xf32, #tpu.memory_space<vmem>>, vector<16xf32>,
      tpu.vector_store %arg15[%swap3A_513, %swap3A_514], %sub3A_511 {strides = array<i32>} : memref<16x128xf32, #tpu.memory_space<vmem>>, vector<16xf32>,
      %mul3A_516 = arith.mulf %sub3A_511, %sub3A_511 : vector<16xf32>
      %add3A_517 = arith.addf %add3A_504, %mul3A_516 : vector<16xf32>
      %swap3A_518 = arith.constant 3 : i32
      %swap3A_519 = arith.index_cast %swap3A_518 : i32 to index
      %swap3A_520 = arith.constant 96 : index
      %swap3A_521 = tpu.vector_load %arg15[%swap3A_519, %swap3A_520] {strides = array<i32>} : memref<16x128xf32, #tpu.memory_space<vmem>>, vector<16xf32>,
      tpu.vector_store %arg15[%swap3A_519, %swap3A_520], %add3A_517 {strides = array<i32>} : memref<16x128xf32, #tpu.memory_space<vmem>>, vector<16xf32>,
      %get3A_522 = arith.index_cast %rem3A_75 : i32 to index
      %get3A_523 = arith.constant 112 : index
      %get3A_524 = tpu.vector_load %arg11[%get3A_522, %get3A_523] {strides = array<i32>} : memref<2x512xi32, #tpu.memory_space<vmem>>, vector<16xi32>,
      %mul3A_525 = arith.constant 3 : i32
      %mul3A_526 = vector.broadcast %mul3A_525 : i32 to vector<16xi32>
      %mul3A_527 = arith.muli %get3A_524, %mul3A_526 : vector<16xi32>
      %get3A_528 = arith.index_cast %rem3A_75 : i32 to index
      %get3A_529 = arith.constant 368 : index
      %get3A_530 = tpu.vector_load %arg11[%get3A_528, %get3A_529] {strides = array<i32>} : memref<2x512xi32, #tpu.memory_space<vmem>>, vector<16xi32>,
      %mul3A_531 = arith.constant 3 : i32
      %mul3A_532 = vector.broadcast %mul3A_531 : i32 to vector<16xi32>
      %mul3A_533 = arith.muli %get3A_530, %mul3A_532 : vector<16xi32>
      %broadcast_in_dim3A_534 = arith.constant 0.000000e+00 : f32
      %broadcast_in_dim3A_535 = vector.broadcast %broadcast_in_dim3A_534 : f32 to vector<16xf32>
      %broadcast_in_dim3A_536 = arith.constant 0 : i32
      %broadcast_in_dim3A_537 = vector.broadcast %broadcast_in_dim3A_536 : i32 to vector<16xi32>
      %add3A_538 = arith.addi %mul3A_527, %broadcast_in_dim3A_537 : vector<16xi32>
      %gather3A_539 = tpu.vector_load_idx %arg14[%add3A_538] : memref<30000xf32, #tpu.memory_space<vmem>>[vector<16xi32>], vector<16xf32>,
      %add3A_540 = arith.addi %mul3A_533, %broadcast_in_dim3A_537 : vector<16xi32>
      %gather3A_541 = tpu.vector_load_idx %arg14[%add3A_540] : memref<30000xf32, #tpu.memory_space<vmem>>[vector<16xi32>], vector<16xf32>,
      %sub3A_542 = arith.subf %gather3A_539, %gather3A_541 : vector<16xf32>
      %swap3A_543 = arith.constant 0 : i32
      %swap3A_544 = arith.index_cast %swap3A_543 : i32 to index
      %swap3A_545 = arith.constant 112 : index
      %swap3A_546 = tpu.vector_load %arg15[%swap3A_544, %swap3A_545] {strides = array<i32>} : memref<16x128xf32, #tpu.memory_space<vmem>>, vector<16xf32>,
      tpu.vector_store %arg15[%swap3A_544, %swap3A_545], %sub3A_542 {strides = array<i32>} : memref<16x128xf32, #tpu.memory_space<vmem>>, vector<16xf32>,
      %mul3A_547 = arith.mulf %sub3A_542, %sub3A_542 : vector<16xf32>
      %add3A_548 = arith.addf %broadcast_in_dim3A_535, %mul3A_547 : vector<16xf32>
      %broadcast_in_dim3A_549 = arith.constant 1 : i32
      %broadcast_in_dim3A_550 = vector.broadcast %broadcast_in_dim3A_549 : i32 to vector<16xi32>
      %add3A_551 = arith.addi %mul3A_527, %broadcast_in_dim3A_550 : vector<16xi32>
      %gather3A_552 = tpu.vector_load_idx %arg14[%add3A_551] : memref<30000xf32, #tpu.memory_space<vmem>>[vector<16xi32>], vector<16xf32>,
      %add3A_553 = arith.addi %mul3A_533, %broadcast_in_dim3A_550 : vector<16xi32>
      %gather3A_554 = tpu.vector_load_idx %arg14[%add3A_553] : memref<30000xf32, #tpu.memory_space<vmem>>[vector<16xi32>], vector<16xf32>,
      %sub3A_555 = arith.subf %gather3A_552, %gather3A_554 : vector<16xf32>
      %swap3A_556 = arith.constant 1 : i32
      %swap3A_557 = arith.index_cast %swap3A_556 : i32 to index
      %swap3A_558 = arith.constant 112 : index
      %swap3A_559 = tpu.vector_load %arg15[%swap3A_557, %swap3A_558] {strides = array<i32>} : memref<16x128xf32, #tpu.memory_space<vmem>>, vector<16xf32>,
      tpu.vector_store %arg15[%swap3A_557, %swap3A_558], %sub3A_555 {strides = array<i32>} : memref<16x128xf32, #tpu.memory_space<vmem>>, vector<16xf32>,
      %mul3A_560 = arith.mulf %sub3A_555, %sub3A_555 : vector<16xf32>
      %add3A_561 = arith.addf %add3A_548, %mul3A_560 : vector<16xf32>
      %broadcast_in_dim3A_562 = arith.constant 2 : i32
      %broadcast_in_dim3A_563 = vector.broadcast %broadcast_in_dim3A_562 : i32 to vector<16xi32>
      %add3A_564 = arith.addi %mul3A_527, %broadcast_in_dim3A_563 : vector<16xi32>
      %gather3A_565 = tpu.vector_load_idx %arg14[%add3A_564] : memref<30000xf32, #tpu.memory_space<vmem>>[vector<16xi32>], vector<16xf32>,
      %add3A_566 = arith.addi %mul3A_533, %broadcast_in_dim3A_563 : vector<16xi32>
      %gather3A_567 = tpu.vector_load_idx %arg14[%add3A_566] : memref<30000xf32, #tpu.memory_space<vmem>>[vector<16xi32>], vector<16xf32>,
      %sub3A_568 = arith.subf %gather3A_565, %gather3A_567 : vector<16xf32>
      %swap3A_569 = arith.constant 2 : i32
      %swap3A_570 = arith.index_cast %swap3A_569 : i32 to index
      %swap3A_571 = arith.constant 112 : index
      %swap3A_572 = tpu.vector_load %arg15[%swap3A_570, %swap3A_571] {strides = array<i32>} : memref<16x128xf32, #tpu.memory_space<vmem>>, vector<16xf32>,
      tpu.vector_store %arg15[%swap3A_570, %swap3A_571], %sub3A_568 {strides = array<i32>} : memref<16x128xf32, #tpu.memory_space<vmem>>, vector<16xf32>,
      %mul3A_573 = arith.mulf %sub3A_568, %sub3A_568 : vector<16xf32>
      %add3A_574 = arith.addf %add3A_561, %mul3A_573 : vector<16xf32>
      %swap3A_575 = arith.constant 3 : i32
      %swap3A_576 = arith.index_cast %swap3A_575 : i32 to index
      %swap3A_577 = arith.constant 112 : index
      %swap3A_578 = tpu.vector_load %arg15[%swap3A_576, %swap3A_577] {strides = array<i32>} : memref<16x128xf32, #tpu.memory_space<vmem>>, vector<16xf32>,
      tpu.vector_store %arg15[%swap3A_576, %swap3A_577], %add3A_574 {strides = array<i32>} : memref<16x128xf32, #tpu.memory_space<vmem>>, vector<16xf32>,
      %get3A_579 = arith.index_cast %rem3A_75 : i32 to index
      %get3A_580 = arith.constant 128 : index
      %get3A_581 = tpu.vector_load %arg11[%get3A_579, %get3A_580] {strides = array<i32>} : memref<2x512xi32, #tpu.memory_space<vmem>>, vector<16xi32>,
      %mul3A_582 = arith.constant 3 : i32
      %mul3A_583 = vector.broadcast %mul3A_582 : i32 to vector<16xi32>
      %mul3A_584 = arith.muli %get3A_581, %mul3A_583 : vector<16xi32>
      %get3A_585 = arith.index_cast %rem3A_75 : i32 to index
      %get3A_586 = arith.constant 384 : index
      %get3A_587 = tpu.vector_load %arg11[%get3A_585, %get3A_586] {strides = array<i32>} : memref<2x512xi32, #tpu.memory_space<vmem>>, vector<16xi32>,
      %mul3A_588 = arith.constant 3 : i32
      %mul3A_589 = vector.broadcast %mul3A_588 : i32 to vector<16xi32>
      %mul3A_590 = arith.muli %get3A_587, %mul3A_589 : vector<16xi32>
      %broadcast_in_dim3A_591 = arith.constant 0.000000e+00 : f32
      %broadcast_in_dim3A_592 = vector.broadcast %broadcast_in_dim3A_591 : f32 to vector<16xf32>
      %broadcast_in_dim3A_593 = arith.constant 0 : i32
      %broadcast_in_dim3A_594 = vector.broadcast %broadcast_in_dim3A_593 : i32 to vector<16xi32>
      %add3A_595 = arith.addi %mul3A_584, %broadcast_in_dim3A_594 : vector<16xi32>
      %gather3A_596 = tpu.vector_load_idx %arg14[%add3A_595] : memref<30000xf32, #tpu.memory_space<vmem>>[vector<16xi32>], vector<16xf32>,
      %add3A_597 = arith.addi %mul3A_590, %broadcast_in_dim3A_594 : vector<16xi32>
      %gather3A_598 = tpu.vector_load_idx %arg14[%add3A_597] : memref<30000xf32, #tpu.memory_space<vmem>>[vector<16xi32>], vector<16xf32>,
      %sub3A_599 = arith.subf %gather3A_596, %gather3A_598 : vector<16xf32>
      %swap3A_600 = arith.constant 8 : i32
      %swap3A_601 = arith.index_cast %swap3A_600 : i32 to index
      %swap3A_602 = arith.constant 0 : index
      %swap3A_603 = tpu.vector_load %arg15[%swap3A_601, %swap3A_602] {strides = array<i32>} : memref<16x128xf32, #tpu.memory_space<vmem>>, vector<16xf32>,
      tpu.vector_store %arg15[%swap3A_601, %swap3A_602], %sub3A_599 {strides = array<i32>} : memref<16x128xf32, #tpu.memory_space<vmem>>, vector<16xf32>,
      %mul3A_604 = arith.mulf %sub3A_599, %sub3A_599 : vector<16xf32>
      %add3A_605 = arith.addf %broadcast_in_dim3A_592, %mul3A_604 : vector<16xf32>
      %broadcast_in_dim3A_606 = arith.constant 1 : i32
      %broadcast_in_dim3A_607 = vector.broadcast %broadcast_in_dim3A_606 : i32 to vector<16xi32>
      %add3A_608 = arith.addi %mul3A_584, %broadcast_in_dim3A_607 : vector<16xi32>
      %gather3A_609 = tpu.vector_load_idx %arg14[%add3A_608] : memref<30000xf32, #tpu.memory_space<vmem>>[vector<16xi32>], vector<16xf32>,
      %add3A_610 = arith.addi %mul3A_590, %broadcast_in_dim3A_607 : vector<16xi32>
      %gather3A_611 = tpu.vector_load_idx %arg14[%add3A_610] : memref<30000xf32, #tpu.memory_space<vmem>>[vector<16xi32>], vector<16xf32>,
      %sub3A_612 = arith.subf %gather3A_609, %gather3A_611 : vector<16xf32>
      %swap3A_613 = arith.constant 9 : i32
      %swap3A_614 = arith.index_cast %swap3A_613 : i32 to index
      %swap3A_615 = arith.constant 0 : index
      %swap3A_616 = tpu.vector_load %arg15[%swap3A_614, %swap3A_615] {strides = array<i32>} : memref<16x128xf32, #tpu.memory_space<vmem>>, vector<16xf32>,
      tpu.vector_store %arg15[%swap3A_614, %swap3A_615], %sub3A_612 {strides = array<i32>} : memref<16x128xf32, #tpu.memory_space<vmem>>, vector<16xf32>,
      %mul3A_617 = arith.mulf %sub3A_612, %sub3A_612 : vector<16xf32>
      %add3A_618 = arith.addf %add3A_605, %mul3A_617 : vector<16xf32>
      %broadcast_in_dim3A_619 = arith.constant 2 : i32
      %broadcast_in_dim3A_620 = vector.broadcast %broadcast_in_dim3A_619 : i32 to vector<16xi32>
      %add3A_621 = arith.addi %mul3A_584, %broadcast_in_dim3A_620 : vector<16xi32>
      %gather3A_622 = tpu.vector_load_idx %arg14[%add3A_621] : memref<30000xf32, #tpu.memory_space<vmem>>[vector<16xi32>], vector<16xf32>,
      %add3A_623 = arith.addi %mul3A_590, %broadcast_in_dim3A_620 : vector<16xi32>
      %gather3A_624 = tpu.vector_load_idx %arg14[%add3A_623] : memref<30000xf32, #tpu.memory_space<vmem>>[vector<16xi32>], vector<16xf32>,
      %sub3A_625 = arith.subf %gather3A_622, %gather3A_624 : vector<16xf32>
      %swap3A_626 = arith.constant 10 : i32
      %swap3A_627 = arith.index_cast %swap3A_626 : i32 to index
      %swap3A_628 = arith.constant 0 : index
      %swap3A_629 = tpu.vector_load %arg15[%swap3A_627, %swap3A_628] {strides = array<i32>} : memref<16x128xf32, #tpu.memory_space<vmem>>, vector<16xf32>,
      tpu.vector_store %arg15[%swap3A_627, %swap3A_628], %sub3A_625 {strides = array<i32>} : memref<16x128xf32, #tpu.memory_space<vmem>>, vector<16xf32>,
      %mul3A_630 = arith.mulf %sub3A_625, %sub3A_625 : vector<16xf32>
      %add3A_631 = arith.addf %add3A_618, %mul3A_630 : vector<16xf32>
      %swap3A_632 = arith.constant 11 : i32
      %swap3A_633 = arith.index_cast %swap3A_632 : i32 to index
      %swap3A_634 = arith.constant 0 : index
      %swap3A_635 = tpu.vector_load %arg15[%swap3A_633, %swap3A_634] {strides = array<i32>} : memref<16x128xf32, #tpu.memory_space<vmem>>, vector<16xf32>,
      tpu.vector_store %arg15[%swap3A_633, %swap3A_634], %add3A_631 {strides = array<i32>} : memref<16x128xf32, #tpu.memory_space<vmem>>, vector<16xf32>,
      %get3A_636 = arith.index_cast %rem3A_75 : i32 to index
      %get3A_637 = arith.constant 144 : index
      %get3A_638 = tpu.vector_load %arg11[%get3A_636, %get3A_637] {strides = array<i32>} : memref<2x512xi32, #tpu.memory_space<vmem>>, vector<16xi32>,
      %mul3A_639 = arith.constant 3 : i32
      %mul3A_640 = vector.broadcast %mul3A_639 : i32 to vector<16xi32>
      %mul3A_641 = arith.muli %get3A_638, %mul3A_640 : vector<16xi32>
      %get3A_642 = arith.index_cast %rem3A_75 : i32 to index
      %get3A_643 = arith.constant 400 : index
      %get3A_644 = tpu.vector_load %arg11[%get3A_642, %get3A_643] {strides = array<i32>} : memref<2x512xi32, #tpu.memory_space<vmem>>, vector<16xi32>,
      %mul3A_645 = arith.constant 3 : i32
      %mul3A_646 = vector.broadcast %mul3A_645 : i32 to vector<16xi32>
      %mul3A_647 = arith.muli %get3A_644, %mul3A_646 : vector<16xi32>
      %broadcast_in_dim3A_648 = arith.constant 0.000000e+00 : f32
      %broadcast_in_dim3A_649 = vector.broadcast %broadcast_in_dim3A_648 : f32 to vector<16xf32>
      %broadcast_in_dim3A_650 = arith.constant 0 : i32
      %broadcast_in_dim3A_651 = vector.broadcast %broadcast_in_dim3A_650 : i32 to vector<16xi32>
      %add3A_652 = arith.addi %mul3A_641, %broadcast_in_dim3A_651 : vector<16xi32>
      %gather3A_653 = tpu.vector_load_idx %arg14[%add3A_652] : memref<30000xf32, #tpu.memory_space<vmem>>[vector<16xi32>], vector<16xf32>,
      %add3A_654 = arith.addi %mul3A_647, %broadcast_in_dim3A_651 : vector<16xi32>
      %gather3A_655 = tpu.vector_load_idx %arg14[%add3A_654] : memref<30000xf32, #tpu.memory_space<vmem>>[vector<16xi32>], vector<16xf32>,
      %sub3A_656 = arith.subf %gather3A_653, %gather3A_655 : vector<16xf32>
      %swap3A_657 = arith.constant 8 : i32
      %swap3A_658 = arith.index_cast %swap3A_657 : i32 to index
      %swap3A_659 = arith.constant 16 : index
      %swap3A_660 = tpu.vector_load %arg15[%swap3A_658, %swap3A_659] {strides = array<i32>} : memref<16x128xf32, #tpu.memory_space<vmem>>, vector<16xf32>,
      tpu.vector_store %arg15[%swap3A_658, %swap3A_659], %sub3A_656 {strides = array<i32>} : memref<16x128xf32, #tpu.memory_space<vmem>>, vector<16xf32>,
      %mul3A_661 = arith.mulf %sub3A_656, %sub3A_656 : vector<16xf32>
      %add3A_662 = arith.addf %broadcast_in_dim3A_649, %mul3A_661 : vector<16xf32>
      %broadcast_in_dim3A_663 = arith.constant 1 : i32
      %broadcast_in_dim3A_664 = vector.broadcast %broadcast_in_dim3A_663 : i32 to vector<16xi32>
      %add3A_665 = arith.addi %mul3A_641, %broadcast_in_dim3A_664 : vector<16xi32>
      %gather3A_666 = tpu.vector_load_idx %arg14[%add3A_665] : memref<30000xf32, #tpu.memory_space<vmem>>[vector<16xi32>], vector<16xf32>,
      %add3A_667 = arith.addi %mul3A_647, %broadcast_in_dim3A_664 : vector<16xi32>
      %gather3A_668 = tpu.vector_load_idx %arg14[%add3A_667] : memref<30000xf32, #tpu.memory_space<vmem>>[vector<16xi32>], vector<16xf32>,
      %sub3A_669 = arith.subf %gather3A_666, %gather3A_668 : vector<16xf32>
      %swap3A_670 = arith.constant 9 : i32
      %swap3A_671 = arith.index_cast %swap3A_670 : i32 to index
      %swap3A_672 = arith.constant 16 : index
      %swap3A_673 = tpu.vector_load %arg15[%swap3A_671, %swap3A_672] {strides = array<i32>} : memref<16x128xf32, #tpu.memory_space<vmem>>, vector<16xf32>,
      tpu.vector_store %arg15[%swap3A_671, %swap3A_672], %sub3A_669 {strides = array<i32>} : memref<16x128xf32, #tpu.memory_space<vmem>>, vector<16xf32>,
      %mul3A_674 = arith.mulf %sub3A_669, %sub3A_669 : vector<16xf32>
      %add3A_675 = arith.addf %add3A_662, %mul3A_674 : vector<16xf32>
      %broadcast_in_dim3A_676 = arith.constant 2 : i32
      %broadcast_in_dim3A_677 = vector.broadcast %broadcast_in_dim3A_676 : i32 to vector<16xi32>
      %add3A_678 = arith.addi %mul3A_641, %broadcast_in_dim3A_677 : vector<16xi32>
      %gather3A_679 = tpu.vector_load_idx %arg14[%add3A_678] : memref<30000xf32, #tpu.memory_space<vmem>>[vector<16xi32>], vector<16xf32>,
      %add3A_680 = arith.addi %mul3A_647, %broadcast_in_dim3A_677 : vector<16xi32>
      %gather3A_681 = tpu.vector_load_idx %arg14[%add3A_680] : memref<30000xf32, #tpu.memory_space<vmem>>[vector<16xi32>], vector<16xf32>,
      %sub3A_682 = arith.subf %gather3A_679, %gather3A_681 : vector<16xf32>
      %swap3A_683 = arith.constant 10 : i32
      %swap3A_684 = arith.index_cast %swap3A_683 : i32 to index
      %swap3A_685 = arith.constant 16 : index
      %swap3A_686 = tpu.vector_load %arg15[%swap3A_684, %swap3A_685] {strides = array<i32>} : memref<16x128xf32, #tpu.memory_space<vmem>>, vector<16xf32>,
      tpu.vector_store %arg15[%swap3A_684, %swap3A_685], %sub3A_682 {strides = array<i32>} : memref<16x128xf32, #tpu.memory_space<vmem>>, vector<16xf32>,
      %mul3A_687 = arith.mulf %sub3A_682, %sub3A_682 : vector<16xf32>
      %add3A_688 = arith.addf %add3A_675, %mul3A_687 : vector<16xf32>
      %swap3A_689 = arith.constant 11 : i32
      %swap3A_690 = arith.index_cast %swap3A_689 : i32 to index
      %swap3A_691 = arith.constant 16 : index
      %swap3A_692 = tpu.vector_load %arg15[%swap3A_690, %swap3A_691] {strides = array<i32>} : memref<16x128xf32, #tpu.memory_space<vmem>>, vector<16xf32>,
      tpu.vector_store %arg15[%swap3A_690, %swap3A_691], %add3A_688 {strides = array<i32>} : memref<16x128xf32, #tpu.memory_space<vmem>>, vector<16xf32>,
      %get3A_693 = arith.index_cast %rem3A_75 : i32 to index
      %get3A_694 = arith.constant 160 : index
      %get3A_695 = tpu.vector_load %arg11[%get3A_693, %get3A_694] {strides = array<i32>} : memref<2x512xi32, #tpu.memory_space<vmem>>, vector<16xi32>,
      %mul3A_696 = arith.constant 3 : i32
      %mul3A_697 = vector.broadcast %mul3A_696 : i32 to vector<16xi32>
      %mul3A_698 = arith.muli %get3A_695, %mul3A_697 : vector<16xi32>
      %get3A_699 = arith.index_cast %rem3A_75 : i32 to index
      %get3A_700 = arith.constant 416 : index
      %get3A_701 = tpu.vector_load %arg11[%get3A_699, %get3A_700] {strides = array<i32>} : memref<2x512xi32, #tpu.memory_space<vmem>>, vector<16xi32>,
      %mul3A_702 = arith.constant 3 : i32
      %mul3A_703 = vector.broadcast %mul3A_702 : i32 to vector<16xi32>
      %mul3A_704 = arith.muli %get3A_701, %mul3A_703 : vector<16xi32>
      %broadcast_in_dim3A_705 = arith.constant 0.000000e+00 : f32
      %broadcast_in_dim3A_706 = vector.broadcast %broadcast_in_dim3A_705 : f32 to vector<16xf32>
      %broadcast_in_dim3A_707 = arith.constant 0 : i32
      %broadcast_in_dim3A_708 = vector.broadcast %broadcast_in_dim3A_707 : i32 to vector<16xi32>
      %add3A_709 = arith.addi %mul3A_698, %broadcast_in_dim3A_708 : vector<16xi32>
      %gather3A_710 = tpu.vector_load_idx %arg14[%add3A_709] : memref<30000xf32, #tpu.memory_space<vmem>>[vector<16xi32>], vector<16xf32>,
      %add3A_711 = arith.addi %mul3A_704, %broadcast_in_dim3A_708 : vector<16xi32>
      %gather3A_712 = tpu.vector_load_idx %arg14[%add3A_711] : memref<30000xf32, #tpu.memory_space<vmem>>[vector<16xi32>], vector<16xf32>,
      %sub3A_713 = arith.subf %gather3A_710, %gather3A_712 : vector<16xf32>
      %swap3A_714 = arith.constant 8 : i32
      %swap3A_715 = arith.index_cast %swap3A_714 : i32 to index
      %swap3A_716 = arith.constant 32 : index
      %swap3A_717 = tpu.vector_load %arg15[%swap3A_715, %swap3A_716] {strides = array<i32>} : memref<16x128xf32, #tpu.memory_space<vmem>>, vector<16xf32>,
      tpu.vector_store %arg15[%swap3A_715, %swap3A_716], %sub3A_713 {strides = array<i32>} : memref<16x128xf32, #tpu.memory_space<vmem>>, vector<16xf32>,
      %mul3A_718 = arith.mulf %sub3A_713, %sub3A_713 : vector<16xf32>
      %add3A_719 = arith.addf %broadcast_in_dim3A_706, %mul3A_718 : vector<16xf32>
      %broadcast_in_dim3A_720 = arith.constant 1 : i32
      %broadcast_in_dim3A_721 = vector.broadcast %broadcast_in_dim3A_720 : i32 to vector<16xi32>
      %add3A_722 = arith.addi %mul3A_698, %broadcast_in_dim3A_721 : vector<16xi32>
      %gather3A_723 = tpu.vector_load_idx %arg14[%add3A_722] : memref<30000xf32, #tpu.memory_space<vmem>>[vector<16xi32>], vector<16xf32>,
      %add3A_724 = arith.addi %mul3A_704, %broadcast_in_dim3A_721 : vector<16xi32>
      %gather3A_725 = tpu.vector_load_idx %arg14[%add3A_724] : memref<30000xf32, #tpu.memory_space<vmem>>[vector<16xi32>], vector<16xf32>,
      %sub3A_726 = arith.subf %gather3A_723, %gather3A_725 : vector<16xf32>
      %swap3A_727 = arith.constant 9 : i32
      %swap3A_728 = arith.index_cast %swap3A_727 : i32 to index
      %swap3A_729 = arith.constant 32 : index
      %swap3A_730 = tpu.vector_load %arg15[%swap3A_728, %swap3A_729] {strides = array<i32>} : memref<16x128xf32, #tpu.memory_space<vmem>>, vector<16xf32>,
      tpu.vector_store %arg15[%swap3A_728, %swap3A_729], %sub3A_726 {strides = array<i32>} : memref<16x128xf32, #tpu.memory_space<vmem>>, vector<16xf32>,
      %mul3A_731 = arith.mulf %sub3A_726, %sub3A_726 : vector<16xf32>
      %add3A_732 = arith.addf %add3A_719, %mul3A_731 : vector<16xf32>
      %broadcast_in_dim3A_733 = arith.constant 2 : i32
      %broadcast_in_dim3A_734 = vector.broadcast %broadcast_in_dim3A_733 : i32 to vector<16xi32>
      %add3A_735 = arith.addi %mul3A_698, %broadcast_in_dim3A_734 : vector<16xi32>
      %gather3A_736 = tpu.vector_load_idx %arg14[%add3A_735] : memref<30000xf32, #tpu.memory_space<vmem>>[vector<16xi32>], vector<16xf32>,
      %add3A_737 = arith.addi %mul3A_704, %broadcast_in_dim3A_734 : vector<16xi32>
      %gather3A_738 = tpu.vector_load_idx %arg14[%add3A_737] : memref<30000xf32, #tpu.memory_space<vmem>>[vector<16xi32>], vector<16xf32>,
      %sub3A_739 = arith.subf %gather3A_736, %gather3A_738 : vector<16xf32>
      %swap3A_740 = arith.constant 10 : i32
      %swap3A_741 = arith.index_cast %swap3A_740 : i32 to index
      %swap3A_742 = arith.constant 32 : index
      %swap3A_743 = tpu.vector_load %arg15[%swap3A_741, %swap3A_742] {strides = array<i32>} : memref<16x128xf32, #tpu.memory_space<vmem>>, vector<16xf32>,
      tpu.vector_store %arg15[%swap3A_741, %swap3A_742], %sub3A_739 {strides = array<i32>} : memref<16x128xf32, #tpu.memory_space<vmem>>, vector<16xf32>,
      %mul3A_744 = arith.mulf %sub3A_739, %sub3A_739 : vector<16xf32>
      %add3A_745 = arith.addf %add3A_732, %mul3A_744 : vector<16xf32>
      %swap3A_746 = arith.constant 11 : i32
      %swap3A_747 = arith.index_cast %swap3A_746 : i32 to index
      %swap3A_748 = arith.constant 32 : index
      %swap3A_749 = tpu.vector_load %arg15[%swap3A_747, %swap3A_748] {strides = array<i32>} : memref<16x128xf32, #tpu.memory_space<vmem>>, vector<16xf32>,
      tpu.vector_store %arg15[%swap3A_747, %swap3A_748], %add3A_745 {strides = array<i32>} : memref<16x128xf32, #tpu.memory_space<vmem>>, vector<16xf32>,
      %get3A_750 = arith.index_cast %rem3A_75 : i32 to index
      %get3A_751 = arith.constant 176 : index
      %get3A_752 = tpu.vector_load %arg11[%get3A_750, %get3A_751] {strides = array<i32>} : memref<2x512xi32, #tpu.memory_space<vmem>>, vector<16xi32>,
      %mul3A_753 = arith.constant 3 : i32
      %mul3A_754 = vector.broadcast %mul3A_753 : i32 to vector<16xi32>
      %mul3A_755 = arith.muli %get3A_752, %mul3A_754 : vector<16xi32>
      %get3A_756 = arith.index_cast %rem3A_75 : i32 to index
      %get3A_757 = arith.constant 432 : index
      %get3A_758 = tpu.vector_load %arg11[%get3A_756, %get3A_757] {strides = array<i32>} : memref<2x512xi32, #tpu.memory_space<vmem>>, vector<16xi32>,
      %mul3A_759 = arith.constant 3 : i32
      %mul3A_760 = vector.broadcast %mul3A_759 : i32 to vector<16xi32>
      %mul3A_761 = arith.muli %get3A_758, %mul3A_760 : vector<16xi32>
      %broadcast_in_dim3A_762 = arith.constant 0.000000e+00 : f32
      %broadcast_in_dim3A_763 = vector.broadcast %broadcast_in_dim3A_762 : f32 to vector<16xf32>
      %broadcast_in_dim3A_764 = arith.constant 0 : i32
      %broadcast_in_dim3A_765 = vector.broadcast %broadcast_in_dim3A_764 : i32 to vector<16xi32>
      %add3A_766 = arith.addi %mul3A_755, %broadcast_in_dim3A_765 : vector<16xi32>
      %gather3A_767 = tpu.vector_load_idx %arg14[%add3A_766] : memref<30000xf32, #tpu.memory_space<vmem>>[vector<16xi32>], vector<16xf32>,
      %add3A_768 = arith.addi %mul3A_761, %broadcast_in_dim3A_765 : vector<16xi32>
      %gather3A_769 = tpu.vector_load_idx %arg14[%add3A_768] : memref<30000xf32, #tpu.memory_space<vmem>>[vector<16xi32>], vector<16xf32>,
      %sub3A_770 = arith.subf %gather3A_767, %gather3A_769 : vector<16xf32>
      %swap3A_771 = arith.constant 8 : i32
      %swap3A_772 = arith.index_cast %swap3A_771 : i32 to index
      %swap3A_773 = arith.constant 48 : index
      %swap3A_774 = tpu.vector_load %arg15[%swap3A_772, %swap3A_773] {strides = array<i32>} : memref<16x128xf32, #tpu.memory_space<vmem>>, vector<16xf32>,
      tpu.vector_store %arg15[%swap3A_772, %swap3A_773], %sub3A_770 {strides = array<i32>} : memref<16x128xf32, #tpu.memory_space<vmem>>, vector<16xf32>,
      %mul3A_775 = arith.mulf %sub3A_770, %sub3A_770 : vector<16xf32>
      %add3A_776 = arith.addf %broadcast_in_dim3A_763, %mul3A_775 : vector<16xf32>
      %broadcast_in_dim3A_777 = arith.constant 1 : i32
      %broadcast_in_dim3A_778 = vector.broadcast %broadcast_in_dim3A_777 : i32 to vector<16xi32>
      %add3A_779 = arith.addi %mul3A_755, %broadcast_in_dim3A_778 : vector<16xi32>
      %gather3A_780 = tpu.vector_load_idx %arg14[%add3A_779] : memref<30000xf32, #tpu.memory_space<vmem>>[vector<16xi32>], vector<16xf32>,
      %add3A_781 = arith.addi %mul3A_761, %broadcast_in_dim3A_778 : vector<16xi32>
      %gather3A_782 = tpu.vector_load_idx %arg14[%add3A_781] : memref<30000xf32, #tpu.memory_space<vmem>>[vector<16xi32>], vector<16xf32>,
      %sub3A_783 = arith.subf %gather3A_780, %gather3A_782 : vector<16xf32>
      %swap3A_784 = arith.constant 9 : i32
      %swap3A_785 = arith.index_cast %swap3A_784 : i32 to index
      %swap3A_786 = arith.constant 48 : index
      %swap3A_787 = tpu.vector_load %arg15[%swap3A_785, %swap3A_786] {strides = array<i32>} : memref<16x128xf32, #tpu.memory_space<vmem>>, vector<16xf32>,
      tpu.vector_store %arg15[%swap3A_785, %swap3A_786], %sub3A_783 {strides = array<i32>} : memref<16x128xf32, #tpu.memory_space<vmem>>, vector<16xf32>,
      %mul3A_788 = arith.mulf %sub3A_783, %sub3A_783 : vector<16xf32>
      %add3A_789 = arith.addf %add3A_776, %mul3A_788 : vector<16xf32>
      %broadcast_in_dim3A_790 = arith.constant 2 : i32
      %broadcast_in_dim3A_791 = vector.broadcast %broadcast_in_dim3A_790 : i32 to vector<16xi32>
      %add3A_792 = arith.addi %mul3A_755, %broadcast_in_dim3A_791 : vector<16xi32>
      %gather3A_793 = tpu.vector_load_idx %arg14[%add3A_792] : memref<30000xf32, #tpu.memory_space<vmem>>[vector<16xi32>], vector<16xf32>,
      %add3A_794 = arith.addi %mul3A_761, %broadcast_in_dim3A_791 : vector<16xi32>
      %gather3A_795 = tpu.vector_load_idx %arg14[%add3A_794] : memref<30000xf32, #tpu.memory_space<vmem>>[vector<16xi32>], vector<16xf32>,
      %sub3A_796 = arith.subf %gather3A_793, %gather3A_795 : vector<16xf32>
      %swap3A_797 = arith.constant 10 : i32
      %swap3A_798 = arith.index_cast %swap3A_797 : i32 to index
      %swap3A_799 = arith.constant 48 : index
      %swap3A_800 = tpu.vector_load %arg15[%swap3A_798, %swap3A_799] {strides = array<i32>} : memref<16x128xf32, #tpu.memory_space<vmem>>, vector<16xf32>,
      tpu.vector_store %arg15[%swap3A_798, %swap3A_799], %sub3A_796 {strides = array<i32>} : memref<16x128xf32, #tpu.memory_space<vmem>>, vector<16xf32>,
      %mul3A_801 = arith.mulf %sub3A_796, %sub3A_796 : vector<16xf32>
      %add3A_802 = arith.addf %add3A_789, %mul3A_801 : vector<16xf32>
      %swap3A_803 = arith.constant 11 : i32
      %swap3A_804 = arith.index_cast %swap3A_803 : i32 to index
      %swap3A_805 = arith.constant 48 : index
      %swap3A_806 = tpu.vector_load %arg15[%swap3A_804, %swap3A_805] {strides = array<i32>} : memref<16x128xf32, #tpu.memory_space<vmem>>, vector<16xf32>,
      tpu.vector_store %arg15[%swap3A_804, %swap3A_805], %add3A_802 {strides = array<i32>} : memref<16x128xf32, #tpu.memory_space<vmem>>, vector<16xf32>,
      %get3A_807 = arith.index_cast %rem3A_75 : i32 to index
      %get3A_808 = arith.constant 192 : index
      %get3A_809 = tpu.vector_load %arg11[%get3A_807, %get3A_808] {strides = array<i32>} : memref<2x512xi32, #tpu.memory_space<vmem>>, vector<16xi32>,
      %mul3A_810 = arith.constant 3 : i32
      %mul3A_811 = vector.broadcast %mul3A_810 : i32 to vector<16xi32>
      %mul3A_812 = arith.muli %get3A_809, %mul3A_811 : vector<16xi32>
      %get3A_813 = arith.index_cast %rem3A_75 : i32 to index
      %get3A_814 = arith.constant 448 : index
      %get3A_815 = tpu.vector_load %arg11[%get3A_813, %get3A_814] {strides = array<i32>} : memref<2x512xi32, #tpu.memory_space<vmem>>, vector<16xi32>,
      %mul3A_816 = arith.constant 3 : i32
      %mul3A_817 = vector.broadcast %mul3A_816 : i32 to vector<16xi32>
      %mul3A_818 = arith.muli %get3A_815, %mul3A_817 : vector<16xi32>
      %broadcast_in_dim3A_819 = arith.constant 0.000000e+00 : f32
      %broadcast_in_dim3A_820 = vector.broadcast %broadcast_in_dim3A_819 : f32 to vector<16xf32>
      %broadcast_in_dim3A_821 = arith.constant 0 : i32
      %broadcast_in_dim3A_822 = vector.broadcast %broadcast_in_dim3A_821 : i32 to vector<16xi32>
      %add3A_823 = arith.addi %mul3A_812, %broadcast_in_dim3A_822 : vector<16xi32>
      %gather3A_824 = tpu.vector_load_idx %arg14[%add3A_823] : memref<30000xf32, #tpu.memory_space<vmem>>[vector<16xi32>], vector<16xf32>,
      %add3A_825 = arith.addi %mul3A_818, %broadcast_in_dim3A_822 : vector<16xi32>
      %gather3A_826 = tpu.vector_load_idx %arg14[%add3A_825] : memref<30000xf32, #tpu.memory_space<vmem>>[vector<16xi32>], vector<16xf32>,
      %sub3A_827 = arith.subf %gather3A_824, %gather3A_826 : vector<16xf32>
      %swap3A_828 = arith.constant 8 : i32
      %swap3A_829 = arith.index_cast %swap3A_828 : i32 to index
      %swap3A_830 = arith.constant 64 : index
      %swap3A_831 = tpu.vector_load %arg15[%swap3A_829, %swap3A_830] {strides = array<i32>} : memref<16x128xf32, #tpu.memory_space<vmem>>, vector<16xf32>,
      tpu.vector_store %arg15[%swap3A_829, %swap3A_830], %sub3A_827 {strides = array<i32>} : memref<16x128xf32, #tpu.memory_space<vmem>>, vector<16xf32>,
      %mul3A_832 = arith.mulf %sub3A_827, %sub3A_827 : vector<16xf32>
      %add3A_833 = arith.addf %broadcast_in_dim3A_820, %mul3A_832 : vector<16xf32>
      %broadcast_in_dim3A_834 = arith.constant 1 : i32
      %broadcast_in_dim3A_835 = vector.broadcast %broadcast_in_dim3A_834 : i32 to vector<16xi32>
      %add3A_836 = arith.addi %mul3A_812, %broadcast_in_dim3A_835 : vector<16xi32>
      %gather3A_837 = tpu.vector_load_idx %arg14[%add3A_836] : memref<30000xf32, #tpu.memory_space<vmem>>[vector<16xi32>], vector<16xf32>,
      %add3A_838 = arith.addi %mul3A_818, %broadcast_in_dim3A_835 : vector<16xi32>
      %gather3A_839 = tpu.vector_load_idx %arg14[%add3A_838] : memref<30000xf32, #tpu.memory_space<vmem>>[vector<16xi32>], vector<16xf32>,
      %sub3A_840 = arith.subf %gather3A_837, %gather3A_839 : vector<16xf32>
      %swap3A_841 = arith.constant 9 : i32
      %swap3A_842 = arith.index_cast %swap3A_841 : i32 to index
      %swap3A_843 = arith.constant 64 : index
      %swap3A_844 = tpu.vector_load %arg15[%swap3A_842, %swap3A_843] {strides = array<i32>} : memref<16x128xf32, #tpu.memory_space<vmem>>, vector<16xf32>,
      tpu.vector_store %arg15[%swap3A_842, %swap3A_843], %sub3A_840 {strides = array<i32>} : memref<16x128xf32, #tpu.memory_space<vmem>>, vector<16xf32>,
      %mul3A_845 = arith.mulf %sub3A_840, %sub3A_840 : vector<16xf32>
      %add3A_846 = arith.addf %add3A_833, %mul3A_845 : vector<16xf32>
      %broadcast_in_dim3A_847 = arith.constant 2 : i32
      %broadcast_in_dim3A_848 = vector.broadcast %broadcast_in_dim3A_847 : i32 to vector<16xi32>
      %add3A_849 = arith.addi %mul3A_812, %broadcast_in_dim3A_848 : vector<16xi32>
      %gather3A_850 = tpu.vector_load_idx %arg14[%add3A_849] : memref<30000xf32, #tpu.memory_space<vmem>>[vector<16xi32>], vector<16xf32>,
      %add3A_851 = arith.addi %mul3A_818, %broadcast_in_dim3A_848 : vector<16xi32>
      %gather3A_852 = tpu.vector_load_idx %arg14[%add3A_851] : memref<30000xf32, #tpu.memory_space<vmem>>[vector<16xi32>], vector<16xf32>,
      %sub3A_853 = arith.subf %gather3A_850, %gather3A_852 : vector<16xf32>
      %swap3A_854 = arith.constant 10 : i32
      %swap3A_855 = arith.index_cast %swap3A_854 : i32 to index
      %swap3A_856 = arith.constant 64 : index
      %swap3A_857 = tpu.vector_load %arg15[%swap3A_855, %swap3A_856] {strides = array<i32>} : memref<16x128xf32, #tpu.memory_space<vmem>>, vector<16xf32>,
      tpu.vector_store %arg15[%swap3A_855, %swap3A_856], %sub3A_853 {strides = array<i32>} : memref<16x128xf32, #tpu.memory_space<vmem>>, vector<16xf32>,
      %mul3A_858 = arith.mulf %sub3A_853, %sub3A_853 : vector<16xf32>
      %add3A_859 = arith.addf %add3A_846, %mul3A_858 : vector<16xf32>
      %swap3A_860 = arith.constant 11 : i32
      %swap3A_861 = arith.index_cast %swap3A_860 : i32 to index
      %swap3A_862 = arith.constant 64 : index
      %swap3A_863 = tpu.vector_load %arg15[%swap3A_861, %swap3A_862] {strides = array<i32>} : memref<16x128xf32, #tpu.memory_space<vmem>>, vector<16xf32>,
      tpu.vector_store %arg15[%swap3A_861, %swap3A_862], %add3A_859 {strides = array<i32>} : memref<16x128xf32, #tpu.memory_space<vmem>>, vector<16xf32>,
      %get3A_864 = arith.index_cast %rem3A_75 : i32 to index
      %get3A_865 = arith.constant 208 : index
      %get3A_866 = tpu.vector_load %arg11[%get3A_864, %get3A_865] {strides = array<i32>} : memref<2x512xi32, #tpu.memory_space<vmem>>, vector<16xi32>,
      %mul3A_867 = arith.constant 3 : i32
      %mul3A_868 = vector.broadcast %mul3A_867 : i32 to vector<16xi32>
      %mul3A_869 = arith.muli %get3A_866, %mul3A_868 : vector<16xi32>
      %get3A_870 = arith.index_cast %rem3A_75 : i32 to index
      %get3A_871 = arith.constant 464 : index
      %get3A_872 = tpu.vector_load %arg11[%get3A_870, %get3A_871] {strides = array<i32>} : memref<2x512xi32, #tpu.memory_space<vmem>>, vector<16xi32>,
      %mul3A_873 = arith.constant 3 : i32
      %mul3A_874 = vector.broadcast %mul3A_873 : i32 to vector<16xi32>
      %mul3A_875 = arith.muli %get3A_872, %mul3A_874 : vector<16xi32>
      %broadcast_in_dim3A_876 = arith.constant 0.000000e+00 : f32
      %broadcast_in_dim3A_877 = vector.broadcast %broadcast_in_dim3A_876 : f32 to vector<16xf32>
      %broadcast_in_dim3A_878 = arith.constant 0 : i32
      %broadcast_in_dim3A_879 = vector.broadcast %broadcast_in_dim3A_878 : i32 to vector<16xi32>
      %add3A_880 = arith.addi %mul3A_869, %broadcast_in_dim3A_879 : vector<16xi32>
      %gather3A_881 = tpu.vector_load_idx %arg14[%add3A_880] : memref<30000xf32, #tpu.memory_space<vmem>>[vector<16xi32>], vector<16xf32>,
      %add3A_882 = arith.addi %mul3A_875, %broadcast_in_dim3A_879 : vector<16xi32>
      %gather3A_883 = tpu.vector_load_idx %arg14[%add3A_882] : memref<30000xf32, #tpu.memory_space<vmem>>[vector<16xi32>], vector<16xf32>,
      %sub3A_884 = arith.subf %gather3A_881, %gather3A_883 : vector<16xf32>
      %swap3A_885 = arith.constant 8 : i32
      %swap3A_886 = arith.index_cast %swap3A_885 : i32 to index
      %swap3A_887 = arith.constant 80 : index
      %swap3A_888 = tpu.vector_load %arg15[%swap3A_886, %swap3A_887] {strides = array<i32>} : memref<16x128xf32, #tpu.memory_space<vmem>>, vector<16xf32>,
      tpu.vector_store %arg15[%swap3A_886, %swap3A_887], %sub3A_884 {strides = array<i32>} : memref<16x128xf32, #tpu.memory_space<vmem>>, vector<16xf32>,
      %mul3A_889 = arith.mulf %sub3A_884, %sub3A_884 : vector<16xf32>
      %add3A_890 = arith.addf %broadcast_in_dim3A_877, %mul3A_889 : vector<16xf32>
      %broadcast_in_dim3A_891 = arith.constant 1 : i32
      %broadcast_in_dim3A_892 = vector.broadcast %broadcast_in_dim3A_891 : i32 to vector<16xi32>
      %add3A_893 = arith.addi %mul3A_869, %broadcast_in_dim3A_892 : vector<16xi32>
      %gather3A_894 = tpu.vector_load_idx %arg14[%add3A_893] : memref<30000xf32, #tpu.memory_space<vmem>>[vector<16xi32>], vector<16xf32>,
      %add3A_895 = arith.addi %mul3A_875, %broadcast_in_dim3A_892 : vector<16xi32>
      %gather3A_896 = tpu.vector_load_idx %arg14[%add3A_895] : memref<30000xf32, #tpu.memory_space<vmem>>[vector<16xi32>], vector<16xf32>,
      %sub3A_897 = arith.subf %gather3A_894, %gather3A_896 : vector<16xf32>
      %swap3A_898 = arith.constant 9 : i32
      %swap3A_899 = arith.index_cast %swap3A_898 : i32 to index
      %swap3A_900 = arith.constant 80 : index
      %swap3A_901 = tpu.vector_load %arg15[%swap3A_899, %swap3A_900] {strides = array<i32>} : memref<16x128xf32, #tpu.memory_space<vmem>>, vector<16xf32>,
      tpu.vector_store %arg15[%swap3A_899, %swap3A_900], %sub3A_897 {strides = array<i32>} : memref<16x128xf32, #tpu.memory_space<vmem>>, vector<16xf32>,
      %mul3A_902 = arith.mulf %sub3A_897, %sub3A_897 : vector<16xf32>
      %add3A_903 = arith.addf %add3A_890, %mul3A_902 : vector<16xf32>
      %broadcast_in_dim3A_904 = arith.constant 2 : i32
      %broadcast_in_dim3A_905 = vector.broadcast %broadcast_in_dim3A_904 : i32 to vector<16xi32>
      %add3A_906 = arith.addi %mul3A_869, %broadcast_in_dim3A_905 : vector<16xi32>
      %gather3A_907 = tpu.vector_load_idx %arg14[%add3A_906] : memref<30000xf32, #tpu.memory_space<vmem>>[vector<16xi32>], vector<16xf32>,
      %add3A_908 = arith.addi %mul3A_875, %broadcast_in_dim3A_905 : vector<16xi32>
      %gather3A_909 = tpu.vector_load_idx %arg14[%add3A_908] : memref<30000xf32, #tpu.memory_space<vmem>>[vector<16xi32>], vector<16xf32>,
      %sub3A_910 = arith.subf %gather3A_907, %gather3A_909 : vector<16xf32>
      %swap3A_911 = arith.constant 10 : i32
      %swap3A_912 = arith.index_cast %swap3A_911 : i32 to index
      %swap3A_913 = arith.constant 80 : index
      %swap3A_914 = tpu.vector_load %arg15[%swap3A_912, %swap3A_913] {strides = array<i32>} : memref<16x128xf32, #tpu.memory_space<vmem>>, vector<16xf32>,
      tpu.vector_store %arg15[%swap3A_912, %swap3A_913], %sub3A_910 {strides = array<i32>} : memref<16x128xf32, #tpu.memory_space<vmem>>, vector<16xf32>,
      %mul3A_915 = arith.mulf %sub3A_910, %sub3A_910 : vector<16xf32>
      %add3A_916 = arith.addf %add3A_903, %mul3A_915 : vector<16xf32>
      %swap3A_917 = arith.constant 11 : i32
      %swap3A_918 = arith.index_cast %swap3A_917 : i32 to index
      %swap3A_919 = arith.constant 80 : index
      %swap3A_920 = tpu.vector_load %arg15[%swap3A_918, %swap3A_919] {strides = array<i32>} : memref<16x128xf32, #tpu.memory_space<vmem>>, vector<16xf32>,
      tpu.vector_store %arg15[%swap3A_918, %swap3A_919], %add3A_916 {strides = array<i32>} : memref<16x128xf32, #tpu.memory_space<vmem>>, vector<16xf32>,
      %get3A_921 = arith.index_cast %rem3A_75 : i32 to index
      %get3A_922 = arith.constant 224 : index
      %get3A_923 = tpu.vector_load %arg11[%get3A_921, %get3A_922] {strides = array<i32>} : memref<2x512xi32, #tpu.memory_space<vmem>>, vector<16xi32>,
      %mul3A_924 = arith.constant 3 : i32
      %mul3A_925 = vector.broadcast %mul3A_924 : i32 to vector<16xi32>
      %mul3A_926 = arith.muli %get3A_923, %mul3A_925 : vector<16xi32>
      %get3A_927 = arith.index_cast %rem3A_75 : i32 to index
      %get3A_928 = arith.constant 480 : index
      %get3A_929 = tpu.vector_load %arg11[%get3A_927, %get3A_928] {strides = array<i32>} : memref<2x512xi32, #tpu.memory_space<vmem>>, vector<16xi32>,
      %mul3A_930 = arith.constant 3 : i32
      %mul3A_931 = vector.broadcast %mul3A_930 : i32 to vector<16xi32>
      %mul3A_932 = arith.muli %get3A_929, %mul3A_931 : vector<16xi32>
      %broadcast_in_dim3A_933 = arith.constant 0.000000e+00 : f32
      %broadcast_in_dim3A_934 = vector.broadcast %broadcast_in_dim3A_933 : f32 to vector<16xf32>
      %broadcast_in_dim3A_935 = arith.constant 0 : i32
      %broadcast_in_dim3A_936 = vector.broadcast %broadcast_in_dim3A_935 : i32 to vector<16xi32>
      %add3A_937 = arith.addi %mul3A_926, %broadcast_in_dim3A_936 : vector<16xi32>
      %gather3A_938 = tpu.vector_load_idx %arg14[%add3A_937] : memref<30000xf32, #tpu.memory_space<vmem>>[vector<16xi32>], vector<16xf32>,
      %add3A_939 = arith.addi %mul3A_932, %broadcast_in_dim3A_936 : vector<16xi32>
      %gather3A_940 = tpu.vector_load_idx %arg14[%add3A_939] : memref<30000xf32, #tpu.memory_space<vmem>>[vector<16xi32>], vector<16xf32>,
      %sub3A_941 = arith.subf %gather3A_938, %gather3A_940 : vector<16xf32>
      %swap3A_942 = arith.constant 8 : i32
      %swap3A_943 = arith.index_cast %swap3A_942 : i32 to index
      %swap3A_944 = arith.constant 96 : index
      %swap3A_945 = tpu.vector_load %arg15[%swap3A_943, %swap3A_944] {strides = array<i32>} : memref<16x128xf32, #tpu.memory_space<vmem>>, vector<16xf32>,
      tpu.vector_store %arg15[%swap3A_943, %swap3A_944], %sub3A_941 {strides = array<i32>} : memref<16x128xf32, #tpu.memory_space<vmem>>, vector<16xf32>,
      %mul3A_946 = arith.mulf %sub3A_941, %sub3A_941 : vector<16xf32>
      %add3A_947 = arith.addf %broadcast_in_dim3A_934, %mul3A_946 : vector<16xf32>
      %broadcast_in_dim3A_948 = arith.constant 1 : i32
      %broadcast_in_dim3A_949 = vector.broadcast %broadcast_in_dim3A_948 : i32 to vector<16xi32>
      %add3A_950 = arith.addi %mul3A_926, %broadcast_in_dim3A_949 : vector<16xi32>
      %gather3A_951 = tpu.vector_load_idx %arg14[%add3A_950] : memref<30000xf32, #tpu.memory_space<vmem>>[vector<16xi32>], vector<16xf32>,
      %add3A_952 = arith.addi %mul3A_932, %broadcast_in_dim3A_949 : vector<16xi32>
      %gather3A_953 = tpu.vector_load_idx %arg14[%add3A_952] : memref<30000xf32, #tpu.memory_space<vmem>>[vector<16xi32>], vector<16xf32>,
      %sub3A_954 = arith.subf %gather3A_951, %gather3A_953 : vector<16xf32>
      %swap3A_955 = arith.constant 9 : i32
      %swap3A_956 = arith.index_cast %swap3A_955 : i32 to index
      %swap3A_957 = arith.constant 96 : index
      %swap3A_958 = tpu.vector_load %arg15[%swap3A_956, %swap3A_957] {strides = array<i32>} : memref<16x128xf32, #tpu.memory_space<vmem>>, vector<16xf32>,
      tpu.vector_store %arg15[%swap3A_956, %swap3A_957], %sub3A_954 {strides = array<i32>} : memref<16x128xf32, #tpu.memory_space<vmem>>, vector<16xf32>,
      %mul3A_959 = arith.mulf %sub3A_954, %sub3A_954 : vector<16xf32>
      %add3A_960 = arith.addf %add3A_947, %mul3A_959 : vector<16xf32>
      %broadcast_in_dim3A_961 = arith.constant 2 : i32
      %broadcast_in_dim3A_962 = vector.broadcast %broadcast_in_dim3A_961 : i32 to vector<16xi32>
      %add3A_963 = arith.addi %mul3A_926, %broadcast_in_dim3A_962 : vector<16xi32>
      %gather3A_964 = tpu.vector_load_idx %arg14[%add3A_963] : memref<30000xf32, #tpu.memory_space<vmem>>[vector<16xi32>], vector<16xf32>,
      %add3A_965 = arith.addi %mul3A_932, %broadcast_in_dim3A_962 : vector<16xi32>
      %gather3A_966 = tpu.vector_load_idx %arg14[%add3A_965] : memref<30000xf32, #tpu.memory_space<vmem>>[vector<16xi32>], vector<16xf32>,
      %sub3A_967 = arith.subf %gather3A_964, %gather3A_966 : vector<16xf32>
      %swap3A_968 = arith.constant 10 : i32
      %swap3A_969 = arith.index_cast %swap3A_968 : i32 to index
      %swap3A_970 = arith.constant 96 : index
      %swap3A_971 = tpu.vector_load %arg15[%swap3A_969, %swap3A_970] {strides = array<i32>} : memref<16x128xf32, #tpu.memory_space<vmem>>, vector<16xf32>,
      tpu.vector_store %arg15[%swap3A_969, %swap3A_970], %sub3A_967 {strides = array<i32>} : memref<16x128xf32, #tpu.memory_space<vmem>>, vector<16xf32>,
      %mul3A_972 = arith.mulf %sub3A_967, %sub3A_967 : vector<16xf32>
      %add3A_973 = arith.addf %add3A_960, %mul3A_972 : vector<16xf32>
      %swap3A_974 = arith.constant 11 : i32
      %swap3A_975 = arith.index_cast %swap3A_974 : i32 to index
      %swap3A_976 = arith.constant 96 : index
      %swap3A_977 = tpu.vector_load %arg15[%swap3A_975, %swap3A_976] {strides = array<i32>} : memref<16x128xf32, #tpu.memory_space<vmem>>, vector<16xf32>,
      tpu.vector_store %arg15[%swap3A_975, %swap3A_976], %add3A_973 {strides = array<i32>} : memref<16x128xf32, #tpu.memory_space<vmem>>, vector<16xf32>,
      %get3A_978 = arith.index_cast %rem3A_75 : i32 to index
      %get3A_979 = arith.constant 240 : index
      %get3A_980 = tpu.vector_load %arg11[%get3A_978, %get3A_979] {strides = array<i32>} : memref<2x512xi32, #tpu.memory_space<vmem>>, vector<16xi32>,
      %mul3A_981 = arith.constant 3 : i32
      %mul3A_982 = vector.broadcast %mul3A_981 : i32 to vector<16xi32>
      %mul3A_983 = arith.muli %get3A_980, %mul3A_982 : vector<16xi32>
      %get3A_984 = arith.index_cast %rem3A_75 : i32 to index
      %get3A_985 = arith.constant 496 : index
      %get3A_986 = tpu.vector_load %arg11[%get3A_984, %get3A_985] {strides = array<i32>} : memref<2x512xi32, #tpu.memory_space<vmem>>, vector<16xi32>,
      %mul3A_987 = arith.constant 3 : i32
      %mul3A_988 = vector.broadcast %mul3A_987 : i32 to vector<16xi32>
      %mul3A_989 = arith.muli %get3A_986, %mul3A_988 : vector<16xi32>
      %broadcast_in_dim3A_990 = arith.constant 0.000000e+00 : f32
      %broadcast_in_dim3A_991 = vector.broadcast %broadcast_in_dim3A_990 : f32 to vector<16xf32>
      %broadcast_in_dim3A_992 = arith.constant 0 : i32
      %broadcast_in_dim3A_993 = vector.broadcast %broadcast_in_dim3A_992 : i32 to vector<16xi32>
      %add3A_994 = arith.addi %mul3A_983, %broadcast_in_dim3A_993 : vector<16xi32>
      %gather3A_995 = tpu.vector_load_idx %arg14[%add3A_994] : memref<30000xf32, #tpu.memory_space<vmem>>[vector<16xi32>], vector<16xf32>,
      %add3A_996 = arith.addi %mul3A_989, %broadcast_in_dim3A_993 : vector<16xi32>
      %gather3A_997 = tpu.vector_load_idx %arg14[%add3A_996] : memref<30000xf32, #tpu.memory_space<vmem>>[vector<16xi32>], vector<16xf32>,
      %sub3A_998 = arith.subf %gather3A_995, %gather3A_997 : vector<16xf32>
      %swap3A_999 = arith.constant 8 : i32
      %swap3A_1000 = arith.index_cast %swap3A_999 : i32 to index
      %swap3A_1001 = arith.constant 112 : index
      %swap3A_1002 = tpu.vector_load %arg15[%swap3A_1000, %swap3A_1001] {strides = array<i32>} : memref<16x128xf32, #tpu.memory_space<vmem>>, vector<16xf32>,
      tpu.vector_store %arg15[%swap3A_1000, %swap3A_1001], %sub3A_998 {strides = array<i32>} : memref<16x128xf32, #tpu.memory_space<vmem>>, vector<16xf32>,
      %mul3A_1003 = arith.mulf %sub3A_998, %sub3A_998 : vector<16xf32>
      %add3A_1004 = arith.addf %broadcast_in_dim3A_991, %mul3A_1003 : vector<16xf32>
      %broadcast_in_dim3A_1005 = arith.constant 1 : i32
      %broadcast_in_dim3A_1006 = vector.broadcast %broadcast_in_dim3A_1005 : i32 to vector<16xi32>
      %add3A_1007 = arith.addi %mul3A_983, %broadcast_in_dim3A_1006 : vector<16xi32>
      %gather3A_1008 = tpu.vector_load_idx %arg14[%add3A_1007] : memref<30000xf32, #tpu.memory_space<vmem>>[vector<16xi32>], vector<16xf32>,
      %add3A_1009 = arith.addi %mul3A_989, %broadcast_in_dim3A_1006 : vector<16xi32>
      %gather3A_1010 = tpu.vector_load_idx %arg14[%add3A_1009] : memref<30000xf32, #tpu.memory_space<vmem>>[vector<16xi32>], vector<16xf32>,
      %sub3A_1011 = arith.subf %gather3A_1008, %gather3A_1010 : vector<16xf32>
      %swap3A_1012 = arith.constant 9 : i32
      %swap3A_1013 = arith.index_cast %swap3A_1012 : i32 to index
      %swap3A_1014 = arith.constant 112 : index
      %swap3A_1015 = tpu.vector_load %arg15[%swap3A_1013, %swap3A_1014] {strides = array<i32>} : memref<16x128xf32, #tpu.memory_space<vmem>>, vector<16xf32>,
      tpu.vector_store %arg15[%swap3A_1013, %swap3A_1014], %sub3A_1011 {strides = array<i32>} : memref<16x128xf32, #tpu.memory_space<vmem>>, vector<16xf32>,
      %mul3A_1016 = arith.mulf %sub3A_1011, %sub3A_1011 : vector<16xf32>
      %add3A_1017 = arith.addf %add3A_1004, %mul3A_1016 : vector<16xf32>
      %broadcast_in_dim3A_1018 = arith.constant 2 : i32
      %broadcast_in_dim3A_1019 = vector.broadcast %broadcast_in_dim3A_1018 : i32 to vector<16xi32>
      %add3A_1020 = arith.addi %mul3A_983, %broadcast_in_dim3A_1019 : vector<16xi32>
      %gather3A_1021 = tpu.vector_load_idx %arg14[%add3A_1020] : memref<30000xf32, #tpu.memory_space<vmem>>[vector<16xi32>], vector<16xf32>,
      %add3A_1022 = arith.addi %mul3A_989, %broadcast_in_dim3A_1019 : vector<16xi32>
      %gather3A_1023 = tpu.vector_load_idx %arg14[%add3A_1022] : memref<30000xf32, #tpu.memory_space<vmem>>[vector<16xi32>], vector<16xf32>,
      %sub3A_1024 = arith.subf %gather3A_1021, %gather3A_1023 : vector<16xf32>
      %swap3A_1025 = arith.constant 10 : i32
      %swap3A_1026 = arith.index_cast %swap3A_1025 : i32 to index
      %swap3A_1027 = arith.constant 112 : index
      %swap3A_1028 = tpu.vector_load %arg15[%swap3A_1026, %swap3A_1027] {strides = array<i32>} : memref<16x128xf32, #tpu.memory_space<vmem>>, vector<16xf32>,
      tpu.vector_store %arg15[%swap3A_1026, %swap3A_1027], %sub3A_1024 {strides = array<i32>} : memref<16x128xf32, #tpu.memory_space<vmem>>, vector<16xf32>,
      %mul3A_1029 = arith.mulf %sub3A_1024, %sub3A_1024 : vector<16xf32>
      %add3A_1030 = arith.addf %add3A_1017, %mul3A_1029 : vector<16xf32>
      %swap3A_1031 = arith.constant 11 : i32
      %swap3A_1032 = arith.index_cast %swap3A_1031 : i32 to index
      %swap3A_1033 = arith.constant 112 : index
      %swap3A_1034 = tpu.vector_load %arg15[%swap3A_1032, %swap3A_1033] {strides = array<i32>} : memref<16x128xf32, #tpu.memory_space<vmem>>, vector<16xf32>,
      tpu.vector_store %arg15[%swap3A_1032, %swap3A_1033], %add3A_1030 {strides = array<i32>} : memref<16x128xf32, #tpu.memory_space<vmem>>, vector<16xf32>,
      %mul3A_1035 = arith.constant 16 : i32
      %mul3A_1036 = arith.muli %add3A_50, %mul3A_1035 : i32
      "tpu.region"() ({
        %run_scoped3A = tpu.sem_alloc : memref<!tpu.dma_semaphore, #tpu.memory_space<semaphore_mem>>
        %dma_start3A_1073 = arith.constant 0 : i32
        %dma_start3A_1074 = tpu.memref_slice %arg10[%mul3A_1036, %dma_start3A_1073] : memref<5000x128xf32, #tpu.memory_space<hbm>> -> memref<16x128xf32, #tpu.memory_space<hbm>>
        %dma_start3A_1075 = arith.constant 0 : i32
        %dma_start3A_1076 = tpu.memref_slice %arg10[%mul3A_1036, %dma_start3A_1075] : memref<5000x128xf32, #tpu.memory_space<hbm>> -> memref<16x128xf32, #tpu.memory_space<hbm>>
        tpu.enqueue_dma source(%arg15 : memref<16x128xf32, #tpu.memory_space<vmem>>) target(%dma_start3A_1076 : memref<16x128xf32, #tpu.memory_space<hbm>>) target_semaphore(%run_scoped3A : memref<!tpu.dma_semaphore, #tpu.memory_space<semaphore_mem>>)
        %dma_wait3A_1077 = arith.constant 0 : i32
        %dma_wait3A_1078 = tpu.memref_slice %arg10[%mul3A_1036, %dma_wait3A_1077] : memref<5000x128xf32, #tpu.memory_space<hbm>> -> memref<16x128xf32, #tpu.memory_space<hbm>>
        %dma_wait3A_1079 = arith.constant 0 : i32
        %dma_wait3A_1080 = tpu.memref_slice %arg10[%mul3A_1036, %dma_wait3A_1079] : memref<5000x128xf32, #tpu.memory_space<hbm>> -> memref<16x128xf32, #tpu.memory_space<hbm>>
        tpu.wait_dma2 semaphore(%run_scoped3A : memref<!tpu.dma_semaphore, #tpu.memory_space<semaphore_mem>>) src(%arg15 : memref<16x128xf32, #tpu.memory_space<vmem>>) dst(%dma_wait3A_1080 : memref<16x128xf32, #tpu.memory_space<hbm>>)
        tpu.yield
      }) : () -> ()
      %dma_wait3A_1037 = arith.constant 0 : i32
      %dma_wait3A_1038 = arith.constant 0 : i32
      %dma_wait3A_1039 = tpu.memref_slice %arg12[%dma_wait3A_1037, %dma_wait3A_1038] : memref<256x128xf32, #tpu.memory_space<vmem>> -> memref<128x128xf32, #tpu.memory_space<vmem>>
      %dma_wait3A_1040 = arith.constant 0 : i32
      %dma_wait3A_1041 = tpu.memref_slice %arg11[%rem3A_75, %dma_wait3A_1040] : memref<2x512xi32, #tpu.memory_space<vmem>> -> memref<1x128xi32, #tpu.memory_space<vmem>>
      %dma_wait3A_1042 = tpu.memref_squeeze %dma_wait3A_1041 : memref<1x128xi32, #tpu.memory_space<vmem>> -> memref<128xi32, #tpu.memory_space<vmem>>
      %dma_wait3A_1043 = arith.constant 0 : i32
      %dma_wait3A_1044 = arith.constant 0 : i32
      %dma_wait3A_1045 = tpu.memref_slice %arg2[%dma_wait3A_1043, %dma_wait3A_1044] : memref<10000x128xf32, #tpu.memory_space<hbm>> -> memref<10000x128xf32, #tpu.memory_space<hbm>>
      tpu.wait_indirect_dma semaphore(%arg16 : memref<!tpu.dma_semaphore, #tpu.memory_space<semaphore_mem>>) src(%dma_wait3A_1045 : memref<10000x128xf32, #tpu.memory_space<hbm>>) dst(%dma_wait3A_1039 : memref<128x128xf32, #tpu.memory_space<vmem>>)
      %dma_wait3A_1046 = arith.constant 128 : i32
      %dma_wait3A_1047 = arith.constant 0 : i32
      %dma_wait3A_1048 = tpu.memref_slice %arg12[%dma_wait3A_1046, %dma_wait3A_1047] : memref<256x128xf32, #tpu.memory_space<vmem>> -> memref<128x128xf32, #tpu.memory_space<vmem>>
      %dma_wait3A_1049 = arith.constant 128 : i32
      %dma_wait3A_1050 = tpu.memref_slice %arg11[%rem3A_75, %dma_wait3A_1049] : memref<2x512xi32, #tpu.memory_space<vmem>> -> memref<1x128xi32, #tpu.memory_space<vmem>>
      %dma_wait3A_1051 = tpu.memref_squeeze %dma_wait3A_1050 : memref<1x128xi32, #tpu.memory_space<vmem>> -> memref<128xi32, #tpu.memory_space<vmem>>
      %dma_wait3A_1052 = arith.constant 0 : i32
      %dma_wait3A_1053 = arith.constant 0 : i32
      %dma_wait3A_1054 = tpu.memref_slice %arg2[%dma_wait3A_1052, %dma_wait3A_1053] : memref<10000x128xf32, #tpu.memory_space<hbm>> -> memref<10000x128xf32, #tpu.memory_space<hbm>>
      tpu.wait_indirect_dma semaphore(%arg16 : memref<!tpu.dma_semaphore, #tpu.memory_space<semaphore_mem>>) src(%dma_wait3A_1054 : memref<10000x128xf32, #tpu.memory_space<hbm>>) dst(%dma_wait3A_1048 : memref<128x128xf32, #tpu.memory_space<vmem>>)
      %dma_wait3A_1055 = arith.constant 0 : i32
      %dma_wait3A_1056 = arith.constant 0 : i32
      %dma_wait3A_1057 = tpu.memref_slice %arg13[%dma_wait3A_1055, %dma_wait3A_1056] : memref<256x128xf32, #tpu.memory_space<vmem>> -> memref<128x128xf32, #tpu.memory_space<vmem>>
      %dma_wait3A_1058 = arith.constant 256 : i32
      %dma_wait3A_1059 = tpu.memref_slice %arg11[%rem3A_75, %dma_wait3A_1058] : memref<2x512xi32, #tpu.memory_space<vmem>> -> memref<1x128xi32, #tpu.memory_space<vmem>>
      %dma_wait3A_1060 = tpu.memref_squeeze %dma_wait3A_1059 : memref<1x128xi32, #tpu.memory_space<vmem>> -> memref<128xi32, #tpu.memory_space<vmem>>
      %dma_wait3A_1061 = arith.constant 0 : i32
      %dma_wait3A_1062 = arith.constant 0 : i32
      %dma_wait3A_1063 = tpu.memref_slice %arg3[%dma_wait3A_1061, %dma_wait3A_1062] : memref<10000x128xf32, #tpu.memory_space<hbm>> -> memref<10000x128xf32, #tpu.memory_space<hbm>>
      tpu.wait_indirect_dma semaphore(%arg17 : memref<!tpu.dma_semaphore, #tpu.memory_space<semaphore_mem>>) src(%dma_wait3A_1063 : memref<10000x128xf32, #tpu.memory_space<hbm>>) dst(%dma_wait3A_1057 : memref<128x128xf32, #tpu.memory_space<vmem>>)
      %dma_wait3A_1064 = arith.constant 128 : i32
      %dma_wait3A_1065 = arith.constant 0 : i32
      %dma_wait3A_1066 = tpu.memref_slice %arg13[%dma_wait3A_1064, %dma_wait3A_1065] : memref<256x128xf32, #tpu.memory_space<vmem>> -> memref<128x128xf32, #tpu.memory_space<vmem>>
      %dma_wait3A_1067 = arith.constant 384 : i32
      %dma_wait3A_1068 = tpu.memref_slice %arg11[%rem3A_75, %dma_wait3A_1067] : memref<2x512xi32, #tpu.memory_space<vmem>> -> memref<1x128xi32, #tpu.memory_space<vmem>>
      %dma_wait3A_1069 = tpu.memref_squeeze %dma_wait3A_1068 : memref<1x128xi32, #tpu.memory_space<vmem>> -> memref<128xi32, #tpu.memory_space<vmem>>
      %dma_wait3A_1070 = arith.constant 0 : i32
      %dma_wait3A_1071 = arith.constant 0 : i32
      %dma_wait3A_1072 = tpu.memref_slice %arg3[%dma_wait3A_1070, %dma_wait3A_1071] : memref<10000x128xf32, #tpu.memory_space<hbm>> -> memref<10000x128xf32, #tpu.memory_space<hbm>>
      tpu.wait_indirect_dma semaphore(%arg17 : memref<!tpu.dma_semaphore, #tpu.memory_space<semaphore_mem>>) src(%dma_wait3A_1072 : memref<10000x128xf32, #tpu.memory_space<hbm>>) dst(%dma_wait3A_1066 : memref<128x128xf32, #tpu.memory_space<vmem>>)
      "tpu.region"() ({
        %run_scoped3A = tpu.sem_alloc : memref<!tpu.dma_semaphore, #tpu.memory_space<semaphore_mem>>
        %dma_start3A_1073 = arith.constant 0 : i32
        %dma_start3A_1074 = tpu.memref_slice %arg8[%mul3A_54, %dma_start3A_1073] : memref<80000x128xf32, #tpu.memory_space<hbm>> -> memref<256x128xf32, #tpu.memory_space<hbm>>
        %dma_start3A_1075 = arith.constant 0 : i32
        %dma_start3A_1076 = tpu.memref_slice %arg8[%mul3A_54, %dma_start3A_1075] : memref<80000x128xf32, #tpu.memory_space<hbm>> -> memref<256x128xf32, #tpu.memory_space<hbm>>
        tpu.enqueue_dma source(%arg12 : memref<256x128xf32, #tpu.memory_space<vmem>>) target(%dma_start3A_1076 : memref<256x128xf32, #tpu.memory_space<hbm>>) target_semaphore(%run_scoped3A : memref<!tpu.dma_semaphore, #tpu.memory_space<semaphore_mem>>)
        %dma_wait3A_1077 = arith.constant 0 : i32
        %dma_wait3A_1078 = tpu.memref_slice %arg8[%mul3A_54, %dma_wait3A_1077] : memref<80000x128xf32, #tpu.memory_space<hbm>> -> memref<256x128xf32, #tpu.memory_space<hbm>>
        %dma_wait3A_1079 = arith.constant 0 : i32
        %dma_wait3A_1080 = tpu.memref_slice %arg8[%mul3A_54, %dma_wait3A_1079] : memref<80000x128xf32, #tpu.memory_space<hbm>> -> memref<256x128xf32, #tpu.memory_space<hbm>>
        tpu.wait_dma2 semaphore(%run_scoped3A : memref<!tpu.dma_semaphore, #tpu.memory_space<semaphore_mem>>) src(%arg12 : memref<256x128xf32, #tpu.memory_space<vmem>>) dst(%dma_wait3A_1080 : memref<256x128xf32, #tpu.memory_space<hbm>>)
        tpu.yield
      }) : () -> ()
      "tpu.region"() ({
        %run_scoped3A = tpu.sem_alloc : memref<!tpu.dma_semaphore, #tpu.memory_space<semaphore_mem>>
        %dma_start3A_1073 = arith.constant 0 : i32
        %dma_start3A_1074 = tpu.memref_slice %arg9[%mul3A_54, %dma_start3A_1073] : memref<80000x128xf32, #tpu.memory_space<hbm>> -> memref<256x128xf32, #tpu.memory_space<hbm>>
        %dma_start3A_1075 = arith.constant 0 : i32
        %dma_start3A_1076 = tpu.memref_slice %arg9[%mul3A_54, %dma_start3A_1075] : memref<80000x128xf32, #tpu.memory_space<hbm>> -> memref<256x128xf32, #tpu.memory_space<hbm>>
        tpu.enqueue_dma source(%arg13 : memref<256x128xf32, #tpu.memory_space<vmem>>) target(%dma_start3A_1076 : memref<256x128xf32, #tpu.memory_space<hbm>>) target_semaphore(%run_scoped3A : memref<!tpu.dma_semaphore, #tpu.memory_space<semaphore_mem>>)
        %dma_wait3A_1077 = arith.constant 0 : i32
        %dma_wait3A_1078 = tpu.memref_slice %arg9[%mul3A_54, %dma_wait3A_1077] : memref<80000x128xf32, #tpu.memory_space<hbm>> -> memref<256x128xf32, #tpu.memory_space<hbm>>
        %dma_wait3A_1079 = arith.constant 0 : i32
        %dma_wait3A_1080 = tpu.memref_slice %arg9[%mul3A_54, %dma_wait3A_1079] : memref<80000x128xf32, #tpu.memory_space<hbm>> -> memref<256x128xf32, #tpu.memory_space<hbm>>
        tpu.wait_dma2 semaphore(%run_scoped3A : memref<!tpu.dma_semaphore, #tpu.memory_space<semaphore_mem>>) src(%arg13 : memref<256x128xf32, #tpu.memory_space<vmem>>) dst(%dma_wait3A_1080 : memref<256x128xf32, #tpu.memory_space<hbm>>)
        tpu.yield
      }) : () -> ()
    }
    %while3A_27 = arith.constant 1 : i32
    scf.for %while3A_48 = %while3A_25 to %while3A_21 step %while3A_27  : i32 {
      %mul3A_49 = arith.muli %while3A_48, %while3A : i32
      %add3A_50 = arith.addi %add3A, %mul3A_49 : i32
      %mul3A_51 = arith.constant 2 : i32
      %mul3A_52 = arith.muli %add3A_50, %mul3A_51 : i32
      %mul3A_53 = arith.constant 128 : i32
      %mul3A_54 = arith.muli %mul3A_52, %mul3A_53 : i32
      %sub3A_55 = arith.subi %add3A_50, %add3A : i32
      %jit3A = arith.constant 32 : i32
      %div3A_56 = arith.divsi %sub3A_55, %jit3A : i32
      %sign3A = arith.constant 0 : i32
      %sign3A_57 = arith.cmpi sgt, %sub3A_55, %sign3A : i32
      %sign3A_58 = arith.extui %sign3A_57 : i1 to i32
      %sign3A_59 = arith.constant 0 : i32
      %sign3A_60 = arith.cmpi slt, %sub3A_55, %sign3A_59 : i32
      %sign3A_61 = arith.extui %sign3A_60 : i1 to i32
      %sign3A_62 = arith.subi %sign3A_58, %sign3A_61 : i32
      %sign3A_63 = arith.constant 0 : i32
      %sign3A_64 = arith.cmpi sgt, %jit3A, %sign3A_63 : i32
      %sign3A_65 = arith.extui %sign3A_64 : i1 to i32
      %sign3A_66 = arith.constant 0 : i32
      %sign3A_67 = arith.cmpi slt, %jit3A, %sign3A_66 : i32
      %sign3A_68 = arith.extui %sign3A_67 : i1 to i32
      %sign3A_69 = arith.subi %sign3A_65, %sign3A_68 : i32
      %ne3A = arith.cmpi ne, %sign3A_62, %sign3A_69 : i32
      %rem3A = arith.remsi %sub3A_55, %jit3A : i32
      %ne3A_70 = arith.constant 0 : i32
      %ne3A_71 = arith.cmpi ne, %rem3A, %ne3A_70 : i32
      %and3A = arith.andi %ne3A, %ne3A_71 : i1
      %sub3A_72 = arith.constant 1 : i32
      %sub3A_73 = arith.subi %div3A_56, %sub3A_72 : i32
      %select_n3A = arith.select %and3A, %sub3A_73, %div3A_56 : i32
      %rem3A_74 = arith.constant 2 : i32
      %rem3A_75 = arith.remsi %select_n3A, %rem3A_74 : i32
      %dma_wait3A = arith.constant 0 : i32
      %dma_wait3A_76 = tpu.memref_slice %arg11[%rem3A_75, %dma_wait3A] : memref<2x512xi32, #tpu.memory_space<vmem>> -> memref<1x512xi32, #tpu.memory_space<vmem>>
      %dma_wait3A_77 = tpu.memref_squeeze %dma_wait3A_76 : memref<1x512xi32, #tpu.memory_space<vmem>> -> memref<512xi32, #tpu.memory_space<vmem>>
      %dma_wait3A_78 = arith.constant 0 : i32
      %dma_wait3A_79 = tpu.memref_slice %arg5[%add3A_50, %dma_wait3A_78] : memref<312x512xi32, #tpu.memory_space<hbm>> -> memref<1x512xi32, #tpu.memory_space<hbm>>
      %dma_wait3A_80 = tpu.memref_squeeze %dma_wait3A_79 : memref<1x512xi32, #tpu.memory_space<hbm>> -> memref<512xi32, #tpu.memory_space<hbm>>
      %dma_wait3A_81 = arith.constant 0 : i32
      %dma_wait3A_82 = tpu.memref_slice %arg11[%rem3A_75, %dma_wait3A_81] : memref<2x512xi32, #tpu.memory_space<vmem>> -> memref<1x512xi32, #tpu.memory_space<vmem>>
      %dma_wait3A_83 = tpu.memref_squeeze %dma_wait3A_82 : memref<1x512xi32, #tpu.memory_space<vmem>> -> memref<512xi32, #tpu.memory_space<vmem>>
      %dma_wait3A_84 = arith.constant 0 : i32
      %dma_wait3A_85 = tpu.memref_slice %arg5[%add3A_50, %dma_wait3A_84] : memref<312x512xi32, #tpu.memory_space<hbm>> -> memref<1x512xi32, #tpu.memory_space<hbm>>
      %dma_wait3A_86 = tpu.memref_squeeze %dma_wait3A_85 : memref<1x512xi32, #tpu.memory_space<hbm>> -> memref<512xi32, #tpu.memory_space<hbm>>
      tpu.wait_dma2 semaphore(%arg19 : memref<!tpu.dma_semaphore, #tpu.memory_space<semaphore_mem>>) src(%dma_wait3A_86 : memref<512xi32, #tpu.memory_space<hbm>>) dst(%dma_wait3A_83 : memref<512xi32, #tpu.memory_space<vmem>>)
      %add3A_87 = arith.constant 32 : i32
      %add3A_88 = arith.addi %add3A_50, %add3A_87 : i32
      %lt3A = arith.constant 312 : i32
      %lt3A_89 = arith.cmpi slt, %add3A_88, %lt3A : i32
      %convert_element_type3A = arith.extui %lt3A_89 : i1 to i32
      %cond3A = arith.constant 0 : i32
      %cond3A_90 = arith.cmpi ne, %convert_element_type3A, %cond3A : i32
      scf.if %cond3A_90 {
        %add3A_1073 = arith.constant 32 : i32
        %add3A_1074 = arith.addi %add3A_50, %add3A_1073 : i32
        %sub3A_1075 = arith.constant 1 : i32
        %sub3A_1076 = arith.subi %sub3A_1075, %rem3A_75 : i32
        %dma_start3A_1077 = arith.constant 0 : i32
        %dma_start3A_1078 = tpu.memref_slice %arg11[%sub3A_1076, %dma_start3A_1077] : memref<2x512xi32, #tpu.memory_space<vmem>> -> memref<1x512xi32, #tpu.memory_space<vmem>>
        %dma_start3A_1079 = tpu.memref_squeeze %dma_start3A_1078 : memref<1x512xi32, #tpu.memory_space<vmem>> -> memref<512xi32, #tpu.memory_space<vmem>>
        %dma_start3A_1080 = arith.constant 0 : i32
        %dma_start3A_1081 = tpu.memref_slice %arg5[%add3A_1074, %dma_start3A_1080] : memref<312x512xi32, #tpu.memory_space<hbm>> -> memref<1x512xi32, #tpu.memory_space<hbm>>
        %dma_start3A_1082 = tpu.memref_squeeze %dma_start3A_1081 : memref<1x512xi32, #tpu.memory_space<hbm>> -> memref<512xi32, #tpu.memory_space<hbm>>
        %dma_start3A_1083 = arith.constant 0 : i32
        %dma_start3A_1084 = tpu.memref_slice %arg11[%sub3A_1076, %dma_start3A_1083] : memref<2x512xi32, #tpu.memory_space<vmem>> -> memref<1x512xi32, #tpu.memory_space<vmem>>
        %dma_start3A_1085 = tpu.memref_squeeze %dma_start3A_1084 : memref<1x512xi32, #tpu.memory_space<vmem>> -> memref<512xi32, #tpu.memory_space<vmem>>
        %dma_start3A_1086 = arith.constant 0 : i32
        %dma_start3A_1087 = tpu.memref_slice %arg5[%add3A_1074, %dma_start3A_1086] : memref<312x512xi32, #tpu.memory_space<hbm>> -> memref<1x512xi32, #tpu.memory_space<hbm>>
        %dma_start3A_1088 = tpu.memref_squeeze %dma_start3A_1087 : memref<1x512xi32, #tpu.memory_space<hbm>> -> memref<512xi32, #tpu.memory_space<hbm>>
        tpu.enqueue_dma source(%dma_start3A_1088 : memref<512xi32, #tpu.memory_space<hbm>>) target(%dma_start3A_1085 : memref<512xi32, #tpu.memory_space<vmem>>) target_semaphore(%arg19 : memref<!tpu.dma_semaphore, #tpu.memory_space<semaphore_mem>>)
      } else {
      }
      %dma_start3A_91 = arith.constant 0 : i32
      %dma_start3A_92 = arith.constant 0 : i32
      %dma_start3A_93 = tpu.memref_slice %arg12[%dma_start3A_91, %dma_start3A_92] : memref<256x128xf32, #tpu.memory_space<vmem>> -> memref<128x128xf32, #tpu.memory_space<vmem>>
      %dma_start3A_94 = arith.constant 0 : i32
      %dma_start3A_95 = tpu.memref_slice %arg11[%rem3A_75, %dma_start3A_94] : memref<2x512xi32, #tpu.memory_space<vmem>> -> memref<1x128xi32, #tpu.memory_space<vmem>>
      %dma_start3A_96 = tpu.memref_squeeze %dma_start3A_95 : memref<1x128xi32, #tpu.memory_space<vmem>> -> memref<128xi32, #tpu.memory_space<vmem>>
      %dma_start3A_97 = arith.constant 0 : i32
      %dma_start3A_98 = arith.constant 0 : i32
      %dma_start3A_99 = tpu.memref_slice %arg2[%dma_start3A_97, %dma_start3A_98] : memref<10000x128xf32, #tpu.memory_space<hbm>> -> memref<10000x128xf32, #tpu.memory_space<hbm>>
      tpu.enqueue_indirect_dma source(%dma_start3A_99 : memref<10000x128xf32, #tpu.memory_space<hbm>>) target(%dma_start3A_93 : memref<128x128xf32, #tpu.memory_space<vmem>>) offsets(%dma_start3A_96 : memref<128xi32, #tpu.memory_space<vmem>>) semaphore(%arg16 : memref<!tpu.dma_semaphore, #tpu.memory_space<semaphore_mem>>)
      %dma_start3A_100 = arith.constant 128 : i32
      %dma_start3A_101 = arith.constant 0 : i32
      %dma_start3A_102 = tpu.memref_slice %arg12[%dma_start3A_100, %dma_start3A_101] : memref<256x128xf32, #tpu.memory_space<vmem>> -> memref<128x128xf32, #tpu.memory_space<vmem>>
      %dma_start3A_103 = arith.constant 128 : i32
      %dma_start3A_104 = tpu.memref_slice %arg11[%rem3A_75, %dma_start3A_103] : memref<2x512xi32, #tpu.memory_space<vmem>> -> memref<1x128xi32, #tpu.memory_space<vmem>>
      %dma_start3A_105 = tpu.memref_squeeze %dma_start3A_104 : memref<1x128xi32, #tpu.memory_space<vmem>> -> memref<128xi32, #tpu.memory_space<vmem>>
      %dma_start3A_106 = arith.constant 0 : i32
      %dma_start3A_107 = arith.constant 0 : i32
      %dma_start3A_108 = tpu.memref_slice %arg2[%dma_start3A_106, %dma_start3A_107] : memref<10000x128xf32, #tpu.memory_space<hbm>> -> memref<10000x128xf32, #tpu.memory_space<hbm>>
      tpu.enqueue_indirect_dma source(%dma_start3A_108 : memref<10000x128xf32, #tpu.memory_space<hbm>>) target(%dma_start3A_102 : memref<128x128xf32, #tpu.memory_space<vmem>>) offsets(%dma_start3A_105 : memref<128xi32, #tpu.memory_space<vmem>>) semaphore(%arg16 : memref<!tpu.dma_semaphore, #tpu.memory_space<semaphore_mem>>)
      %dma_start3A_109 = arith.constant 0 : i32
      %dma_start3A_110 = arith.constant 0 : i32
      %dma_start3A_111 = tpu.memref_slice %arg13[%dma_start3A_109, %dma_start3A_110] : memref<256x128xf32, #tpu.memory_space<vmem>> -> memref<128x128xf32, #tpu.memory_space<vmem>>
      %dma_start3A_112 = arith.constant 256 : i32
      %dma_start3A_113 = tpu.memref_slice %arg11[%rem3A_75, %dma_start3A_112] : memref<2x512xi32, #tpu.memory_space<vmem>> -> memref<1x128xi32, #tpu.memory_space<vmem>>
      %dma_start3A_114 = tpu.memref_squeeze %dma_start3A_113 : memref<1x128xi32, #tpu.memory_space<vmem>> -> memref<128xi32, #tpu.memory_space<vmem>>
      %dma_start3A_115 = arith.constant 0 : i32
      %dma_start3A_116 = arith.constant 0 : i32
      %dma_start3A_117 = tpu.memref_slice %arg3[%dma_start3A_115, %dma_start3A_116] : memref<10000x128xf32, #tpu.memory_space<hbm>> -> memref<10000x128xf32, #tpu.memory_space<hbm>>
      tpu.enqueue_indirect_dma source(%dma_start3A_117 : memref<10000x128xf32, #tpu.memory_space<hbm>>) target(%dma_start3A_111 : memref<128x128xf32, #tpu.memory_space<vmem>>) offsets(%dma_start3A_114 : memref<128xi32, #tpu.memory_space<vmem>>) semaphore(%arg17 : memref<!tpu.dma_semaphore, #tpu.memory_space<semaphore_mem>>)
      %dma_start3A_118 = arith.constant 128 : i32
      %dma_start3A_119 = arith.constant 0 : i32
      %dma_start3A_120 = tpu.memref_slice %arg13[%dma_start3A_118, %dma_start3A_119] : memref<256x128xf32, #tpu.memory_space<vmem>> -> memref<128x128xf32, #tpu.memory_space<vmem>>
      %dma_start3A_121 = arith.constant 384 : i32
      %dma_start3A_122 = tpu.memref_slice %arg11[%rem3A_75, %dma_start3A_121] : memref<2x512xi32, #tpu.memory_space<vmem>> -> memref<1x128xi32, #tpu.memory_space<vmem>>
      %dma_start3A_123 = tpu.memref_squeeze %dma_start3A_122 : memref<1x128xi32, #tpu.memory_space<vmem>> -> memref<128xi32, #tpu.memory_space<vmem>>
      %dma_start3A_124 = arith.constant 0 : i32
      %dma_start3A_125 = arith.constant 0 : i32
      %dma_start3A_126 = tpu.memref_slice %arg3[%dma_start3A_124, %dma_start3A_125] : memref<10000x128xf32, #tpu.memory_space<hbm>> -> memref<10000x128xf32, #tpu.memory_space<hbm>>
      tpu.enqueue_indirect_dma source(%dma_start3A_126 : memref<10000x128xf32, #tpu.memory_space<hbm>>) target(%dma_start3A_120 : memref<128x128xf32, #tpu.memory_space<vmem>>) offsets(%dma_start3A_123 : memref<128xi32, #tpu.memory_space<vmem>>) semaphore(%arg17 : memref<!tpu.dma_semaphore, #tpu.memory_space<semaphore_mem>>)
      %get3A = arith.index_cast %rem3A_75 : i32 to index
      %get3A_127 = arith.constant 0 : index
      %get3A_128 = tpu.vector_load %arg11[%get3A, %get3A_127] {strides = array<i32>} : memref<2x512xi32, #tpu.memory_space<vmem>>, vector<16xi32>,
      %mul3A_129 = arith.constant 3 : i32
      %mul3A_130 = vector.broadcast %mul3A_129 : i32 to vector<16xi32>
      %mul3A_131 = arith.muli %get3A_128, %mul3A_130 : vector<16xi32>
      %get3A_132 = arith.index_cast %rem3A_75 : i32 to index
      %get3A_133 = arith.constant 256 : index
      %get3A_134 = tpu.vector_load %arg11[%get3A_132, %get3A_133] {strides = array<i32>} : memref<2x512xi32, #tpu.memory_space<vmem>>, vector<16xi32>,
      %mul3A_135 = arith.constant 3 : i32
      %mul3A_136 = vector.broadcast %mul3A_135 : i32 to vector<16xi32>
      %mul3A_137 = arith.muli %get3A_134, %mul3A_136 : vector<16xi32>
      %broadcast_in_dim3A = arith.constant 0.000000e+00 : f32
      %broadcast_in_dim3A_138 = vector.broadcast %broadcast_in_dim3A : f32 to vector<16xf32>
      %broadcast_in_dim3A_139 = arith.constant 0 : i32
      %broadcast_in_dim3A_140 = vector.broadcast %broadcast_in_dim3A_139 : i32 to vector<16xi32>
      %add3A_141 = arith.addi %mul3A_131, %broadcast_in_dim3A_140 : vector<16xi32>
      %gather3A = tpu.vector_load_idx %arg14[%add3A_141] : memref<30000xf32, #tpu.memory_space<vmem>>[vector<16xi32>], vector<16xf32>,
      %add3A_142 = arith.addi %mul3A_137, %broadcast_in_dim3A_140 : vector<16xi32>
      %gather3A_143 = tpu.vector_load_idx %arg14[%add3A_142] : memref<30000xf32, #tpu.memory_space<vmem>>[vector<16xi32>], vector<16xf32>,
      %sub3A_144 = arith.subf %gather3A, %gather3A_143 : vector<16xf32>
      %swap3A = arith.constant 0 : i32
      %swap3A_145 = arith.index_cast %swap3A : i32 to index
      %swap3A_146 = arith.constant 0 : index
      %swap3A_147 = tpu.vector_load %arg15[%swap3A_145, %swap3A_146] {strides = array<i32>} : memref<16x128xf32, #tpu.memory_space<vmem>>, vector<16xf32>,
      tpu.vector_store %arg15[%swap3A_145, %swap3A_146], %sub3A_144 {strides = array<i32>} : memref<16x128xf32, #tpu.memory_space<vmem>>, vector<16xf32>,
      %mul3A_148 = arith.mulf %sub3A_144, %sub3A_144 : vector<16xf32>
      %add3A_149 = arith.addf %broadcast_in_dim3A_138, %mul3A_148 : vector<16xf32>
      %broadcast_in_dim3A_150 = arith.constant 1 : i32
      %broadcast_in_dim3A_151 = vector.broadcast %broadcast_in_dim3A_150 : i32 to vector<16xi32>
      %add3A_152 = arith.addi %mul3A_131, %broadcast_in_dim3A_151 : vector<16xi32>
      %gather3A_153 = tpu.vector_load_idx %arg14[%add3A_152] : memref<30000xf32, #tpu.memory_space<vmem>>[vector<16xi32>], vector<16xf32>,
      %add3A_154 = arith.addi %mul3A_137, %broadcast_in_dim3A_151 : vector<16xi32>
      %gather3A_155 = tpu.vector_load_idx %arg14[%add3A_154] : memref<30000xf32, #tpu.memory_space<vmem>>[vector<16xi32>], vector<16xf32>,
      %sub3A_156 = arith.subf %gather3A_153, %gather3A_155 : vector<16xf32>
      %swap3A_157 = arith.constant 1 : i32
      %swap3A_158 = arith.index_cast %swap3A_157 : i32 to index
      %swap3A_159 = arith.constant 0 : index
      %swap3A_160 = tpu.vector_load %arg15[%swap3A_158, %swap3A_159] {strides = array<i32>} : memref<16x128xf32, #tpu.memory_space<vmem>>, vector<16xf32>,
      tpu.vector_store %arg15[%swap3A_158, %swap3A_159], %sub3A_156 {strides = array<i32>} : memref<16x128xf32, #tpu.memory_space<vmem>>, vector<16xf32>,
      %mul3A_161 = arith.mulf %sub3A_156, %sub3A_156 : vector<16xf32>
      %add3A_162 = arith.addf %add3A_149, %mul3A_161 : vector<16xf32>
      %broadcast_in_dim3A_163 = arith.constant 2 : i32
      %broadcast_in_dim3A_164 = vector.broadcast %broadcast_in_dim3A_163 : i32 to vector<16xi32>
      %add3A_165 = arith.addi %mul3A_131, %broadcast_in_dim3A_164 : vector<16xi32>
      %gather3A_166 = tpu.vector_load_idx %arg14[%add3A_165] : memref<30000xf32, #tpu.memory_space<vmem>>[vector<16xi32>], vector<16xf32>,
      %add3A_167 = arith.addi %mul3A_137, %broadcast_in_dim3A_164 : vector<16xi32>
      %gather3A_168 = tpu.vector_load_idx %arg14[%add3A_167] : memref<30000xf32, #tpu.memory_space<vmem>>[vector<16xi32>], vector<16xf32>,
      %sub3A_169 = arith.subf %gather3A_166, %gather3A_168 : vector<16xf32>
      %swap3A_170 = arith.constant 2 : i32
      %swap3A_171 = arith.index_cast %swap3A_170 : i32 to index
      %swap3A_172 = arith.constant 0 : index
      %swap3A_173 = tpu.vector_load %arg15[%swap3A_171, %swap3A_172] {strides = array<i32>} : memref<16x128xf32, #tpu.memory_space<vmem>>, vector<16xf32>,
      tpu.vector_store %arg15[%swap3A_171, %swap3A_172], %sub3A_169 {strides = array<i32>} : memref<16x128xf32, #tpu.memory_space<vmem>>, vector<16xf32>,
      %mul3A_174 = arith.mulf %sub3A_169, %sub3A_169 : vector<16xf32>
      %add3A_175 = arith.addf %add3A_162, %mul3A_174 : vector<16xf32>
      %swap3A_176 = arith.constant 3 : i32
      %swap3A_177 = arith.index_cast %swap3A_176 : i32 to index
      %swap3A_178 = arith.constant 0 : index
      %swap3A_179 = tpu.vector_load %arg15[%swap3A_177, %swap3A_178] {strides = array<i32>} : memref<16x128xf32, #tpu.memory_space<vmem>>, vector<16xf32>,
      tpu.vector_store %arg15[%swap3A_177, %swap3A_178], %add3A_175 {strides = array<i32>} : memref<16x128xf32, #tpu.memory_space<vmem>>, vector<16xf32>,
      %get3A_180 = arith.index_cast %rem3A_75 : i32 to index
      %get3A_181 = arith.constant 16 : index
      %get3A_182 = tpu.vector_load %arg11[%get3A_180, %get3A_181] {strides = array<i32>} : memref<2x512xi32, #tpu.memory_space<vmem>>, vector<16xi32>,
      %mul3A_183 = arith.constant 3 : i32
      %mul3A_184 = vector.broadcast %mul3A_183 : i32 to vector<16xi32>
      %mul3A_185 = arith.muli %get3A_182, %mul3A_184 : vector<16xi32>
      %get3A_186 = arith.index_cast %rem3A_75 : i32 to index
      %get3A_187 = arith.constant 272 : index
      %get3A_188 = tpu.vector_load %arg11[%get3A_186, %get3A_187] {strides = array<i32>} : memref<2x512xi32, #tpu.memory_space<vmem>>, vector<16xi32>,
      %mul3A_189 = arith.constant 3 : i32
      %mul3A_190 = vector.broadcast %mul3A_189 : i32 to vector<16xi32>
      %mul3A_191 = arith.muli %get3A_188, %mul3A_190 : vector<16xi32>
      %broadcast_in_dim3A_192 = arith.constant 0.000000e+00 : f32
      %broadcast_in_dim3A_193 = vector.broadcast %broadcast_in_dim3A_192 : f32 to vector<16xf32>
      %broadcast_in_dim3A_194 = arith.constant 0 : i32
      %broadcast_in_dim3A_195 = vector.broadcast %broadcast_in_dim3A_194 : i32 to vector<16xi32>
      %add3A_196 = arith.addi %mul3A_185, %broadcast_in_dim3A_195 : vector<16xi32>
      %gather3A_197 = tpu.vector_load_idx %arg14[%add3A_196] : memref<30000xf32, #tpu.memory_space<vmem>>[vector<16xi32>], vector<16xf32>,
      %add3A_198 = arith.addi %mul3A_191, %broadcast_in_dim3A_195 : vector<16xi32>
      %gather3A_199 = tpu.vector_load_idx %arg14[%add3A_198] : memref<30000xf32, #tpu.memory_space<vmem>>[vector<16xi32>], vector<16xf32>,
      %sub3A_200 = arith.subf %gather3A_197, %gather3A_199 : vector<16xf32>
      %swap3A_201 = arith.constant 0 : i32
      %swap3A_202 = arith.index_cast %swap3A_201 : i32 to index
      %swap3A_203 = arith.constant 16 : index
      %swap3A_204 = tpu.vector_load %arg15[%swap3A_202, %swap3A_203] {strides = array<i32>} : memref<16x128xf32, #tpu.memory_space<vmem>>, vector<16xf32>,
      tpu.vector_store %arg15[%swap3A_202, %swap3A_203], %sub3A_200 {strides = array<i32>} : memref<16x128xf32, #tpu.memory_space<vmem>>, vector<16xf32>,
      %mul3A_205 = arith.mulf %sub3A_200, %sub3A_200 : vector<16xf32>
      %add3A_206 = arith.addf %broadcast_in_dim3A_193, %mul3A_205 : vector<16xf32>
      %broadcast_in_dim3A_207 = arith.constant 1 : i32
      %broadcast_in_dim3A_208 = vector.broadcast %broadcast_in_dim3A_207 : i32 to vector<16xi32>
      %add3A_209 = arith.addi %mul3A_185, %broadcast_in_dim3A_208 : vector<16xi32>
      %gather3A_210 = tpu.vector_load_idx %arg14[%add3A_209] : memref<30000xf32, #tpu.memory_space<vmem>>[vector<16xi32>], vector<16xf32>,
      %add3A_211 = arith.addi %mul3A_191, %broadcast_in_dim3A_208 : vector<16xi32>
      %gather3A_212 = tpu.vector_load_idx %arg14[%add3A_211] : memref<30000xf32, #tpu.memory_space<vmem>>[vector<16xi32>], vector<16xf32>,
      %sub3A_213 = arith.subf %gather3A_210, %gather3A_212 : vector<16xf32>
      %swap3A_214 = arith.constant 1 : i32
      %swap3A_215 = arith.index_cast %swap3A_214 : i32 to index
      %swap3A_216 = arith.constant 16 : index
      %swap3A_217 = tpu.vector_load %arg15[%swap3A_215, %swap3A_216] {strides = array<i32>} : memref<16x128xf32, #tpu.memory_space<vmem>>, vector<16xf32>,
      tpu.vector_store %arg15[%swap3A_215, %swap3A_216], %sub3A_213 {strides = array<i32>} : memref<16x128xf32, #tpu.memory_space<vmem>>, vector<16xf32>,
      %mul3A_218 = arith.mulf %sub3A_213, %sub3A_213 : vector<16xf32>
      %add3A_219 = arith.addf %add3A_206, %mul3A_218 : vector<16xf32>
      %broadcast_in_dim3A_220 = arith.constant 2 : i32
      %broadcast_in_dim3A_221 = vector.broadcast %broadcast_in_dim3A_220 : i32 to vector<16xi32>
      %add3A_222 = arith.addi %mul3A_185, %broadcast_in_dim3A_221 : vector<16xi32>
      %gather3A_223 = tpu.vector_load_idx %arg14[%add3A_222] : memref<30000xf32, #tpu.memory_space<vmem>>[vector<16xi32>], vector<16xf32>,
      %add3A_224 = arith.addi %mul3A_191, %broadcast_in_dim3A_221 : vector<16xi32>
      %gather3A_225 = tpu.vector_load_idx %arg14[%add3A_224] : memref<30000xf32, #tpu.memory_space<vmem>>[vector<16xi32>], vector<16xf32>,
      %sub3A_226 = arith.subf %gather3A_223, %gather3A_225 : vector<16xf32>
      %swap3A_227 = arith.constant 2 : i32
      %swap3A_228 = arith.index_cast %swap3A_227 : i32 to index
      %swap3A_229 = arith.constant 16 : index
      %swap3A_230 = tpu.vector_load %arg15[%swap3A_228, %swap3A_229] {strides = array<i32>} : memref<16x128xf32, #tpu.memory_space<vmem>>, vector<16xf32>,
      tpu.vector_store %arg15[%swap3A_228, %swap3A_229], %sub3A_226 {strides = array<i32>} : memref<16x128xf32, #tpu.memory_space<vmem>>, vector<16xf32>,
      %mul3A_231 = arith.mulf %sub3A_226, %sub3A_226 : vector<16xf32>
      %add3A_232 = arith.addf %add3A_219, %mul3A_231 : vector<16xf32>
      %swap3A_233 = arith.constant 3 : i32
      %swap3A_234 = arith.index_cast %swap3A_233 : i32 to index
      %swap3A_235 = arith.constant 16 : index
      %swap3A_236 = tpu.vector_load %arg15[%swap3A_234, %swap3A_235] {strides = array<i32>} : memref<16x128xf32, #tpu.memory_space<vmem>>, vector<16xf32>,
      tpu.vector_store %arg15[%swap3A_234, %swap3A_235], %add3A_232 {strides = array<i32>} : memref<16x128xf32, #tpu.memory_space<vmem>>, vector<16xf32>,
      %get3A_237 = arith.index_cast %rem3A_75 : i32 to index
      %get3A_238 = arith.constant 32 : index
      %get3A_239 = tpu.vector_load %arg11[%get3A_237, %get3A_238] {strides = array<i32>} : memref<2x512xi32, #tpu.memory_space<vmem>>, vector<16xi32>,
      %mul3A_240 = arith.constant 3 : i32
      %mul3A_241 = vector.broadcast %mul3A_240 : i32 to vector<16xi32>
      %mul3A_242 = arith.muli %get3A_239, %mul3A_241 : vector<16xi32>
      %get3A_243 = arith.index_cast %rem3A_75 : i32 to index
      %get3A_244 = arith.constant 288 : index
      %get3A_245 = tpu.vector_load %arg11[%get3A_243, %get3A_244] {strides = array<i32>} : memref<2x512xi32, #tpu.memory_space<vmem>>, vector<16xi32>,
      %mul3A_246 = arith.constant 3 : i32
      %mul3A_247 = vector.broadcast %mul3A_246 : i32 to vector<16xi32>
      %mul3A_248 = arith.muli %get3A_245, %mul3A_247 : vector<16xi32>
      %broadcast_in_dim3A_249 = arith.constant 0.000000e+00 : f32
      %broadcast_in_dim3A_250 = vector.broadcast %broadcast_in_dim3A_249 : f32 to vector<16xf32>
      %broadcast_in_dim3A_251 = arith.constant 0 : i32
      %broadcast_in_dim3A_252 = vector.broadcast %broadcast_in_dim3A_251 : i32 to vector<16xi32>
      %add3A_253 = arith.addi %mul3A_242, %broadcast_in_dim3A_252 : vector<16xi32>
      %gather3A_254 = tpu.vector_load_idx %arg14[%add3A_253] : memref<30000xf32, #tpu.memory_space<vmem>>[vector<16xi32>], vector<16xf32>,
      %add3A_255 = arith.addi %mul3A_248, %broadcast_in_dim3A_252 : vector<16xi32>
      %gather3A_256 = tpu.vector_load_idx %arg14[%add3A_255] : memref<30000xf32, #tpu.memory_space<vmem>>[vector<16xi32>], vector<16xf32>,
      %sub3A_257 = arith.subf %gather3A_254, %gather3A_256 : vector<16xf32>
      %swap3A_258 = arith.constant 0 : i32
      %swap3A_259 = arith.index_cast %swap3A_258 : i32 to index
      %swap3A_260 = arith.constant 32 : index
      %swap3A_261 = tpu.vector_load %arg15[%swap3A_259, %swap3A_260] {strides = array<i32>} : memref<16x128xf32, #tpu.memory_space<vmem>>, vector<16xf32>,
      tpu.vector_store %arg15[%swap3A_259, %swap3A_260], %sub3A_257 {strides = array<i32>} : memref<16x128xf32, #tpu.memory_space<vmem>>, vector<16xf32>,
      %mul3A_262 = arith.mulf %sub3A_257, %sub3A_257 : vector<16xf32>
      %add3A_263 = arith.addf %broadcast_in_dim3A_250, %mul3A_262 : vector<16xf32>
      %broadcast_in_dim3A_264 = arith.constant 1 : i32
      %broadcast_in_dim3A_265 = vector.broadcast %broadcast_in_dim3A_264 : i32 to vector<16xi32>
      %add3A_266 = arith.addi %mul3A_242, %broadcast_in_dim3A_265 : vector<16xi32>
      %gather3A_267 = tpu.vector_load_idx %arg14[%add3A_266] : memref<30000xf32, #tpu.memory_space<vmem>>[vector<16xi32>], vector<16xf32>,
      %add3A_268 = arith.addi %mul3A_248, %broadcast_in_dim3A_265 : vector<16xi32>
      %gather3A_269 = tpu.vector_load_idx %arg14[%add3A_268] : memref<30000xf32, #tpu.memory_space<vmem>>[vector<16xi32>], vector<16xf32>,
      %sub3A_270 = arith.subf %gather3A_267, %gather3A_269 : vector<16xf32>
      %swap3A_271 = arith.constant 1 : i32
      %swap3A_272 = arith.index_cast %swap3A_271 : i32 to index
      %swap3A_273 = arith.constant 32 : index
      %swap3A_274 = tpu.vector_load %arg15[%swap3A_272, %swap3A_273] {strides = array<i32>} : memref<16x128xf32, #tpu.memory_space<vmem>>, vector<16xf32>,
      tpu.vector_store %arg15[%swap3A_272, %swap3A_273], %sub3A_270 {strides = array<i32>} : memref<16x128xf32, #tpu.memory_space<vmem>>, vector<16xf32>,
      %mul3A_275 = arith.mulf %sub3A_270, %sub3A_270 : vector<16xf32>
      %add3A_276 = arith.addf %add3A_263, %mul3A_275 : vector<16xf32>
      %broadcast_in_dim3A_277 = arith.constant 2 : i32
      %broadcast_in_dim3A_278 = vector.broadcast %broadcast_in_dim3A_277 : i32 to vector<16xi32>
      %add3A_279 = arith.addi %mul3A_242, %broadcast_in_dim3A_278 : vector<16xi32>
      %gather3A_280 = tpu.vector_load_idx %arg14[%add3A_279] : memref<30000xf32, #tpu.memory_space<vmem>>[vector<16xi32>], vector<16xf32>,
      %add3A_281 = arith.addi %mul3A_248, %broadcast_in_dim3A_278 : vector<16xi32>
      %gather3A_282 = tpu.vector_load_idx %arg14[%add3A_281] : memref<30000xf32, #tpu.memory_space<vmem>>[vector<16xi32>], vector<16xf32>,
      %sub3A_283 = arith.subf %gather3A_280, %gather3A_282 : vector<16xf32>
      %swap3A_284 = arith.constant 2 : i32
      %swap3A_285 = arith.index_cast %swap3A_284 : i32 to index
      %swap3A_286 = arith.constant 32 : index
      %swap3A_287 = tpu.vector_load %arg15[%swap3A_285, %swap3A_286] {strides = array<i32>} : memref<16x128xf32, #tpu.memory_space<vmem>>, vector<16xf32>,
      tpu.vector_store %arg15[%swap3A_285, %swap3A_286], %sub3A_283 {strides = array<i32>} : memref<16x128xf32, #tpu.memory_space<vmem>>, vector<16xf32>,
      %mul3A_288 = arith.mulf %sub3A_283, %sub3A_283 : vector<16xf32>
      %add3A_289 = arith.addf %add3A_276, %mul3A_288 : vector<16xf32>
      %swap3A_290 = arith.constant 3 : i32
      %swap3A_291 = arith.index_cast %swap3A_290 : i32 to index
      %swap3A_292 = arith.constant 32 : index
      %swap3A_293 = tpu.vector_load %arg15[%swap3A_291, %swap3A_292] {strides = array<i32>} : memref<16x128xf32, #tpu.memory_space<vmem>>, vector<16xf32>,
      tpu.vector_store %arg15[%swap3A_291, %swap3A_292], %add3A_289 {strides = array<i32>} : memref<16x128xf32, #tpu.memory_space<vmem>>, vector<16xf32>,
      %get3A_294 = arith.index_cast %rem3A_75 : i32 to index
      %get3A_295 = arith.constant 48 : index
      %get3A_296 = tpu.vector_load %arg11[%get3A_294, %get3A_295] {strides = array<i32>} : memref<2x512xi32, #tpu.memory_space<vmem>>, vector<16xi32>,
      %mul3A_297 = arith.constant 3 : i32
      %mul3A_298 = vector.broadcast %mul3A_297 : i32 to vector<16xi32>
      %mul3A_299 = arith.muli %get3A_296, %mul3A_298 : vector<16xi32>
      %get3A_300 = arith.index_cast %rem3A_75 : i32 to index
      %get3A_301 = arith.constant 304 : index
      %get3A_302 = tpu.vector_load %arg11[%get3A_300, %get3A_301] {strides = array<i32>} : memref<2x512xi32, #tpu.memory_space<vmem>>, vector<16xi32>,
      %mul3A_303 = arith.constant 3 : i32
      %mul3A_304 = vector.broadcast %mul3A_303 : i32 to vector<16xi32>
      %mul3A_305 = arith.muli %get3A_302, %mul3A_304 : vector<16xi32>
      %broadcast_in_dim3A_306 = arith.constant 0.000000e+00 : f32
      %broadcast_in_dim3A_307 = vector.broadcast %broadcast_in_dim3A_306 : f32 to vector<16xf32>
      %broadcast_in_dim3A_308 = arith.constant 0 : i32
      %broadcast_in_dim3A_309 = vector.broadcast %broadcast_in_dim3A_308 : i32 to vector<16xi32>
      %add3A_310 = arith.addi %mul3A_299, %broadcast_in_dim3A_309 : vector<16xi32>
      %gather3A_311 = tpu.vector_load_idx %arg14[%add3A_310] : memref<30000xf32, #tpu.memory_space<vmem>>[vector<16xi32>], vector<16xf32>,
      %add3A_312 = arith.addi %mul3A_305, %broadcast_in_dim3A_309 : vector<16xi32>
      %gather3A_313 = tpu.vector_load_idx %arg14[%add3A_312] : memref<30000xf32, #tpu.memory_space<vmem>>[vector<16xi32>], vector<16xf32>,
      %sub3A_314 = arith.subf %gather3A_311, %gather3A_313 : vector<16xf32>
      %swap3A_315 = arith.constant 0 : i32
      %swap3A_316 = arith.index_cast %swap3A_315 : i32 to index
      %swap3A_317 = arith.constant 48 : index
      %swap3A_318 = tpu.vector_load %arg15[%swap3A_316, %swap3A_317] {strides = array<i32>} : memref<16x128xf32, #tpu.memory_space<vmem>>, vector<16xf32>,
      tpu.vector_store %arg15[%swap3A_316, %swap3A_317], %sub3A_314 {strides = array<i32>} : memref<16x128xf32, #tpu.memory_space<vmem>>, vector<16xf32>,
      %mul3A_319 = arith.mulf %sub3A_314, %sub3A_314 : vector<16xf32>
      %add3A_320 = arith.addf %broadcast_in_dim3A_307, %mul3A_319 : vector<16xf32>
      %broadcast_in_dim3A_321 = arith.constant 1 : i32
      %broadcast_in_dim3A_322 = vector.broadcast %broadcast_in_dim3A_321 : i32 to vector<16xi32>
      %add3A_323 = arith.addi %mul3A_299, %broadcast_in_dim3A_322 : vector<16xi32>
      %gather3A_324 = tpu.vector_load_idx %arg14[%add3A_323] : memref<30000xf32, #tpu.memory_space<vmem>>[vector<16xi32>], vector<16xf32>,
      %add3A_325 = arith.addi %mul3A_305, %broadcast_in_dim3A_322 : vector<16xi32>
      %gather3A_326 = tpu.vector_load_idx %arg14[%add3A_325] : memref<30000xf32, #tpu.memory_space<vmem>>[vector<16xi32>], vector<16xf32>,
      %sub3A_327 = arith.subf %gather3A_324, %gather3A_326 : vector<16xf32>
      %swap3A_328 = arith.constant 1 : i32
      %swap3A_329 = arith.index_cast %swap3A_328 : i32 to index
      %swap3A_330 = arith.constant 48 : index
      %swap3A_331 = tpu.vector_load %arg15[%swap3A_329, %swap3A_330] {strides = array<i32>} : memref<16x128xf32, #tpu.memory_space<vmem>>, vector<16xf32>,
      tpu.vector_store %arg15[%swap3A_329, %swap3A_330], %sub3A_327 {strides = array<i32>} : memref<16x128xf32, #tpu.memory_space<vmem>>, vector<16xf32>,
      %mul3A_332 = arith.mulf %sub3A_327, %sub3A_327 : vector<16xf32>
      %add3A_333 = arith.addf %add3A_320, %mul3A_332 : vector<16xf32>
      %broadcast_in_dim3A_334 = arith.constant 2 : i32
      %broadcast_in_dim3A_335 = vector.broadcast %broadcast_in_dim3A_334 : i32 to vector<16xi32>
      %add3A_336 = arith.addi %mul3A_299, %broadcast_in_dim3A_335 : vector<16xi32>
      %gather3A_337 = tpu.vector_load_idx %arg14[%add3A_336] : memref<30000xf32, #tpu.memory_space<vmem>>[vector<16xi32>], vector<16xf32>,
      %add3A_338 = arith.addi %mul3A_305, %broadcast_in_dim3A_335 : vector<16xi32>
      %gather3A_339 = tpu.vector_load_idx %arg14[%add3A_338] : memref<30000xf32, #tpu.memory_space<vmem>>[vector<16xi32>], vector<16xf32>,
      %sub3A_340 = arith.subf %gather3A_337, %gather3A_339 : vector<16xf32>
      %swap3A_341 = arith.constant 2 : i32
      %swap3A_342 = arith.index_cast %swap3A_341 : i32 to index
      %swap3A_343 = arith.constant 48 : index
      %swap3A_344 = tpu.vector_load %arg15[%swap3A_342, %swap3A_343] {strides = array<i32>} : memref<16x128xf32, #tpu.memory_space<vmem>>, vector<16xf32>,
      tpu.vector_store %arg15[%swap3A_342, %swap3A_343], %sub3A_340 {strides = array<i32>} : memref<16x128xf32, #tpu.memory_space<vmem>>, vector<16xf32>,
      %mul3A_345 = arith.mulf %sub3A_340, %sub3A_340 : vector<16xf32>
      %add3A_346 = arith.addf %add3A_333, %mul3A_345 : vector<16xf32>
      %swap3A_347 = arith.constant 3 : i32
      %swap3A_348 = arith.index_cast %swap3A_347 : i32 to index
      %swap3A_349 = arith.constant 48 : index
      %swap3A_350 = tpu.vector_load %arg15[%swap3A_348, %swap3A_349] {strides = array<i32>} : memref<16x128xf32, #tpu.memory_space<vmem>>, vector<16xf32>,
      tpu.vector_store %arg15[%swap3A_348, %swap3A_349], %add3A_346 {strides = array<i32>} : memref<16x128xf32, #tpu.memory_space<vmem>>, vector<16xf32>,
      %get3A_351 = arith.index_cast %rem3A_75 : i32 to index
      %get3A_352 = arith.constant 64 : index
      %get3A_353 = tpu.vector_load %arg11[%get3A_351, %get3A_352] {strides = array<i32>} : memref<2x512xi32, #tpu.memory_space<vmem>>, vector<16xi32>,
      %mul3A_354 = arith.constant 3 : i32
      %mul3A_355 = vector.broadcast %mul3A_354 : i32 to vector<16xi32>
      %mul3A_356 = arith.muli %get3A_353, %mul3A_355 : vector<16xi32>
      %get3A_357 = arith.index_cast %rem3A_75 : i32 to index
      %get3A_358 = arith.constant 320 : index
      %get3A_359 = tpu.vector_load %arg11[%get3A_357, %get3A_358] {strides = array<i32>} : memref<2x512xi32, #tpu.memory_space<vmem>>, vector<16xi32>,
      %mul3A_360 = arith.constant 3 : i32
      %mul3A_361 = vector.broadcast %mul3A_360 : i32 to vector<16xi32>
      %mul3A_362 = arith.muli %get3A_359, %mul3A_361 : vector<16xi32>
      %broadcast_in_dim3A_363 = arith.constant 0.000000e+00 : f32
      %broadcast_in_dim3A_364 = vector.broadcast %broadcast_in_dim3A_363 : f32 to vector<16xf32>
      %broadcast_in_dim3A_365 = arith.constant 0 : i32
      %broadcast_in_dim3A_366 = vector.broadcast %broadcast_in_dim3A_365 : i32 to vector<16xi32>
      %add3A_367 = arith.addi %mul3A_356, %broadcast_in_dim3A_366 : vector<16xi32>
      %gather3A_368 = tpu.vector_load_idx %arg14[%add3A_367] : memref<30000xf32, #tpu.memory_space<vmem>>[vector<16xi32>], vector<16xf32>,
      %add3A_369 = arith.addi %mul3A_362, %broadcast_in_dim3A_366 : vector<16xi32>
      %gather3A_370 = tpu.vector_load_idx %arg14[%add3A_369] : memref<30000xf32, #tpu.memory_space<vmem>>[vector<16xi32>], vector<16xf32>,
      %sub3A_371 = arith.subf %gather3A_368, %gather3A_370 : vector<16xf32>
      %swap3A_372 = arith.constant 0 : i32
      %swap3A_373 = arith.index_cast %swap3A_372 : i32 to index
      %swap3A_374 = arith.constant 64 : index
      %swap3A_375 = tpu.vector_load %arg15[%swap3A_373, %swap3A_374] {strides = array<i32>} : memref<16x128xf32, #tpu.memory_space<vmem>>, vector<16xf32>,
      tpu.vector_store %arg15[%swap3A_373, %swap3A_374], %sub3A_371 {strides = array<i32>} : memref<16x128xf32, #tpu.memory_space<vmem>>, vector<16xf32>,
      %mul3A_376 = arith.mulf %sub3A_371, %sub3A_371 : vector<16xf32>
      %add3A_377 = arith.addf %broadcast_in_dim3A_364, %mul3A_376 : vector<16xf32>
      %broadcast_in_dim3A_378 = arith.constant 1 : i32
      %broadcast_in_dim3A_379 = vector.broadcast %broadcast_in_dim3A_378 : i32 to vector<16xi32>
      %add3A_380 = arith.addi %mul3A_356, %broadcast_in_dim3A_379 : vector<16xi32>
      %gather3A_381 = tpu.vector_load_idx %arg14[%add3A_380] : memref<30000xf32, #tpu.memory_space<vmem>>[vector<16xi32>], vector<16xf32>,
      %add3A_382 = arith.addi %mul3A_362, %broadcast_in_dim3A_379 : vector<16xi32>
      %gather3A_383 = tpu.vector_load_idx %arg14[%add3A_382] : memref<30000xf32, #tpu.memory_space<vmem>>[vector<16xi32>], vector<16xf32>,
      %sub3A_384 = arith.subf %gather3A_381, %gather3A_383 : vector<16xf32>
      %swap3A_385 = arith.constant 1 : i32
      %swap3A_386 = arith.index_cast %swap3A_385 : i32 to index
      %swap3A_387 = arith.constant 64 : index
      %swap3A_388 = tpu.vector_load %arg15[%swap3A_386, %swap3A_387] {strides = array<i32>} : memref<16x128xf32, #tpu.memory_space<vmem>>, vector<16xf32>,
      tpu.vector_store %arg15[%swap3A_386, %swap3A_387], %sub3A_384 {strides = array<i32>} : memref<16x128xf32, #tpu.memory_space<vmem>>, vector<16xf32>,
      %mul3A_389 = arith.mulf %sub3A_384, %sub3A_384 : vector<16xf32>
      %add3A_390 = arith.addf %add3A_377, %mul3A_389 : vector<16xf32>
      %broadcast_in_dim3A_391 = arith.constant 2 : i32
      %broadcast_in_dim3A_392 = vector.broadcast %broadcast_in_dim3A_391 : i32 to vector<16xi32>
      %add3A_393 = arith.addi %mul3A_356, %broadcast_in_dim3A_392 : vector<16xi32>
      %gather3A_394 = tpu.vector_load_idx %arg14[%add3A_393] : memref<30000xf32, #tpu.memory_space<vmem>>[vector<16xi32>], vector<16xf32>,
      %add3A_395 = arith.addi %mul3A_362, %broadcast_in_dim3A_392 : vector<16xi32>
      %gather3A_396 = tpu.vector_load_idx %arg14[%add3A_395] : memref<30000xf32, #tpu.memory_space<vmem>>[vector<16xi32>], vector<16xf32>,
      %sub3A_397 = arith.subf %gather3A_394, %gather3A_396 : vector<16xf32>
      %swap3A_398 = arith.constant 2 : i32
      %swap3A_399 = arith.index_cast %swap3A_398 : i32 to index
      %swap3A_400 = arith.constant 64 : index
      %swap3A_401 = tpu.vector_load %arg15[%swap3A_399, %swap3A_400] {strides = array<i32>} : memref<16x128xf32, #tpu.memory_space<vmem>>, vector<16xf32>,
      tpu.vector_store %arg15[%swap3A_399, %swap3A_400], %sub3A_397 {strides = array<i32>} : memref<16x128xf32, #tpu.memory_space<vmem>>, vector<16xf32>,
      %mul3A_402 = arith.mulf %sub3A_397, %sub3A_397 : vector<16xf32>
      %add3A_403 = arith.addf %add3A_390, %mul3A_402 : vector<16xf32>
      %swap3A_404 = arith.constant 3 : i32
      %swap3A_405 = arith.index_cast %swap3A_404 : i32 to index
      %swap3A_406 = arith.constant 64 : index
      %swap3A_407 = tpu.vector_load %arg15[%swap3A_405, %swap3A_406] {strides = array<i32>} : memref<16x128xf32, #tpu.memory_space<vmem>>, vector<16xf32>,
      tpu.vector_store %arg15[%swap3A_405, %swap3A_406], %add3A_403 {strides = array<i32>} : memref<16x128xf32, #tpu.memory_space<vmem>>, vector<16xf32>,
      %get3A_408 = arith.index_cast %rem3A_75 : i32 to index
      %get3A_409 = arith.constant 80 : index
      %get3A_410 = tpu.vector_load %arg11[%get3A_408, %get3A_409] {strides = array<i32>} : memref<2x512xi32, #tpu.memory_space<vmem>>, vector<16xi32>,
      %mul3A_411 = arith.constant 3 : i32
      %mul3A_412 = vector.broadcast %mul3A_411 : i32 to vector<16xi32>
      %mul3A_413 = arith.muli %get3A_410, %mul3A_412 : vector<16xi32>
      %get3A_414 = arith.index_cast %rem3A_75 : i32 to index
      %get3A_415 = arith.constant 336 : index
      %get3A_416 = tpu.vector_load %arg11[%get3A_414, %get3A_415] {strides = array<i32>} : memref<2x512xi32, #tpu.memory_space<vmem>>, vector<16xi32>,
      %mul3A_417 = arith.constant 3 : i32
      %mul3A_418 = vector.broadcast %mul3A_417 : i32 to vector<16xi32>
      %mul3A_419 = arith.muli %get3A_416, %mul3A_418 : vector<16xi32>
      %broadcast_in_dim3A_420 = arith.constant 0.000000e+00 : f32
      %broadcast_in_dim3A_421 = vector.broadcast %broadcast_in_dim3A_420 : f32 to vector<16xf32>
      %broadcast_in_dim3A_422 = arith.constant 0 : i32
      %broadcast_in_dim3A_423 = vector.broadcast %broadcast_in_dim3A_422 : i32 to vector<16xi32>
      %add3A_424 = arith.addi %mul3A_413, %broadcast_in_dim3A_423 : vector<16xi32>
      %gather3A_425 = tpu.vector_load_idx %arg14[%add3A_424] : memref<30000xf32, #tpu.memory_space<vmem>>[vector<16xi32>], vector<16xf32>,
      %add3A_426 = arith.addi %mul3A_419, %broadcast_in_dim3A_423 : vector<16xi32>
      %gather3A_427 = tpu.vector_load_idx %arg14[%add3A_426] : memref<30000xf32, #tpu.memory_space<vmem>>[vector<16xi32>], vector<16xf32>,
      %sub3A_428 = arith.subf %gather3A_425, %gather3A_427 : vector<16xf32>
      %swap3A_429 = arith.constant 0 : i32
      %swap3A_430 = arith.index_cast %swap3A_429 : i32 to index
      %swap3A_431 = arith.constant 80 : index
      %swap3A_432 = tpu.vector_load %arg15[%swap3A_430, %swap3A_431] {strides = array<i32>} : memref<16x128xf32, #tpu.memory_space<vmem>>, vector<16xf32>,
      tpu.vector_store %arg15[%swap3A_430, %swap3A_431], %sub3A_428 {strides = array<i32>} : memref<16x128xf32, #tpu.memory_space<vmem>>, vector<16xf32>,
      %mul3A_433 = arith.mulf %sub3A_428, %sub3A_428 : vector<16xf32>
      %add3A_434 = arith.addf %broadcast_in_dim3A_421, %mul3A_433 : vector<16xf32>
      %broadcast_in_dim3A_435 = arith.constant 1 : i32
      %broadcast_in_dim3A_436 = vector.broadcast %broadcast_in_dim3A_435 : i32 to vector<16xi32>
      %add3A_437 = arith.addi %mul3A_413, %broadcast_in_dim3A_436 : vector<16xi32>
      %gather3A_438 = tpu.vector_load_idx %arg14[%add3A_437] : memref<30000xf32, #tpu.memory_space<vmem>>[vector<16xi32>], vector<16xf32>,
      %add3A_439 = arith.addi %mul3A_419, %broadcast_in_dim3A_436 : vector<16xi32>
      %gather3A_440 = tpu.vector_load_idx %arg14[%add3A_439] : memref<30000xf32, #tpu.memory_space<vmem>>[vector<16xi32>], vector<16xf32>,
      %sub3A_441 = arith.subf %gather3A_438, %gather3A_440 : vector<16xf32>
      %swap3A_442 = arith.constant 1 : i32
      %swap3A_443 = arith.index_cast %swap3A_442 : i32 to index
      %swap3A_444 = arith.constant 80 : index
      %swap3A_445 = tpu.vector_load %arg15[%swap3A_443, %swap3A_444] {strides = array<i32>} : memref<16x128xf32, #tpu.memory_space<vmem>>, vector<16xf32>,
      tpu.vector_store %arg15[%swap3A_443, %swap3A_444], %sub3A_441 {strides = array<i32>} : memref<16x128xf32, #tpu.memory_space<vmem>>, vector<16xf32>,
      %mul3A_446 = arith.mulf %sub3A_441, %sub3A_441 : vector<16xf32>
      %add3A_447 = arith.addf %add3A_434, %mul3A_446 : vector<16xf32>
      %broadcast_in_dim3A_448 = arith.constant 2 : i32
      %broadcast_in_dim3A_449 = vector.broadcast %broadcast_in_dim3A_448 : i32 to vector<16xi32>
      %add3A_450 = arith.addi %mul3A_413, %broadcast_in_dim3A_449 : vector<16xi32>
      %gather3A_451 = tpu.vector_load_idx %arg14[%add3A_450] : memref<30000xf32, #tpu.memory_space<vmem>>[vector<16xi32>], vector<16xf32>,
      %add3A_452 = arith.addi %mul3A_419, %broadcast_in_dim3A_449 : vector<16xi32>
      %gather3A_453 = tpu.vector_load_idx %arg14[%add3A_452] : memref<30000xf32, #tpu.memory_space<vmem>>[vector<16xi32>], vector<16xf32>,
      %sub3A_454 = arith.subf %gather3A_451, %gather3A_453 : vector<16xf32>
      %swap3A_455 = arith.constant 2 : i32
      %swap3A_456 = arith.index_cast %swap3A_455 : i32 to index
      %swap3A_457 = arith.constant 80 : index
      %swap3A_458 = tpu.vector_load %arg15[%swap3A_456, %swap3A_457] {strides = array<i32>} : memref<16x128xf32, #tpu.memory_space<vmem>>, vector<16xf32>,
      tpu.vector_store %arg15[%swap3A_456, %swap3A_457], %sub3A_454 {strides = array<i32>} : memref<16x128xf32, #tpu.memory_space<vmem>>, vector<16xf32>,
      %mul3A_459 = arith.mulf %sub3A_454, %sub3A_454 : vector<16xf32>
      %add3A_460 = arith.addf %add3A_447, %mul3A_459 : vector<16xf32>
      %swap3A_461 = arith.constant 3 : i32
      %swap3A_462 = arith.index_cast %swap3A_461 : i32 to index
      %swap3A_463 = arith.constant 80 : index
      %swap3A_464 = tpu.vector_load %arg15[%swap3A_462, %swap3A_463] {strides = array<i32>} : memref<16x128xf32, #tpu.memory_space<vmem>>, vector<16xf32>,
      tpu.vector_store %arg15[%swap3A_462, %swap3A_463], %add3A_460 {strides = array<i32>} : memref<16x128xf32, #tpu.memory_space<vmem>>, vector<16xf32>,
      %get3A_465 = arith.index_cast %rem3A_75 : i32 to index
      %get3A_466 = arith.constant 96 : index
      %get3A_467 = tpu.vector_load %arg11[%get3A_465, %get3A_466] {strides = array<i32>} : memref<2x512xi32, #tpu.memory_space<vmem>>, vector<16xi32>,
      %mul3A_468 = arith.constant 3 : i32
      %mul3A_469 = vector.broadcast %mul3A_468 : i32 to vector<16xi32>
      %mul3A_470 = arith.muli %get3A_467, %mul3A_469 : vector<16xi32>
      %get3A_471 = arith.index_cast %rem3A_75 : i32 to index
      %get3A_472 = arith.constant 352 : index
      %get3A_473 = tpu.vector_load %arg11[%get3A_471, %get3A_472] {strides = array<i32>} : memref<2x512xi32, #tpu.memory_space<vmem>>, vector<16xi32>,
      %mul3A_474 = arith.constant 3 : i32
      %mul3A_475 = vector.broadcast %mul3A_474 : i32 to vector<16xi32>
      %mul3A_476 = arith.muli %get3A_473, %mul3A_475 : vector<16xi32>
      %broadcast_in_dim3A_477 = arith.constant 0.000000e+00 : f32
      %broadcast_in_dim3A_478 = vector.broadcast %broadcast_in_dim3A_477 : f32 to vector<16xf32>
      %broadcast_in_dim3A_479 = arith.constant 0 : i32
      %broadcast_in_dim3A_480 = vector.broadcast %broadcast_in_dim3A_479 : i32 to vector<16xi32>
      %add3A_481 = arith.addi %mul3A_470, %broadcast_in_dim3A_480 : vector<16xi32>
      %gather3A_482 = tpu.vector_load_idx %arg14[%add3A_481] : memref<30000xf32, #tpu.memory_space<vmem>>[vector<16xi32>], vector<16xf32>,
      %add3A_483 = arith.addi %mul3A_476, %broadcast_in_dim3A_480 : vector<16xi32>
      %gather3A_484 = tpu.vector_load_idx %arg14[%add3A_483] : memref<30000xf32, #tpu.memory_space<vmem>>[vector<16xi32>], vector<16xf32>,
      %sub3A_485 = arith.subf %gather3A_482, %gather3A_484 : vector<16xf32>
      %swap3A_486 = arith.constant 0 : i32
      %swap3A_487 = arith.index_cast %swap3A_486 : i32 to index
      %swap3A_488 = arith.constant 96 : index
      %swap3A_489 = tpu.vector_load %arg15[%swap3A_487, %swap3A_488] {strides = array<i32>} : memref<16x128xf32, #tpu.memory_space<vmem>>, vector<16xf32>,
      tpu.vector_store %arg15[%swap3A_487, %swap3A_488], %sub3A_485 {strides = array<i32>} : memref<16x128xf32, #tpu.memory_space<vmem>>, vector<16xf32>,
      %mul3A_490 = arith.mulf %sub3A_485, %sub3A_485 : vector<16xf32>
      %add3A_491 = arith.addf %broadcast_in_dim3A_478, %mul3A_490 : vector<16xf32>
      %broadcast_in_dim3A_492 = arith.constant 1 : i32
      %broadcast_in_dim3A_493 = vector.broadcast %broadcast_in_dim3A_492 : i32 to vector<16xi32>
      %add3A_494 = arith.addi %mul3A_470, %broadcast_in_dim3A_493 : vector<16xi32>
      %gather3A_495 = tpu.vector_load_idx %arg14[%add3A_494] : memref<30000xf32, #tpu.memory_space<vmem>>[vector<16xi32>], vector<16xf32>,
      %add3A_496 = arith.addi %mul3A_476, %broadcast_in_dim3A_493 : vector<16xi32>
      %gather3A_497 = tpu.vector_load_idx %arg14[%add3A_496] : memref<30000xf32, #tpu.memory_space<vmem>>[vector<16xi32>], vector<16xf32>,
      %sub3A_498 = arith.subf %gather3A_495, %gather3A_497 : vector<16xf32>
      %swap3A_499 = arith.constant 1 : i32
      %swap3A_500 = arith.index_cast %swap3A_499 : i32 to index
      %swap3A_501 = arith.constant 96 : index
      %swap3A_502 = tpu.vector_load %arg15[%swap3A_500, %swap3A_501] {strides = array<i32>} : memref<16x128xf32, #tpu.memory_space<vmem>>, vector<16xf32>,
      tpu.vector_store %arg15[%swap3A_500, %swap3A_501], %sub3A_498 {strides = array<i32>} : memref<16x128xf32, #tpu.memory_space<vmem>>, vector<16xf32>,
      %mul3A_503 = arith.mulf %sub3A_498, %sub3A_498 : vector<16xf32>
      %add3A_504 = arith.addf %add3A_491, %mul3A_503 : vector<16xf32>
      %broadcast_in_dim3A_505 = arith.constant 2 : i32
      %broadcast_in_dim3A_506 = vector.broadcast %broadcast_in_dim3A_505 : i32 to vector<16xi32>
      %add3A_507 = arith.addi %mul3A_470, %broadcast_in_dim3A_506 : vector<16xi32>
      %gather3A_508 = tpu.vector_load_idx %arg14[%add3A_507] : memref<30000xf32, #tpu.memory_space<vmem>>[vector<16xi32>], vector<16xf32>,
      %add3A_509 = arith.addi %mul3A_476, %broadcast_in_dim3A_506 : vector<16xi32>
      %gather3A_510 = tpu.vector_load_idx %arg14[%add3A_509] : memref<30000xf32, #tpu.memory_space<vmem>>[vector<16xi32>], vector<16xf32>,
      %sub3A_511 = arith.subf %gather3A_508, %gather3A_510 : vector<16xf32>
      %swap3A_512 = arith.constant 2 : i32
      %swap3A_513 = arith.index_cast %swap3A_512 : i32 to index
      %swap3A_514 = arith.constant 96 : index
      %swap3A_515 = tpu.vector_load %arg15[%swap3A_513, %swap3A_514] {strides = array<i32>} : memref<16x128xf32, #tpu.memory_space<vmem>>, vector<16xf32>,
      tpu.vector_store %arg15[%swap3A_513, %swap3A_514], %sub3A_511 {strides = array<i32>} : memref<16x128xf32, #tpu.memory_space<vmem>>, vector<16xf32>,
      %mul3A_516 = arith.mulf %sub3A_511, %sub3A_511 : vector<16xf32>
      %add3A_517 = arith.addf %add3A_504, %mul3A_516 : vector<16xf32>
      %swap3A_518 = arith.constant 3 : i32
      %swap3A_519 = arith.index_cast %swap3A_518 : i32 to index
      %swap3A_520 = arith.constant 96 : index
      %swap3A_521 = tpu.vector_load %arg15[%swap3A_519, %swap3A_520] {strides = array<i32>} : memref<16x128xf32, #tpu.memory_space<vmem>>, vector<16xf32>,
      tpu.vector_store %arg15[%swap3A_519, %swap3A_520], %add3A_517 {strides = array<i32>} : memref<16x128xf32, #tpu.memory_space<vmem>>, vector<16xf32>,
      %get3A_522 = arith.index_cast %rem3A_75 : i32 to index
      %get3A_523 = arith.constant 112 : index
      %get3A_524 = tpu.vector_load %arg11[%get3A_522, %get3A_523] {strides = array<i32>} : memref<2x512xi32, #tpu.memory_space<vmem>>, vector<16xi32>,
      %mul3A_525 = arith.constant 3 : i32
      %mul3A_526 = vector.broadcast %mul3A_525 : i32 to vector<16xi32>
      %mul3A_527 = arith.muli %get3A_524, %mul3A_526 : vector<16xi32>
      %get3A_528 = arith.index_cast %rem3A_75 : i32 to index
      %get3A_529 = arith.constant 368 : index
      %get3A_530 = tpu.vector_load %arg11[%get3A_528, %get3A_529] {strides = array<i32>} : memref<2x512xi32, #tpu.memory_space<vmem>>, vector<16xi32>,
      %mul3A_531 = arith.constant 3 : i32
      %mul3A_532 = vector.broadcast %mul3A_531 : i32 to vector<16xi32>
      %mul3A_533 = arith.muli %get3A_530, %mul3A_532 : vector<16xi32>
      %broadcast_in_dim3A_534 = arith.constant 0.000000e+00 : f32
      %broadcast_in_dim3A_535 = vector.broadcast %broadcast_in_dim3A_534 : f32 to vector<16xf32>
      %broadcast_in_dim3A_536 = arith.constant 0 : i32
      %broadcast_in_dim3A_537 = vector.broadcast %broadcast_in_dim3A_536 : i32 to vector<16xi32>
      %add3A_538 = arith.addi %mul3A_527, %broadcast_in_dim3A_537 : vector<16xi32>
      %gather3A_539 = tpu.vector_load_idx %arg14[%add3A_538] : memref<30000xf32, #tpu.memory_space<vmem>>[vector<16xi32>], vector<16xf32>,
      %add3A_540 = arith.addi %mul3A_533, %broadcast_in_dim3A_537 : vector<16xi32>
      %gather3A_541 = tpu.vector_load_idx %arg14[%add3A_540] : memref<30000xf32, #tpu.memory_space<vmem>>[vector<16xi32>], vector<16xf32>,
      %sub3A_542 = arith.subf %gather3A_539, %gather3A_541 : vector<16xf32>
      %swap3A_543 = arith.constant 0 : i32
      %swap3A_544 = arith.index_cast %swap3A_543 : i32 to index
      %swap3A_545 = arith.constant 112 : index
      %swap3A_546 = tpu.vector_load %arg15[%swap3A_544, %swap3A_545] {strides = array<i32>} : memref<16x128xf32, #tpu.memory_space<vmem>>, vector<16xf32>,
      tpu.vector_store %arg15[%swap3A_544, %swap3A_545], %sub3A_542 {strides = array<i32>} : memref<16x128xf32, #tpu.memory_space<vmem>>, vector<16xf32>,
      %mul3A_547 = arith.mulf %sub3A_542, %sub3A_542 : vector<16xf32>
      %add3A_548 = arith.addf %broadcast_in_dim3A_535, %mul3A_547 : vector<16xf32>
      %broadcast_in_dim3A_549 = arith.constant 1 : i32
      %broadcast_in_dim3A_550 = vector.broadcast %broadcast_in_dim3A_549 : i32 to vector<16xi32>
      %add3A_551 = arith.addi %mul3A_527, %broadcast_in_dim3A_550 : vector<16xi32>
      %gather3A_552 = tpu.vector_load_idx %arg14[%add3A_551] : memref<30000xf32, #tpu.memory_space<vmem>>[vector<16xi32>], vector<16xf32>,
      %add3A_553 = arith.addi %mul3A_533, %broadcast_in_dim3A_550 : vector<16xi32>
      %gather3A_554 = tpu.vector_load_idx %arg14[%add3A_553] : memref<30000xf32, #tpu.memory_space<vmem>>[vector<16xi32>], vector<16xf32>,
      %sub3A_555 = arith.subf %gather3A_552, %gather3A_554 : vector<16xf32>
      %swap3A_556 = arith.constant 1 : i32
      %swap3A_557 = arith.index_cast %swap3A_556 : i32 to index
      %swap3A_558 = arith.constant 112 : index
      %swap3A_559 = tpu.vector_load %arg15[%swap3A_557, %swap3A_558] {strides = array<i32>} : memref<16x128xf32, #tpu.memory_space<vmem>>, vector<16xf32>,
      tpu.vector_store %arg15[%swap3A_557, %swap3A_558], %sub3A_555 {strides = array<i32>} : memref<16x128xf32, #tpu.memory_space<vmem>>, vector<16xf32>,
      %mul3A_560 = arith.mulf %sub3A_555, %sub3A_555 : vector<16xf32>
      %add3A_561 = arith.addf %add3A_548, %mul3A_560 : vector<16xf32>
      %broadcast_in_dim3A_562 = arith.constant 2 : i32
      %broadcast_in_dim3A_563 = vector.broadcast %broadcast_in_dim3A_562 : i32 to vector<16xi32>
      %add3A_564 = arith.addi %mul3A_527, %broadcast_in_dim3A_563 : vector<16xi32>
      %gather3A_565 = tpu.vector_load_idx %arg14[%add3A_564] : memref<30000xf32, #tpu.memory_space<vmem>>[vector<16xi32>], vector<16xf32>,
      %add3A_566 = arith.addi %mul3A_533, %broadcast_in_dim3A_563 : vector<16xi32>
      %gather3A_567 = tpu.vector_load_idx %arg14[%add3A_566] : memref<30000xf32, #tpu.memory_space<vmem>>[vector<16xi32>], vector<16xf32>,
      %sub3A_568 = arith.subf %gather3A_565, %gather3A_567 : vector<16xf32>
      %swap3A_569 = arith.constant 2 : i32
      %swap3A_570 = arith.index_cast %swap3A_569 : i32 to index
      %swap3A_571 = arith.constant 112 : index
      %swap3A_572 = tpu.vector_load %arg15[%swap3A_570, %swap3A_571] {strides = array<i32>} : memref<16x128xf32, #tpu.memory_space<vmem>>, vector<16xf32>,
      tpu.vector_store %arg15[%swap3A_570, %swap3A_571], %sub3A_568 {strides = array<i32>} : memref<16x128xf32, #tpu.memory_space<vmem>>, vector<16xf32>,
      %mul3A_573 = arith.mulf %sub3A_568, %sub3A_568 : vector<16xf32>
      %add3A_574 = arith.addf %add3A_561, %mul3A_573 : vector<16xf32>
      %swap3A_575 = arith.constant 3 : i32
      %swap3A_576 = arith.index_cast %swap3A_575 : i32 to index
      %swap3A_577 = arith.constant 112 : index
      %swap3A_578 = tpu.vector_load %arg15[%swap3A_576, %swap3A_577] {strides = array<i32>} : memref<16x128xf32, #tpu.memory_space<vmem>>, vector<16xf32>,
      tpu.vector_store %arg15[%swap3A_576, %swap3A_577], %add3A_574 {strides = array<i32>} : memref<16x128xf32, #tpu.memory_space<vmem>>, vector<16xf32>,
      %get3A_579 = arith.index_cast %rem3A_75 : i32 to index
      %get3A_580 = arith.constant 128 : index
      %get3A_581 = tpu.vector_load %arg11[%get3A_579, %get3A_580] {strides = array<i32>} : memref<2x512xi32, #tpu.memory_space<vmem>>, vector<16xi32>,
      %mul3A_582 = arith.constant 3 : i32
      %mul3A_583 = vector.broadcast %mul3A_582 : i32 to vector<16xi32>
      %mul3A_584 = arith.muli %get3A_581, %mul3A_583 : vector<16xi32>
      %get3A_585 = arith.index_cast %rem3A_75 : i32 to index
      %get3A_586 = arith.constant 384 : index
      %get3A_587 = tpu.vector_load %arg11[%get3A_585, %get3A_586] {strides = array<i32>} : memref<2x512xi32, #tpu.memory_space<vmem>>, vector<16xi32>,
      %mul3A_588 = arith.constant 3 : i32
      %mul3A_589 = vector.broadcast %mul3A_588 : i32 to vector<16xi32>
      %mul3A_590 = arith.muli %get3A_587, %mul3A_589 : vector<16xi32>
      %broadcast_in_dim3A_591 = arith.constant 0.000000e+00 : f32
      %broadcast_in_dim3A_592 = vector.broadcast %broadcast_in_dim3A_591 : f32 to vector<16xf32>
      %broadcast_in_dim3A_593 = arith.constant 0 : i32
      %broadcast_in_dim3A_594 = vector.broadcast %broadcast_in_dim3A_593 : i32 to vector<16xi32>
      %add3A_595 = arith.addi %mul3A_584, %broadcast_in_dim3A_594 : vector<16xi32>
      %gather3A_596 = tpu.vector_load_idx %arg14[%add3A_595] : memref<30000xf32, #tpu.memory_space<vmem>>[vector<16xi32>], vector<16xf32>,
      %add3A_597 = arith.addi %mul3A_590, %broadcast_in_dim3A_594 : vector<16xi32>
      %gather3A_598 = tpu.vector_load_idx %arg14[%add3A_597] : memref<30000xf32, #tpu.memory_space<vmem>>[vector<16xi32>], vector<16xf32>,
      %sub3A_599 = arith.subf %gather3A_596, %gather3A_598 : vector<16xf32>
      %swap3A_600 = arith.constant 8 : i32
      %swap3A_601 = arith.index_cast %swap3A_600 : i32 to index
      %swap3A_602 = arith.constant 0 : index
      %swap3A_603 = tpu.vector_load %arg15[%swap3A_601, %swap3A_602] {strides = array<i32>} : memref<16x128xf32, #tpu.memory_space<vmem>>, vector<16xf32>,
      tpu.vector_store %arg15[%swap3A_601, %swap3A_602], %sub3A_599 {strides = array<i32>} : memref<16x128xf32, #tpu.memory_space<vmem>>, vector<16xf32>,
      %mul3A_604 = arith.mulf %sub3A_599, %sub3A_599 : vector<16xf32>
      %add3A_605 = arith.addf %broadcast_in_dim3A_592, %mul3A_604 : vector<16xf32>
      %broadcast_in_dim3A_606 = arith.constant 1 : i32
      %broadcast_in_dim3A_607 = vector.broadcast %broadcast_in_dim3A_606 : i32 to vector<16xi32>
      %add3A_608 = arith.addi %mul3A_584, %broadcast_in_dim3A_607 : vector<16xi32>
      %gather3A_609 = tpu.vector_load_idx %arg14[%add3A_608] : memref<30000xf32, #tpu.memory_space<vmem>>[vector<16xi32>], vector<16xf32>,
      %add3A_610 = arith.addi %mul3A_590, %broadcast_in_dim3A_607 : vector<16xi32>
      %gather3A_611 = tpu.vector_load_idx %arg14[%add3A_610] : memref<30000xf32, #tpu.memory_space<vmem>>[vector<16xi32>], vector<16xf32>,
      %sub3A_612 = arith.subf %gather3A_609, %gather3A_611 : vector<16xf32>
      %swap3A_613 = arith.constant 9 : i32
      %swap3A_614 = arith.index_cast %swap3A_613 : i32 to index
      %swap3A_615 = arith.constant 0 : index
      %swap3A_616 = tpu.vector_load %arg15[%swap3A_614, %swap3A_615] {strides = array<i32>} : memref<16x128xf32, #tpu.memory_space<vmem>>, vector<16xf32>,
      tpu.vector_store %arg15[%swap3A_614, %swap3A_615], %sub3A_612 {strides = array<i32>} : memref<16x128xf32, #tpu.memory_space<vmem>>, vector<16xf32>,
      %mul3A_617 = arith.mulf %sub3A_612, %sub3A_612 : vector<16xf32>
      %add3A_618 = arith.addf %add3A_605, %mul3A_617 : vector<16xf32>
      %broadcast_in_dim3A_619 = arith.constant 2 : i32
      %broadcast_in_dim3A_620 = vector.broadcast %broadcast_in_dim3A_619 : i32 to vector<16xi32>
      %add3A_621 = arith.addi %mul3A_584, %broadcast_in_dim3A_620 : vector<16xi32>
      %gather3A_622 = tpu.vector_load_idx %arg14[%add3A_621] : memref<30000xf32, #tpu.memory_space<vmem>>[vector<16xi32>], vector<16xf32>,
      %add3A_623 = arith.addi %mul3A_590, %broadcast_in_dim3A_620 : vector<16xi32>
      %gather3A_624 = tpu.vector_load_idx %arg14[%add3A_623] : memref<30000xf32, #tpu.memory_space<vmem>>[vector<16xi32>], vector<16xf32>,
      %sub3A_625 = arith.subf %gather3A_622, %gather3A_624 : vector<16xf32>
      %swap3A_626 = arith.constant 10 : i32
      %swap3A_627 = arith.index_cast %swap3A_626 : i32 to index
      %swap3A_628 = arith.constant 0 : index
      %swap3A_629 = tpu.vector_load %arg15[%swap3A_627, %swap3A_628] {strides = array<i32>} : memref<16x128xf32, #tpu.memory_space<vmem>>, vector<16xf32>,
      tpu.vector_store %arg15[%swap3A_627, %swap3A_628], %sub3A_625 {strides = array<i32>} : memref<16x128xf32, #tpu.memory_space<vmem>>, vector<16xf32>,
      %mul3A_630 = arith.mulf %sub3A_625, %sub3A_625 : vector<16xf32>
      %add3A_631 = arith.addf %add3A_618, %mul3A_630 : vector<16xf32>
      %swap3A_632 = arith.constant 11 : i32
      %swap3A_633 = arith.index_cast %swap3A_632 : i32 to index
      %swap3A_634 = arith.constant 0 : index
      %swap3A_635 = tpu.vector_load %arg15[%swap3A_633, %swap3A_634] {strides = array<i32>} : memref<16x128xf32, #tpu.memory_space<vmem>>, vector<16xf32>,
      tpu.vector_store %arg15[%swap3A_633, %swap3A_634], %add3A_631 {strides = array<i32>} : memref<16x128xf32, #tpu.memory_space<vmem>>, vector<16xf32>,
      %get3A_636 = arith.index_cast %rem3A_75 : i32 to index
      %get3A_637 = arith.constant 144 : index
      %get3A_638 = tpu.vector_load %arg11[%get3A_636, %get3A_637] {strides = array<i32>} : memref<2x512xi32, #tpu.memory_space<vmem>>, vector<16xi32>,
      %mul3A_639 = arith.constant 3 : i32
      %mul3A_640 = vector.broadcast %mul3A_639 : i32 to vector<16xi32>
      %mul3A_641 = arith.muli %get3A_638, %mul3A_640 : vector<16xi32>
      %get3A_642 = arith.index_cast %rem3A_75 : i32 to index
      %get3A_643 = arith.constant 400 : index
      %get3A_644 = tpu.vector_load %arg11[%get3A_642, %get3A_643] {strides = array<i32>} : memref<2x512xi32, #tpu.memory_space<vmem>>, vector<16xi32>,
      %mul3A_645 = arith.constant 3 : i32
      %mul3A_646 = vector.broadcast %mul3A_645 : i32 to vector<16xi32>
      %mul3A_647 = arith.muli %get3A_644, %mul3A_646 : vector<16xi32>
      %broadcast_in_dim3A_648 = arith.constant 0.000000e+00 : f32
      %broadcast_in_dim3A_649 = vector.broadcast %broadcast_in_dim3A_648 : f32 to vector<16xf32>
      %broadcast_in_dim3A_650 = arith.constant 0 : i32
      %broadcast_in_dim3A_651 = vector.broadcast %broadcast_in_dim3A_650 : i32 to vector<16xi32>
      %add3A_652 = arith.addi %mul3A_641, %broadcast_in_dim3A_651 : vector<16xi32>
      %gather3A_653 = tpu.vector_load_idx %arg14[%add3A_652] : memref<30000xf32, #tpu.memory_space<vmem>>[vector<16xi32>], vector<16xf32>,
      %add3A_654 = arith.addi %mul3A_647, %broadcast_in_dim3A_651 : vector<16xi32>
      %gather3A_655 = tpu.vector_load_idx %arg14[%add3A_654] : memref<30000xf32, #tpu.memory_space<vmem>>[vector<16xi32>], vector<16xf32>,
      %sub3A_656 = arith.subf %gather3A_653, %gather3A_655 : vector<16xf32>
      %swap3A_657 = arith.constant 8 : i32
      %swap3A_658 = arith.index_cast %swap3A_657 : i32 to index
      %swap3A_659 = arith.constant 16 : index
      %swap3A_660 = tpu.vector_load %arg15[%swap3A_658, %swap3A_659] {strides = array<i32>} : memref<16x128xf32, #tpu.memory_space<vmem>>, vector<16xf32>,
      tpu.vector_store %arg15[%swap3A_658, %swap3A_659], %sub3A_656 {strides = array<i32>} : memref<16x128xf32, #tpu.memory_space<vmem>>, vector<16xf32>,
      %mul3A_661 = arith.mulf %sub3A_656, %sub3A_656 : vector<16xf32>
      %add3A_662 = arith.addf %broadcast_in_dim3A_649, %mul3A_661 : vector<16xf32>
      %broadcast_in_dim3A_663 = arith.constant 1 : i32
      %broadcast_in_dim3A_664 = vector.broadcast %broadcast_in_dim3A_663 : i32 to vector<16xi32>
      %add3A_665 = arith.addi %mul3A_641, %broadcast_in_dim3A_664 : vector<16xi32>
      %gather3A_666 = tpu.vector_load_idx %arg14[%add3A_665] : memref<30000xf32, #tpu.memory_space<vmem>>[vector<16xi32>], vector<16xf32>,
      %add3A_667 = arith.addi %mul3A_647, %broadcast_in_dim3A_664 : vector<16xi32>
      %gather3A_668 = tpu.vector_load_idx %arg14[%add3A_667] : memref<30000xf32, #tpu.memory_space<vmem>>[vector<16xi32>], vector<16xf32>,
      %sub3A_669 = arith.subf %gather3A_666, %gather3A_668 : vector<16xf32>
      %swap3A_670 = arith.constant 9 : i32
      %swap3A_671 = arith.index_cast %swap3A_670 : i32 to index
      %swap3A_672 = arith.constant 16 : index
      %swap3A_673 = tpu.vector_load %arg15[%swap3A_671, %swap3A_672] {strides = array<i32>} : memref<16x128xf32, #tpu.memory_space<vmem>>, vector<16xf32>,
      tpu.vector_store %arg15[%swap3A_671, %swap3A_672], %sub3A_669 {strides = array<i32>} : memref<16x128xf32, #tpu.memory_space<vmem>>, vector<16xf32>,
      %mul3A_674 = arith.mulf %sub3A_669, %sub3A_669 : vector<16xf32>
      %add3A_675 = arith.addf %add3A_662, %mul3A_674 : vector<16xf32>
      %broadcast_in_dim3A_676 = arith.constant 2 : i32
      %broadcast_in_dim3A_677 = vector.broadcast %broadcast_in_dim3A_676 : i32 to vector<16xi32>
      %add3A_678 = arith.addi %mul3A_641, %broadcast_in_dim3A_677 : vector<16xi32>
      %gather3A_679 = tpu.vector_load_idx %arg14[%add3A_678] : memref<30000xf32, #tpu.memory_space<vmem>>[vector<16xi32>], vector<16xf32>,
      %add3A_680 = arith.addi %mul3A_647, %broadcast_in_dim3A_677 : vector<16xi32>
      %gather3A_681 = tpu.vector_load_idx %arg14[%add3A_680] : memref<30000xf32, #tpu.memory_space<vmem>>[vector<16xi32>], vector<16xf32>,
      %sub3A_682 = arith.subf %gather3A_679, %gather3A_681 : vector<16xf32>
      %swap3A_683 = arith.constant 10 : i32
      %swap3A_684 = arith.index_cast %swap3A_683 : i32 to index
      %swap3A_685 = arith.constant 16 : index
      %swap3A_686 = tpu.vector_load %arg15[%swap3A_684, %swap3A_685] {strides = array<i32>} : memref<16x128xf32, #tpu.memory_space<vmem>>, vector<16xf32>,
      tpu.vector_store %arg15[%swap3A_684, %swap3A_685], %sub3A_682 {strides = array<i32>} : memref<16x128xf32, #tpu.memory_space<vmem>>, vector<16xf32>,
      %mul3A_687 = arith.mulf %sub3A_682, %sub3A_682 : vector<16xf32>
      %add3A_688 = arith.addf %add3A_675, %mul3A_687 : vector<16xf32>
      %swap3A_689 = arith.constant 11 : i32
      %swap3A_690 = arith.index_cast %swap3A_689 : i32 to index
      %swap3A_691 = arith.constant 16 : index
      %swap3A_692 = tpu.vector_load %arg15[%swap3A_690, %swap3A_691] {strides = array<i32>} : memref<16x128xf32, #tpu.memory_space<vmem>>, vector<16xf32>,
      tpu.vector_store %arg15[%swap3A_690, %swap3A_691], %add3A_688 {strides = array<i32>} : memref<16x128xf32, #tpu.memory_space<vmem>>, vector<16xf32>,
      %get3A_693 = arith.index_cast %rem3A_75 : i32 to index
      %get3A_694 = arith.constant 160 : index
      %get3A_695 = tpu.vector_load %arg11[%get3A_693, %get3A_694] {strides = array<i32>} : memref<2x512xi32, #tpu.memory_space<vmem>>, vector<16xi32>,
      %mul3A_696 = arith.constant 3 : i32
      %mul3A_697 = vector.broadcast %mul3A_696 : i32 to vector<16xi32>
      %mul3A_698 = arith.muli %get3A_695, %mul3A_697 : vector<16xi32>
      %get3A_699 = arith.index_cast %rem3A_75 : i32 to index
      %get3A_700 = arith.constant 416 : index
      %get3A_701 = tpu.vector_load %arg11[%get3A_699, %get3A_700] {strides = array<i32>} : memref<2x512xi32, #tpu.memory_space<vmem>>, vector<16xi32>,
      %mul3A_702 = arith.constant 3 : i32
      %mul3A_703 = vector.broadcast %mul3A_702 : i32 to vector<16xi32>
      %mul3A_704 = arith.muli %get3A_701, %mul3A_703 : vector<16xi32>
      %broadcast_in_dim3A_705 = arith.constant 0.000000e+00 : f32
      %broadcast_in_dim3A_706 = vector.broadcast %broadcast_in_dim3A_705 : f32 to vector<16xf32>
      %broadcast_in_dim3A_707 = arith.constant 0 : i32
      %broadcast_in_dim3A_708 = vector.broadcast %broadcast_in_dim3A_707 : i32 to vector<16xi32>
      %add3A_709 = arith.addi %mul3A_698, %broadcast_in_dim3A_708 : vector<16xi32>
      %gather3A_710 = tpu.vector_load_idx %arg14[%add3A_709] : memref<30000xf32, #tpu.memory_space<vmem>>[vector<16xi32>], vector<16xf32>,
      %add3A_711 = arith.addi %mul3A_704, %broadcast_in_dim3A_708 : vector<16xi32>
      %gather3A_712 = tpu.vector_load_idx %arg14[%add3A_711] : memref<30000xf32, #tpu.memory_space<vmem>>[vector<16xi32>], vector<16xf32>,
      %sub3A_713 = arith.subf %gather3A_710, %gather3A_712 : vector<16xf32>
      %swap3A_714 = arith.constant 8 : i32
      %swap3A_715 = arith.index_cast %swap3A_714 : i32 to index
      %swap3A_716 = arith.constant 32 : index
      %swap3A_717 = tpu.vector_load %arg15[%swap3A_715, %swap3A_716] {strides = array<i32>} : memref<16x128xf32, #tpu.memory_space<vmem>>, vector<16xf32>,
      tpu.vector_store %arg15[%swap3A_715, %swap3A_716], %sub3A_713 {strides = array<i32>} : memref<16x128xf32, #tpu.memory_space<vmem>>, vector<16xf32>,
      %mul3A_718 = arith.mulf %sub3A_713, %sub3A_713 : vector<16xf32>
      %add3A_719 = arith.addf %broadcast_in_dim3A_706, %mul3A_718 : vector<16xf32>
      %broadcast_in_dim3A_720 = arith.constant 1 : i32
      %broadcast_in_dim3A_721 = vector.broadcast %broadcast_in_dim3A_720 : i32 to vector<16xi32>
      %add3A_722 = arith.addi %mul3A_698, %broadcast_in_dim3A_721 : vector<16xi32>
      %gather3A_723 = tpu.vector_load_idx %arg14[%add3A_722] : memref<30000xf32, #tpu.memory_space<vmem>>[vector<16xi32>], vector<16xf32>,
      %add3A_724 = arith.addi %mul3A_704, %broadcast_in_dim3A_721 : vector<16xi32>
      %gather3A_725 = tpu.vector_load_idx %arg14[%add3A_724] : memref<30000xf32, #tpu.memory_space<vmem>>[vector<16xi32>], vector<16xf32>,
      %sub3A_726 = arith.subf %gather3A_723, %gather3A_725 : vector<16xf32>
      %swap3A_727 = arith.constant 9 : i32
      %swap3A_728 = arith.index_cast %swap3A_727 : i32 to index
      %swap3A_729 = arith.constant 32 : index
      %swap3A_730 = tpu.vector_load %arg15[%swap3A_728, %swap3A_729] {strides = array<i32>} : memref<16x128xf32, #tpu.memory_space<vmem>>, vector<16xf32>,
      tpu.vector_store %arg15[%swap3A_728, %swap3A_729], %sub3A_726 {strides = array<i32>} : memref<16x128xf32, #tpu.memory_space<vmem>>, vector<16xf32>,
      %mul3A_731 = arith.mulf %sub3A_726, %sub3A_726 : vector<16xf32>
      %add3A_732 = arith.addf %add3A_719, %mul3A_731 : vector<16xf32>
      %broadcast_in_dim3A_733 = arith.constant 2 : i32
      %broadcast_in_dim3A_734 = vector.broadcast %broadcast_in_dim3A_733 : i32 to vector<16xi32>
      %add3A_735 = arith.addi %mul3A_698, %broadcast_in_dim3A_734 : vector<16xi32>
      %gather3A_736 = tpu.vector_load_idx %arg14[%add3A_735] : memref<30000xf32, #tpu.memory_space<vmem>>[vector<16xi32>], vector<16xf32>,
      %add3A_737 = arith.addi %mul3A_704, %broadcast_in_dim3A_734 : vector<16xi32>
      %gather3A_738 = tpu.vector_load_idx %arg14[%add3A_737] : memref<30000xf32, #tpu.memory_space<vmem>>[vector<16xi32>], vector<16xf32>,
      %sub3A_739 = arith.subf %gather3A_736, %gather3A_738 : vector<16xf32>
      %swap3A_740 = arith.constant 10 : i32
      %swap3A_741 = arith.index_cast %swap3A_740 : i32 to index
      %swap3A_742 = arith.constant 32 : index
      %swap3A_743 = tpu.vector_load %arg15[%swap3A_741, %swap3A_742] {strides = array<i32>} : memref<16x128xf32, #tpu.memory_space<vmem>>, vector<16xf32>,
      tpu.vector_store %arg15[%swap3A_741, %swap3A_742], %sub3A_739 {strides = array<i32>} : memref<16x128xf32, #tpu.memory_space<vmem>>, vector<16xf32>,
      %mul3A_744 = arith.mulf %sub3A_739, %sub3A_739 : vector<16xf32>
      %add3A_745 = arith.addf %add3A_732, %mul3A_744 : vector<16xf32>
      %swap3A_746 = arith.constant 11 : i32
      %swap3A_747 = arith.index_cast %swap3A_746 : i32 to index
      %swap3A_748 = arith.constant 32 : index
      %swap3A_749 = tpu.vector_load %arg15[%swap3A_747, %swap3A_748] {strides = array<i32>} : memref<16x128xf32, #tpu.memory_space<vmem>>, vector<16xf32>,
      tpu.vector_store %arg15[%swap3A_747, %swap3A_748], %add3A_745 {strides = array<i32>} : memref<16x128xf32, #tpu.memory_space<vmem>>, vector<16xf32>,
      %get3A_750 = arith.index_cast %rem3A_75 : i32 to index
      %get3A_751 = arith.constant 176 : index
      %get3A_752 = tpu.vector_load %arg11[%get3A_750, %get3A_751] {strides = array<i32>} : memref<2x512xi32, #tpu.memory_space<vmem>>, vector<16xi32>,
      %mul3A_753 = arith.constant 3 : i32
      %mul3A_754 = vector.broadcast %mul3A_753 : i32 to vector<16xi32>
      %mul3A_755 = arith.muli %get3A_752, %mul3A_754 : vector<16xi32>
      %get3A_756 = arith.index_cast %rem3A_75 : i32 to index
      %get3A_757 = arith.constant 432 : index
      %get3A_758 = tpu.vector_load %arg11[%get3A_756, %get3A_757] {strides = array<i32>} : memref<2x512xi32, #tpu.memory_space<vmem>>, vector<16xi32>,
      %mul3A_759 = arith.constant 3 : i32
      %mul3A_760 = vector.broadcast %mul3A_759 : i32 to vector<16xi32>
      %mul3A_761 = arith.muli %get3A_758, %mul3A_760 : vector<16xi32>
      %broadcast_in_dim3A_762 = arith.constant 0.000000e+00 : f32
      %broadcast_in_dim3A_763 = vector.broadcast %broadcast_in_dim3A_762 : f32 to vector<16xf32>
      %broadcast_in_dim3A_764 = arith.constant 0 : i32
      %broadcast_in_dim3A_765 = vector.broadcast %broadcast_in_dim3A_764 : i32 to vector<16xi32>
      %add3A_766 = arith.addi %mul3A_755, %broadcast_in_dim3A_765 : vector<16xi32>
      %gather3A_767 = tpu.vector_load_idx %arg14[%add3A_766] : memref<30000xf32, #tpu.memory_space<vmem>>[vector<16xi32>], vector<16xf32>,
      %add3A_768 = arith.addi %mul3A_761, %broadcast_in_dim3A_765 : vector<16xi32>
      %gather3A_769 = tpu.vector_load_idx %arg14[%add3A_768] : memref<30000xf32, #tpu.memory_space<vmem>>[vector<16xi32>], vector<16xf32>,
      %sub3A_770 = arith.subf %gather3A_767, %gather3A_769 : vector<16xf32>
      %swap3A_771 = arith.constant 8 : i32
      %swap3A_772 = arith.index_cast %swap3A_771 : i32 to index
      %swap3A_773 = arith.constant 48 : index
      %swap3A_774 = tpu.vector_load %arg15[%swap3A_772, %swap3A_773] {strides = array<i32>} : memref<16x128xf32, #tpu.memory_space<vmem>>, vector<16xf32>,
      tpu.vector_store %arg15[%swap3A_772, %swap3A_773], %sub3A_770 {strides = array<i32>} : memref<16x128xf32, #tpu.memory_space<vmem>>, vector<16xf32>,
      %mul3A_775 = arith.mulf %sub3A_770, %sub3A_770 : vector<16xf32>
      %add3A_776 = arith.addf %broadcast_in_dim3A_763, %mul3A_775 : vector<16xf32>
      %broadcast_in_dim3A_777 = arith.constant 1 : i32
      %broadcast_in_dim3A_778 = vector.broadcast %broadcast_in_dim3A_777 : i32 to vector<16xi32>
      %add3A_779 = arith.addi %mul3A_755, %broadcast_in_dim3A_778 : vector<16xi32>
      %gather3A_780 = tpu.vector_load_idx %arg14[%add3A_779] : memref<30000xf32, #tpu.memory_space<vmem>>[vector<16xi32>], vector<16xf32>,
      %add3A_781 = arith.addi %mul3A_761, %broadcast_in_dim3A_778 : vector<16xi32>
      %gather3A_782 = tpu.vector_load_idx %arg14[%add3A_781] : memref<30000xf32, #tpu.memory_space<vmem>>[vector<16xi32>], vector<16xf32>,
      %sub3A_783 = arith.subf %gather3A_780, %gather3A_782 : vector<16xf32>
      %swap3A_784 = arith.constant 9 : i32
      %swap3A_785 = arith.index_cast %swap3A_784 : i32 to index
      %swap3A_786 = arith.constant 48 : index
      %swap3A_787 = tpu.vector_load %arg15[%swap3A_785, %swap3A_786] {strides = array<i32>} : memref<16x128xf32, #tpu.memory_space<vmem>>, vector<16xf32>,
      tpu.vector_store %arg15[%swap3A_785, %swap3A_786], %sub3A_783 {strides = array<i32>} : memref<16x128xf32, #tpu.memory_space<vmem>>, vector<16xf32>,
      %mul3A_788 = arith.mulf %sub3A_783, %sub3A_783 : vector<16xf32>
      %add3A_789 = arith.addf %add3A_776, %mul3A_788 : vector<16xf32>
      %broadcast_in_dim3A_790 = arith.constant 2 : i32
      %broadcast_in_dim3A_791 = vector.broadcast %broadcast_in_dim3A_790 : i32 to vector<16xi32>
      %add3A_792 = arith.addi %mul3A_755, %broadcast_in_dim3A_791 : vector<16xi32>
      %gather3A_793 = tpu.vector_load_idx %arg14[%add3A_792] : memref<30000xf32, #tpu.memory_space<vmem>>[vector<16xi32>], vector<16xf32>,
      %add3A_794 = arith.addi %mul3A_761, %broadcast_in_dim3A_791 : vector<16xi32>
      %gather3A_795 = tpu.vector_load_idx %arg14[%add3A_794] : memref<30000xf32, #tpu.memory_space<vmem>>[vector<16xi32>], vector<16xf32>,
      %sub3A_796 = arith.subf %gather3A_793, %gather3A_795 : vector<16xf32>
      %swap3A_797 = arith.constant 10 : i32
      %swap3A_798 = arith.index_cast %swap3A_797 : i32 to index
      %swap3A_799 = arith.constant 48 : index
      %swap3A_800 = tpu.vector_load %arg15[%swap3A_798, %swap3A_799] {strides = array<i32>} : memref<16x128xf32, #tpu.memory_space<vmem>>, vector<16xf32>,
      tpu.vector_store %arg15[%swap3A_798, %swap3A_799], %sub3A_796 {strides = array<i32>} : memref<16x128xf32, #tpu.memory_space<vmem>>, vector<16xf32>,
      %mul3A_801 = arith.mulf %sub3A_796, %sub3A_796 : vector<16xf32>
      %add3A_802 = arith.addf %add3A_789, %mul3A_801 : vector<16xf32>
      %swap3A_803 = arith.constant 11 : i32
      %swap3A_804 = arith.index_cast %swap3A_803 : i32 to index
      %swap3A_805 = arith.constant 48 : index
      %swap3A_806 = tpu.vector_load %arg15[%swap3A_804, %swap3A_805] {strides = array<i32>} : memref<16x128xf32, #tpu.memory_space<vmem>>, vector<16xf32>,
      tpu.vector_store %arg15[%swap3A_804, %swap3A_805], %add3A_802 {strides = array<i32>} : memref<16x128xf32, #tpu.memory_space<vmem>>, vector<16xf32>,
      %get3A_807 = arith.index_cast %rem3A_75 : i32 to index
      %get3A_808 = arith.constant 192 : index
      %get3A_809 = tpu.vector_load %arg11[%get3A_807, %get3A_808] {strides = array<i32>} : memref<2x512xi32, #tpu.memory_space<vmem>>, vector<16xi32>,
      %mul3A_810 = arith.constant 3 : i32
      %mul3A_811 = vector.broadcast %mul3A_810 : i32 to vector<16xi32>
      %mul3A_812 = arith.muli %get3A_809, %mul3A_811 : vector<16xi32>
      %get3A_813 = arith.index_cast %rem3A_75 : i32 to index
      %get3A_814 = arith.constant 448 : index
      %get3A_815 = tpu.vector_load %arg11[%get3A_813, %get3A_814] {strides = array<i32>} : memref<2x512xi32, #tpu.memory_space<vmem>>, vector<16xi32>,
      %mul3A_816 = arith.constant 3 : i32
      %mul3A_817 = vector.broadcast %mul3A_816 : i32 to vector<16xi32>
      %mul3A_818 = arith.muli %get3A_815, %mul3A_817 : vector<16xi32>
      %broadcast_in_dim3A_819 = arith.constant 0.000000e+00 : f32
      %broadcast_in_dim3A_820 = vector.broadcast %broadcast_in_dim3A_819 : f32 to vector<16xf32>
      %broadcast_in_dim3A_821 = arith.constant 0 : i32
      %broadcast_in_dim3A_822 = vector.broadcast %broadcast_in_dim3A_821 : i32 to vector<16xi32>
      %add3A_823 = arith.addi %mul3A_812, %broadcast_in_dim3A_822 : vector<16xi32>
      %gather3A_824 = tpu.vector_load_idx %arg14[%add3A_823] : memref<30000xf32, #tpu.memory_space<vmem>>[vector<16xi32>], vector<16xf32>,
      %add3A_825 = arith.addi %mul3A_818, %broadcast_in_dim3A_822 : vector<16xi32>
      %gather3A_826 = tpu.vector_load_idx %arg14[%add3A_825] : memref<30000xf32, #tpu.memory_space<vmem>>[vector<16xi32>], vector<16xf32>,
      %sub3A_827 = arith.subf %gather3A_824, %gather3A_826 : vector<16xf32>
      %swap3A_828 = arith.constant 8 : i32
      %swap3A_829 = arith.index_cast %swap3A_828 : i32 to index
      %swap3A_830 = arith.constant 64 : index
      %swap3A_831 = tpu.vector_load %arg15[%swap3A_829, %swap3A_830] {strides = array<i32>} : memref<16x128xf32, #tpu.memory_space<vmem>>, vector<16xf32>,
      tpu.vector_store %arg15[%swap3A_829, %swap3A_830], %sub3A_827 {strides = array<i32>} : memref<16x128xf32, #tpu.memory_space<vmem>>, vector<16xf32>,
      %mul3A_832 = arith.mulf %sub3A_827, %sub3A_827 : vector<16xf32>
      %add3A_833 = arith.addf %broadcast_in_dim3A_820, %mul3A_832 : vector<16xf32>
      %broadcast_in_dim3A_834 = arith.constant 1 : i32
      %broadcast_in_dim3A_835 = vector.broadcast %broadcast_in_dim3A_834 : i32 to vector<16xi32>
      %add3A_836 = arith.addi %mul3A_812, %broadcast_in_dim3A_835 : vector<16xi32>
      %gather3A_837 = tpu.vector_load_idx %arg14[%add3A_836] : memref<30000xf32, #tpu.memory_space<vmem>>[vector<16xi32>], vector<16xf32>,
      %add3A_838 = arith.addi %mul3A_818, %broadcast_in_dim3A_835 : vector<16xi32>
      %gather3A_839 = tpu.vector_load_idx %arg14[%add3A_838] : memref<30000xf32, #tpu.memory_space<vmem>>[vector<16xi32>], vector<16xf32>,
      %sub3A_840 = arith.subf %gather3A_837, %gather3A_839 : vector<16xf32>
      %swap3A_841 = arith.constant 9 : i32
      %swap3A_842 = arith.index_cast %swap3A_841 : i32 to index
      %swap3A_843 = arith.constant 64 : index
      %swap3A_844 = tpu.vector_load %arg15[%swap3A_842, %swap3A_843] {strides = array<i32>} : memref<16x128xf32, #tpu.memory_space<vmem>>, vector<16xf32>,
      tpu.vector_store %arg15[%swap3A_842, %swap3A_843], %sub3A_840 {strides = array<i32>} : memref<16x128xf32, #tpu.memory_space<vmem>>, vector<16xf32>,
      %mul3A_845 = arith.mulf %sub3A_840, %sub3A_840 : vector<16xf32>
      %add3A_846 = arith.addf %add3A_833, %mul3A_845 : vector<16xf32>
      %broadcast_in_dim3A_847 = arith.constant 2 : i32
      %broadcast_in_dim3A_848 = vector.broadcast %broadcast_in_dim3A_847 : i32 to vector<16xi32>
      %add3A_849 = arith.addi %mul3A_812, %broadcast_in_dim3A_848 : vector<16xi32>
      %gather3A_850 = tpu.vector_load_idx %arg14[%add3A_849] : memref<30000xf32, #tpu.memory_space<vmem>>[vector<16xi32>], vector<16xf32>,
      %add3A_851 = arith.addi %mul3A_818, %broadcast_in_dim3A_848 : vector<16xi32>
      %gather3A_852 = tpu.vector_load_idx %arg14[%add3A_851] : memref<30000xf32, #tpu.memory_space<vmem>>[vector<16xi32>], vector<16xf32>,
      %sub3A_853 = arith.subf %gather3A_850, %gather3A_852 : vector<16xf32>
      %swap3A_854 = arith.constant 10 : i32
      %swap3A_855 = arith.index_cast %swap3A_854 : i32 to index
      %swap3A_856 = arith.constant 64 : index
      %swap3A_857 = tpu.vector_load %arg15[%swap3A_855, %swap3A_856] {strides = array<i32>} : memref<16x128xf32, #tpu.memory_space<vmem>>, vector<16xf32>,
      tpu.vector_store %arg15[%swap3A_855, %swap3A_856], %sub3A_853 {strides = array<i32>} : memref<16x128xf32, #tpu.memory_space<vmem>>, vector<16xf32>,
      %mul3A_858 = arith.mulf %sub3A_853, %sub3A_853 : vector<16xf32>
      %add3A_859 = arith.addf %add3A_846, %mul3A_858 : vector<16xf32>
      %swap3A_860 = arith.constant 11 : i32
      %swap3A_861 = arith.index_cast %swap3A_860 : i32 to index
      %swap3A_862 = arith.constant 64 : index
      %swap3A_863 = tpu.vector_load %arg15[%swap3A_861, %swap3A_862] {strides = array<i32>} : memref<16x128xf32, #tpu.memory_space<vmem>>, vector<16xf32>,
      tpu.vector_store %arg15[%swap3A_861, %swap3A_862], %add3A_859 {strides = array<i32>} : memref<16x128xf32, #tpu.memory_space<vmem>>, vector<16xf32>,
      %get3A_864 = arith.index_cast %rem3A_75 : i32 to index
      %get3A_865 = arith.constant 208 : index
      %get3A_866 = tpu.vector_load %arg11[%get3A_864, %get3A_865] {strides = array<i32>} : memref<2x512xi32, #tpu.memory_space<vmem>>, vector<16xi32>,
      %mul3A_867 = arith.constant 3 : i32
      %mul3A_868 = vector.broadcast %mul3A_867 : i32 to vector<16xi32>
      %mul3A_869 = arith.muli %get3A_866, %mul3A_868 : vector<16xi32>
      %get3A_870 = arith.index_cast %rem3A_75 : i32 to index
      %get3A_871 = arith.constant 464 : index
      %get3A_872 = tpu.vector_load %arg11[%get3A_870, %get3A_871] {strides = array<i32>} : memref<2x512xi32, #tpu.memory_space<vmem>>, vector<16xi32>,
      %mul3A_873 = arith.constant 3 : i32
      %mul3A_874 = vector.broadcast %mul3A_873 : i32 to vector<16xi32>
      %mul3A_875 = arith.muli %get3A_872, %mul3A_874 : vector<16xi32>
      %broadcast_in_dim3A_876 = arith.constant 0.000000e+00 : f32
      %broadcast_in_dim3A_877 = vector.broadcast %broadcast_in_dim3A_876 : f32 to vector<16xf32>
      %broadcast_in_dim3A_878 = arith.constant 0 : i32
      %broadcast_in_dim3A_879 = vector.broadcast %broadcast_in_dim3A_878 : i32 to vector<16xi32>
      %add3A_880 = arith.addi %mul3A_869, %broadcast_in_dim3A_879 : vector<16xi32>
      %gather3A_881 = tpu.vector_load_idx %arg14[%add3A_880] : memref<30000xf32, #tpu.memory_space<vmem>>[vector<16xi32>], vector<16xf32>,
      %add3A_882 = arith.addi %mul3A_875, %broadcast_in_dim3A_879 : vector<16xi32>
      %gather3A_883 = tpu.vector_load_idx %arg14[%add3A_882] : memref<30000xf32, #tpu.memory_space<vmem>>[vector<16xi32>], vector<16xf32>,
      %sub3A_884 = arith.subf %gather3A_881, %gather3A_883 : vector<16xf32>
      %swap3A_885 = arith.constant 8 : i32
      %swap3A_886 = arith.index_cast %swap3A_885 : i32 to index
      %swap3A_887 = arith.constant 80 : index
      %swap3A_888 = tpu.vector_load %arg15[%swap3A_886, %swap3A_887] {strides = array<i32>} : memref<16x128xf32, #tpu.memory_space<vmem>>, vector<16xf32>,
      tpu.vector_store %arg15[%swap3A_886, %swap3A_887], %sub3A_884 {strides = array<i32>} : memref<16x128xf32, #tpu.memory_space<vmem>>, vector<16xf32>,
      %mul3A_889 = arith.mulf %sub3A_884, %sub3A_884 : vector<16xf32>
      %add3A_890 = arith.addf %broadcast_in_dim3A_877, %mul3A_889 : vector<16xf32>
      %broadcast_in_dim3A_891 = arith.constant 1 : i32
      %broadcast_in_dim3A_892 = vector.broadcast %broadcast_in_dim3A_891 : i32 to vector<16xi32>
      %add3A_893 = arith.addi %mul3A_869, %broadcast_in_dim3A_892 : vector<16xi32>
      %gather3A_894 = tpu.vector_load_idx %arg14[%add3A_893] : memref<30000xf32, #tpu.memory_space<vmem>>[vector<16xi32>], vector<16xf32>,
      %add3A_895 = arith.addi %mul3A_875, %broadcast_in_dim3A_892 : vector<16xi32>
      %gather3A_896 = tpu.vector_load_idx %arg14[%add3A_895] : memref<30000xf32, #tpu.memory_space<vmem>>[vector<16xi32>], vector<16xf32>,
      %sub3A_897 = arith.subf %gather3A_894, %gather3A_896 : vector<16xf32>
      %swap3A_898 = arith.constant 9 : i32
      %swap3A_899 = arith.index_cast %swap3A_898 : i32 to index
      %swap3A_900 = arith.constant 80 : index
      %swap3A_901 = tpu.vector_load %arg15[%swap3A_899, %swap3A_900] {strides = array<i32>} : memref<16x128xf32, #tpu.memory_space<vmem>>, vector<16xf32>,
      tpu.vector_store %arg15[%swap3A_899, %swap3A_900], %sub3A_897 {strides = array<i32>} : memref<16x128xf32, #tpu.memory_space<vmem>>, vector<16xf32>,
      %mul3A_902 = arith.mulf %sub3A_897, %sub3A_897 : vector<16xf32>
      %add3A_903 = arith.addf %add3A_890, %mul3A_902 : vector<16xf32>
      %broadcast_in_dim3A_904 = arith.constant 2 : i32
      %broadcast_in_dim3A_905 = vector.broadcast %broadcast_in_dim3A_904 : i32 to vector<16xi32>
      %add3A_906 = arith.addi %mul3A_869, %broadcast_in_dim3A_905 : vector<16xi32>
      %gather3A_907 = tpu.vector_load_idx %arg14[%add3A_906] : memref<30000xf32, #tpu.memory_space<vmem>>[vector<16xi32>], vector<16xf32>,
      %add3A_908 = arith.addi %mul3A_875, %broadcast_in_dim3A_905 : vector<16xi32>
      %gather3A_909 = tpu.vector_load_idx %arg14[%add3A_908] : memref<30000xf32, #tpu.memory_space<vmem>>[vector<16xi32>], vector<16xf32>,
      %sub3A_910 = arith.subf %gather3A_907, %gather3A_909 : vector<16xf32>
      %swap3A_911 = arith.constant 10 : i32
      %swap3A_912 = arith.index_cast %swap3A_911 : i32 to index
      %swap3A_913 = arith.constant 80 : index
      %swap3A_914 = tpu.vector_load %arg15[%swap3A_912, %swap3A_913] {strides = array<i32>} : memref<16x128xf32, #tpu.memory_space<vmem>>, vector<16xf32>,
      tpu.vector_store %arg15[%swap3A_912, %swap3A_913], %sub3A_910 {strides = array<i32>} : memref<16x128xf32, #tpu.memory_space<vmem>>, vector<16xf32>,
      %mul3A_915 = arith.mulf %sub3A_910, %sub3A_910 : vector<16xf32>
      %add3A_916 = arith.addf %add3A_903, %mul3A_915 : vector<16xf32>
      %swap3A_917 = arith.constant 11 : i32
      %swap3A_918 = arith.index_cast %swap3A_917 : i32 to index
      %swap3A_919 = arith.constant 80 : index
      %swap3A_920 = tpu.vector_load %arg15[%swap3A_918, %swap3A_919] {strides = array<i32>} : memref<16x128xf32, #tpu.memory_space<vmem>>, vector<16xf32>,
      tpu.vector_store %arg15[%swap3A_918, %swap3A_919], %add3A_916 {strides = array<i32>} : memref<16x128xf32, #tpu.memory_space<vmem>>, vector<16xf32>,
      %get3A_921 = arith.index_cast %rem3A_75 : i32 to index
      %get3A_922 = arith.constant 224 : index
      %get3A_923 = tpu.vector_load %arg11[%get3A_921, %get3A_922] {strides = array<i32>} : memref<2x512xi32, #tpu.memory_space<vmem>>, vector<16xi32>,
      %mul3A_924 = arith.constant 3 : i32
      %mul3A_925 = vector.broadcast %mul3A_924 : i32 to vector<16xi32>
      %mul3A_926 = arith.muli %get3A_923, %mul3A_925 : vector<16xi32>
      %get3A_927 = arith.index_cast %rem3A_75 : i32 to index
      %get3A_928 = arith.constant 480 : index
      %get3A_929 = tpu.vector_load %arg11[%get3A_927, %get3A_928] {strides = array<i32>} : memref<2x512xi32, #tpu.memory_space<vmem>>, vector<16xi32>,
      %mul3A_930 = arith.constant 3 : i32
      %mul3A_931 = vector.broadcast %mul3A_930 : i32 to vector<16xi32>
      %mul3A_932 = arith.muli %get3A_929, %mul3A_931 : vector<16xi32>
      %broadcast_in_dim3A_933 = arith.constant 0.000000e+00 : f32
      %broadcast_in_dim3A_934 = vector.broadcast %broadcast_in_dim3A_933 : f32 to vector<16xf32>
      %broadcast_in_dim3A_935 = arith.constant 0 : i32
      %broadcast_in_dim3A_936 = vector.broadcast %broadcast_in_dim3A_935 : i32 to vector<16xi32>
      %add3A_937 = arith.addi %mul3A_926, %broadcast_in_dim3A_936 : vector<16xi32>
      %gather3A_938 = tpu.vector_load_idx %arg14[%add3A_937] : memref<30000xf32, #tpu.memory_space<vmem>>[vector<16xi32>], vector<16xf32>,
      %add3A_939 = arith.addi %mul3A_932, %broadcast_in_dim3A_936 : vector<16xi32>
      %gather3A_940 = tpu.vector_load_idx %arg14[%add3A_939] : memref<30000xf32, #tpu.memory_space<vmem>>[vector<16xi32>], vector<16xf32>,
      %sub3A_941 = arith.subf %gather3A_938, %gather3A_940 : vector<16xf32>
      %swap3A_942 = arith.constant 8 : i32
      %swap3A_943 = arith.index_cast %swap3A_942 : i32 to index
      %swap3A_944 = arith.constant 96 : index
      %swap3A_945 = tpu.vector_load %arg15[%swap3A_943, %swap3A_944] {strides = array<i32>} : memref<16x128xf32, #tpu.memory_space<vmem>>, vector<16xf32>,
      tpu.vector_store %arg15[%swap3A_943, %swap3A_944], %sub3A_941 {strides = array<i32>} : memref<16x128xf32, #tpu.memory_space<vmem>>, vector<16xf32>,
      %mul3A_946 = arith.mulf %sub3A_941, %sub3A_941 : vector<16xf32>
      %add3A_947 = arith.addf %broadcast_in_dim3A_934, %mul3A_946 : vector<16xf32>
      %broadcast_in_dim3A_948 = arith.constant 1 : i32
      %broadcast_in_dim3A_949 = vector.broadcast %broadcast_in_dim3A_948 : i32 to vector<16xi32>
      %add3A_950 = arith.addi %mul3A_926, %broadcast_in_dim3A_949 : vector<16xi32>
      %gather3A_951 = tpu.vector_load_idx %arg14[%add3A_950] : memref<30000xf32, #tpu.memory_space<vmem>>[vector<16xi32>], vector<16xf32>,
      %add3A_952 = arith.addi %mul3A_932, %broadcast_in_dim3A_949 : vector<16xi32>
      %gather3A_953 = tpu.vector_load_idx %arg14[%add3A_952] : memref<30000xf32, #tpu.memory_space<vmem>>[vector<16xi32>], vector<16xf32>,
      %sub3A_954 = arith.subf %gather3A_951, %gather3A_953 : vector<16xf32>
      %swap3A_955 = arith.constant 9 : i32
      %swap3A_956 = arith.index_cast %swap3A_955 : i32 to index
      %swap3A_957 = arith.constant 96 : index
      %swap3A_958 = tpu.vector_load %arg15[%swap3A_956, %swap3A_957] {strides = array<i32>} : memref<16x128xf32, #tpu.memory_space<vmem>>, vector<16xf32>,
      tpu.vector_store %arg15[%swap3A_956, %swap3A_957], %sub3A_954 {strides = array<i32>} : memref<16x128xf32, #tpu.memory_space<vmem>>, vector<16xf32>,
      %mul3A_959 = arith.mulf %sub3A_954, %sub3A_954 : vector<16xf32>
      %add3A_960 = arith.addf %add3A_947, %mul3A_959 : vector<16xf32>
      %broadcast_in_dim3A_961 = arith.constant 2 : i32
      %broadcast_in_dim3A_962 = vector.broadcast %broadcast_in_dim3A_961 : i32 to vector<16xi32>
      %add3A_963 = arith.addi %mul3A_926, %broadcast_in_dim3A_962 : vector<16xi32>
      %gather3A_964 = tpu.vector_load_idx %arg14[%add3A_963] : memref<30000xf32, #tpu.memory_space<vmem>>[vector<16xi32>], vector<16xf32>,
      %add3A_965 = arith.addi %mul3A_932, %broadcast_in_dim3A_962 : vector<16xi32>
      %gather3A_966 = tpu.vector_load_idx %arg14[%add3A_965] : memref<30000xf32, #tpu.memory_space<vmem>>[vector<16xi32>], vector<16xf32>,
      %sub3A_967 = arith.subf %gather3A_964, %gather3A_966 : vector<16xf32>
      %swap3A_968 = arith.constant 10 : i32
      %swap3A_969 = arith.index_cast %swap3A_968 : i32 to index
      %swap3A_970 = arith.constant 96 : index
      %swap3A_971 = tpu.vector_load %arg15[%swap3A_969, %swap3A_970] {strides = array<i32>} : memref<16x128xf32, #tpu.memory_space<vmem>>, vector<16xf32>,
      tpu.vector_store %arg15[%swap3A_969, %swap3A_970], %sub3A_967 {strides = array<i32>} : memref<16x128xf32, #tpu.memory_space<vmem>>, vector<16xf32>,
      %mul3A_972 = arith.mulf %sub3A_967, %sub3A_967 : vector<16xf32>
      %add3A_973 = arith.addf %add3A_960, %mul3A_972 : vector<16xf32>
      %swap3A_974 = arith.constant 11 : i32
      %swap3A_975 = arith.index_cast %swap3A_974 : i32 to index
      %swap3A_976 = arith.constant 96 : index
      %swap3A_977 = tpu.vector_load %arg15[%swap3A_975, %swap3A_976] {strides = array<i32>} : memref<16x128xf32, #tpu.memory_space<vmem>>, vector<16xf32>,
      tpu.vector_store %arg15[%swap3A_975, %swap3A_976], %add3A_973 {strides = array<i32>} : memref<16x128xf32, #tpu.memory_space<vmem>>, vector<16xf32>,
      %get3A_978 = arith.index_cast %rem3A_75 : i32 to index
      %get3A_979 = arith.constant 240 : index
      %get3A_980 = tpu.vector_load %arg11[%get3A_978, %get3A_979] {strides = array<i32>} : memref<2x512xi32, #tpu.memory_space<vmem>>, vector<16xi32>,
      %mul3A_981 = arith.constant 3 : i32
      %mul3A_982 = vector.broadcast %mul3A_981 : i32 to vector<16xi32>
      %mul3A_983 = arith.muli %get3A_980, %mul3A_982 : vector<16xi32>
      %get3A_984 = arith.index_cast %rem3A_75 : i32 to index
      %get3A_985 = arith.constant 496 : index
      %get3A_986 = tpu.vector_load %arg11[%get3A_984, %get3A_985] {strides = array<i32>} : memref<2x512xi32, #tpu.memory_space<vmem>>, vector<16xi32>,
      %mul3A_987 = arith.constant 3 : i32
      %mul3A_988 = vector.broadcast %mul3A_987 : i32 to vector<16xi32>
      %mul3A_989 = arith.muli %get3A_986, %mul3A_988 : vector<16xi32>
      %broadcast_in_dim3A_990 = arith.constant 0.000000e+00 : f32
      %broadcast_in_dim3A_991 = vector.broadcast %broadcast_in_dim3A_990 : f32 to vector<16xf32>
      %broadcast_in_dim3A_992 = arith.constant 0 : i32
      %broadcast_in_dim3A_993 = vector.broadcast %broadcast_in_dim3A_992 : i32 to vector<16xi32>
      %add3A_994 = arith.addi %mul3A_983, %broadcast_in_dim3A_993 : vector<16xi32>
      %gather3A_995 = tpu.vector_load_idx %arg14[%add3A_994] : memref<30000xf32, #tpu.memory_space<vmem>>[vector<16xi32>], vector<16xf32>,
      %add3A_996 = arith.addi %mul3A_989, %broadcast_in_dim3A_993 : vector<16xi32>
      %gather3A_997 = tpu.vector_load_idx %arg14[%add3A_996] : memref<30000xf32, #tpu.memory_space<vmem>>[vector<16xi32>], vector<16xf32>,
      %sub3A_998 = arith.subf %gather3A_995, %gather3A_997 : vector<16xf32>
      %swap3A_999 = arith.constant 8 : i32
      %swap3A_1000 = arith.index_cast %swap3A_999 : i32 to index
      %swap3A_1001 = arith.constant 112 : index
      %swap3A_1002 = tpu.vector_load %arg15[%swap3A_1000, %swap3A_1001] {strides = array<i32>} : memref<16x128xf32, #tpu.memory_space<vmem>>, vector<16xf32>,
      tpu.vector_store %arg15[%swap3A_1000, %swap3A_1001], %sub3A_998 {strides = array<i32>} : memref<16x128xf32, #tpu.memory_space<vmem>>, vector<16xf32>,
      %mul3A_1003 = arith.mulf %sub3A_998, %sub3A_998 : vector<16xf32>
      %add3A_1004 = arith.addf %broadcast_in_dim3A_991, %mul3A_1003 : vector<16xf32>
      %broadcast_in_dim3A_1005 = arith.constant 1 : i32
      %broadcast_in_dim3A_1006 = vector.broadcast %broadcast_in_dim3A_1005 : i32 to vector<16xi32>
      %add3A_1007 = arith.addi %mul3A_983, %broadcast_in_dim3A_1006 : vector<16xi32>
      %gather3A_1008 = tpu.vector_load_idx %arg14[%add3A_1007] : memref<30000xf32, #tpu.memory_space<vmem>>[vector<16xi32>], vector<16xf32>,
      %add3A_1009 = arith.addi %mul3A_989, %broadcast_in_dim3A_1006 : vector<16xi32>
      %gather3A_1010 = tpu.vector_load_idx %arg14[%add3A_1009] : memref<30000xf32, #tpu.memory_space<vmem>>[vector<16xi32>], vector<16xf32>,
      %sub3A_1011 = arith.subf %gather3A_1008, %gather3A_1010 : vector<16xf32>
      %swap3A_1012 = arith.constant 9 : i32
      %swap3A_1013 = arith.index_cast %swap3A_1012 : i32 to index
      %swap3A_1014 = arith.constant 112 : index
      %swap3A_1015 = tpu.vector_load %arg15[%swap3A_1013, %swap3A_1014] {strides = array<i32>} : memref<16x128xf32, #tpu.memory_space<vmem>>, vector<16xf32>,
      tpu.vector_store %arg15[%swap3A_1013, %swap3A_1014], %sub3A_1011 {strides = array<i32>} : memref<16x128xf32, #tpu.memory_space<vmem>>, vector<16xf32>,
      %mul3A_1016 = arith.mulf %sub3A_1011, %sub3A_1011 : vector<16xf32>
      %add3A_1017 = arith.addf %add3A_1004, %mul3A_1016 : vector<16xf32>
      %broadcast_in_dim3A_1018 = arith.constant 2 : i32
      %broadcast_in_dim3A_1019 = vector.broadcast %broadcast_in_dim3A_1018 : i32 to vector<16xi32>
      %add3A_1020 = arith.addi %mul3A_983, %broadcast_in_dim3A_1019 : vector<16xi32>
      %gather3A_1021 = tpu.vector_load_idx %arg14[%add3A_1020] : memref<30000xf32, #tpu.memory_space<vmem>>[vector<16xi32>], vector<16xf32>,
      %add3A_1022 = arith.addi %mul3A_989, %broadcast_in_dim3A_1019 : vector<16xi32>
      %gather3A_1023 = tpu.vector_load_idx %arg14[%add3A_1022] : memref<30000xf32, #tpu.memory_space<vmem>>[vector<16xi32>], vector<16xf32>,
      %sub3A_1024 = arith.subf %gather3A_1021, %gather3A_1023 : vector<16xf32>
      %swap3A_1025 = arith.constant 10 : i32
      %swap3A_1026 = arith.index_cast %swap3A_1025 : i32 to index
      %swap3A_1027 = arith.constant 112 : index
      %swap3A_1028 = tpu.vector_load %arg15[%swap3A_1026, %swap3A_1027] {strides = array<i32>} : memref<16x128xf32, #tpu.memory_space<vmem>>, vector<16xf32>,
      tpu.vector_store %arg15[%swap3A_1026, %swap3A_1027], %sub3A_1024 {strides = array<i32>} : memref<16x128xf32, #tpu.memory_space<vmem>>, vector<16xf32>,
      %mul3A_1029 = arith.mulf %sub3A_1024, %sub3A_1024 : vector<16xf32>
      %add3A_1030 = arith.addf %add3A_1017, %mul3A_1029 : vector<16xf32>
      %swap3A_1031 = arith.constant 11 : i32
      %swap3A_1032 = arith.index_cast %swap3A_1031 : i32 to index
      %swap3A_1033 = arith.constant 112 : index
      %swap3A_1034 = tpu.vector_load %arg15[%swap3A_1032, %swap3A_1033] {strides = array<i32>} : memref<16x128xf32, #tpu.memory_space<vmem>>, vector<16xf32>,
      tpu.vector_store %arg15[%swap3A_1032, %swap3A_1033], %add3A_1030 {strides = array<i32>} : memref<16x128xf32, #tpu.memory_space<vmem>>, vector<16xf32>,
      %mul3A_1035 = arith.constant 16 : i32
      %mul3A_1036 = arith.muli %add3A_50, %mul3A_1035 : i32
      "tpu.region"() ({
        %run_scoped3A = tpu.sem_alloc : memref<!tpu.dma_semaphore, #tpu.memory_space<semaphore_mem>>
        %dma_start3A_1073 = arith.constant 0 : i32
        %dma_start3A_1074 = tpu.memref_slice %arg10[%mul3A_1036, %dma_start3A_1073] : memref<5000x128xf32, #tpu.memory_space<hbm>> -> memref<16x128xf32, #tpu.memory_space<hbm>>
        %dma_start3A_1075 = arith.constant 0 : i32
        %dma_start3A_1076 = tpu.memref_slice %arg10[%mul3A_1036, %dma_start3A_1075] : memref<5000x128xf32, #tpu.memory_space<hbm>> -> memref<16x128xf32, #tpu.memory_space<hbm>>
        tpu.enqueue_dma source(%arg15 : memref<16x128xf32, #tpu.memory_space<vmem>>) target(%dma_start3A_1076 : memref<16x128xf32, #tpu.memory_space<hbm>>) target_semaphore(%run_scoped3A : memref<!tpu.dma_semaphore, #tpu.memory_space<semaphore_mem>>)
        %dma_wait3A_1077 = arith.constant 0 : i32
        %dma_wait3A_1078 = tpu.memref_slice %arg10[%mul3A_1036, %dma_wait3A_1077] : memref<5000x128xf32, #tpu.memory_space<hbm>> -> memref<16x128xf32, #tpu.memory_space<hbm>>
        %dma_wait3A_1079 = arith.constant 0 : i32
        %dma_wait3A_1080 = tpu.memref_slice %arg10[%mul3A_1036, %dma_wait3A_1079] : memref<5000x128xf32, #tpu.memory_space<hbm>> -> memref<16x128xf32, #tpu.memory_space<hbm>>
        tpu.wait_dma2 semaphore(%run_scoped3A : memref<!tpu.dma_semaphore, #tpu.memory_space<semaphore_mem>>) src(%arg15 : memref<16x128xf32, #tpu.memory_space<vmem>>) dst(%dma_wait3A_1080 : memref<16x128xf32, #tpu.memory_space<hbm>>)
        tpu.yield
      }) : () -> ()
      %dma_wait3A_1037 = arith.constant 0 : i32
      %dma_wait3A_1038 = arith.constant 0 : i32
      %dma_wait3A_1039 = tpu.memref_slice %arg12[%dma_wait3A_1037, %dma_wait3A_1038] : memref<256x128xf32, #tpu.memory_space<vmem>> -> memref<128x128xf32, #tpu.memory_space<vmem>>
      %dma_wait3A_1040 = arith.constant 0 : i32
      %dma_wait3A_1041 = tpu.memref_slice %arg11[%rem3A_75, %dma_wait3A_1040] : memref<2x512xi32, #tpu.memory_space<vmem>> -> memref<1x128xi32, #tpu.memory_space<vmem>>
      %dma_wait3A_1042 = tpu.memref_squeeze %dma_wait3A_1041 : memref<1x128xi32, #tpu.memory_space<vmem>> -> memref<128xi32, #tpu.memory_space<vmem>>
      %dma_wait3A_1043 = arith.constant 0 : i32
      %dma_wait3A_1044 = arith.constant 0 : i32
      %dma_wait3A_1045 = tpu.memref_slice %arg2[%dma_wait3A_1043, %dma_wait3A_1044] : memref<10000x128xf32, #tpu.memory_space<hbm>> -> memref<10000x128xf32, #tpu.memory_space<hbm>>
      tpu.wait_indirect_dma semaphore(%arg16 : memref<!tpu.dma_semaphore, #tpu.memory_space<semaphore_mem>>) src(%dma_wait3A_1045 : memref<10000x128xf32, #tpu.memory_space<hbm>>) dst(%dma_wait3A_1039 : memref<128x128xf32, #tpu.memory_space<vmem>>)
      %dma_wait3A_1046 = arith.constant 128 : i32
      %dma_wait3A_1047 = arith.constant 0 : i32
      %dma_wait3A_1048 = tpu.memref_slice %arg12[%dma_wait3A_1046, %dma_wait3A_1047] : memref<256x128xf32, #tpu.memory_space<vmem>> -> memref<128x128xf32, #tpu.memory_space<vmem>>
      %dma_wait3A_1049 = arith.constant 128 : i32
      %dma_wait3A_1050 = tpu.memref_slice %arg11[%rem3A_75, %dma_wait3A_1049] : memref<2x512xi32, #tpu.memory_space<vmem>> -> memref<1x128xi32, #tpu.memory_space<vmem>>
      %dma_wait3A_1051 = tpu.memref_squeeze %dma_wait3A_1050 : memref<1x128xi32, #tpu.memory_space<vmem>> -> memref<128xi32, #tpu.memory_space<vmem>>
      %dma_wait3A_1052 = arith.constant 0 : i32
      %dma_wait3A_1053 = arith.constant 0 : i32
      %dma_wait3A_1054 = tpu.memref_slice %arg2[%dma_wait3A_1052, %dma_wait3A_1053] : memref<10000x128xf32, #tpu.memory_space<hbm>> -> memref<10000x128xf32, #tpu.memory_space<hbm>>
      tpu.wait_indirect_dma semaphore(%arg16 : memref<!tpu.dma_semaphore, #tpu.memory_space<semaphore_mem>>) src(%dma_wait3A_1054 : memref<10000x128xf32, #tpu.memory_space<hbm>>) dst(%dma_wait3A_1048 : memref<128x128xf32, #tpu.memory_space<vmem>>)
      %dma_wait3A_1055 = arith.constant 0 : i32
      %dma_wait3A_1056 = arith.constant 0 : i32
      %dma_wait3A_1057 = tpu.memref_slice %arg13[%dma_wait3A_1055, %dma_wait3A_1056] : memref<256x128xf32, #tpu.memory_space<vmem>> -> memref<128x128xf32, #tpu.memory_space<vmem>>
      %dma_wait3A_1058 = arith.constant 256 : i32
      %dma_wait3A_1059 = tpu.memref_slice %arg11[%rem3A_75, %dma_wait3A_1058] : memref<2x512xi32, #tpu.memory_space<vmem>> -> memref<1x128xi32, #tpu.memory_space<vmem>>
      %dma_wait3A_1060 = tpu.memref_squeeze %dma_wait3A_1059 : memref<1x128xi32, #tpu.memory_space<vmem>> -> memref<128xi32, #tpu.memory_space<vmem>>
      %dma_wait3A_1061 = arith.constant 0 : i32
      %dma_wait3A_1062 = arith.constant 0 : i32
      %dma_wait3A_1063 = tpu.memref_slice %arg3[%dma_wait3A_1061, %dma_wait3A_1062] : memref<10000x128xf32, #tpu.memory_space<hbm>> -> memref<10000x128xf32, #tpu.memory_space<hbm>>
      tpu.wait_indirect_dma semaphore(%arg17 : memref<!tpu.dma_semaphore, #tpu.memory_space<semaphore_mem>>) src(%dma_wait3A_1063 : memref<10000x128xf32, #tpu.memory_space<hbm>>) dst(%dma_wait3A_1057 : memref<128x128xf32, #tpu.memory_space<vmem>>)
      %dma_wait3A_1064 = arith.constant 128 : i32
      %dma_wait3A_1065 = arith.constant 0 : i32
      %dma_wait3A_1066 = tpu.memref_slice %arg13[%dma_wait3A_1064, %dma_wait3A_1065] : memref<256x128xf32, #tpu.memory_space<vmem>> -> memref<128x128xf32, #tpu.memory_space<vmem>>
      %dma_wait3A_1067 = arith.constant 384 : i32
      %dma_wait3A_1068 = tpu.memref_slice %arg11[%rem3A_75, %dma_wait3A_1067] : memref<2x512xi32, #tpu.memory_space<vmem>> -> memref<1x128xi32, #tpu.memory_space<vmem>>
      %dma_wait3A_1069 = tpu.memref_squeeze %dma_wait3A_1068 : memref<1x128xi32, #tpu.memory_space<vmem>> -> memref<128xi32, #tpu.memory_space<vmem>>
      %dma_wait3A_1070 = arith.constant 0 : i32
      %dma_wait3A_1071 = arith.constant 0 : i32
      %dma_wait3A_1072 = tpu.memref_slice %arg3[%dma_wait3A_1070, %dma_wait3A_1071] : memref<10000x128xf32, #tpu.memory_space<hbm>> -> memref<10000x128xf32, #tpu.memory_space<hbm>>
      tpu.wait_indirect_dma semaphore(%arg17 : memref<!tpu.dma_semaphore, #tpu.memory_space<semaphore_mem>>) src(%dma_wait3A_1072 : memref<10000x128xf32, #tpu.memory_space<hbm>>) dst(%dma_wait3A_1066 : memref<128x128xf32, #tpu.memory_space<vmem>>)
      "tpu.region"() ({
        %run_scoped3A = tpu.sem_alloc : memref<!tpu.dma_semaphore, #tpu.memory_space<semaphore_mem>>
        %dma_start3A_1073 = arith.constant 0 : i32
        %dma_start3A_1074 = tpu.memref_slice %arg8[%mul3A_54, %dma_start3A_1073] : memref<80000x128xf32, #tpu.memory_space<hbm>> -> memref<256x128xf32, #tpu.memory_space<hbm>>
        %dma_start3A_1075 = arith.constant 0 : i32
        %dma_start3A_1076 = tpu.memref_slice %arg8[%mul3A_54, %dma_start3A_1075] : memref<80000x128xf32, #tpu.memory_space<hbm>> -> memref<256x128xf32, #tpu.memory_space<hbm>>
        tpu.enqueue_dma source(%arg12 : memref<256x128xf32, #tpu.memory_space<vmem>>) target(%dma_start3A_1076 : memref<256x128xf32, #tpu.memory_space<hbm>>) target_semaphore(%run_scoped3A : memref<!tpu.dma_semaphore, #tpu.memory_space<semaphore_mem>>)
        %dma_wait3A_1077 = arith.constant 0 : i32
        %dma_wait3A_1078 = tpu.memref_slice %arg8[%mul3A_54, %dma_wait3A_1077] : memref<80000x128xf32, #tpu.memory_space<hbm>> -> memref<256x128xf32, #tpu.memory_space<hbm>>
        %dma_wait3A_1079 = arith.constant 0 : i32
        %dma_wait3A_1080 = tpu.memref_slice %arg8[%mul3A_54, %dma_wait3A_1079] : memref<80000x128xf32, #tpu.memory_space<hbm>> -> memref<256x128xf32, #tpu.memory_space<hbm>>
        tpu.wait_dma2 semaphore(%run_scoped3A : memref<!tpu.dma_semaphore, #tpu.memory_space<semaphore_mem>>) src(%arg12 : memref<256x128xf32, #tpu.memory_space<vmem>>) dst(%dma_wait3A_1080 : memref<256x128xf32, #tpu.memory_space<hbm>>)
        tpu.yield
      }) : () -> ()
      "tpu.region"() ({
        %run_scoped3A = tpu.sem_alloc : memref<!tpu.dma_semaphore, #tpu.memory_space<semaphore_mem>>
        %dma_start3A_1073 = arith.constant 0 : i32
        %dma_start3A_1074 = tpu.memref_slice %arg9[%mul3A_54, %dma_start3A_1073] : memref<80000x128xf32, #tpu.memory_space<hbm>> -> memref<256x128xf32, #tpu.memory_space<hbm>>
        %dma_start3A_1075 = arith.constant 0 : i32
        %dma_start3A_1076 = tpu.memref_slice %arg9[%mul3A_54, %dma_start3A_1075] : memref<80000x128xf32, #tpu.memory_space<hbm>> -> memref<256x128xf32, #tpu.memory_space<hbm>>
        tpu.enqueue_dma source(%arg13 : memref<256x128xf32, #tpu.memory_space<vmem>>) target(%dma_start3A_1076 : memref<256x128xf32, #tpu.memory_space<hbm>>) target_semaphore(%run_scoped3A : memref<!tpu.dma_semaphore, #tpu.memory_space<semaphore_mem>>)
        %dma_wait3A_1077 = arith.constant 0 : i32
        %dma_wait3A_1078 = tpu.memref_slice %arg9[%mul3A_54, %dma_wait3A_1077] : memref<80000x128xf32, #tpu.memory_space<hbm>> -> memref<256x128xf32, #tpu.memory_space<hbm>>
        %dma_wait3A_1079 = arith.constant 0 : i32
        %dma_wait3A_1080 = tpu.memref_slice %arg9[%mul3A_54, %dma_wait3A_1079] : memref<80000x128xf32, #tpu.memory_space<hbm>> -> memref<256x128xf32, #tpu.memory_space<hbm>>
        tpu.wait_dma2 semaphore(%run_scoped3A : memref<!tpu.dma_semaphore, #tpu.memory_space<semaphore_mem>>) src(%arg13 : memref<256x128xf32, #tpu.memory_space<vmem>>) dst(%dma_wait3A_1080 : memref<256x128xf32, #tpu.memory_space<hbm>>)
        tpu.yield
      }) : () -> ()
    }
    %add3A_28 = arith.constant 624 : i32
    %add3A_29 = arith.addi %add3A, %add3A_28 : i32
    %sub3A_30 = arith.constant 625 : i32
    %sub3A_31 = arith.subi %sub3A_30, %add3A_29 : i32
    %sub3A_32 = arith.constant 32 : i32
    %sub3A_33 = arith.constant 1 : i32
    %sub3A_34 = arith.subi %sub3A_32, %sub3A_33 : i32
    %add3A_35 = arith.addi %sub3A_31, %sub3A_34 : i32
    %div3A_36 = arith.constant 32 : i32
    %div3A_37 = arith.divsi %add3A_35, %div3A_36 : i32
    %while3A_38 = arith.constant 32 : i32
    %while3A_39 = arith.constant 0 : i32
    %while3A_40 = arith.subi %div3A_37, %while3A_39 : i32
    %while3A_41 = arith.addi %while3A_39, %while3A_40 : i32
    %while3A_42 = arith.constant 1 : i32
    %while3A_43 = arith.divsi %while3A_40, %while3A_42 : i32
    %while3A_44 = arith.muli %while3A_43, %while3A_42 : i32
    %while3A_45 = arith.addi %while3A_39, %while3A_44 : i32
    %while3A_46 = arith.constant 1 : i32
    scf.for %while3A_48 = %while3A_39 to %while3A_45 step %while3A_46  : i32 {
      %mul3A_49 = arith.muli %while3A_48, %while3A_38 : i32
      %add3A_50 = arith.addi %add3A_29, %mul3A_49 : i32
      %mul3A_51 = arith.constant 128 : i32
      %mul3A_52 = arith.muli %add3A_50, %mul3A_51 : i32
      %run_scoped3A = arith.constant 0 : i32
      "tpu.region"() ({
        %run_scoped3A_563 = tpu.sem_alloc : memref<!tpu.dma_semaphore, #tpu.memory_space<semaphore_mem>>
        %dma_start3A_564 = arith.constant 0 : i32
        %dma_start3A_565 = tpu.memref_slice %arg11[%run_scoped3A, %dma_start3A_564] : memref<2x512xi32, #tpu.memory_space<vmem>> -> memref<1x128xi32, #tpu.memory_space<vmem>>
        %dma_start3A_566 = tpu.memref_squeeze %dma_start3A_565 : memref<1x128xi32, #tpu.memory_space<vmem>> -> memref<128xi32, #tpu.memory_space<vmem>>
        %dma_start3A_567 = tpu.memref_slice %arg6[%mul3A_52] : memref<80000xi32, #tpu.memory_space<hbm>> -> memref<128xi32, #tpu.memory_space<hbm>>
        %dma_start3A_568 = arith.constant 0 : i32
        %dma_start3A_569 = tpu.memref_slice %arg11[%run_scoped3A, %dma_start3A_568] : memref<2x512xi32, #tpu.memory_space<vmem>> -> memref<1x128xi32, #tpu.memory_space<vmem>>
        %dma_start3A_570 = tpu.memref_squeeze %dma_start3A_569 : memref<1x128xi32, #tpu.memory_space<vmem>> -> memref<128xi32, #tpu.memory_space<vmem>>
        %dma_start3A_571 = tpu.memref_slice %arg6[%mul3A_52] : memref<80000xi32, #tpu.memory_space<hbm>> -> memref<128xi32, #tpu.memory_space<hbm>>
        tpu.enqueue_dma source(%dma_start3A_571 : memref<128xi32, #tpu.memory_space<hbm>>) target(%dma_start3A_570 : memref<128xi32, #tpu.memory_space<vmem>>) target_semaphore(%run_scoped3A_563 : memref<!tpu.dma_semaphore, #tpu.memory_space<semaphore_mem>>)
        %dma_wait3A_572 = arith.constant 0 : i32
        %dma_wait3A_573 = tpu.memref_slice %arg11[%run_scoped3A, %dma_wait3A_572] : memref<2x512xi32, #tpu.memory_space<vmem>> -> memref<1x128xi32, #tpu.memory_space<vmem>>
        %dma_wait3A_574 = tpu.memref_squeeze %dma_wait3A_573 : memref<1x128xi32, #tpu.memory_space<vmem>> -> memref<128xi32, #tpu.memory_space<vmem>>
        %dma_wait3A_575 = tpu.memref_slice %arg6[%mul3A_52] : memref<80000xi32, #tpu.memory_space<hbm>> -> memref<128xi32, #tpu.memory_space<hbm>>
        %dma_wait3A_576 = arith.constant 0 : i32
        %dma_wait3A_577 = tpu.memref_slice %arg11[%run_scoped3A, %dma_wait3A_576] : memref<2x512xi32, #tpu.memory_space<vmem>> -> memref<1x128xi32, #tpu.memory_space<vmem>>
        %dma_wait3A_578 = tpu.memref_squeeze %dma_wait3A_577 : memref<1x128xi32, #tpu.memory_space<vmem>> -> memref<128xi32, #tpu.memory_space<vmem>>
        %dma_wait3A_579 = tpu.memref_slice %arg6[%mul3A_52] : memref<80000xi32, #tpu.memory_space<hbm>> -> memref<128xi32, #tpu.memory_space<hbm>>
        tpu.wait_dma2 semaphore(%run_scoped3A_563 : memref<!tpu.dma_semaphore, #tpu.memory_space<semaphore_mem>>) src(%dma_wait3A_579 : memref<128xi32, #tpu.memory_space<hbm>>) dst(%dma_wait3A_578 : memref<128xi32, #tpu.memory_space<vmem>>)
        tpu.yield
      }) : () -> ()
      %run_scoped3A_53 = arith.constant 0 : i32
      "tpu.region"() ({
        %run_scoped3A_563 = tpu.sem_alloc : memref<!tpu.dma_semaphore, #tpu.memory_space<semaphore_mem>>
        %dma_start3A_564 = arith.constant 256 : i32
        %dma_start3A_565 = tpu.memref_slice %arg11[%run_scoped3A_53, %dma_start3A_564] : memref<2x512xi32, #tpu.memory_space<vmem>> -> memref<1x128xi32, #tpu.memory_space<vmem>>
        %dma_start3A_566 = tpu.memref_squeeze %dma_start3A_565 : memref<1x128xi32, #tpu.memory_space<vmem>> -> memref<128xi32, #tpu.memory_space<vmem>>
        %dma_start3A_567 = tpu.memref_slice %arg7[%mul3A_52] : memref<80000xi32, #tpu.memory_space<hbm>> -> memref<128xi32, #tpu.memory_space<hbm>>
        %dma_start3A_568 = arith.constant 256 : i32
        %dma_start3A_569 = tpu.memref_slice %arg11[%run_scoped3A_53, %dma_start3A_568] : memref<2x512xi32, #tpu.memory_space<vmem>> -> memref<1x128xi32, #tpu.memory_space<vmem>>
        %dma_start3A_570 = tpu.memref_squeeze %dma_start3A_569 : memref<1x128xi32, #tpu.memory_space<vmem>> -> memref<128xi32, #tpu.memory_space<vmem>>
        %dma_start3A_571 = tpu.memref_slice %arg7[%mul3A_52] : memref<80000xi32, #tpu.memory_space<hbm>> -> memref<128xi32, #tpu.memory_space<hbm>>
        tpu.enqueue_dma source(%dma_start3A_571 : memref<128xi32, #tpu.memory_space<hbm>>) target(%dma_start3A_570 : memref<128xi32, #tpu.memory_space<vmem>>) target_semaphore(%run_scoped3A_563 : memref<!tpu.dma_semaphore, #tpu.memory_space<semaphore_mem>>)
        %dma_wait3A_572 = arith.constant 256 : i32
        %dma_wait3A_573 = tpu.memref_slice %arg11[%run_scoped3A_53, %dma_wait3A_572] : memref<2x512xi32, #tpu.memory_space<vmem>> -> memref<1x128xi32, #tpu.memory_space<vmem>>
        %dma_wait3A_574 = tpu.memref_squeeze %dma_wait3A_573 : memref<1x128xi32, #tpu.memory_space<vmem>> -> memref<128xi32, #tpu.memory_space<vmem>>
        %dma_wait3A_575 = tpu.memref_slice %arg7[%mul3A_52] : memref<80000xi32, #tpu.memory_space<hbm>> -> memref<128xi32, #tpu.memory_space<hbm>>
        %dma_wait3A_576 = arith.constant 256 : i32
        %dma_wait3A_577 = tpu.memref_slice %arg11[%run_scoped3A_53, %dma_wait3A_576] : memref<2x512xi32, #tpu.memory_space<vmem>> -> memref<1x128xi32, #tpu.memory_space<vmem>>
        %dma_wait3A_578 = tpu.memref_squeeze %dma_wait3A_577 : memref<1x128xi32, #tpu.memory_space<vmem>> -> memref<128xi32, #tpu.memory_space<vmem>>
        %dma_wait3A_579 = tpu.memref_slice %arg7[%mul3A_52] : memref<80000xi32, #tpu.memory_space<hbm>> -> memref<128xi32, #tpu.memory_space<hbm>>
        tpu.wait_dma2 semaphore(%run_scoped3A_563 : memref<!tpu.dma_semaphore, #tpu.memory_space<semaphore_mem>>) src(%dma_wait3A_579 : memref<128xi32, #tpu.memory_space<hbm>>) dst(%dma_wait3A_578 : memref<128xi32, #tpu.memory_space<vmem>>)
        tpu.yield
      }) : () -> ()
      %dma_start3A_54 = arith.constant 0 : i32
      %dma_start3A_55 = arith.constant 0 : i32
      %dma_start3A_56 = arith.constant 0 : i32
      %dma_start3A_57 = tpu.memref_slice %arg12[%dma_start3A_55, %dma_start3A_56] : memref<256x128xf32, #tpu.memory_space<vmem>> -> memref<128x128xf32, #tpu.memory_space<vmem>>
      %dma_start3A_58 = arith.constant 0 : i32
      %dma_start3A_59 = tpu.memref_slice %arg11[%dma_start3A_54, %dma_start3A_58] : memref<2x512xi32, #tpu.memory_space<vmem>> -> memref<1x128xi32, #tpu.memory_space<vmem>>
      %dma_start3A_60 = tpu.memref_squeeze %dma_start3A_59 : memref<1x128xi32, #tpu.memory_space<vmem>> -> memref<128xi32, #tpu.memory_space<vmem>>
      %dma_start3A_61 = arith.constant 0 : i32
      %dma_start3A_62 = arith.constant 0 : i32
      %dma_start3A_63 = tpu.memref_slice %arg2[%dma_start3A_61, %dma_start3A_62] : memref<10000x128xf32, #tpu.memory_space<hbm>> -> memref<10000x128xf32, #tpu.memory_space<hbm>>
      tpu.enqueue_indirect_dma source(%dma_start3A_63 : memref<10000x128xf32, #tpu.memory_space<hbm>>) target(%dma_start3A_57 : memref<128x128xf32, #tpu.memory_space<vmem>>) offsets(%dma_start3A_60 : memref<128xi32, #tpu.memory_space<vmem>>) semaphore(%arg16 : memref<!tpu.dma_semaphore, #tpu.memory_space<semaphore_mem>>)
      %dma_start3A_64 = arith.constant 0 : i32
      %dma_start3A_65 = arith.constant 0 : i32
      %dma_start3A_66 = arith.constant 0 : i32
      %dma_start3A_67 = tpu.memref_slice %arg13[%dma_start3A_65, %dma_start3A_66] : memref<256x128xf32, #tpu.memory_space<vmem>> -> memref<128x128xf32, #tpu.memory_space<vmem>>
      %dma_start3A_68 = arith.constant 256 : i32
      %dma_start3A_69 = tpu.memref_slice %arg11[%dma_start3A_64, %dma_start3A_68] : memref<2x512xi32, #tpu.memory_space<vmem>> -> memref<1x128xi32, #tpu.memory_space<vmem>>
      %dma_start3A_70 = tpu.memref_squeeze %dma_start3A_69 : memref<1x128xi32, #tpu.memory_space<vmem>> -> memref<128xi32, #tpu.memory_space<vmem>>
      %dma_start3A_71 = arith.constant 0 : i32
      %dma_start3A_72 = arith.constant 0 : i32
      %dma_start3A_73 = tpu.memref_slice %arg3[%dma_start3A_71, %dma_start3A_72] : memref<10000x128xf32, #tpu.memory_space<hbm>> -> memref<10000x128xf32, #tpu.memory_space<hbm>>
      tpu.enqueue_indirect_dma source(%dma_start3A_73 : memref<10000x128xf32, #tpu.memory_space<hbm>>) target(%dma_start3A_67 : memref<128x128xf32, #tpu.memory_space<vmem>>) offsets(%dma_start3A_70 : memref<128xi32, #tpu.memory_space<vmem>>) semaphore(%arg17 : memref<!tpu.dma_semaphore, #tpu.memory_space<semaphore_mem>>)
      %get3A = arith.constant 0 : i32
      %get3A_74 = arith.index_cast %get3A : i32 to index
      %get3A_75 = arith.constant 0 : index
      %get3A_76 = tpu.vector_load %arg11[%get3A_74, %get3A_75] {strides = array<i32>} : memref<2x512xi32, #tpu.memory_space<vmem>>, vector<16xi32>,
      %mul3A_77 = arith.constant 3 : i32
      %mul3A_78 = vector.broadcast %mul3A_77 : i32 to vector<16xi32>
      %mul3A_79 = arith.muli %get3A_76, %mul3A_78 : vector<16xi32>
      %get3A_80 = arith.constant 0 : i32
      %get3A_81 = arith.index_cast %get3A_80 : i32 to index
      %get3A_82 = arith.constant 256 : index
      %get3A_83 = tpu.vector_load %arg11[%get3A_81, %get3A_82] {strides = array<i32>} : memref<2x512xi32, #tpu.memory_space<vmem>>, vector<16xi32>,
      %mul3A_84 = arith.constant 3 : i32
      %mul3A_85 = vector.broadcast %mul3A_84 : i32 to vector<16xi32>
      %mul3A_86 = arith.muli %get3A_83, %mul3A_85 : vector<16xi32>
      %broadcast_in_dim3A = arith.constant 0.000000e+00 : f32
      %broadcast_in_dim3A_87 = vector.broadcast %broadcast_in_dim3A : f32 to vector<16xf32>
      %broadcast_in_dim3A_88 = arith.constant 0 : i32
      %broadcast_in_dim3A_89 = vector.broadcast %broadcast_in_dim3A_88 : i32 to vector<16xi32>
      %add3A_90 = arith.addi %mul3A_79, %broadcast_in_dim3A_89 : vector<16xi32>
      %gather3A = tpu.vector_load_idx %arg14[%add3A_90] : memref<30000xf32, #tpu.memory_space<vmem>>[vector<16xi32>], vector<16xf32>,
      %add3A_91 = arith.addi %mul3A_86, %broadcast_in_dim3A_89 : vector<16xi32>
      %gather3A_92 = tpu.vector_load_idx %arg14[%add3A_91] : memref<30000xf32, #tpu.memory_space<vmem>>[vector<16xi32>], vector<16xf32>,
      %sub3A_93 = arith.subf %gather3A, %gather3A_92 : vector<16xf32>
      %swap3A = arith.constant 0 : i32
      %swap3A_94 = arith.index_cast %swap3A : i32 to index
      %swap3A_95 = arith.constant 0 : index
      %swap3A_96 = tpu.vector_load %arg15[%swap3A_94, %swap3A_95] {strides = array<i32>} : memref<16x128xf32, #tpu.memory_space<vmem>>, vector<16xf32>,
      tpu.vector_store %arg15[%swap3A_94, %swap3A_95], %sub3A_93 {strides = array<i32>} : memref<16x128xf32, #tpu.memory_space<vmem>>, vector<16xf32>,
      %mul3A_97 = arith.mulf %sub3A_93, %sub3A_93 : vector<16xf32>
      %add3A_98 = arith.addf %broadcast_in_dim3A_87, %mul3A_97 : vector<16xf32>
      %broadcast_in_dim3A_99 = arith.constant 1 : i32
      %broadcast_in_dim3A_100 = vector.broadcast %broadcast_in_dim3A_99 : i32 to vector<16xi32>
      %add3A_101 = arith.addi %mul3A_79, %broadcast_in_dim3A_100 : vector<16xi32>
      %gather3A_102 = tpu.vector_load_idx %arg14[%add3A_101] : memref<30000xf32, #tpu.memory_space<vmem>>[vector<16xi32>], vector<16xf32>,
      %add3A_103 = arith.addi %mul3A_86, %broadcast_in_dim3A_100 : vector<16xi32>
      %gather3A_104 = tpu.vector_load_idx %arg14[%add3A_103] : memref<30000xf32, #tpu.memory_space<vmem>>[vector<16xi32>], vector<16xf32>,
      %sub3A_105 = arith.subf %gather3A_102, %gather3A_104 : vector<16xf32>
      %swap3A_106 = arith.constant 1 : i32
      %swap3A_107 = arith.index_cast %swap3A_106 : i32 to index
      %swap3A_108 = arith.constant 0 : index
      %swap3A_109 = tpu.vector_load %arg15[%swap3A_107, %swap3A_108] {strides = array<i32>} : memref<16x128xf32, #tpu.memory_space<vmem>>, vector<16xf32>,
      tpu.vector_store %arg15[%swap3A_107, %swap3A_108], %sub3A_105 {strides = array<i32>} : memref<16x128xf32, #tpu.memory_space<vmem>>, vector<16xf32>,
      %mul3A_110 = arith.mulf %sub3A_105, %sub3A_105 : vector<16xf32>
      %add3A_111 = arith.addf %add3A_98, %mul3A_110 : vector<16xf32>
      %broadcast_in_dim3A_112 = arith.constant 2 : i32
      %broadcast_in_dim3A_113 = vector.broadcast %broadcast_in_dim3A_112 : i32 to vector<16xi32>
      %add3A_114 = arith.addi %mul3A_79, %broadcast_in_dim3A_113 : vector<16xi32>
      %gather3A_115 = tpu.vector_load_idx %arg14[%add3A_114] : memref<30000xf32, #tpu.memory_space<vmem>>[vector<16xi32>], vector<16xf32>,
      %add3A_116 = arith.addi %mul3A_86, %broadcast_in_dim3A_113 : vector<16xi32>
      %gather3A_117 = tpu.vector_load_idx %arg14[%add3A_116] : memref<30000xf32, #tpu.memory_space<vmem>>[vector<16xi32>], vector<16xf32>,
      %sub3A_118 = arith.subf %gather3A_115, %gather3A_117 : vector<16xf32>
      %swap3A_119 = arith.constant 2 : i32
      %swap3A_120 = arith.index_cast %swap3A_119 : i32 to index
      %swap3A_121 = arith.constant 0 : index
      %swap3A_122 = tpu.vector_load %arg15[%swap3A_120, %swap3A_121] {strides = array<i32>} : memref<16x128xf32, #tpu.memory_space<vmem>>, vector<16xf32>,
      tpu.vector_store %arg15[%swap3A_120, %swap3A_121], %sub3A_118 {strides = array<i32>} : memref<16x128xf32, #tpu.memory_space<vmem>>, vector<16xf32>,
      %mul3A_123 = arith.mulf %sub3A_118, %sub3A_118 : vector<16xf32>
      %add3A_124 = arith.addf %add3A_111, %mul3A_123 : vector<16xf32>
      %swap3A_125 = arith.constant 3 : i32
      %swap3A_126 = arith.index_cast %swap3A_125 : i32 to index
      %swap3A_127 = arith.constant 0 : index
      %swap3A_128 = tpu.vector_load %arg15[%swap3A_126, %swap3A_127] {strides = array<i32>} : memref<16x128xf32, #tpu.memory_space<vmem>>, vector<16xf32>,
      tpu.vector_store %arg15[%swap3A_126, %swap3A_127], %add3A_124 {strides = array<i32>} : memref<16x128xf32, #tpu.memory_space<vmem>>, vector<16xf32>,
      %get3A_129 = arith.constant 0 : i32
      %get3A_130 = arith.index_cast %get3A_129 : i32 to index
      %get3A_131 = arith.constant 16 : index
      %get3A_132 = tpu.vector_load %arg11[%get3A_130, %get3A_131] {strides = array<i32>} : memref<2x512xi32, #tpu.memory_space<vmem>>, vector<16xi32>,
      %mul3A_133 = arith.constant 3 : i32
      %mul3A_134 = vector.broadcast %mul3A_133 : i32 to vector<16xi32>
      %mul3A_135 = arith.muli %get3A_132, %mul3A_134 : vector<16xi32>
      %get3A_136 = arith.constant 0 : i32
      %get3A_137 = arith.index_cast %get3A_136 : i32 to index
      %get3A_138 = arith.constant 272 : index
      %get3A_139 = tpu.vector_load %arg11[%get3A_137, %get3A_138] {strides = array<i32>} : memref<2x512xi32, #tpu.memory_space<vmem>>, vector<16xi32>,
      %mul3A_140 = arith.constant 3 : i32
      %mul3A_141 = vector.broadcast %mul3A_140 : i32 to vector<16xi32>
      %mul3A_142 = arith.muli %get3A_139, %mul3A_141 : vector<16xi32>
      %broadcast_in_dim3A_143 = arith.constant 0.000000e+00 : f32
      %broadcast_in_dim3A_144 = vector.broadcast %broadcast_in_dim3A_143 : f32 to vector<16xf32>
      %broadcast_in_dim3A_145 = arith.constant 0 : i32
      %broadcast_in_dim3A_146 = vector.broadcast %broadcast_in_dim3A_145 : i32 to vector<16xi32>
      %add3A_147 = arith.addi %mul3A_135, %broadcast_in_dim3A_146 : vector<16xi32>
      %gather3A_148 = tpu.vector_load_idx %arg14[%add3A_147] : memref<30000xf32, #tpu.memory_space<vmem>>[vector<16xi32>], vector<16xf32>,
      %add3A_149 = arith.addi %mul3A_142, %broadcast_in_dim3A_146 : vector<16xi32>
      %gather3A_150 = tpu.vector_load_idx %arg14[%add3A_149] : memref<30000xf32, #tpu.memory_space<vmem>>[vector<16xi32>], vector<16xf32>,
      %sub3A_151 = arith.subf %gather3A_148, %gather3A_150 : vector<16xf32>
      %swap3A_152 = arith.constant 0 : i32
      %swap3A_153 = arith.index_cast %swap3A_152 : i32 to index
      %swap3A_154 = arith.constant 16 : index
      %swap3A_155 = tpu.vector_load %arg15[%swap3A_153, %swap3A_154] {strides = array<i32>} : memref<16x128xf32, #tpu.memory_space<vmem>>, vector<16xf32>,
      tpu.vector_store %arg15[%swap3A_153, %swap3A_154], %sub3A_151 {strides = array<i32>} : memref<16x128xf32, #tpu.memory_space<vmem>>, vector<16xf32>,
      %mul3A_156 = arith.mulf %sub3A_151, %sub3A_151 : vector<16xf32>
      %add3A_157 = arith.addf %broadcast_in_dim3A_144, %mul3A_156 : vector<16xf32>
      %broadcast_in_dim3A_158 = arith.constant 1 : i32
      %broadcast_in_dim3A_159 = vector.broadcast %broadcast_in_dim3A_158 : i32 to vector<16xi32>
      %add3A_160 = arith.addi %mul3A_135, %broadcast_in_dim3A_159 : vector<16xi32>
      %gather3A_161 = tpu.vector_load_idx %arg14[%add3A_160] : memref<30000xf32, #tpu.memory_space<vmem>>[vector<16xi32>], vector<16xf32>,
      %add3A_162 = arith.addi %mul3A_142, %broadcast_in_dim3A_159 : vector<16xi32>
      %gather3A_163 = tpu.vector_load_idx %arg14[%add3A_162] : memref<30000xf32, #tpu.memory_space<vmem>>[vector<16xi32>], vector<16xf32>,
      %sub3A_164 = arith.subf %gather3A_161, %gather3A_163 : vector<16xf32>
      %swap3A_165 = arith.constant 1 : i32
      %swap3A_166 = arith.index_cast %swap3A_165 : i32 to index
      %swap3A_167 = arith.constant 16 : index
      %swap3A_168 = tpu.vector_load %arg15[%swap3A_166, %swap3A_167] {strides = array<i32>} : memref<16x128xf32, #tpu.memory_space<vmem>>, vector<16xf32>,
      tpu.vector_store %arg15[%swap3A_166, %swap3A_167], %sub3A_164 {strides = array<i32>} : memref<16x128xf32, #tpu.memory_space<vmem>>, vector<16xf32>,
      %mul3A_169 = arith.mulf %sub3A_164, %sub3A_164 : vector<16xf32>
      %add3A_170 = arith.addf %add3A_157, %mul3A_169 : vector<16xf32>
      %broadcast_in_dim3A_171 = arith.constant 2 : i32
      %broadcast_in_dim3A_172 = vector.broadcast %broadcast_in_dim3A_171 : i32 to vector<16xi32>
      %add3A_173 = arith.addi %mul3A_135, %broadcast_in_dim3A_172 : vector<16xi32>
      %gather3A_174 = tpu.vector_load_idx %arg14[%add3A_173] : memref<30000xf32, #tpu.memory_space<vmem>>[vector<16xi32>], vector<16xf32>,
      %add3A_175 = arith.addi %mul3A_142, %broadcast_in_dim3A_172 : vector<16xi32>
      %gather3A_176 = tpu.vector_load_idx %arg14[%add3A_175] : memref<30000xf32, #tpu.memory_space<vmem>>[vector<16xi32>], vector<16xf32>,
      %sub3A_177 = arith.subf %gather3A_174, %gather3A_176 : vector<16xf32>
      %swap3A_178 = arith.constant 2 : i32
      %swap3A_179 = arith.index_cast %swap3A_178 : i32 to index
      %swap3A_180 = arith.constant 16 : index
      %swap3A_181 = tpu.vector_load %arg15[%swap3A_179, %swap3A_180] {strides = array<i32>} : memref<16x128xf32, #tpu.memory_space<vmem>>, vector<16xf32>,
      tpu.vector_store %arg15[%swap3A_179, %swap3A_180], %sub3A_177 {strides = array<i32>} : memref<16x128xf32, #tpu.memory_space<vmem>>, vector<16xf32>,
      %mul3A_182 = arith.mulf %sub3A_177, %sub3A_177 : vector<16xf32>
      %add3A_183 = arith.addf %add3A_170, %mul3A_182 : vector<16xf32>
      %swap3A_184 = arith.constant 3 : i32
      %swap3A_185 = arith.index_cast %swap3A_184 : i32 to index
      %swap3A_186 = arith.constant 16 : index
      %swap3A_187 = tpu.vector_load %arg15[%swap3A_185, %swap3A_186] {strides = array<i32>} : memref<16x128xf32, #tpu.memory_space<vmem>>, vector<16xf32>,
      tpu.vector_store %arg15[%swap3A_185, %swap3A_186], %add3A_183 {strides = array<i32>} : memref<16x128xf32, #tpu.memory_space<vmem>>, vector<16xf32>,
      %get3A_188 = arith.constant 0 : i32
      %get3A_189 = arith.index_cast %get3A_188 : i32 to index
      %get3A_190 = arith.constant 32 : index
      %get3A_191 = tpu.vector_load %arg11[%get3A_189, %get3A_190] {strides = array<i32>} : memref<2x512xi32, #tpu.memory_space<vmem>>, vector<16xi32>,
      %mul3A_192 = arith.constant 3 : i32
      %mul3A_193 = vector.broadcast %mul3A_192 : i32 to vector<16xi32>
      %mul3A_194 = arith.muli %get3A_191, %mul3A_193 : vector<16xi32>
      %get3A_195 = arith.constant 0 : i32
      %get3A_196 = arith.index_cast %get3A_195 : i32 to index
      %get3A_197 = arith.constant 288 : index
      %get3A_198 = tpu.vector_load %arg11[%get3A_196, %get3A_197] {strides = array<i32>} : memref<2x512xi32, #tpu.memory_space<vmem>>, vector<16xi32>,
      %mul3A_199 = arith.constant 3 : i32
      %mul3A_200 = vector.broadcast %mul3A_199 : i32 to vector<16xi32>
      %mul3A_201 = arith.muli %get3A_198, %mul3A_200 : vector<16xi32>
      %broadcast_in_dim3A_202 = arith.constant 0.000000e+00 : f32
      %broadcast_in_dim3A_203 = vector.broadcast %broadcast_in_dim3A_202 : f32 to vector<16xf32>
      %broadcast_in_dim3A_204 = arith.constant 0 : i32
      %broadcast_in_dim3A_205 = vector.broadcast %broadcast_in_dim3A_204 : i32 to vector<16xi32>
      %add3A_206 = arith.addi %mul3A_194, %broadcast_in_dim3A_205 : vector<16xi32>
      %gather3A_207 = tpu.vector_load_idx %arg14[%add3A_206] : memref<30000xf32, #tpu.memory_space<vmem>>[vector<16xi32>], vector<16xf32>,
      %add3A_208 = arith.addi %mul3A_201, %broadcast_in_dim3A_205 : vector<16xi32>
      %gather3A_209 = tpu.vector_load_idx %arg14[%add3A_208] : memref<30000xf32, #tpu.memory_space<vmem>>[vector<16xi32>], vector<16xf32>,
      %sub3A_210 = arith.subf %gather3A_207, %gather3A_209 : vector<16xf32>
      %swap3A_211 = arith.constant 0 : i32
      %swap3A_212 = arith.index_cast %swap3A_211 : i32 to index
      %swap3A_213 = arith.constant 32 : index
      %swap3A_214 = tpu.vector_load %arg15[%swap3A_212, %swap3A_213] {strides = array<i32>} : memref<16x128xf32, #tpu.memory_space<vmem>>, vector<16xf32>,
      tpu.vector_store %arg15[%swap3A_212, %swap3A_213], %sub3A_210 {strides = array<i32>} : memref<16x128xf32, #tpu.memory_space<vmem>>, vector<16xf32>,
      %mul3A_215 = arith.mulf %sub3A_210, %sub3A_210 : vector<16xf32>
      %add3A_216 = arith.addf %broadcast_in_dim3A_203, %mul3A_215 : vector<16xf32>
      %broadcast_in_dim3A_217 = arith.constant 1 : i32
      %broadcast_in_dim3A_218 = vector.broadcast %broadcast_in_dim3A_217 : i32 to vector<16xi32>
      %add3A_219 = arith.addi %mul3A_194, %broadcast_in_dim3A_218 : vector<16xi32>
      %gather3A_220 = tpu.vector_load_idx %arg14[%add3A_219] : memref<30000xf32, #tpu.memory_space<vmem>>[vector<16xi32>], vector<16xf32>,
      %add3A_221 = arith.addi %mul3A_201, %broadcast_in_dim3A_218 : vector<16xi32>
      %gather3A_222 = tpu.vector_load_idx %arg14[%add3A_221] : memref<30000xf32, #tpu.memory_space<vmem>>[vector<16xi32>], vector<16xf32>,
      %sub3A_223 = arith.subf %gather3A_220, %gather3A_222 : vector<16xf32>
      %swap3A_224 = arith.constant 1 : i32
      %swap3A_225 = arith.index_cast %swap3A_224 : i32 to index
      %swap3A_226 = arith.constant 32 : index
      %swap3A_227 = tpu.vector_load %arg15[%swap3A_225, %swap3A_226] {strides = array<i32>} : memref<16x128xf32, #tpu.memory_space<vmem>>, vector<16xf32>,
      tpu.vector_store %arg15[%swap3A_225, %swap3A_226], %sub3A_223 {strides = array<i32>} : memref<16x128xf32, #tpu.memory_space<vmem>>, vector<16xf32>,
      %mul3A_228 = arith.mulf %sub3A_223, %sub3A_223 : vector<16xf32>
      %add3A_229 = arith.addf %add3A_216, %mul3A_228 : vector<16xf32>
      %broadcast_in_dim3A_230 = arith.constant 2 : i32
      %broadcast_in_dim3A_231 = vector.broadcast %broadcast_in_dim3A_230 : i32 to vector<16xi32>
      %add3A_232 = arith.addi %mul3A_194, %broadcast_in_dim3A_231 : vector<16xi32>
      %gather3A_233 = tpu.vector_load_idx %arg14[%add3A_232] : memref<30000xf32, #tpu.memory_space<vmem>>[vector<16xi32>], vector<16xf32>,
      %add3A_234 = arith.addi %mul3A_201, %broadcast_in_dim3A_231 : vector<16xi32>
      %gather3A_235 = tpu.vector_load_idx %arg14[%add3A_234] : memref<30000xf32, #tpu.memory_space<vmem>>[vector<16xi32>], vector<16xf32>,
      %sub3A_236 = arith.subf %gather3A_233, %gather3A_235 : vector<16xf32>
      %swap3A_237 = arith.constant 2 : i32
      %swap3A_238 = arith.index_cast %swap3A_237 : i32 to index
      %swap3A_239 = arith.constant 32 : index
      %swap3A_240 = tpu.vector_load %arg15[%swap3A_238, %swap3A_239] {strides = array<i32>} : memref<16x128xf32, #tpu.memory_space<vmem>>, vector<16xf32>,
      tpu.vector_store %arg15[%swap3A_238, %swap3A_239], %sub3A_236 {strides = array<i32>} : memref<16x128xf32, #tpu.memory_space<vmem>>, vector<16xf32>,
      %mul3A_241 = arith.mulf %sub3A_236, %sub3A_236 : vector<16xf32>
      %add3A_242 = arith.addf %add3A_229, %mul3A_241 : vector<16xf32>
      %swap3A_243 = arith.constant 3 : i32
      %swap3A_244 = arith.index_cast %swap3A_243 : i32 to index
      %swap3A_245 = arith.constant 32 : index
      %swap3A_246 = tpu.vector_load %arg15[%swap3A_244, %swap3A_245] {strides = array<i32>} : memref<16x128xf32, #tpu.memory_space<vmem>>, vector<16xf32>,
      tpu.vector_store %arg15[%swap3A_244, %swap3A_245], %add3A_242 {strides = array<i32>} : memref<16x128xf32, #tpu.memory_space<vmem>>, vector<16xf32>,
      %get3A_247 = arith.constant 0 : i32
      %get3A_248 = arith.index_cast %get3A_247 : i32 to index
      %get3A_249 = arith.constant 48 : index
      %get3A_250 = tpu.vector_load %arg11[%get3A_248, %get3A_249] {strides = array<i32>} : memref<2x512xi32, #tpu.memory_space<vmem>>, vector<16xi32>,
      %mul3A_251 = arith.constant 3 : i32
      %mul3A_252 = vector.broadcast %mul3A_251 : i32 to vector<16xi32>
      %mul3A_253 = arith.muli %get3A_250, %mul3A_252 : vector<16xi32>
      %get3A_254 = arith.constant 0 : i32
      %get3A_255 = arith.index_cast %get3A_254 : i32 to index
      %get3A_256 = arith.constant 304 : index
      %get3A_257 = tpu.vector_load %arg11[%get3A_255, %get3A_256] {strides = array<i32>} : memref<2x512xi32, #tpu.memory_space<vmem>>, vector<16xi32>,
      %mul3A_258 = arith.constant 3 : i32
      %mul3A_259 = vector.broadcast %mul3A_258 : i32 to vector<16xi32>
      %mul3A_260 = arith.muli %get3A_257, %mul3A_259 : vector<16xi32>
      %broadcast_in_dim3A_261 = arith.constant 0.000000e+00 : f32
      %broadcast_in_dim3A_262 = vector.broadcast %broadcast_in_dim3A_261 : f32 to vector<16xf32>
      %broadcast_in_dim3A_263 = arith.constant 0 : i32
      %broadcast_in_dim3A_264 = vector.broadcast %broadcast_in_dim3A_263 : i32 to vector<16xi32>
      %add3A_265 = arith.addi %mul3A_253, %broadcast_in_dim3A_264 : vector<16xi32>
      %gather3A_266 = tpu.vector_load_idx %arg14[%add3A_265] : memref<30000xf32, #tpu.memory_space<vmem>>[vector<16xi32>], vector<16xf32>,
      %add3A_267 = arith.addi %mul3A_260, %broadcast_in_dim3A_264 : vector<16xi32>
      %gather3A_268 = tpu.vector_load_idx %arg14[%add3A_267] : memref<30000xf32, #tpu.memory_space<vmem>>[vector<16xi32>], vector<16xf32>,
      %sub3A_269 = arith.subf %gather3A_266, %gather3A_268 : vector<16xf32>
      %swap3A_270 = arith.constant 0 : i32
      %swap3A_271 = arith.index_cast %swap3A_270 : i32 to index
      %swap3A_272 = arith.constant 48 : index
      %swap3A_273 = tpu.vector_load %arg15[%swap3A_271, %swap3A_272] {strides = array<i32>} : memref<16x128xf32, #tpu.memory_space<vmem>>, vector<16xf32>,
      tpu.vector_store %arg15[%swap3A_271, %swap3A_272], %sub3A_269 {strides = array<i32>} : memref<16x128xf32, #tpu.memory_space<vmem>>, vector<16xf32>,
      %mul3A_274 = arith.mulf %sub3A_269, %sub3A_269 : vector<16xf32>
      %add3A_275 = arith.addf %broadcast_in_dim3A_262, %mul3A_274 : vector<16xf32>
      %broadcast_in_dim3A_276 = arith.constant 1 : i32
      %broadcast_in_dim3A_277 = vector.broadcast %broadcast_in_dim3A_276 : i32 to vector<16xi32>
      %add3A_278 = arith.addi %mul3A_253, %broadcast_in_dim3A_277 : vector<16xi32>
      %gather3A_279 = tpu.vector_load_idx %arg14[%add3A_278] : memref<30000xf32, #tpu.memory_space<vmem>>[vector<16xi32>], vector<16xf32>,
      %add3A_280 = arith.addi %mul3A_260, %broadcast_in_dim3A_277 : vector<16xi32>
      %gather3A_281 = tpu.vector_load_idx %arg14[%add3A_280] : memref<30000xf32, #tpu.memory_space<vmem>>[vector<16xi32>], vector<16xf32>,
      %sub3A_282 = arith.subf %gather3A_279, %gather3A_281 : vector<16xf32>
      %swap3A_283 = arith.constant 1 : i32
      %swap3A_284 = arith.index_cast %swap3A_283 : i32 to index
      %swap3A_285 = arith.constant 48 : index
      %swap3A_286 = tpu.vector_load %arg15[%swap3A_284, %swap3A_285] {strides = array<i32>} : memref<16x128xf32, #tpu.memory_space<vmem>>, vector<16xf32>,
      tpu.vector_store %arg15[%swap3A_284, %swap3A_285], %sub3A_282 {strides = array<i32>} : memref<16x128xf32, #tpu.memory_space<vmem>>, vector<16xf32>,
      %mul3A_287 = arith.mulf %sub3A_282, %sub3A_282 : vector<16xf32>
      %add3A_288 = arith.addf %add3A_275, %mul3A_287 : vector<16xf32>
      %broadcast_in_dim3A_289 = arith.constant 2 : i32
      %broadcast_in_dim3A_290 = vector.broadcast %broadcast_in_dim3A_289 : i32 to vector<16xi32>
      %add3A_291 = arith.addi %mul3A_253, %broadcast_in_dim3A_290 : vector<16xi32>
      %gather3A_292 = tpu.vector_load_idx %arg14[%add3A_291] : memref<30000xf32, #tpu.memory_space<vmem>>[vector<16xi32>], vector<16xf32>,
      %add3A_293 = arith.addi %mul3A_260, %broadcast_in_dim3A_290 : vector<16xi32>
      %gather3A_294 = tpu.vector_load_idx %arg14[%add3A_293] : memref<30000xf32, #tpu.memory_space<vmem>>[vector<16xi32>], vector<16xf32>,
      %sub3A_295 = arith.subf %gather3A_292, %gather3A_294 : vector<16xf32>
      %swap3A_296 = arith.constant 2 : i32
      %swap3A_297 = arith.index_cast %swap3A_296 : i32 to index
      %swap3A_298 = arith.constant 48 : index
      %swap3A_299 = tpu.vector_load %arg15[%swap3A_297, %swap3A_298] {strides = array<i32>} : memref<16x128xf32, #tpu.memory_space<vmem>>, vector<16xf32>,
      tpu.vector_store %arg15[%swap3A_297, %swap3A_298], %sub3A_295 {strides = array<i32>} : memref<16x128xf32, #tpu.memory_space<vmem>>, vector<16xf32>,
      %mul3A_300 = arith.mulf %sub3A_295, %sub3A_295 : vector<16xf32>
      %add3A_301 = arith.addf %add3A_288, %mul3A_300 : vector<16xf32>
      %swap3A_302 = arith.constant 3 : i32
      %swap3A_303 = arith.index_cast %swap3A_302 : i32 to index
      %swap3A_304 = arith.constant 48 : index
      %swap3A_305 = tpu.vector_load %arg15[%swap3A_303, %swap3A_304] {strides = array<i32>} : memref<16x128xf32, #tpu.memory_space<vmem>>, vector<16xf32>,
      tpu.vector_store %arg15[%swap3A_303, %swap3A_304], %add3A_301 {strides = array<i32>} : memref<16x128xf32, #tpu.memory_space<vmem>>, vector<16xf32>,
      %get3A_306 = arith.constant 0 : i32
      %get3A_307 = arith.index_cast %get3A_306 : i32 to index
      %get3A_308 = arith.constant 64 : index
      %get3A_309 = tpu.vector_load %arg11[%get3A_307, %get3A_308] {strides = array<i32>} : memref<2x512xi32, #tpu.memory_space<vmem>>, vector<16xi32>,
      %mul3A_310 = arith.constant 3 : i32
      %mul3A_311 = vector.broadcast %mul3A_310 : i32 to vector<16xi32>
      %mul3A_312 = arith.muli %get3A_309, %mul3A_311 : vector<16xi32>
      %get3A_313 = arith.constant 0 : i32
      %get3A_314 = arith.index_cast %get3A_313 : i32 to index
      %get3A_315 = arith.constant 320 : index
      %get3A_316 = tpu.vector_load %arg11[%get3A_314, %get3A_315] {strides = array<i32>} : memref<2x512xi32, #tpu.memory_space<vmem>>, vector<16xi32>,
      %mul3A_317 = arith.constant 3 : i32
      %mul3A_318 = vector.broadcast %mul3A_317 : i32 to vector<16xi32>
      %mul3A_319 = arith.muli %get3A_316, %mul3A_318 : vector<16xi32>
      %broadcast_in_dim3A_320 = arith.constant 0.000000e+00 : f32
      %broadcast_in_dim3A_321 = vector.broadcast %broadcast_in_dim3A_320 : f32 to vector<16xf32>
      %broadcast_in_dim3A_322 = arith.constant 0 : i32
      %broadcast_in_dim3A_323 = vector.broadcast %broadcast_in_dim3A_322 : i32 to vector<16xi32>
      %add3A_324 = arith.addi %mul3A_312, %broadcast_in_dim3A_323 : vector<16xi32>
      %gather3A_325 = tpu.vector_load_idx %arg14[%add3A_324] : memref<30000xf32, #tpu.memory_space<vmem>>[vector<16xi32>], vector<16xf32>,
      %add3A_326 = arith.addi %mul3A_319, %broadcast_in_dim3A_323 : vector<16xi32>
      %gather3A_327 = tpu.vector_load_idx %arg14[%add3A_326] : memref<30000xf32, #tpu.memory_space<vmem>>[vector<16xi32>], vector<16xf32>,
      %sub3A_328 = arith.subf %gather3A_325, %gather3A_327 : vector<16xf32>
      %swap3A_329 = arith.constant 0 : i32
      %swap3A_330 = arith.index_cast %swap3A_329 : i32 to index
      %swap3A_331 = arith.constant 64 : index
      %swap3A_332 = tpu.vector_load %arg15[%swap3A_330, %swap3A_331] {strides = array<i32>} : memref<16x128xf32, #tpu.memory_space<vmem>>, vector<16xf32>,
      tpu.vector_store %arg15[%swap3A_330, %swap3A_331], %sub3A_328 {strides = array<i32>} : memref<16x128xf32, #tpu.memory_space<vmem>>, vector<16xf32>,
      %mul3A_333 = arith.mulf %sub3A_328, %sub3A_328 : vector<16xf32>
      %add3A_334 = arith.addf %broadcast_in_dim3A_321, %mul3A_333 : vector<16xf32>
      %broadcast_in_dim3A_335 = arith.constant 1 : i32
      %broadcast_in_dim3A_336 = vector.broadcast %broadcast_in_dim3A_335 : i32 to vector<16xi32>
      %add3A_337 = arith.addi %mul3A_312, %broadcast_in_dim3A_336 : vector<16xi32>
      %gather3A_338 = tpu.vector_load_idx %arg14[%add3A_337] : memref<30000xf32, #tpu.memory_space<vmem>>[vector<16xi32>], vector<16xf32>,
      %add3A_339 = arith.addi %mul3A_319, %broadcast_in_dim3A_336 : vector<16xi32>
      %gather3A_340 = tpu.vector_load_idx %arg14[%add3A_339] : memref<30000xf32, #tpu.memory_space<vmem>>[vector<16xi32>], vector<16xf32>,
      %sub3A_341 = arith.subf %gather3A_338, %gather3A_340 : vector<16xf32>
      %swap3A_342 = arith.constant 1 : i32
      %swap3A_343 = arith.index_cast %swap3A_342 : i32 to index
      %swap3A_344 = arith.constant 64 : index
      %swap3A_345 = tpu.vector_load %arg15[%swap3A_343, %swap3A_344] {strides = array<i32>} : memref<16x128xf32, #tpu.memory_space<vmem>>, vector<16xf32>,
      tpu.vector_store %arg15[%swap3A_343, %swap3A_344], %sub3A_341 {strides = array<i32>} : memref<16x128xf32, #tpu.memory_space<vmem>>, vector<16xf32>,
      %mul3A_346 = arith.mulf %sub3A_341, %sub3A_341 : vector<16xf32>
      %add3A_347 = arith.addf %add3A_334, %mul3A_346 : vector<16xf32>
      %broadcast_in_dim3A_348 = arith.constant 2 : i32
      %broadcast_in_dim3A_349 = vector.broadcast %broadcast_in_dim3A_348 : i32 to vector<16xi32>
      %add3A_350 = arith.addi %mul3A_312, %broadcast_in_dim3A_349 : vector<16xi32>
      %gather3A_351 = tpu.vector_load_idx %arg14[%add3A_350] : memref<30000xf32, #tpu.memory_space<vmem>>[vector<16xi32>], vector<16xf32>,
      %add3A_352 = arith.addi %mul3A_319, %broadcast_in_dim3A_349 : vector<16xi32>
      %gather3A_353 = tpu.vector_load_idx %arg14[%add3A_352] : memref<30000xf32, #tpu.memory_space<vmem>>[vector<16xi32>], vector<16xf32>,
      %sub3A_354 = arith.subf %gather3A_351, %gather3A_353 : vector<16xf32>
      %swap3A_355 = arith.constant 2 : i32
      %swap3A_356 = arith.index_cast %swap3A_355 : i32 to index
      %swap3A_357 = arith.constant 64 : index
      %swap3A_358 = tpu.vector_load %arg15[%swap3A_356, %swap3A_357] {strides = array<i32>} : memref<16x128xf32, #tpu.memory_space<vmem>>, vector<16xf32>,
      tpu.vector_store %arg15[%swap3A_356, %swap3A_357], %sub3A_354 {strides = array<i32>} : memref<16x128xf32, #tpu.memory_space<vmem>>, vector<16xf32>,
      %mul3A_359 = arith.mulf %sub3A_354, %sub3A_354 : vector<16xf32>
      %add3A_360 = arith.addf %add3A_347, %mul3A_359 : vector<16xf32>
      %swap3A_361 = arith.constant 3 : i32
      %swap3A_362 = arith.index_cast %swap3A_361 : i32 to index
      %swap3A_363 = arith.constant 64 : index
      %swap3A_364 = tpu.vector_load %arg15[%swap3A_362, %swap3A_363] {strides = array<i32>} : memref<16x128xf32, #tpu.memory_space<vmem>>, vector<16xf32>,
      tpu.vector_store %arg15[%swap3A_362, %swap3A_363], %add3A_360 {strides = array<i32>} : memref<16x128xf32, #tpu.memory_space<vmem>>, vector<16xf32>,
      %get3A_365 = arith.constant 0 : i32
      %get3A_366 = arith.index_cast %get3A_365 : i32 to index
      %get3A_367 = arith.constant 80 : index
      %get3A_368 = tpu.vector_load %arg11[%get3A_366, %get3A_367] {strides = array<i32>} : memref<2x512xi32, #tpu.memory_space<vmem>>, vector<16xi32>,
      %mul3A_369 = arith.constant 3 : i32
      %mul3A_370 = vector.broadcast %mul3A_369 : i32 to vector<16xi32>
      %mul3A_371 = arith.muli %get3A_368, %mul3A_370 : vector<16xi32>
      %get3A_372 = arith.constant 0 : i32
      %get3A_373 = arith.index_cast %get3A_372 : i32 to index
      %get3A_374 = arith.constant 336 : index
      %get3A_375 = tpu.vector_load %arg11[%get3A_373, %get3A_374] {strides = array<i32>} : memref<2x512xi32, #tpu.memory_space<vmem>>, vector<16xi32>,
      %mul3A_376 = arith.constant 3 : i32
      %mul3A_377 = vector.broadcast %mul3A_376 : i32 to vector<16xi32>
      %mul3A_378 = arith.muli %get3A_375, %mul3A_377 : vector<16xi32>
      %broadcast_in_dim3A_379 = arith.constant 0.000000e+00 : f32
      %broadcast_in_dim3A_380 = vector.broadcast %broadcast_in_dim3A_379 : f32 to vector<16xf32>
      %broadcast_in_dim3A_381 = arith.constant 0 : i32
      %broadcast_in_dim3A_382 = vector.broadcast %broadcast_in_dim3A_381 : i32 to vector<16xi32>
      %add3A_383 = arith.addi %mul3A_371, %broadcast_in_dim3A_382 : vector<16xi32>
      %gather3A_384 = tpu.vector_load_idx %arg14[%add3A_383] : memref<30000xf32, #tpu.memory_space<vmem>>[vector<16xi32>], vector<16xf32>,
      %add3A_385 = arith.addi %mul3A_378, %broadcast_in_dim3A_382 : vector<16xi32>
      %gather3A_386 = tpu.vector_load_idx %arg14[%add3A_385] : memref<30000xf32, #tpu.memory_space<vmem>>[vector<16xi32>], vector<16xf32>,
      %sub3A_387 = arith.subf %gather3A_384, %gather3A_386 : vector<16xf32>
      %swap3A_388 = arith.constant 0 : i32
      %swap3A_389 = arith.index_cast %swap3A_388 : i32 to index
      %swap3A_390 = arith.constant 80 : index
      %swap3A_391 = tpu.vector_load %arg15[%swap3A_389, %swap3A_390] {strides = array<i32>} : memref<16x128xf32, #tpu.memory_space<vmem>>, vector<16xf32>,
      tpu.vector_store %arg15[%swap3A_389, %swap3A_390], %sub3A_387 {strides = array<i32>} : memref<16x128xf32, #tpu.memory_space<vmem>>, vector<16xf32>,
      %mul3A_392 = arith.mulf %sub3A_387, %sub3A_387 : vector<16xf32>
      %add3A_393 = arith.addf %broadcast_in_dim3A_380, %mul3A_392 : vector<16xf32>
      %broadcast_in_dim3A_394 = arith.constant 1 : i32
      %broadcast_in_dim3A_395 = vector.broadcast %broadcast_in_dim3A_394 : i32 to vector<16xi32>
      %add3A_396 = arith.addi %mul3A_371, %broadcast_in_dim3A_395 : vector<16xi32>
      %gather3A_397 = tpu.vector_load_idx %arg14[%add3A_396] : memref<30000xf32, #tpu.memory_space<vmem>>[vector<16xi32>], vector<16xf32>,
      %add3A_398 = arith.addi %mul3A_378, %broadcast_in_dim3A_395 : vector<16xi32>
      %gather3A_399 = tpu.vector_load_idx %arg14[%add3A_398] : memref<30000xf32, #tpu.memory_space<vmem>>[vector<16xi32>], vector<16xf32>,
      %sub3A_400 = arith.subf %gather3A_397, %gather3A_399 : vector<16xf32>
      %swap3A_401 = arith.constant 1 : i32
      %swap3A_402 = arith.index_cast %swap3A_401 : i32 to index
      %swap3A_403 = arith.constant 80 : index
      %swap3A_404 = tpu.vector_load %arg15[%swap3A_402, %swap3A_403] {strides = array<i32>} : memref<16x128xf32, #tpu.memory_space<vmem>>, vector<16xf32>,
      tpu.vector_store %arg15[%swap3A_402, %swap3A_403], %sub3A_400 {strides = array<i32>} : memref<16x128xf32, #tpu.memory_space<vmem>>, vector<16xf32>,
      %mul3A_405 = arith.mulf %sub3A_400, %sub3A_400 : vector<16xf32>
      %add3A_406 = arith.addf %add3A_393, %mul3A_405 : vector<16xf32>
      %broadcast_in_dim3A_407 = arith.constant 2 : i32
      %broadcast_in_dim3A_408 = vector.broadcast %broadcast_in_dim3A_407 : i32 to vector<16xi32>
      %add3A_409 = arith.addi %mul3A_371, %broadcast_in_dim3A_408 : vector<16xi32>
      %gather3A_410 = tpu.vector_load_idx %arg14[%add3A_409] : memref<30000xf32, #tpu.memory_space<vmem>>[vector<16xi32>], vector<16xf32>,
      %add3A_411 = arith.addi %mul3A_378, %broadcast_in_dim3A_408 : vector<16xi32>
      %gather3A_412 = tpu.vector_load_idx %arg14[%add3A_411] : memref<30000xf32, #tpu.memory_space<vmem>>[vector<16xi32>], vector<16xf32>,
      %sub3A_413 = arith.subf %gather3A_410, %gather3A_412 : vector<16xf32>
      %swap3A_414 = arith.constant 2 : i32
      %swap3A_415 = arith.index_cast %swap3A_414 : i32 to index
      %swap3A_416 = arith.constant 80 : index
      %swap3A_417 = tpu.vector_load %arg15[%swap3A_415, %swap3A_416] {strides = array<i32>} : memref<16x128xf32, #tpu.memory_space<vmem>>, vector<16xf32>,
      tpu.vector_store %arg15[%swap3A_415, %swap3A_416], %sub3A_413 {strides = array<i32>} : memref<16x128xf32, #tpu.memory_space<vmem>>, vector<16xf32>,
      %mul3A_418 = arith.mulf %sub3A_413, %sub3A_413 : vector<16xf32>
      %add3A_419 = arith.addf %add3A_406, %mul3A_418 : vector<16xf32>
      %swap3A_420 = arith.constant 3 : i32
      %swap3A_421 = arith.index_cast %swap3A_420 : i32 to index
      %swap3A_422 = arith.constant 80 : index
      %swap3A_423 = tpu.vector_load %arg15[%swap3A_421, %swap3A_422] {strides = array<i32>} : memref<16x128xf32, #tpu.memory_space<vmem>>, vector<16xf32>,
      tpu.vector_store %arg15[%swap3A_421, %swap3A_422], %add3A_419 {strides = array<i32>} : memref<16x128xf32, #tpu.memory_space<vmem>>, vector<16xf32>,
      %get3A_424 = arith.constant 0 : i32
      %get3A_425 = arith.index_cast %get3A_424 : i32 to index
      %get3A_426 = arith.constant 96 : index
      %get3A_427 = tpu.vector_load %arg11[%get3A_425, %get3A_426] {strides = array<i32>} : memref<2x512xi32, #tpu.memory_space<vmem>>, vector<16xi32>,
      %mul3A_428 = arith.constant 3 : i32
      %mul3A_429 = vector.broadcast %mul3A_428 : i32 to vector<16xi32>
      %mul3A_430 = arith.muli %get3A_427, %mul3A_429 : vector<16xi32>
      %get3A_431 = arith.constant 0 : i32
      %get3A_432 = arith.index_cast %get3A_431 : i32 to index
      %get3A_433 = arith.constant 352 : index
      %get3A_434 = tpu.vector_load %arg11[%get3A_432, %get3A_433] {strides = array<i32>} : memref<2x512xi32, #tpu.memory_space<vmem>>, vector<16xi32>,
      %mul3A_435 = arith.constant 3 : i32
      %mul3A_436 = vector.broadcast %mul3A_435 : i32 to vector<16xi32>
      %mul3A_437 = arith.muli %get3A_434, %mul3A_436 : vector<16xi32>
      %broadcast_in_dim3A_438 = arith.constant 0.000000e+00 : f32
      %broadcast_in_dim3A_439 = vector.broadcast %broadcast_in_dim3A_438 : f32 to vector<16xf32>
      %broadcast_in_dim3A_440 = arith.constant 0 : i32
      %broadcast_in_dim3A_441 = vector.broadcast %broadcast_in_dim3A_440 : i32 to vector<16xi32>
      %add3A_442 = arith.addi %mul3A_430, %broadcast_in_dim3A_441 : vector<16xi32>
      %gather3A_443 = tpu.vector_load_idx %arg14[%add3A_442] : memref<30000xf32, #tpu.memory_space<vmem>>[vector<16xi32>], vector<16xf32>,
      %add3A_444 = arith.addi %mul3A_437, %broadcast_in_dim3A_441 : vector<16xi32>
      %gather3A_445 = tpu.vector_load_idx %arg14[%add3A_444] : memref<30000xf32, #tpu.memory_space<vmem>>[vector<16xi32>], vector<16xf32>,
      %sub3A_446 = arith.subf %gather3A_443, %gather3A_445 : vector<16xf32>
      %swap3A_447 = arith.constant 0 : i32
      %swap3A_448 = arith.index_cast %swap3A_447 : i32 to index
      %swap3A_449 = arith.constant 96 : index
      %swap3A_450 = tpu.vector_load %arg15[%swap3A_448, %swap3A_449] {strides = array<i32>} : memref<16x128xf32, #tpu.memory_space<vmem>>, vector<16xf32>,
      tpu.vector_store %arg15[%swap3A_448, %swap3A_449], %sub3A_446 {strides = array<i32>} : memref<16x128xf32, #tpu.memory_space<vmem>>, vector<16xf32>,
      %mul3A_451 = arith.mulf %sub3A_446, %sub3A_446 : vector<16xf32>
      %add3A_452 = arith.addf %broadcast_in_dim3A_439, %mul3A_451 : vector<16xf32>
      %broadcast_in_dim3A_453 = arith.constant 1 : i32
      %broadcast_in_dim3A_454 = vector.broadcast %broadcast_in_dim3A_453 : i32 to vector<16xi32>
      %add3A_455 = arith.addi %mul3A_430, %broadcast_in_dim3A_454 : vector<16xi32>
      %gather3A_456 = tpu.vector_load_idx %arg14[%add3A_455] : memref<30000xf32, #tpu.memory_space<vmem>>[vector<16xi32>], vector<16xf32>,
      %add3A_457 = arith.addi %mul3A_437, %broadcast_in_dim3A_454 : vector<16xi32>
      %gather3A_458 = tpu.vector_load_idx %arg14[%add3A_457] : memref<30000xf32, #tpu.memory_space<vmem>>[vector<16xi32>], vector<16xf32>,
      %sub3A_459 = arith.subf %gather3A_456, %gather3A_458 : vector<16xf32>
      %swap3A_460 = arith.constant 1 : i32
      %swap3A_461 = arith.index_cast %swap3A_460 : i32 to index
      %swap3A_462 = arith.constant 96 : index
      %swap3A_463 = tpu.vector_load %arg15[%swap3A_461, %swap3A_462] {strides = array<i32>} : memref<16x128xf32, #tpu.memory_space<vmem>>, vector<16xf32>,
      tpu.vector_store %arg15[%swap3A_461, %swap3A_462], %sub3A_459 {strides = array<i32>} : memref<16x128xf32, #tpu.memory_space<vmem>>, vector<16xf32>,
      %mul3A_464 = arith.mulf %sub3A_459, %sub3A_459 : vector<16xf32>
      %add3A_465 = arith.addf %add3A_452, %mul3A_464 : vector<16xf32>
      %broadcast_in_dim3A_466 = arith.constant 2 : i32
      %broadcast_in_dim3A_467 = vector.broadcast %broadcast_in_dim3A_466 : i32 to vector<16xi32>
      %add3A_468 = arith.addi %mul3A_430, %broadcast_in_dim3A_467 : vector<16xi32>
      %gather3A_469 = tpu.vector_load_idx %arg14[%add3A_468] : memref<30000xf32, #tpu.memory_space<vmem>>[vector<16xi32>], vector<16xf32>,
      %add3A_470 = arith.addi %mul3A_437, %broadcast_in_dim3A_467 : vector<16xi32>
      %gather3A_471 = tpu.vector_load_idx %arg14[%add3A_470] : memref<30000xf32, #tpu.memory_space<vmem>>[vector<16xi32>], vector<16xf32>,
      %sub3A_472 = arith.subf %gather3A_469, %gather3A_471 : vector<16xf32>
      %swap3A_473 = arith.constant 2 : i32
      %swap3A_474 = arith.index_cast %swap3A_473 : i32 to index
      %swap3A_475 = arith.constant 96 : index
      %swap3A_476 = tpu.vector_load %arg15[%swap3A_474, %swap3A_475] {strides = array<i32>} : memref<16x128xf32, #tpu.memory_space<vmem>>, vector<16xf32>,
      tpu.vector_store %arg15[%swap3A_474, %swap3A_475], %sub3A_472 {strides = array<i32>} : memref<16x128xf32, #tpu.memory_space<vmem>>, vector<16xf32>,
      %mul3A_477 = arith.mulf %sub3A_472, %sub3A_472 : vector<16xf32>
      %add3A_478 = arith.addf %add3A_465, %mul3A_477 : vector<16xf32>
      %swap3A_479 = arith.constant 3 : i32
      %swap3A_480 = arith.index_cast %swap3A_479 : i32 to index
      %swap3A_481 = arith.constant 96 : index
      %swap3A_482 = tpu.vector_load %arg15[%swap3A_480, %swap3A_481] {strides = array<i32>} : memref<16x128xf32, #tpu.memory_space<vmem>>, vector<16xf32>,
      tpu.vector_store %arg15[%swap3A_480, %swap3A_481], %add3A_478 {strides = array<i32>} : memref<16x128xf32, #tpu.memory_space<vmem>>, vector<16xf32>,
      %get3A_483 = arith.constant 0 : i32
      %get3A_484 = arith.index_cast %get3A_483 : i32 to index
      %get3A_485 = arith.constant 112 : index
      %get3A_486 = tpu.vector_load %arg11[%get3A_484, %get3A_485] {strides = array<i32>} : memref<2x512xi32, #tpu.memory_space<vmem>>, vector<16xi32>,
      %mul3A_487 = arith.constant 3 : i32
      %mul3A_488 = vector.broadcast %mul3A_487 : i32 to vector<16xi32>
      %mul3A_489 = arith.muli %get3A_486, %mul3A_488 : vector<16xi32>
      %get3A_490 = arith.constant 0 : i32
      %get3A_491 = arith.index_cast %get3A_490 : i32 to index
      %get3A_492 = arith.constant 368 : index
      %get3A_493 = tpu.vector_load %arg11[%get3A_491, %get3A_492] {strides = array<i32>} : memref<2x512xi32, #tpu.memory_space<vmem>>, vector<16xi32>,
      %mul3A_494 = arith.constant 3 : i32
      %mul3A_495 = vector.broadcast %mul3A_494 : i32 to vector<16xi32>
      %mul3A_496 = arith.muli %get3A_493, %mul3A_495 : vector<16xi32>
      %broadcast_in_dim3A_497 = arith.constant 0.000000e+00 : f32
      %broadcast_in_dim3A_498 = vector.broadcast %broadcast_in_dim3A_497 : f32 to vector<16xf32>
      %broadcast_in_dim3A_499 = arith.constant 0 : i32
      %broadcast_in_dim3A_500 = vector.broadcast %broadcast_in_dim3A_499 : i32 to vector<16xi32>
      %add3A_501 = arith.addi %mul3A_489, %broadcast_in_dim3A_500 : vector<16xi32>
      %gather3A_502 = tpu.vector_load_idx %arg14[%add3A_501] : memref<30000xf32, #tpu.memory_space<vmem>>[vector<16xi32>], vector<16xf32>,
      %add3A_503 = arith.addi %mul3A_496, %broadcast_in_dim3A_500 : vector<16xi32>
      %gather3A_504 = tpu.vector_load_idx %arg14[%add3A_503] : memref<30000xf32, #tpu.memory_space<vmem>>[vector<16xi32>], vector<16xf32>,
      %sub3A_505 = arith.subf %gather3A_502, %gather3A_504 : vector<16xf32>
      %swap3A_506 = arith.constant 0 : i32
      %swap3A_507 = arith.index_cast %swap3A_506 : i32 to index
      %swap3A_508 = arith.constant 112 : index
      %swap3A_509 = tpu.vector_load %arg15[%swap3A_507, %swap3A_508] {strides = array<i32>} : memref<16x128xf32, #tpu.memory_space<vmem>>, vector<16xf32>,
      tpu.vector_store %arg15[%swap3A_507, %swap3A_508], %sub3A_505 {strides = array<i32>} : memref<16x128xf32, #tpu.memory_space<vmem>>, vector<16xf32>,
      %mul3A_510 = arith.mulf %sub3A_505, %sub3A_505 : vector<16xf32>
      %add3A_511 = arith.addf %broadcast_in_dim3A_498, %mul3A_510 : vector<16xf32>
      %broadcast_in_dim3A_512 = arith.constant 1 : i32
      %broadcast_in_dim3A_513 = vector.broadcast %broadcast_in_dim3A_512 : i32 to vector<16xi32>
      %add3A_514 = arith.addi %mul3A_489, %broadcast_in_dim3A_513 : vector<16xi32>
      %gather3A_515 = tpu.vector_load_idx %arg14[%add3A_514] : memref<30000xf32, #tpu.memory_space<vmem>>[vector<16xi32>], vector<16xf32>,
      %add3A_516 = arith.addi %mul3A_496, %broadcast_in_dim3A_513 : vector<16xi32>
      %gather3A_517 = tpu.vector_load_idx %arg14[%add3A_516] : memref<30000xf32, #tpu.memory_space<vmem>>[vector<16xi32>], vector<16xf32>,
      %sub3A_518 = arith.subf %gather3A_515, %gather3A_517 : vector<16xf32>
      %swap3A_519 = arith.constant 1 : i32
      %swap3A_520 = arith.index_cast %swap3A_519 : i32 to index
      %swap3A_521 = arith.constant 112 : index
      %swap3A_522 = tpu.vector_load %arg15[%swap3A_520, %swap3A_521] {strides = array<i32>} : memref<16x128xf32, #tpu.memory_space<vmem>>, vector<16xf32>,
      tpu.vector_store %arg15[%swap3A_520, %swap3A_521], %sub3A_518 {strides = array<i32>} : memref<16x128xf32, #tpu.memory_space<vmem>>, vector<16xf32>,
      %mul3A_523 = arith.mulf %sub3A_518, %sub3A_518 : vector<16xf32>
      %add3A_524 = arith.addf %add3A_511, %mul3A_523 : vector<16xf32>
      %broadcast_in_dim3A_525 = arith.constant 2 : i32
      %broadcast_in_dim3A_526 = vector.broadcast %broadcast_in_dim3A_525 : i32 to vector<16xi32>
      %add3A_527 = arith.addi %mul3A_489, %broadcast_in_dim3A_526 : vector<16xi32>
      %gather3A_528 = tpu.vector_load_idx %arg14[%add3A_527] : memref<30000xf32, #tpu.memory_space<vmem>>[vector<16xi32>], vector<16xf32>,
      %add3A_529 = arith.addi %mul3A_496, %broadcast_in_dim3A_526 : vector<16xi32>
      %gather3A_530 = tpu.vector_load_idx %arg14[%add3A_529] : memref<30000xf32, #tpu.memory_space<vmem>>[vector<16xi32>], vector<16xf32>,
      %sub3A_531 = arith.subf %gather3A_528, %gather3A_530 : vector<16xf32>
      %swap3A_532 = arith.constant 2 : i32
      %swap3A_533 = arith.index_cast %swap3A_532 : i32 to index
      %swap3A_534 = arith.constant 112 : index
      %swap3A_535 = tpu.vector_load %arg15[%swap3A_533, %swap3A_534] {strides = array<i32>} : memref<16x128xf32, #tpu.memory_space<vmem>>, vector<16xf32>,
      tpu.vector_store %arg15[%swap3A_533, %swap3A_534], %sub3A_531 {strides = array<i32>} : memref<16x128xf32, #tpu.memory_space<vmem>>, vector<16xf32>,
      %mul3A_536 = arith.mulf %sub3A_531, %sub3A_531 : vector<16xf32>
      %add3A_537 = arith.addf %add3A_524, %mul3A_536 : vector<16xf32>
      %swap3A_538 = arith.constant 3 : i32
      %swap3A_539 = arith.index_cast %swap3A_538 : i32 to index
      %swap3A_540 = arith.constant 112 : index
      %swap3A_541 = tpu.vector_load %arg15[%swap3A_539, %swap3A_540] {strides = array<i32>} : memref<16x128xf32, #tpu.memory_space<vmem>>, vector<16xf32>,
      tpu.vector_store %arg15[%swap3A_539, %swap3A_540], %add3A_537 {strides = array<i32>} : memref<16x128xf32, #tpu.memory_space<vmem>>, vector<16xf32>,
      %mul3A_542 = arith.constant 8 : i32
      %mul3A_543 = arith.muli %add3A_50, %mul3A_542 : i32
      "tpu.region"() ({
        %run_scoped3A_563 = tpu.sem_alloc : memref<!tpu.dma_semaphore, #tpu.memory_space<semaphore_mem>>
        %dma_start3A_564 = arith.constant 0 : i32
        %dma_start3A_565 = arith.constant 0 : i32
        %dma_start3A_566 = tpu.memref_slice %arg15[%dma_start3A_564, %dma_start3A_565] : memref<16x128xf32, #tpu.memory_space<vmem>> -> memref<8x128xf32, #tpu.memory_space<vmem>>
        %dma_start3A_567 = arith.constant 0 : i32
        %dma_start3A_568 = tpu.memref_slice %arg10[%mul3A_543, %dma_start3A_567] : memref<5000x128xf32, #tpu.memory_space<hbm>> -> memref<8x128xf32, #tpu.memory_space<hbm>>
        %dma_start3A_569 = arith.constant 0 : i32
        %dma_start3A_570 = tpu.memref_slice %arg10[%mul3A_543, %dma_start3A_569] : memref<5000x128xf32, #tpu.memory_space<hbm>> -> memref<8x128xf32, #tpu.memory_space<hbm>>
        %dma_start3A_571 = arith.constant 0 : i32
        %dma_start3A_572 = arith.constant 0 : i32
        %dma_start3A_573 = tpu.memref_slice %arg15[%dma_start3A_571, %dma_start3A_572] : memref<16x128xf32, #tpu.memory_space<vmem>> -> memref<8x128xf32, #tpu.memory_space<vmem>>
        tpu.enqueue_dma source(%dma_start3A_573 : memref<8x128xf32, #tpu.memory_space<vmem>>) target(%dma_start3A_570 : memref<8x128xf32, #tpu.memory_space<hbm>>) target_semaphore(%run_scoped3A_563 : memref<!tpu.dma_semaphore, #tpu.memory_space<semaphore_mem>>)
        %dma_wait3A_574 = arith.constant 0 : i32
        %dma_wait3A_575 = arith.constant 0 : i32
        %dma_wait3A_576 = tpu.memref_slice %arg15[%dma_wait3A_574, %dma_wait3A_575] : memref<16x128xf32, #tpu.memory_space<vmem>> -> memref<8x128xf32, #tpu.memory_space<vmem>>
        %dma_wait3A_577 = arith.constant 0 : i32
        %dma_wait3A_578 = tpu.memref_slice %arg10[%mul3A_543, %dma_wait3A_577] : memref<5000x128xf32, #tpu.memory_space<hbm>> -> memref<8x128xf32, #tpu.memory_space<hbm>>
        %dma_wait3A_579 = arith.constant 0 : i32
        %dma_wait3A_580 = tpu.memref_slice %arg10[%mul3A_543, %dma_wait3A_579] : memref<5000x128xf32, #tpu.memory_space<hbm>> -> memref<8x128xf32, #tpu.memory_space<hbm>>
        %dma_wait3A_581 = arith.constant 0 : i32
        %dma_wait3A_582 = arith.constant 0 : i32
        %dma_wait3A_583 = tpu.memref_slice %arg15[%dma_wait3A_581, %dma_wait3A_582] : memref<16x128xf32, #tpu.memory_space<vmem>> -> memref<8x128xf32, #tpu.memory_space<vmem>>
        tpu.wait_dma2 semaphore(%run_scoped3A_563 : memref<!tpu.dma_semaphore, #tpu.memory_space<semaphore_mem>>) src(%dma_wait3A_583 : memref<8x128xf32, #tpu.memory_space<vmem>>) dst(%dma_wait3A_580 : memref<8x128xf32, #tpu.memory_space<hbm>>)
        tpu.yield
      }) : () -> ()
      %dma_wait3A = arith.constant 0 : i32
      %dma_wait3A_544 = arith.constant 0 : i32
      %dma_wait3A_545 = arith.constant 0 : i32
      %dma_wait3A_546 = tpu.memref_slice %arg12[%dma_wait3A_544, %dma_wait3A_545] : memref<256x128xf32, #tpu.memory_space<vmem>> -> memref<128x128xf32, #tpu.memory_space<vmem>>
      %dma_wait3A_547 = arith.constant 0 : i32
      %dma_wait3A_548 = tpu.memref_slice %arg11[%dma_wait3A, %dma_wait3A_547] : memref<2x512xi32, #tpu.memory_space<vmem>> -> memref<1x128xi32, #tpu.memory_space<vmem>>
      %dma_wait3A_549 = tpu.memref_squeeze %dma_wait3A_548 : memref<1x128xi32, #tpu.memory_space<vmem>> -> memref<128xi32, #tpu.memory_space<vmem>>
      %dma_wait3A_550 = arith.constant 0 : i32
      %dma_wait3A_551 = arith.constant 0 : i32
      %dma_wait3A_552 = tpu.memref_slice %arg2[%dma_wait3A_550, %dma_wait3A_551] : memref<10000x128xf32, #tpu.memory_space<hbm>> -> memref<10000x128xf32, #tpu.memory_space<hbm>>
      tpu.wait_indirect_dma semaphore(%arg16 : memref<!tpu.dma_semaphore, #tpu.memory_space<semaphore_mem>>) src(%dma_wait3A_552 : memref<10000x128xf32, #tpu.memory_space<hbm>>) dst(%dma_wait3A_546 : memref<128x128xf32, #tpu.memory_space<vmem>>)
      %dma_wait3A_553 = arith.constant 0 : i32
      %dma_wait3A_554 = arith.constant 0 : i32
      %dma_wait3A_555 = arith.constant 0 : i32
      %dma_wait3A_556 = tpu.memref_slice %arg13[%dma_wait3A_554, %dma_wait3A_555] : memref<256x128xf32, #tpu.memory_space<vmem>> -> memref<128x128xf32, #tpu.memory_space<vmem>>
      %dma_wait3A_557 = arith.constant 256 : i32
      %dma_wait3A_558 = tpu.memref_slice %arg11[%dma_wait3A_553, %dma_wait3A_557] : memref<2x512xi32, #tpu.memory_space<vmem>> -> memref<1x128xi32, #tpu.memory_space<vmem>>
      %dma_wait3A_559 = tpu.memref_squeeze %dma_wait3A_558 : memref<1x128xi32, #tpu.memory_space<vmem>> -> memref<128xi32, #tpu.memory_space<vmem>>
      %dma_wait3A_560 = arith.constant 0 : i32
      %dma_wait3A_561 = arith.constant 0 : i32
      %dma_wait3A_562 = tpu.memref_slice %arg3[%dma_wait3A_560, %dma_wait3A_561] : memref<10000x128xf32, #tpu.memory_space<hbm>> -> memref<10000x128xf32, #tpu.memory_space<hbm>>
      tpu.wait_indirect_dma semaphore(%arg17 : memref<!tpu.dma_semaphore, #tpu.memory_space<semaphore_mem>>) src(%dma_wait3A_562 : memref<10000x128xf32, #tpu.memory_space<hbm>>) dst(%dma_wait3A_556 : memref<128x128xf32, #tpu.memory_space<vmem>>)
      "tpu.region"() ({
        %run_scoped3A_563 = tpu.sem_alloc : memref<!tpu.dma_semaphore, #tpu.memory_space<semaphore_mem>>
        %dma_start3A_564 = arith.constant 0 : i32
        %dma_start3A_565 = arith.constant 0 : i32
        %dma_start3A_566 = tpu.memref_slice %arg12[%dma_start3A_564, %dma_start3A_565] : memref<256x128xf32, #tpu.memory_space<vmem>> -> memref<128x128xf32, #tpu.memory_space<vmem>>
        %dma_start3A_567 = arith.constant 0 : i32
        %dma_start3A_568 = tpu.memref_slice %arg8[%mul3A_52, %dma_start3A_567] : memref<80000x128xf32, #tpu.memory_space<hbm>> -> memref<128x128xf32, #tpu.memory_space<hbm>>
        %dma_start3A_569 = arith.constant 0 : i32
        %dma_start3A_570 = tpu.memref_slice %arg8[%mul3A_52, %dma_start3A_569] : memref<80000x128xf32, #tpu.memory_space<hbm>> -> memref<128x128xf32, #tpu.memory_space<hbm>>
        %dma_start3A_571 = arith.constant 0 : i32
        %dma_start3A_572 = arith.constant 0 : i32
        %dma_start3A_573 = tpu.memref_slice %arg12[%dma_start3A_571, %dma_start3A_572] : memref<256x128xf32, #tpu.memory_space<vmem>> -> memref<128x128xf32, #tpu.memory_space<vmem>>
        tpu.enqueue_dma source(%dma_start3A_573 : memref<128x128xf32, #tpu.memory_space<vmem>>) target(%dma_start3A_570 : memref<128x128xf32, #tpu.memory_space<hbm>>) target_semaphore(%run_scoped3A_563 : memref<!tpu.dma_semaphore, #tpu.memory_space<semaphore_mem>>)
        %dma_wait3A_574 = arith.constant 0 : i32
        %dma_wait3A_575 = arith.constant 0 : i32
        %dma_wait3A_576 = tpu.memref_slice %arg12[%dma_wait3A_574, %dma_wait3A_575] : memref<256x128xf32, #tpu.memory_space<vmem>> -> memref<128x128xf32, #tpu.memory_space<vmem>>
        %dma_wait3A_577 = arith.constant 0 : i32
        %dma_wait3A_578 = tpu.memref_slice %arg8[%mul3A_52, %dma_wait3A_577] : memref<80000x128xf32, #tpu.memory_space<hbm>> -> memref<128x128xf32, #tpu.memory_space<hbm>>
        %dma_wait3A_579 = arith.constant 0 : i32
        %dma_wait3A_580 = tpu.memref_slice %arg8[%mul3A_52, %dma_wait3A_579] : memref<80000x128xf32, #tpu.memory_space<hbm>> -> memref<128x128xf32, #tpu.memory_space<hbm>>
        %dma_wait3A_581 = arith.constant 0 : i32
        %dma_wait3A_582 = arith.constant 0 : i32
        %dma_wait3A_583 = tpu.memref_slice %arg12[%dma_wait3A_581, %dma_wait3A_582] : memref<256x128xf32, #tpu.memory_space<vmem>> -> memref<128x128xf32, #tpu.memory_space<vmem>>
        tpu.wait_dma2 semaphore(%run_scoped3A_563 : memref<!tpu.dma_semaphore, #tpu.memory_space<semaphore_mem>>) src(%dma_wait3A_583 : memref<128x128xf32, #tpu.memory_space<vmem>>) dst(%dma_wait3A_580 : memref<128x128xf32, #tpu.memory_space<hbm>>)
        tpu.yield
      }) : () -> ()
      "tpu.region"() ({
        %run_scoped3A_563 = tpu.sem_alloc : memref<!tpu.dma_semaphore, #tpu.memory_space<semaphore_mem>>
        %dma_start3A_564 = arith.constant 0 : i32
        %dma_start3A_565 = arith.constant 0 : i32
        %dma_start3A_566 = tpu.memref_slice %arg13[%dma_start3A_564, %dma_start3A_565] : memref<256x128xf32, #tpu.memory_space<vmem>> -> memref<128x128xf32, #tpu.memory_space<vmem>>
        %dma_start3A_567 = arith.constant 0 : i32
        %dma_start3A_568 = tpu.memref_slice %arg9[%mul3A_52, %dma_start3A_567] : memref<80000x128xf32, #tpu.memory_space<hbm>> -> memref<128x128xf32, #tpu.memory_space<hbm>>
        %dma_start3A_569 = arith.constant 0 : i32
        %dma_start3A_570 = tpu.memref_slice %arg9[%mul3A_52, %dma_start3A_569] : memref<80000x128xf32, #tpu.memory_space<hbm>> -> memref<128x128xf32, #tpu.memory_space<hbm>>
        %dma_start3A_571 = arith.constant 0 : i32
        %dma_start3A_572 = arith.constant 0 : i32
        %dma_start3A_573 = tpu.memref_slice %arg13[%dma_start3A_571, %dma_start3A_572] : memref<256x128xf32, #tpu.memory_space<vmem>> -> memref<128x128xf32, #tpu.memory_space<vmem>>
        tpu.enqueue_dma source(%dma_start3A_573 : memref<128x128xf32, #tpu.memory_space<vmem>>) target(%dma_start3A_570 : memref<128x128xf32, #tpu.memory_space<hbm>>) target_semaphore(%run_scoped3A_563 : memref<!tpu.dma_semaphore, #tpu.memory_space<semaphore_mem>>)
        %dma_wait3A_574 = arith.constant 0 : i32
        %dma_wait3A_575 = arith.constant 0 : i32
        %dma_wait3A_576 = tpu.memref_slice %arg13[%dma_wait3A_574, %dma_wait3A_575] : memref<256x128xf32, #tpu.memory_space<vmem>> -> memref<128x128xf32, #tpu.memory_space<vmem>>
        %dma_wait3A_577 = arith.constant 0 : i32
        %dma_wait3A_578 = tpu.memref_slice %arg9[%mul3A_52, %dma_wait3A_577] : memref<80000x128xf32, #tpu.memory_space<hbm>> -> memref<128x128xf32, #tpu.memory_space<hbm>>
        %dma_wait3A_579 = arith.constant 0 : i32
        %dma_wait3A_580 = tpu.memref_slice %arg9[%mul3A_52, %dma_wait3A_579] : memref<80000x128xf32, #tpu.memory_space<hbm>> -> memref<128x128xf32, #tpu.memory_space<hbm>>
        %dma_wait3A_581 = arith.constant 0 : i32
        %dma_wait3A_582 = arith.constant 0 : i32
        %dma_wait3A_583 = tpu.memref_slice %arg13[%dma_wait3A_581, %dma_wait3A_582] : memref<256x128xf32, #tpu.memory_space<vmem>> -> memref<128x128xf32, #tpu.memory_space<vmem>>
        tpu.wait_dma2 semaphore(%run_scoped3A_563 : memref<!tpu.dma_semaphore, #tpu.memory_space<semaphore_mem>>) src(%dma_wait3A_583 : memref<128x128xf32, #tpu.memory_space<vmem>>) dst(%dma_wait3A_580 : memref<128x128xf32, #tpu.memory_space<hbm>>)
        tpu.yield
      }) : () -> ()
    }
    %while3A_47 = arith.constant 1 : i32
    scf.for %while3A_48 = %while3A_45 to %while3A_41 step %while3A_47  : i32 {
      %mul3A_49 = arith.muli %while3A_48, %while3A_38 : i32
      %add3A_50 = arith.addi %add3A_29, %mul3A_49 : i32
      %mul3A_51 = arith.constant 128 : i32
      %mul3A_52 = arith.muli %add3A_50, %mul3A_51 : i32
      %run_scoped3A = arith.constant 0 : i32
      "tpu.region"() ({
        %run_scoped3A_563 = tpu.sem_alloc : memref<!tpu.dma_semaphore, #tpu.memory_space<semaphore_mem>>
        %dma_start3A_564 = arith.constant 0 : i32
        %dma_start3A_565 = tpu.memref_slice %arg11[%run_scoped3A, %dma_start3A_564] : memref<2x512xi32, #tpu.memory_space<vmem>> -> memref<1x128xi32, #tpu.memory_space<vmem>>
        %dma_start3A_566 = tpu.memref_squeeze %dma_start3A_565 : memref<1x128xi32, #tpu.memory_space<vmem>> -> memref<128xi32, #tpu.memory_space<vmem>>
        %dma_start3A_567 = tpu.memref_slice %arg6[%mul3A_52] : memref<80000xi32, #tpu.memory_space<hbm>> -> memref<128xi32, #tpu.memory_space<hbm>>
        %dma_start3A_568 = arith.constant 0 : i32
        %dma_start3A_569 = tpu.memref_slice %arg11[%run_scoped3A, %dma_start3A_568] : memref<2x512xi32, #tpu.memory_space<vmem>> -> memref<1x128xi32, #tpu.memory_space<vmem>>
        %dma_start3A_570 = tpu.memref_squeeze %dma_start3A_569 : memref<1x128xi32, #tpu.memory_space<vmem>> -> memref<128xi32, #tpu.memory_space<vmem>>
        %dma_start3A_571 = tpu.memref_slice %arg6[%mul3A_52] : memref<80000xi32, #tpu.memory_space<hbm>> -> memref<128xi32, #tpu.memory_space<hbm>>
        tpu.enqueue_dma source(%dma_start3A_571 : memref<128xi32, #tpu.memory_space<hbm>>) target(%dma_start3A_570 : memref<128xi32, #tpu.memory_space<vmem>>) target_semaphore(%run_scoped3A_563 : memref<!tpu.dma_semaphore, #tpu.memory_space<semaphore_mem>>)
        %dma_wait3A_572 = arith.constant 0 : i32
        %dma_wait3A_573 = tpu.memref_slice %arg11[%run_scoped3A, %dma_wait3A_572] : memref<2x512xi32, #tpu.memory_space<vmem>> -> memref<1x128xi32, #tpu.memory_space<vmem>>
        %dma_wait3A_574 = tpu.memref_squeeze %dma_wait3A_573 : memref<1x128xi32, #tpu.memory_space<vmem>> -> memref<128xi32, #tpu.memory_space<vmem>>
        %dma_wait3A_575 = tpu.memref_slice %arg6[%mul3A_52] : memref<80000xi32, #tpu.memory_space<hbm>> -> memref<128xi32, #tpu.memory_space<hbm>>
        %dma_wait3A_576 = arith.constant 0 : i32
        %dma_wait3A_577 = tpu.memref_slice %arg11[%run_scoped3A, %dma_wait3A_576] : memref<2x512xi32, #tpu.memory_space<vmem>> -> memref<1x128xi32, #tpu.memory_space<vmem>>
        %dma_wait3A_578 = tpu.memref_squeeze %dma_wait3A_577 : memref<1x128xi32, #tpu.memory_space<vmem>> -> memref<128xi32, #tpu.memory_space<vmem>>
        %dma_wait3A_579 = tpu.memref_slice %arg6[%mul3A_52] : memref<80000xi32, #tpu.memory_space<hbm>> -> memref<128xi32, #tpu.memory_space<hbm>>
        tpu.wait_dma2 semaphore(%run_scoped3A_563 : memref<!tpu.dma_semaphore, #tpu.memory_space<semaphore_mem>>) src(%dma_wait3A_579 : memref<128xi32, #tpu.memory_space<hbm>>) dst(%dma_wait3A_578 : memref<128xi32, #tpu.memory_space<vmem>>)
        tpu.yield
      }) : () -> ()
      %run_scoped3A_53 = arith.constant 0 : i32
      "tpu.region"() ({
        %run_scoped3A_563 = tpu.sem_alloc : memref<!tpu.dma_semaphore, #tpu.memory_space<semaphore_mem>>
        %dma_start3A_564 = arith.constant 256 : i32
        %dma_start3A_565 = tpu.memref_slice %arg11[%run_scoped3A_53, %dma_start3A_564] : memref<2x512xi32, #tpu.memory_space<vmem>> -> memref<1x128xi32, #tpu.memory_space<vmem>>
        %dma_start3A_566 = tpu.memref_squeeze %dma_start3A_565 : memref<1x128xi32, #tpu.memory_space<vmem>> -> memref<128xi32, #tpu.memory_space<vmem>>
        %dma_start3A_567 = tpu.memref_slice %arg7[%mul3A_52] : memref<80000xi32, #tpu.memory_space<hbm>> -> memref<128xi32, #tpu.memory_space<hbm>>
        %dma_start3A_568 = arith.constant 256 : i32
        %dma_start3A_569 = tpu.memref_slice %arg11[%run_scoped3A_53, %dma_start3A_568] : memref<2x512xi32, #tpu.memory_space<vmem>> -> memref<1x128xi32, #tpu.memory_space<vmem>>
        %dma_start3A_570 = tpu.memref_squeeze %dma_start3A_569 : memref<1x128xi32, #tpu.memory_space<vmem>> -> memref<128xi32, #tpu.memory_space<vmem>>
        %dma_start3A_571 = tpu.memref_slice %arg7[%mul3A_52] : memref<80000xi32, #tpu.memory_space<hbm>> -> memref<128xi32, #tpu.memory_space<hbm>>
        tpu.enqueue_dma source(%dma_start3A_571 : memref<128xi32, #tpu.memory_space<hbm>>) target(%dma_start3A_570 : memref<128xi32, #tpu.memory_space<vmem>>) target_semaphore(%run_scoped3A_563 : memref<!tpu.dma_semaphore, #tpu.memory_space<semaphore_mem>>)
        %dma_wait3A_572 = arith.constant 256 : i32
        %dma_wait3A_573 = tpu.memref_slice %arg11[%run_scoped3A_53, %dma_wait3A_572] : memref<2x512xi32, #tpu.memory_space<vmem>> -> memref<1x128xi32, #tpu.memory_space<vmem>>
        %dma_wait3A_574 = tpu.memref_squeeze %dma_wait3A_573 : memref<1x128xi32, #tpu.memory_space<vmem>> -> memref<128xi32, #tpu.memory_space<vmem>>
        %dma_wait3A_575 = tpu.memref_slice %arg7[%mul3A_52] : memref<80000xi32, #tpu.memory_space<hbm>> -> memref<128xi32, #tpu.memory_space<hbm>>
        %dma_wait3A_576 = arith.constant 256 : i32
        %dma_wait3A_577 = tpu.memref_slice %arg11[%run_scoped3A_53, %dma_wait3A_576] : memref<2x512xi32, #tpu.memory_space<vmem>> -> memref<1x128xi32, #tpu.memory_space<vmem>>
        %dma_wait3A_578 = tpu.memref_squeeze %dma_wait3A_577 : memref<1x128xi32, #tpu.memory_space<vmem>> -> memref<128xi32, #tpu.memory_space<vmem>>
        %dma_wait3A_579 = tpu.memref_slice %arg7[%mul3A_52] : memref<80000xi32, #tpu.memory_space<hbm>> -> memref<128xi32, #tpu.memory_space<hbm>>
        tpu.wait_dma2 semaphore(%run_scoped3A_563 : memref<!tpu.dma_semaphore, #tpu.memory_space<semaphore_mem>>) src(%dma_wait3A_579 : memref<128xi32, #tpu.memory_space<hbm>>) dst(%dma_wait3A_578 : memref<128xi32, #tpu.memory_space<vmem>>)
        tpu.yield
      }) : () -> ()
      %dma_start3A_54 = arith.constant 0 : i32
      %dma_start3A_55 = arith.constant 0 : i32
      %dma_start3A_56 = arith.constant 0 : i32
      %dma_start3A_57 = tpu.memref_slice %arg12[%dma_start3A_55, %dma_start3A_56] : memref<256x128xf32, #tpu.memory_space<vmem>> -> memref<128x128xf32, #tpu.memory_space<vmem>>
      %dma_start3A_58 = arith.constant 0 : i32
      %dma_start3A_59 = tpu.memref_slice %arg11[%dma_start3A_54, %dma_start3A_58] : memref<2x512xi32, #tpu.memory_space<vmem>> -> memref<1x128xi32, #tpu.memory_space<vmem>>
      %dma_start3A_60 = tpu.memref_squeeze %dma_start3A_59 : memref<1x128xi32, #tpu.memory_space<vmem>> -> memref<128xi32, #tpu.memory_space<vmem>>
      %dma_start3A_61 = arith.constant 0 : i32
      %dma_start3A_62 = arith.constant 0 : i32
      %dma_start3A_63 = tpu.memref_slice %arg2[%dma_start3A_61, %dma_start3A_62] : memref<10000x128xf32, #tpu.memory_space<hbm>> -> memref<10000x128xf32, #tpu.memory_space<hbm>>
      tpu.enqueue_indirect_dma source(%dma_start3A_63 : memref<10000x128xf32, #tpu.memory_space<hbm>>) target(%dma_start3A_57 : memref<128x128xf32, #tpu.memory_space<vmem>>) offsets(%dma_start3A_60 : memref<128xi32, #tpu.memory_space<vmem>>) semaphore(%arg16 : memref<!tpu.dma_semaphore, #tpu.memory_space<semaphore_mem>>)
      %dma_start3A_64 = arith.constant 0 : i32
      %dma_start3A_65 = arith.constant 0 : i32
      %dma_start3A_66 = arith.constant 0 : i32
      %dma_start3A_67 = tpu.memref_slice %arg13[%dma_start3A_65, %dma_start3A_66] : memref<256x128xf32, #tpu.memory_space<vmem>> -> memref<128x128xf32, #tpu.memory_space<vmem>>
      %dma_start3A_68 = arith.constant 256 : i32
      %dma_start3A_69 = tpu.memref_slice %arg11[%dma_start3A_64, %dma_start3A_68] : memref<2x512xi32, #tpu.memory_space<vmem>> -> memref<1x128xi32, #tpu.memory_space<vmem>>
      %dma_start3A_70 = tpu.memref_squeeze %dma_start3A_69 : memref<1x128xi32, #tpu.memory_space<vmem>> -> memref<128xi32, #tpu.memory_space<vmem>>
      %dma_start3A_71 = arith.constant 0 : i32
      %dma_start3A_72 = arith.constant 0 : i32
      %dma_start3A_73 = tpu.memref_slice %arg3[%dma_start3A_71, %dma_start3A_72] : memref<10000x128xf32, #tpu.memory_space<hbm>> -> memref<10000x128xf32, #tpu.memory_space<hbm>>
      tpu.enqueue_indirect_dma source(%dma_start3A_73 : memref<10000x128xf32, #tpu.memory_space<hbm>>) target(%dma_start3A_67 : memref<128x128xf32, #tpu.memory_space<vmem>>) offsets(%dma_start3A_70 : memref<128xi32, #tpu.memory_space<vmem>>) semaphore(%arg17 : memref<!tpu.dma_semaphore, #tpu.memory_space<semaphore_mem>>)
      %get3A = arith.constant 0 : i32
      %get3A_74 = arith.index_cast %get3A : i32 to index
      %get3A_75 = arith.constant 0 : index
      %get3A_76 = tpu.vector_load %arg11[%get3A_74, %get3A_75] {strides = array<i32>} : memref<2x512xi32, #tpu.memory_space<vmem>>, vector<16xi32>,
      %mul3A_77 = arith.constant 3 : i32
      %mul3A_78 = vector.broadcast %mul3A_77 : i32 to vector<16xi32>
      %mul3A_79 = arith.muli %get3A_76, %mul3A_78 : vector<16xi32>
      %get3A_80 = arith.constant 0 : i32
      %get3A_81 = arith.index_cast %get3A_80 : i32 to index
      %get3A_82 = arith.constant 256 : index
      %get3A_83 = tpu.vector_load %arg11[%get3A_81, %get3A_82] {strides = array<i32>} : memref<2x512xi32, #tpu.memory_space<vmem>>, vector<16xi32>,
      %mul3A_84 = arith.constant 3 : i32
      %mul3A_85 = vector.broadcast %mul3A_84 : i32 to vector<16xi32>
      %mul3A_86 = arith.muli %get3A_83, %mul3A_85 : vector<16xi32>
      %broadcast_in_dim3A = arith.constant 0.000000e+00 : f32
      %broadcast_in_dim3A_87 = vector.broadcast %broadcast_in_dim3A : f32 to vector<16xf32>
      %broadcast_in_dim3A_88 = arith.constant 0 : i32
      %broadcast_in_dim3A_89 = vector.broadcast %broadcast_in_dim3A_88 : i32 to vector<16xi32>
      %add3A_90 = arith.addi %mul3A_79, %broadcast_in_dim3A_89 : vector<16xi32>
      %gather3A = tpu.vector_load_idx %arg14[%add3A_90] : memref<30000xf32, #tpu.memory_space<vmem>>[vector<16xi32>], vector<16xf32>,
      %add3A_91 = arith.addi %mul3A_86, %broadcast_in_dim3A_89 : vector<16xi32>
      %gather3A_92 = tpu.vector_load_idx %arg14[%add3A_91] : memref<30000xf32, #tpu.memory_space<vmem>>[vector<16xi32>], vector<16xf32>,
      %sub3A_93 = arith.subf %gather3A, %gather3A_92 : vector<16xf32>
      %swap3A = arith.constant 0 : i32
      %swap3A_94 = arith.index_cast %swap3A : i32 to index
      %swap3A_95 = arith.constant 0 : index
      %swap3A_96 = tpu.vector_load %arg15[%swap3A_94, %swap3A_95] {strides = array<i32>} : memref<16x128xf32, #tpu.memory_space<vmem>>, vector<16xf32>,
      tpu.vector_store %arg15[%swap3A_94, %swap3A_95], %sub3A_93 {strides = array<i32>} : memref<16x128xf32, #tpu.memory_space<vmem>>, vector<16xf32>,
      %mul3A_97 = arith.mulf %sub3A_93, %sub3A_93 : vector<16xf32>
      %add3A_98 = arith.addf %broadcast_in_dim3A_87, %mul3A_97 : vector<16xf32>
      %broadcast_in_dim3A_99 = arith.constant 1 : i32
      %broadcast_in_dim3A_100 = vector.broadcast %broadcast_in_dim3A_99 : i32 to vector<16xi32>
      %add3A_101 = arith.addi %mul3A_79, %broadcast_in_dim3A_100 : vector<16xi32>
      %gather3A_102 = tpu.vector_load_idx %arg14[%add3A_101] : memref<30000xf32, #tpu.memory_space<vmem>>[vector<16xi32>], vector<16xf32>,
      %add3A_103 = arith.addi %mul3A_86, %broadcast_in_dim3A_100 : vector<16xi32>
      %gather3A_104 = tpu.vector_load_idx %arg14[%add3A_103] : memref<30000xf32, #tpu.memory_space<vmem>>[vector<16xi32>], vector<16xf32>,
      %sub3A_105 = arith.subf %gather3A_102, %gather3A_104 : vector<16xf32>
      %swap3A_106 = arith.constant 1 : i32
      %swap3A_107 = arith.index_cast %swap3A_106 : i32 to index
      %swap3A_108 = arith.constant 0 : index
      %swap3A_109 = tpu.vector_load %arg15[%swap3A_107, %swap3A_108] {strides = array<i32>} : memref<16x128xf32, #tpu.memory_space<vmem>>, vector<16xf32>,
      tpu.vector_store %arg15[%swap3A_107, %swap3A_108], %sub3A_105 {strides = array<i32>} : memref<16x128xf32, #tpu.memory_space<vmem>>, vector<16xf32>,
      %mul3A_110 = arith.mulf %sub3A_105, %sub3A_105 : vector<16xf32>
      %add3A_111 = arith.addf %add3A_98, %mul3A_110 : vector<16xf32>
      %broadcast_in_dim3A_112 = arith.constant 2 : i32
      %broadcast_in_dim3A_113 = vector.broadcast %broadcast_in_dim3A_112 : i32 to vector<16xi32>
      %add3A_114 = arith.addi %mul3A_79, %broadcast_in_dim3A_113 : vector<16xi32>
      %gather3A_115 = tpu.vector_load_idx %arg14[%add3A_114] : memref<30000xf32, #tpu.memory_space<vmem>>[vector<16xi32>], vector<16xf32>,
      %add3A_116 = arith.addi %mul3A_86, %broadcast_in_dim3A_113 : vector<16xi32>
      %gather3A_117 = tpu.vector_load_idx %arg14[%add3A_116] : memref<30000xf32, #tpu.memory_space<vmem>>[vector<16xi32>], vector<16xf32>,
      %sub3A_118 = arith.subf %gather3A_115, %gather3A_117 : vector<16xf32>
      %swap3A_119 = arith.constant 2 : i32
      %swap3A_120 = arith.index_cast %swap3A_119 : i32 to index
      %swap3A_121 = arith.constant 0 : index
      %swap3A_122 = tpu.vector_load %arg15[%swap3A_120, %swap3A_121] {strides = array<i32>} : memref<16x128xf32, #tpu.memory_space<vmem>>, vector<16xf32>,
      tpu.vector_store %arg15[%swap3A_120, %swap3A_121], %sub3A_118 {strides = array<i32>} : memref<16x128xf32, #tpu.memory_space<vmem>>, vector<16xf32>,
      %mul3A_123 = arith.mulf %sub3A_118, %sub3A_118 : vector<16xf32>
      %add3A_124 = arith.addf %add3A_111, %mul3A_123 : vector<16xf32>
      %swap3A_125 = arith.constant 3 : i32
      %swap3A_126 = arith.index_cast %swap3A_125 : i32 to index
      %swap3A_127 = arith.constant 0 : index
      %swap3A_128 = tpu.vector_load %arg15[%swap3A_126, %swap3A_127] {strides = array<i32>} : memref<16x128xf32, #tpu.memory_space<vmem>>, vector<16xf32>,
      tpu.vector_store %arg15[%swap3A_126, %swap3A_127], %add3A_124 {strides = array<i32>} : memref<16x128xf32, #tpu.memory_space<vmem>>, vector<16xf32>,
      %get3A_129 = arith.constant 0 : i32
      %get3A_130 = arith.index_cast %get3A_129 : i32 to index
      %get3A_131 = arith.constant 16 : index
      %get3A_132 = tpu.vector_load %arg11[%get3A_130, %get3A_131] {strides = array<i32>} : memref<2x512xi32, #tpu.memory_space<vmem>>, vector<16xi32>,
      %mul3A_133 = arith.constant 3 : i32
      %mul3A_134 = vector.broadcast %mul3A_133 : i32 to vector<16xi32>
      %mul3A_135 = arith.muli %get3A_132, %mul3A_134 : vector<16xi32>
      %get3A_136 = arith.constant 0 : i32
      %get3A_137 = arith.index_cast %get3A_136 : i32 to index
      %get3A_138 = arith.constant 272 : index
      %get3A_139 = tpu.vector_load %arg11[%get3A_137, %get3A_138] {strides = array<i32>} : memref<2x512xi32, #tpu.memory_space<vmem>>, vector<16xi32>,
      %mul3A_140 = arith.constant 3 : i32
      %mul3A_141 = vector.broadcast %mul3A_140 : i32 to vector<16xi32>
      %mul3A_142 = arith.muli %get3A_139, %mul3A_141 : vector<16xi32>
      %broadcast_in_dim3A_143 = arith.constant 0.000000e+00 : f32
      %broadcast_in_dim3A_144 = vector.broadcast %broadcast_in_dim3A_143 : f32 to vector<16xf32>
      %broadcast_in_dim3A_145 = arith.constant 0 : i32
      %broadcast_in_dim3A_146 = vector.broadcast %broadcast_in_dim3A_145 : i32 to vector<16xi32>
      %add3A_147 = arith.addi %mul3A_135, %broadcast_in_dim3A_146 : vector<16xi32>
      %gather3A_148 = tpu.vector_load_idx %arg14[%add3A_147] : memref<30000xf32, #tpu.memory_space<vmem>>[vector<16xi32>], vector<16xf32>,
      %add3A_149 = arith.addi %mul3A_142, %broadcast_in_dim3A_146 : vector<16xi32>
      %gather3A_150 = tpu.vector_load_idx %arg14[%add3A_149] : memref<30000xf32, #tpu.memory_space<vmem>>[vector<16xi32>], vector<16xf32>,
      %sub3A_151 = arith.subf %gather3A_148, %gather3A_150 : vector<16xf32>
      %swap3A_152 = arith.constant 0 : i32
      %swap3A_153 = arith.index_cast %swap3A_152 : i32 to index
      %swap3A_154 = arith.constant 16 : index
      %swap3A_155 = tpu.vector_load %arg15[%swap3A_153, %swap3A_154] {strides = array<i32>} : memref<16x128xf32, #tpu.memory_space<vmem>>, vector<16xf32>,
      tpu.vector_store %arg15[%swap3A_153, %swap3A_154], %sub3A_151 {strides = array<i32>} : memref<16x128xf32, #tpu.memory_space<vmem>>, vector<16xf32>,
      %mul3A_156 = arith.mulf %sub3A_151, %sub3A_151 : vector<16xf32>
      %add3A_157 = arith.addf %broadcast_in_dim3A_144, %mul3A_156 : vector<16xf32>
      %broadcast_in_dim3A_158 = arith.constant 1 : i32
      %broadcast_in_dim3A_159 = vector.broadcast %broadcast_in_dim3A_158 : i32 to vector<16xi32>
      %add3A_160 = arith.addi %mul3A_135, %broadcast_in_dim3A_159 : vector<16xi32>
      %gather3A_161 = tpu.vector_load_idx %arg14[%add3A_160] : memref<30000xf32, #tpu.memory_space<vmem>>[vector<16xi32>], vector<16xf32>,
      %add3A_162 = arith.addi %mul3A_142, %broadcast_in_dim3A_159 : vector<16xi32>
      %gather3A_163 = tpu.vector_load_idx %arg14[%add3A_162] : memref<30000xf32, #tpu.memory_space<vmem>>[vector<16xi32>], vector<16xf32>,
      %sub3A_164 = arith.subf %gather3A_161, %gather3A_163 : vector<16xf32>
      %swap3A_165 = arith.constant 1 : i32
      %swap3A_166 = arith.index_cast %swap3A_165 : i32 to index
      %swap3A_167 = arith.constant 16 : index
      %swap3A_168 = tpu.vector_load %arg15[%swap3A_166, %swap3A_167] {strides = array<i32>} : memref<16x128xf32, #tpu.memory_space<vmem>>, vector<16xf32>,
      tpu.vector_store %arg15[%swap3A_166, %swap3A_167], %sub3A_164 {strides = array<i32>} : memref<16x128xf32, #tpu.memory_space<vmem>>, vector<16xf32>,
      %mul3A_169 = arith.mulf %sub3A_164, %sub3A_164 : vector<16xf32>
      %add3A_170 = arith.addf %add3A_157, %mul3A_169 : vector<16xf32>
      %broadcast_in_dim3A_171 = arith.constant 2 : i32
      %broadcast_in_dim3A_172 = vector.broadcast %broadcast_in_dim3A_171 : i32 to vector<16xi32>
      %add3A_173 = arith.addi %mul3A_135, %broadcast_in_dim3A_172 : vector<16xi32>
      %gather3A_174 = tpu.vector_load_idx %arg14[%add3A_173] : memref<30000xf32, #tpu.memory_space<vmem>>[vector<16xi32>], vector<16xf32>,
      %add3A_175 = arith.addi %mul3A_142, %broadcast_in_dim3A_172 : vector<16xi32>
      %gather3A_176 = tpu.vector_load_idx %arg14[%add3A_175] : memref<30000xf32, #tpu.memory_space<vmem>>[vector<16xi32>], vector<16xf32>,
      %sub3A_177 = arith.subf %gather3A_174, %gather3A_176 : vector<16xf32>
      %swap3A_178 = arith.constant 2 : i32
      %swap3A_179 = arith.index_cast %swap3A_178 : i32 to index
      %swap3A_180 = arith.constant 16 : index
      %swap3A_181 = tpu.vector_load %arg15[%swap3A_179, %swap3A_180] {strides = array<i32>} : memref<16x128xf32, #tpu.memory_space<vmem>>, vector<16xf32>,
      tpu.vector_store %arg15[%swap3A_179, %swap3A_180], %sub3A_177 {strides = array<i32>} : memref<16x128xf32, #tpu.memory_space<vmem>>, vector<16xf32>,
      %mul3A_182 = arith.mulf %sub3A_177, %sub3A_177 : vector<16xf32>
      %add3A_183 = arith.addf %add3A_170, %mul3A_182 : vector<16xf32>
      %swap3A_184 = arith.constant 3 : i32
      %swap3A_185 = arith.index_cast %swap3A_184 : i32 to index
      %swap3A_186 = arith.constant 16 : index
      %swap3A_187 = tpu.vector_load %arg15[%swap3A_185, %swap3A_186] {strides = array<i32>} : memref<16x128xf32, #tpu.memory_space<vmem>>, vector<16xf32>,
      tpu.vector_store %arg15[%swap3A_185, %swap3A_186], %add3A_183 {strides = array<i32>} : memref<16x128xf32, #tpu.memory_space<vmem>>, vector<16xf32>,
      %get3A_188 = arith.constant 0 : i32
      %get3A_189 = arith.index_cast %get3A_188 : i32 to index
      %get3A_190 = arith.constant 32 : index
      %get3A_191 = tpu.vector_load %arg11[%get3A_189, %get3A_190] {strides = array<i32>} : memref<2x512xi32, #tpu.memory_space<vmem>>, vector<16xi32>,
      %mul3A_192 = arith.constant 3 : i32
      %mul3A_193 = vector.broadcast %mul3A_192 : i32 to vector<16xi32>
      %mul3A_194 = arith.muli %get3A_191, %mul3A_193 : vector<16xi32>
      %get3A_195 = arith.constant 0 : i32
      %get3A_196 = arith.index_cast %get3A_195 : i32 to index
      %get3A_197 = arith.constant 288 : index
      %get3A_198 = tpu.vector_load %arg11[%get3A_196, %get3A_197] {strides = array<i32>} : memref<2x512xi32, #tpu.memory_space<vmem>>, vector<16xi32>,
      %mul3A_199 = arith.constant 3 : i32
      %mul3A_200 = vector.broadcast %mul3A_199 : i32 to vector<16xi32>
      %mul3A_201 = arith.muli %get3A_198, %mul3A_200 : vector<16xi32>
      %broadcast_in_dim3A_202 = arith.constant 0.000000e+00 : f32
      %broadcast_in_dim3A_203 = vector.broadcast %broadcast_in_dim3A_202 : f32 to vector<16xf32>
      %broadcast_in_dim3A_204 = arith.constant 0 : i32
      %broadcast_in_dim3A_205 = vector.broadcast %broadcast_in_dim3A_204 : i32 to vector<16xi32>
      %add3A_206 = arith.addi %mul3A_194, %broadcast_in_dim3A_205 : vector<16xi32>
      %gather3A_207 = tpu.vector_load_idx %arg14[%add3A_206] : memref<30000xf32, #tpu.memory_space<vmem>>[vector<16xi32>], vector<16xf32>,
      %add3A_208 = arith.addi %mul3A_201, %broadcast_in_dim3A_205 : vector<16xi32>
      %gather3A_209 = tpu.vector_load_idx %arg14[%add3A_208] : memref<30000xf32, #tpu.memory_space<vmem>>[vector<16xi32>], vector<16xf32>,
      %sub3A_210 = arith.subf %gather3A_207, %gather3A_209 : vector<16xf32>
      %swap3A_211 = arith.constant 0 : i32
      %swap3A_212 = arith.index_cast %swap3A_211 : i32 to index
      %swap3A_213 = arith.constant 32 : index
      %swap3A_214 = tpu.vector_load %arg15[%swap3A_212, %swap3A_213] {strides = array<i32>} : memref<16x128xf32, #tpu.memory_space<vmem>>, vector<16xf32>,
      tpu.vector_store %arg15[%swap3A_212, %swap3A_213], %sub3A_210 {strides = array<i32>} : memref<16x128xf32, #tpu.memory_space<vmem>>, vector<16xf32>,
      %mul3A_215 = arith.mulf %sub3A_210, %sub3A_210 : vector<16xf32>
      %add3A_216 = arith.addf %broadcast_in_dim3A_203, %mul3A_215 : vector<16xf32>
      %broadcast_in_dim3A_217 = arith.constant 1 : i32
      %broadcast_in_dim3A_218 = vector.broadcast %broadcast_in_dim3A_217 : i32 to vector<16xi32>
      %add3A_219 = arith.addi %mul3A_194, %broadcast_in_dim3A_218 : vector<16xi32>
      %gather3A_220 = tpu.vector_load_idx %arg14[%add3A_219] : memref<30000xf32, #tpu.memory_space<vmem>>[vector<16xi32>], vector<16xf32>,
      %add3A_221 = arith.addi %mul3A_201, %broadcast_in_dim3A_218 : vector<16xi32>
      %gather3A_222 = tpu.vector_load_idx %arg14[%add3A_221] : memref<30000xf32, #tpu.memory_space<vmem>>[vector<16xi32>], vector<16xf32>,
      %sub3A_223 = arith.subf %gather3A_220, %gather3A_222 : vector<16xf32>
      %swap3A_224 = arith.constant 1 : i32
      %swap3A_225 = arith.index_cast %swap3A_224 : i32 to index
      %swap3A_226 = arith.constant 32 : index
      %swap3A_227 = tpu.vector_load %arg15[%swap3A_225, %swap3A_226] {strides = array<i32>} : memref<16x128xf32, #tpu.memory_space<vmem>>, vector<16xf32>,
      tpu.vector_store %arg15[%swap3A_225, %swap3A_226], %sub3A_223 {strides = array<i32>} : memref<16x128xf32, #tpu.memory_space<vmem>>, vector<16xf32>,
      %mul3A_228 = arith.mulf %sub3A_223, %sub3A_223 : vector<16xf32>
      %add3A_229 = arith.addf %add3A_216, %mul3A_228 : vector<16xf32>
      %broadcast_in_dim3A_230 = arith.constant 2 : i32
      %broadcast_in_dim3A_231 = vector.broadcast %broadcast_in_dim3A_230 : i32 to vector<16xi32>
      %add3A_232 = arith.addi %mul3A_194, %broadcast_in_dim3A_231 : vector<16xi32>
      %gather3A_233 = tpu.vector_load_idx %arg14[%add3A_232] : memref<30000xf32, #tpu.memory_space<vmem>>[vector<16xi32>], vector<16xf32>,
      %add3A_234 = arith.addi %mul3A_201, %broadcast_in_dim3A_231 : vector<16xi32>
      %gather3A_235 = tpu.vector_load_idx %arg14[%add3A_234] : memref<30000xf32, #tpu.memory_space<vmem>>[vector<16xi32>], vector<16xf32>,
      %sub3A_236 = arith.subf %gather3A_233, %gather3A_235 : vector<16xf32>
      %swap3A_237 = arith.constant 2 : i32
      %swap3A_238 = arith.index_cast %swap3A_237 : i32 to index
      %swap3A_239 = arith.constant 32 : index
      %swap3A_240 = tpu.vector_load %arg15[%swap3A_238, %swap3A_239] {strides = array<i32>} : memref<16x128xf32, #tpu.memory_space<vmem>>, vector<16xf32>,
      tpu.vector_store %arg15[%swap3A_238, %swap3A_239], %sub3A_236 {strides = array<i32>} : memref<16x128xf32, #tpu.memory_space<vmem>>, vector<16xf32>,
      %mul3A_241 = arith.mulf %sub3A_236, %sub3A_236 : vector<16xf32>
      %add3A_242 = arith.addf %add3A_229, %mul3A_241 : vector<16xf32>
      %swap3A_243 = arith.constant 3 : i32
      %swap3A_244 = arith.index_cast %swap3A_243 : i32 to index
      %swap3A_245 = arith.constant 32 : index
      %swap3A_246 = tpu.vector_load %arg15[%swap3A_244, %swap3A_245] {strides = array<i32>} : memref<16x128xf32, #tpu.memory_space<vmem>>, vector<16xf32>,
      tpu.vector_store %arg15[%swap3A_244, %swap3A_245], %add3A_242 {strides = array<i32>} : memref<16x128xf32, #tpu.memory_space<vmem>>, vector<16xf32>,
      %get3A_247 = arith.constant 0 : i32
      %get3A_248 = arith.index_cast %get3A_247 : i32 to index
      %get3A_249 = arith.constant 48 : index
      %get3A_250 = tpu.vector_load %arg11[%get3A_248, %get3A_249] {strides = array<i32>} : memref<2x512xi32, #tpu.memory_space<vmem>>, vector<16xi32>,
      %mul3A_251 = arith.constant 3 : i32
      %mul3A_252 = vector.broadcast %mul3A_251 : i32 to vector<16xi32>
      %mul3A_253 = arith.muli %get3A_250, %mul3A_252 : vector<16xi32>
      %get3A_254 = arith.constant 0 : i32
      %get3A_255 = arith.index_cast %get3A_254 : i32 to index
      %get3A_256 = arith.constant 304 : index
      %get3A_257 = tpu.vector_load %arg11[%get3A_255, %get3A_256] {strides = array<i32>} : memref<2x512xi32, #tpu.memory_space<vmem>>, vector<16xi32>,
      %mul3A_258 = arith.constant 3 : i32
      %mul3A_259 = vector.broadcast %mul3A_258 : i32 to vector<16xi32>
      %mul3A_260 = arith.muli %get3A_257, %mul3A_259 : vector<16xi32>
      %broadcast_in_dim3A_261 = arith.constant 0.000000e+00 : f32
      %broadcast_in_dim3A_262 = vector.broadcast %broadcast_in_dim3A_261 : f32 to vector<16xf32>
      %broadcast_in_dim3A_263 = arith.constant 0 : i32
      %broadcast_in_dim3A_264 = vector.broadcast %broadcast_in_dim3A_263 : i32 to vector<16xi32>
      %add3A_265 = arith.addi %mul3A_253, %broadcast_in_dim3A_264 : vector<16xi32>
      %gather3A_266 = tpu.vector_load_idx %arg14[%add3A_265] : memref<30000xf32, #tpu.memory_space<vmem>>[vector<16xi32>], vector<16xf32>,
      %add3A_267 = arith.addi %mul3A_260, %broadcast_in_dim3A_264 : vector<16xi32>
      %gather3A_268 = tpu.vector_load_idx %arg14[%add3A_267] : memref<30000xf32, #tpu.memory_space<vmem>>[vector<16xi32>], vector<16xf32>,
      %sub3A_269 = arith.subf %gather3A_266, %gather3A_268 : vector<16xf32>
      %swap3A_270 = arith.constant 0 : i32
      %swap3A_271 = arith.index_cast %swap3A_270 : i32 to index
      %swap3A_272 = arith.constant 48 : index
      %swap3A_273 = tpu.vector_load %arg15[%swap3A_271, %swap3A_272] {strides = array<i32>} : memref<16x128xf32, #tpu.memory_space<vmem>>, vector<16xf32>,
      tpu.vector_store %arg15[%swap3A_271, %swap3A_272], %sub3A_269 {strides = array<i32>} : memref<16x128xf32, #tpu.memory_space<vmem>>, vector<16xf32>,
      %mul3A_274 = arith.mulf %sub3A_269, %sub3A_269 : vector<16xf32>
      %add3A_275 = arith.addf %broadcast_in_dim3A_262, %mul3A_274 : vector<16xf32>
      %broadcast_in_dim3A_276 = arith.constant 1 : i32
      %broadcast_in_dim3A_277 = vector.broadcast %broadcast_in_dim3A_276 : i32 to vector<16xi32>
      %add3A_278 = arith.addi %mul3A_253, %broadcast_in_dim3A_277 : vector<16xi32>
      %gather3A_279 = tpu.vector_load_idx %arg14[%add3A_278] : memref<30000xf32, #tpu.memory_space<vmem>>[vector<16xi32>], vector<16xf32>,
      %add3A_280 = arith.addi %mul3A_260, %broadcast_in_dim3A_277 : vector<16xi32>
      %gather3A_281 = tpu.vector_load_idx %arg14[%add3A_280] : memref<30000xf32, #tpu.memory_space<vmem>>[vector<16xi32>], vector<16xf32>,
      %sub3A_282 = arith.subf %gather3A_279, %gather3A_281 : vector<16xf32>
      %swap3A_283 = arith.constant 1 : i32
      %swap3A_284 = arith.index_cast %swap3A_283 : i32 to index
      %swap3A_285 = arith.constant 48 : index
      %swap3A_286 = tpu.vector_load %arg15[%swap3A_284, %swap3A_285] {strides = array<i32>} : memref<16x128xf32, #tpu.memory_space<vmem>>, vector<16xf32>,
      tpu.vector_store %arg15[%swap3A_284, %swap3A_285], %sub3A_282 {strides = array<i32>} : memref<16x128xf32, #tpu.memory_space<vmem>>, vector<16xf32>,
      %mul3A_287 = arith.mulf %sub3A_282, %sub3A_282 : vector<16xf32>
      %add3A_288 = arith.addf %add3A_275, %mul3A_287 : vector<16xf32>
      %broadcast_in_dim3A_289 = arith.constant 2 : i32
      %broadcast_in_dim3A_290 = vector.broadcast %broadcast_in_dim3A_289 : i32 to vector<16xi32>
      %add3A_291 = arith.addi %mul3A_253, %broadcast_in_dim3A_290 : vector<16xi32>
      %gather3A_292 = tpu.vector_load_idx %arg14[%add3A_291] : memref<30000xf32, #tpu.memory_space<vmem>>[vector<16xi32>], vector<16xf32>,
      %add3A_293 = arith.addi %mul3A_260, %broadcast_in_dim3A_290 : vector<16xi32>
      %gather3A_294 = tpu.vector_load_idx %arg14[%add3A_293] : memref<30000xf32, #tpu.memory_space<vmem>>[vector<16xi32>], vector<16xf32>,
      %sub3A_295 = arith.subf %gather3A_292, %gather3A_294 : vector<16xf32>
      %swap3A_296 = arith.constant 2 : i32
      %swap3A_297 = arith.index_cast %swap3A_296 : i32 to index
      %swap3A_298 = arith.constant 48 : index
      %swap3A_299 = tpu.vector_load %arg15[%swap3A_297, %swap3A_298] {strides = array<i32>} : memref<16x128xf32, #tpu.memory_space<vmem>>, vector<16xf32>,
      tpu.vector_store %arg15[%swap3A_297, %swap3A_298], %sub3A_295 {strides = array<i32>} : memref<16x128xf32, #tpu.memory_space<vmem>>, vector<16xf32>,
      %mul3A_300 = arith.mulf %sub3A_295, %sub3A_295 : vector<16xf32>
      %add3A_301 = arith.addf %add3A_288, %mul3A_300 : vector<16xf32>
      %swap3A_302 = arith.constant 3 : i32
      %swap3A_303 = arith.index_cast %swap3A_302 : i32 to index
      %swap3A_304 = arith.constant 48 : index
      %swap3A_305 = tpu.vector_load %arg15[%swap3A_303, %swap3A_304] {strides = array<i32>} : memref<16x128xf32, #tpu.memory_space<vmem>>, vector<16xf32>,
      tpu.vector_store %arg15[%swap3A_303, %swap3A_304], %add3A_301 {strides = array<i32>} : memref<16x128xf32, #tpu.memory_space<vmem>>, vector<16xf32>,
      %get3A_306 = arith.constant 0 : i32
      %get3A_307 = arith.index_cast %get3A_306 : i32 to index
      %get3A_308 = arith.constant 64 : index
      %get3A_309 = tpu.vector_load %arg11[%get3A_307, %get3A_308] {strides = array<i32>} : memref<2x512xi32, #tpu.memory_space<vmem>>, vector<16xi32>,
      %mul3A_310 = arith.constant 3 : i32
      %mul3A_311 = vector.broadcast %mul3A_310 : i32 to vector<16xi32>
      %mul3A_312 = arith.muli %get3A_309, %mul3A_311 : vector<16xi32>
      %get3A_313 = arith.constant 0 : i32
      %get3A_314 = arith.index_cast %get3A_313 : i32 to index
      %get3A_315 = arith.constant 320 : index
      %get3A_316 = tpu.vector_load %arg11[%get3A_314, %get3A_315] {strides = array<i32>} : memref<2x512xi32, #tpu.memory_space<vmem>>, vector<16xi32>,
      %mul3A_317 = arith.constant 3 : i32
      %mul3A_318 = vector.broadcast %mul3A_317 : i32 to vector<16xi32>
      %mul3A_319 = arith.muli %get3A_316, %mul3A_318 : vector<16xi32>
      %broadcast_in_dim3A_320 = arith.constant 0.000000e+00 : f32
      %broadcast_in_dim3A_321 = vector.broadcast %broadcast_in_dim3A_320 : f32 to vector<16xf32>
      %broadcast_in_dim3A_322 = arith.constant 0 : i32
      %broadcast_in_dim3A_323 = vector.broadcast %broadcast_in_dim3A_322 : i32 to vector<16xi32>
      %add3A_324 = arith.addi %mul3A_312, %broadcast_in_dim3A_323 : vector<16xi32>
      %gather3A_325 = tpu.vector_load_idx %arg14[%add3A_324] : memref<30000xf32, #tpu.memory_space<vmem>>[vector<16xi32>], vector<16xf32>,
      %add3A_326 = arith.addi %mul3A_319, %broadcast_in_dim3A_323 : vector<16xi32>
      %gather3A_327 = tpu.vector_load_idx %arg14[%add3A_326] : memref<30000xf32, #tpu.memory_space<vmem>>[vector<16xi32>], vector<16xf32>,
      %sub3A_328 = arith.subf %gather3A_325, %gather3A_327 : vector<16xf32>
      %swap3A_329 = arith.constant 0 : i32
      %swap3A_330 = arith.index_cast %swap3A_329 : i32 to index
      %swap3A_331 = arith.constant 64 : index
      %swap3A_332 = tpu.vector_load %arg15[%swap3A_330, %swap3A_331] {strides = array<i32>} : memref<16x128xf32, #tpu.memory_space<vmem>>, vector<16xf32>,
      tpu.vector_store %arg15[%swap3A_330, %swap3A_331], %sub3A_328 {strides = array<i32>} : memref<16x128xf32, #tpu.memory_space<vmem>>, vector<16xf32>,
      %mul3A_333 = arith.mulf %sub3A_328, %sub3A_328 : vector<16xf32>
      %add3A_334 = arith.addf %broadcast_in_dim3A_321, %mul3A_333 : vector<16xf32>
      %broadcast_in_dim3A_335 = arith.constant 1 : i32
      %broadcast_in_dim3A_336 = vector.broadcast %broadcast_in_dim3A_335 : i32 to vector<16xi32>
      %add3A_337 = arith.addi %mul3A_312, %broadcast_in_dim3A_336 : vector<16xi32>
      %gather3A_338 = tpu.vector_load_idx %arg14[%add3A_337] : memref<30000xf32, #tpu.memory_space<vmem>>[vector<16xi32>], vector<16xf32>,
      %add3A_339 = arith.addi %mul3A_319, %broadcast_in_dim3A_336 : vector<16xi32>
      %gather3A_340 = tpu.vector_load_idx %arg14[%add3A_339] : memref<30000xf32, #tpu.memory_space<vmem>>[vector<16xi32>], vector<16xf32>,
      %sub3A_341 = arith.subf %gather3A_338, %gather3A_340 : vector<16xf32>
      %swap3A_342 = arith.constant 1 : i32
      %swap3A_343 = arith.index_cast %swap3A_342 : i32 to index
      %swap3A_344 = arith.constant 64 : index
      %swap3A_345 = tpu.vector_load %arg15[%swap3A_343, %swap3A_344] {strides = array<i32>} : memref<16x128xf32, #tpu.memory_space<vmem>>, vector<16xf32>,
      tpu.vector_store %arg15[%swap3A_343, %swap3A_344], %sub3A_341 {strides = array<i32>} : memref<16x128xf32, #tpu.memory_space<vmem>>, vector<16xf32>,
      %mul3A_346 = arith.mulf %sub3A_341, %sub3A_341 : vector<16xf32>
      %add3A_347 = arith.addf %add3A_334, %mul3A_346 : vector<16xf32>
      %broadcast_in_dim3A_348 = arith.constant 2 : i32
      %broadcast_in_dim3A_349 = vector.broadcast %broadcast_in_dim3A_348 : i32 to vector<16xi32>
      %add3A_350 = arith.addi %mul3A_312, %broadcast_in_dim3A_349 : vector<16xi32>
      %gather3A_351 = tpu.vector_load_idx %arg14[%add3A_350] : memref<30000xf32, #tpu.memory_space<vmem>>[vector<16xi32>], vector<16xf32>,
      %add3A_352 = arith.addi %mul3A_319, %broadcast_in_dim3A_349 : vector<16xi32>
      %gather3A_353 = tpu.vector_load_idx %arg14[%add3A_352] : memref<30000xf32, #tpu.memory_space<vmem>>[vector<16xi32>], vector<16xf32>,
      %sub3A_354 = arith.subf %gather3A_351, %gather3A_353 : vector<16xf32>
      %swap3A_355 = arith.constant 2 : i32
      %swap3A_356 = arith.index_cast %swap3A_355 : i32 to index
      %swap3A_357 = arith.constant 64 : index
      %swap3A_358 = tpu.vector_load %arg15[%swap3A_356, %swap3A_357] {strides = array<i32>} : memref<16x128xf32, #tpu.memory_space<vmem>>, vector<16xf32>,
      tpu.vector_store %arg15[%swap3A_356, %swap3A_357], %sub3A_354 {strides = array<i32>} : memref<16x128xf32, #tpu.memory_space<vmem>>, vector<16xf32>,
      %mul3A_359 = arith.mulf %sub3A_354, %sub3A_354 : vector<16xf32>
      %add3A_360 = arith.addf %add3A_347, %mul3A_359 : vector<16xf32>
      %swap3A_361 = arith.constant 3 : i32
      %swap3A_362 = arith.index_cast %swap3A_361 : i32 to index
      %swap3A_363 = arith.constant 64 : index
      %swap3A_364 = tpu.vector_load %arg15[%swap3A_362, %swap3A_363] {strides = array<i32>} : memref<16x128xf32, #tpu.memory_space<vmem>>, vector<16xf32>,
      tpu.vector_store %arg15[%swap3A_362, %swap3A_363], %add3A_360 {strides = array<i32>} : memref<16x128xf32, #tpu.memory_space<vmem>>, vector<16xf32>,
      %get3A_365 = arith.constant 0 : i32
      %get3A_366 = arith.index_cast %get3A_365 : i32 to index
      %get3A_367 = arith.constant 80 : index
      %get3A_368 = tpu.vector_load %arg11[%get3A_366, %get3A_367] {strides = array<i32>} : memref<2x512xi32, #tpu.memory_space<vmem>>, vector<16xi32>,
      %mul3A_369 = arith.constant 3 : i32
      %mul3A_370 = vector.broadcast %mul3A_369 : i32 to vector<16xi32>
      %mul3A_371 = arith.muli %get3A_368, %mul3A_370 : vector<16xi32>
      %get3A_372 = arith.constant 0 : i32
      %get3A_373 = arith.index_cast %get3A_372 : i32 to index
      %get3A_374 = arith.constant 336 : index
      %get3A_375 = tpu.vector_load %arg11[%get3A_373, %get3A_374] {strides = array<i32>} : memref<2x512xi32, #tpu.memory_space<vmem>>, vector<16xi32>,
      %mul3A_376 = arith.constant 3 : i32
      %mul3A_377 = vector.broadcast %mul3A_376 : i32 to vector<16xi32>
      %mul3A_378 = arith.muli %get3A_375, %mul3A_377 : vector<16xi32>
      %broadcast_in_dim3A_379 = arith.constant 0.000000e+00 : f32
      %broadcast_in_dim3A_380 = vector.broadcast %broadcast_in_dim3A_379 : f32 to vector<16xf32>
      %broadcast_in_dim3A_381 = arith.constant 0 : i32
      %broadcast_in_dim3A_382 = vector.broadcast %broadcast_in_dim3A_381 : i32 to vector<16xi32>
      %add3A_383 = arith.addi %mul3A_371, %broadcast_in_dim3A_382 : vector<16xi32>
      %gather3A_384 = tpu.vector_load_idx %arg14[%add3A_383] : memref<30000xf32, #tpu.memory_space<vmem>>[vector<16xi32>], vector<16xf32>,
      %add3A_385 = arith.addi %mul3A_378, %broadcast_in_dim3A_382 : vector<16xi32>
      %gather3A_386 = tpu.vector_load_idx %arg14[%add3A_385] : memref<30000xf32, #tpu.memory_space<vmem>>[vector<16xi32>], vector<16xf32>,
      %sub3A_387 = arith.subf %gather3A_384, %gather3A_386 : vector<16xf32>
      %swap3A_388 = arith.constant 0 : i32
      %swap3A_389 = arith.index_cast %swap3A_388 : i32 to index
      %swap3A_390 = arith.constant 80 : index
      %swap3A_391 = tpu.vector_load %arg15[%swap3A_389, %swap3A_390] {strides = array<i32>} : memref<16x128xf32, #tpu.memory_space<vmem>>, vector<16xf32>,
      tpu.vector_store %arg15[%swap3A_389, %swap3A_390], %sub3A_387 {strides = array<i32>} : memref<16x128xf32, #tpu.memory_space<vmem>>, vector<16xf32>,
      %mul3A_392 = arith.mulf %sub3A_387, %sub3A_387 : vector<16xf32>
      %add3A_393 = arith.addf %broadcast_in_dim3A_380, %mul3A_392 : vector<16xf32>
      %broadcast_in_dim3A_394 = arith.constant 1 : i32
      %broadcast_in_dim3A_395 = vector.broadcast %broadcast_in_dim3A_394 : i32 to vector<16xi32>
      %add3A_396 = arith.addi %mul3A_371, %broadcast_in_dim3A_395 : vector<16xi32>
      %gather3A_397 = tpu.vector_load_idx %arg14[%add3A_396] : memref<30000xf32, #tpu.memory_space<vmem>>[vector<16xi32>], vector<16xf32>,
      %add3A_398 = arith.addi %mul3A_378, %broadcast_in_dim3A_395 : vector<16xi32>
      %gather3A_399 = tpu.vector_load_idx %arg14[%add3A_398] : memref<30000xf32, #tpu.memory_space<vmem>>[vector<16xi32>], vector<16xf32>,
      %sub3A_400 = arith.subf %gather3A_397, %gather3A_399 : vector<16xf32>
      %swap3A_401 = arith.constant 1 : i32
      %swap3A_402 = arith.index_cast %swap3A_401 : i32 to index
      %swap3A_403 = arith.constant 80 : index
      %swap3A_404 = tpu.vector_load %arg15[%swap3A_402, %swap3A_403] {strides = array<i32>} : memref<16x128xf32, #tpu.memory_space<vmem>>, vector<16xf32>,
      tpu.vector_store %arg15[%swap3A_402, %swap3A_403], %sub3A_400 {strides = array<i32>} : memref<16x128xf32, #tpu.memory_space<vmem>>, vector<16xf32>,
      %mul3A_405 = arith.mulf %sub3A_400, %sub3A_400 : vector<16xf32>
      %add3A_406 = arith.addf %add3A_393, %mul3A_405 : vector<16xf32>
      %broadcast_in_dim3A_407 = arith.constant 2 : i32
      %broadcast_in_dim3A_408 = vector.broadcast %broadcast_in_dim3A_407 : i32 to vector<16xi32>
      %add3A_409 = arith.addi %mul3A_371, %broadcast_in_dim3A_408 : vector<16xi32>
      %gather3A_410 = tpu.vector_load_idx %arg14[%add3A_409] : memref<30000xf32, #tpu.memory_space<vmem>>[vector<16xi32>], vector<16xf32>,
      %add3A_411 = arith.addi %mul3A_378, %broadcast_in_dim3A_408 : vector<16xi32>
      %gather3A_412 = tpu.vector_load_idx %arg14[%add3A_411] : memref<30000xf32, #tpu.memory_space<vmem>>[vector<16xi32>], vector<16xf32>,
      %sub3A_413 = arith.subf %gather3A_410, %gather3A_412 : vector<16xf32>
      %swap3A_414 = arith.constant 2 : i32
      %swap3A_415 = arith.index_cast %swap3A_414 : i32 to index
      %swap3A_416 = arith.constant 80 : index
      %swap3A_417 = tpu.vector_load %arg15[%swap3A_415, %swap3A_416] {strides = array<i32>} : memref<16x128xf32, #tpu.memory_space<vmem>>, vector<16xf32>,
      tpu.vector_store %arg15[%swap3A_415, %swap3A_416], %sub3A_413 {strides = array<i32>} : memref<16x128xf32, #tpu.memory_space<vmem>>, vector<16xf32>,
      %mul3A_418 = arith.mulf %sub3A_413, %sub3A_413 : vector<16xf32>
      %add3A_419 = arith.addf %add3A_406, %mul3A_418 : vector<16xf32>
      %swap3A_420 = arith.constant 3 : i32
      %swap3A_421 = arith.index_cast %swap3A_420 : i32 to index
      %swap3A_422 = arith.constant 80 : index
      %swap3A_423 = tpu.vector_load %arg15[%swap3A_421, %swap3A_422] {strides = array<i32>} : memref<16x128xf32, #tpu.memory_space<vmem>>, vector<16xf32>,
      tpu.vector_store %arg15[%swap3A_421, %swap3A_422], %add3A_419 {strides = array<i32>} : memref<16x128xf32, #tpu.memory_space<vmem>>, vector<16xf32>,
      %get3A_424 = arith.constant 0 : i32
      %get3A_425 = arith.index_cast %get3A_424 : i32 to index
      %get3A_426 = arith.constant 96 : index
      %get3A_427 = tpu.vector_load %arg11[%get3A_425, %get3A_426] {strides = array<i32>} : memref<2x512xi32, #tpu.memory_space<vmem>>, vector<16xi32>,
      %mul3A_428 = arith.constant 3 : i32
      %mul3A_429 = vector.broadcast %mul3A_428 : i32 to vector<16xi32>
      %mul3A_430 = arith.muli %get3A_427, %mul3A_429 : vector<16xi32>
      %get3A_431 = arith.constant 0 : i32
      %get3A_432 = arith.index_cast %get3A_431 : i32 to index
      %get3A_433 = arith.constant 352 : index
      %get3A_434 = tpu.vector_load %arg11[%get3A_432, %get3A_433] {strides = array<i32>} : memref<2x512xi32, #tpu.memory_space<vmem>>, vector<16xi32>,
      %mul3A_435 = arith.constant 3 : i32
      %mul3A_436 = vector.broadcast %mul3A_435 : i32 to vector<16xi32>
      %mul3A_437 = arith.muli %get3A_434, %mul3A_436 : vector<16xi32>
      %broadcast_in_dim3A_438 = arith.constant 0.000000e+00 : f32
      %broadcast_in_dim3A_439 = vector.broadcast %broadcast_in_dim3A_438 : f32 to vector<16xf32>
      %broadcast_in_dim3A_440 = arith.constant 0 : i32
      %broadcast_in_dim3A_441 = vector.broadcast %broadcast_in_dim3A_440 : i32 to vector<16xi32>
      %add3A_442 = arith.addi %mul3A_430, %broadcast_in_dim3A_441 : vector<16xi32>
      %gather3A_443 = tpu.vector_load_idx %arg14[%add3A_442] : memref<30000xf32, #tpu.memory_space<vmem>>[vector<16xi32>], vector<16xf32>,
      %add3A_444 = arith.addi %mul3A_437, %broadcast_in_dim3A_441 : vector<16xi32>
      %gather3A_445 = tpu.vector_load_idx %arg14[%add3A_444] : memref<30000xf32, #tpu.memory_space<vmem>>[vector<16xi32>], vector<16xf32>,
      %sub3A_446 = arith.subf %gather3A_443, %gather3A_445 : vector<16xf32>
      %swap3A_447 = arith.constant 0 : i32
      %swap3A_448 = arith.index_cast %swap3A_447 : i32 to index
      %swap3A_449 = arith.constant 96 : index
      %swap3A_450 = tpu.vector_load %arg15[%swap3A_448, %swap3A_449] {strides = array<i32>} : memref<16x128xf32, #tpu.memory_space<vmem>>, vector<16xf32>,
      tpu.vector_store %arg15[%swap3A_448, %swap3A_449], %sub3A_446 {strides = array<i32>} : memref<16x128xf32, #tpu.memory_space<vmem>>, vector<16xf32>,
      %mul3A_451 = arith.mulf %sub3A_446, %sub3A_446 : vector<16xf32>
      %add3A_452 = arith.addf %broadcast_in_dim3A_439, %mul3A_451 : vector<16xf32>
      %broadcast_in_dim3A_453 = arith.constant 1 : i32
      %broadcast_in_dim3A_454 = vector.broadcast %broadcast_in_dim3A_453 : i32 to vector<16xi32>
      %add3A_455 = arith.addi %mul3A_430, %broadcast_in_dim3A_454 : vector<16xi32>
      %gather3A_456 = tpu.vector_load_idx %arg14[%add3A_455] : memref<30000xf32, #tpu.memory_space<vmem>>[vector<16xi32>], vector<16xf32>,
      %add3A_457 = arith.addi %mul3A_437, %broadcast_in_dim3A_454 : vector<16xi32>
      %gather3A_458 = tpu.vector_load_idx %arg14[%add3A_457] : memref<30000xf32, #tpu.memory_space<vmem>>[vector<16xi32>], vector<16xf32>,
      %sub3A_459 = arith.subf %gather3A_456, %gather3A_458 : vector<16xf32>
      %swap3A_460 = arith.constant 1 : i32
      %swap3A_461 = arith.index_cast %swap3A_460 : i32 to index
      %swap3A_462 = arith.constant 96 : index
      %swap3A_463 = tpu.vector_load %arg15[%swap3A_461, %swap3A_462] {strides = array<i32>} : memref<16x128xf32, #tpu.memory_space<vmem>>, vector<16xf32>,
      tpu.vector_store %arg15[%swap3A_461, %swap3A_462], %sub3A_459 {strides = array<i32>} : memref<16x128xf32, #tpu.memory_space<vmem>>, vector<16xf32>,
      %mul3A_464 = arith.mulf %sub3A_459, %sub3A_459 : vector<16xf32>
      %add3A_465 = arith.addf %add3A_452, %mul3A_464 : vector<16xf32>
      %broadcast_in_dim3A_466 = arith.constant 2 : i32
      %broadcast_in_dim3A_467 = vector.broadcast %broadcast_in_dim3A_466 : i32 to vector<16xi32>
      %add3A_468 = arith.addi %mul3A_430, %broadcast_in_dim3A_467 : vector<16xi32>
      %gather3A_469 = tpu.vector_load_idx %arg14[%add3A_468] : memref<30000xf32, #tpu.memory_space<vmem>>[vector<16xi32>], vector<16xf32>,
      %add3A_470 = arith.addi %mul3A_437, %broadcast_in_dim3A_467 : vector<16xi32>
      %gather3A_471 = tpu.vector_load_idx %arg14[%add3A_470] : memref<30000xf32, #tpu.memory_space<vmem>>[vector<16xi32>], vector<16xf32>,
      %sub3A_472 = arith.subf %gather3A_469, %gather3A_471 : vector<16xf32>
      %swap3A_473 = arith.constant 2 : i32
      %swap3A_474 = arith.index_cast %swap3A_473 : i32 to index
      %swap3A_475 = arith.constant 96 : index
      %swap3A_476 = tpu.vector_load %arg15[%swap3A_474, %swap3A_475] {strides = array<i32>} : memref<16x128xf32, #tpu.memory_space<vmem>>, vector<16xf32>,
      tpu.vector_store %arg15[%swap3A_474, %swap3A_475], %sub3A_472 {strides = array<i32>} : memref<16x128xf32, #tpu.memory_space<vmem>>, vector<16xf32>,
      %mul3A_477 = arith.mulf %sub3A_472, %sub3A_472 : vector<16xf32>
      %add3A_478 = arith.addf %add3A_465, %mul3A_477 : vector<16xf32>
      %swap3A_479 = arith.constant 3 : i32
      %swap3A_480 = arith.index_cast %swap3A_479 : i32 to index
      %swap3A_481 = arith.constant 96 : index
      %swap3A_482 = tpu.vector_load %arg15[%swap3A_480, %swap3A_481] {strides = array<i32>} : memref<16x128xf32, #tpu.memory_space<vmem>>, vector<16xf32>,
      tpu.vector_store %arg15[%swap3A_480, %swap3A_481], %add3A_478 {strides = array<i32>} : memref<16x128xf32, #tpu.memory_space<vmem>>, vector<16xf32>,
      %get3A_483 = arith.constant 0 : i32
      %get3A_484 = arith.index_cast %get3A_483 : i32 to index
      %get3A_485 = arith.constant 112 : index
      %get3A_486 = tpu.vector_load %arg11[%get3A_484, %get3A_485] {strides = array<i32>} : memref<2x512xi32, #tpu.memory_space<vmem>>, vector<16xi32>,
      %mul3A_487 = arith.constant 3 : i32
      %mul3A_488 = vector.broadcast %mul3A_487 : i32 to vector<16xi32>
      %mul3A_489 = arith.muli %get3A_486, %mul3A_488 : vector<16xi32>
      %get3A_490 = arith.constant 0 : i32
      %get3A_491 = arith.index_cast %get3A_490 : i32 to index
      %get3A_492 = arith.constant 368 : index
      %get3A_493 = tpu.vector_load %arg11[%get3A_491, %get3A_492] {strides = array<i32>} : memref<2x512xi32, #tpu.memory_space<vmem>>, vector<16xi32>,
      %mul3A_494 = arith.constant 3 : i32
      %mul3A_495 = vector.broadcast %mul3A_494 : i32 to vector<16xi32>
      %mul3A_496 = arith.muli %get3A_493, %mul3A_495 : vector<16xi32>
      %broadcast_in_dim3A_497 = arith.constant 0.000000e+00 : f32
      %broadcast_in_dim3A_498 = vector.broadcast %broadcast_in_dim3A_497 : f32 to vector<16xf32>
      %broadcast_in_dim3A_499 = arith.constant 0 : i32
      %broadcast_in_dim3A_500 = vector.broadcast %broadcast_in_dim3A_499 : i32 to vector<16xi32>
      %add3A_501 = arith.addi %mul3A_489, %broadcast_in_dim3A_500 : vector<16xi32>
      %gather3A_502 = tpu.vector_load_idx %arg14[%add3A_501] : memref<30000xf32, #tpu.memory_space<vmem>>[vector<16xi32>], vector<16xf32>,
      %add3A_503 = arith.addi %mul3A_496, %broadcast_in_dim3A_500 : vector<16xi32>
      %gather3A_504 = tpu.vector_load_idx %arg14[%add3A_503] : memref<30000xf32, #tpu.memory_space<vmem>>[vector<16xi32>], vector<16xf32>,
      %sub3A_505 = arith.subf %gather3A_502, %gather3A_504 : vector<16xf32>
      %swap3A_506 = arith.constant 0 : i32
      %swap3A_507 = arith.index_cast %swap3A_506 : i32 to index
      %swap3A_508 = arith.constant 112 : index
      %swap3A_509 = tpu.vector_load %arg15[%swap3A_507, %swap3A_508] {strides = array<i32>} : memref<16x128xf32, #tpu.memory_space<vmem>>, vector<16xf32>,
      tpu.vector_store %arg15[%swap3A_507, %swap3A_508], %sub3A_505 {strides = array<i32>} : memref<16x128xf32, #tpu.memory_space<vmem>>, vector<16xf32>,
      %mul3A_510 = arith.mulf %sub3A_505, %sub3A_505 : vector<16xf32>
      %add3A_511 = arith.addf %broadcast_in_dim3A_498, %mul3A_510 : vector<16xf32>
      %broadcast_in_dim3A_512 = arith.constant 1 : i32
      %broadcast_in_dim3A_513 = vector.broadcast %broadcast_in_dim3A_512 : i32 to vector<16xi32>
      %add3A_514 = arith.addi %mul3A_489, %broadcast_in_dim3A_513 : vector<16xi32>
      %gather3A_515 = tpu.vector_load_idx %arg14[%add3A_514] : memref<30000xf32, #tpu.memory_space<vmem>>[vector<16xi32>], vector<16xf32>,
      %add3A_516 = arith.addi %mul3A_496, %broadcast_in_dim3A_513 : vector<16xi32>
      %gather3A_517 = tpu.vector_load_idx %arg14[%add3A_516] : memref<30000xf32, #tpu.memory_space<vmem>>[vector<16xi32>], vector<16xf32>,
      %sub3A_518 = arith.subf %gather3A_515, %gather3A_517 : vector<16xf32>
      %swap3A_519 = arith.constant 1 : i32
      %swap3A_520 = arith.index_cast %swap3A_519 : i32 to index
      %swap3A_521 = arith.constant 112 : index
      %swap3A_522 = tpu.vector_load %arg15[%swap3A_520, %swap3A_521] {strides = array<i32>} : memref<16x128xf32, #tpu.memory_space<vmem>>, vector<16xf32>,
      tpu.vector_store %arg15[%swap3A_520, %swap3A_521], %sub3A_518 {strides = array<i32>} : memref<16x128xf32, #tpu.memory_space<vmem>>, vector<16xf32>,
      %mul3A_523 = arith.mulf %sub3A_518, %sub3A_518 : vector<16xf32>
      %add3A_524 = arith.addf %add3A_511, %mul3A_523 : vector<16xf32>
      %broadcast_in_dim3A_525 = arith.constant 2 : i32
      %broadcast_in_dim3A_526 = vector.broadcast %broadcast_in_dim3A_525 : i32 to vector<16xi32>
      %add3A_527 = arith.addi %mul3A_489, %broadcast_in_dim3A_526 : vector<16xi32>
      %gather3A_528 = tpu.vector_load_idx %arg14[%add3A_527] : memref<30000xf32, #tpu.memory_space<vmem>>[vector<16xi32>], vector<16xf32>,
      %add3A_529 = arith.addi %mul3A_496, %broadcast_in_dim3A_526 : vector<16xi32>
      %gather3A_530 = tpu.vector_load_idx %arg14[%add3A_529] : memref<30000xf32, #tpu.memory_space<vmem>>[vector<16xi32>], vector<16xf32>,
      %sub3A_531 = arith.subf %gather3A_528, %gather3A_530 : vector<16xf32>
      %swap3A_532 = arith.constant 2 : i32
      %swap3A_533 = arith.index_cast %swap3A_532 : i32 to index
      %swap3A_534 = arith.constant 112 : index
      %swap3A_535 = tpu.vector_load %arg15[%swap3A_533, %swap3A_534] {strides = array<i32>} : memref<16x128xf32, #tpu.memory_space<vmem>>, vector<16xf32>,
      tpu.vector_store %arg15[%swap3A_533, %swap3A_534], %sub3A_531 {strides = array<i32>} : memref<16x128xf32, #tpu.memory_space<vmem>>, vector<16xf32>,
      %mul3A_536 = arith.mulf %sub3A_531, %sub3A_531 : vector<16xf32>
      %add3A_537 = arith.addf %add3A_524, %mul3A_536 : vector<16xf32>
      %swap3A_538 = arith.constant 3 : i32
      %swap3A_539 = arith.index_cast %swap3A_538 : i32 to index
      %swap3A_540 = arith.constant 112 : index
      %swap3A_541 = tpu.vector_load %arg15[%swap3A_539, %swap3A_540] {strides = array<i32>} : memref<16x128xf32, #tpu.memory_space<vmem>>, vector<16xf32>,
      tpu.vector_store %arg15[%swap3A_539, %swap3A_540], %add3A_537 {strides = array<i32>} : memref<16x128xf32, #tpu.memory_space<vmem>>, vector<16xf32>,
      %mul3A_542 = arith.constant 8 : i32
      %mul3A_543 = arith.muli %add3A_50, %mul3A_542 : i32
      "tpu.region"() ({
        %run_scoped3A_563 = tpu.sem_alloc : memref<!tpu.dma_semaphore, #tpu.memory_space<semaphore_mem>>
        %dma_start3A_564 = arith.constant 0 : i32
        %dma_start3A_565 = arith.constant 0 : i32
        %dma_start3A_566 = tpu.memref_slice %arg15[%dma_start3A_564, %dma_start3A_565] : memref<16x128xf32, #tpu.memory_space<vmem>> -> memref<8x128xf32, #tpu.memory_space<vmem>>
        %dma_start3A_567 = arith.constant 0 : i32
        %dma_start3A_568 = tpu.memref_slice %arg10[%mul3A_543, %dma_start3A_567] : memref<5000x128xf32, #tpu.memory_space<hbm>> -> memref<8x128xf32, #tpu.memory_space<hbm>>
        %dma_start3A_569 = arith.constant 0 : i32
        %dma_start3A_570 = tpu.memref_slice %arg10[%mul3A_543, %dma_start3A_569] : memref<5000x128xf32, #tpu.memory_space<hbm>> -> memref<8x128xf32, #tpu.memory_space<hbm>>
        %dma_start3A_571 = arith.constant 0 : i32
        %dma_start3A_572 = arith.constant 0 : i32
        %dma_start3A_573 = tpu.memref_slice %arg15[%dma_start3A_571, %dma_start3A_572] : memref<16x128xf32, #tpu.memory_space<vmem>> -> memref<8x128xf32, #tpu.memory_space<vmem>>
        tpu.enqueue_dma source(%dma_start3A_573 : memref<8x128xf32, #tpu.memory_space<vmem>>) target(%dma_start3A_570 : memref<8x128xf32, #tpu.memory_space<hbm>>) target_semaphore(%run_scoped3A_563 : memref<!tpu.dma_semaphore, #tpu.memory_space<semaphore_mem>>)
        %dma_wait3A_574 = arith.constant 0 : i32
        %dma_wait3A_575 = arith.constant 0 : i32
        %dma_wait3A_576 = tpu.memref_slice %arg15[%dma_wait3A_574, %dma_wait3A_575] : memref<16x128xf32, #tpu.memory_space<vmem>> -> memref<8x128xf32, #tpu.memory_space<vmem>>
        %dma_wait3A_577 = arith.constant 0 : i32
        %dma_wait3A_578 = tpu.memref_slice %arg10[%mul3A_543, %dma_wait3A_577] : memref<5000x128xf32, #tpu.memory_space<hbm>> -> memref<8x128xf32, #tpu.memory_space<hbm>>
        %dma_wait3A_579 = arith.constant 0 : i32
        %dma_wait3A_580 = tpu.memref_slice %arg10[%mul3A_543, %dma_wait3A_579] : memref<5000x128xf32, #tpu.memory_space<hbm>> -> memref<8x128xf32, #tpu.memory_space<hbm>>
        %dma_wait3A_581 = arith.constant 0 : i32
        %dma_wait3A_582 = arith.constant 0 : i32
        %dma_wait3A_583 = tpu.memref_slice %arg15[%dma_wait3A_581, %dma_wait3A_582] : memref<16x128xf32, #tpu.memory_space<vmem>> -> memref<8x128xf32, #tpu.memory_space<vmem>>
        tpu.wait_dma2 semaphore(%run_scoped3A_563 : memref<!tpu.dma_semaphore, #tpu.memory_space<semaphore_mem>>) src(%dma_wait3A_583 : memref<8x128xf32, #tpu.memory_space<vmem>>) dst(%dma_wait3A_580 : memref<8x128xf32, #tpu.memory_space<hbm>>)
        tpu.yield
      }) : () -> ()
      %dma_wait3A = arith.constant 0 : i32
      %dma_wait3A_544 = arith.constant 0 : i32
      %dma_wait3A_545 = arith.constant 0 : i32
      %dma_wait3A_546 = tpu.memref_slice %arg12[%dma_wait3A_544, %dma_wait3A_545] : memref<256x128xf32, #tpu.memory_space<vmem>> -> memref<128x128xf32, #tpu.memory_space<vmem>>
      %dma_wait3A_547 = arith.constant 0 : i32
      %dma_wait3A_548 = tpu.memref_slice %arg11[%dma_wait3A, %dma_wait3A_547] : memref<2x512xi32, #tpu.memory_space<vmem>> -> memref<1x128xi32, #tpu.memory_space<vmem>>
      %dma_wait3A_549 = tpu.memref_squeeze %dma_wait3A_548 : memref<1x128xi32, #tpu.memory_space<vmem>> -> memref<128xi32, #tpu.memory_space<vmem>>
      %dma_wait3A_550 = arith.constant 0 : i32
      %dma_wait3A_551 = arith.constant 0 : i32
      %dma_wait3A_552 = tpu.memref_slice %arg2[%dma_wait3A_550, %dma_wait3A_551] : memref<10000x128xf32, #tpu.memory_space<hbm>> -> memref<10000x128xf32, #tpu.memory_space<hbm>>
      tpu.wait_indirect_dma semaphore(%arg16 : memref<!tpu.dma_semaphore, #tpu.memory_space<semaphore_mem>>) src(%dma_wait3A_552 : memref<10000x128xf32, #tpu.memory_space<hbm>>) dst(%dma_wait3A_546 : memref<128x128xf32, #tpu.memory_space<vmem>>)
      %dma_wait3A_553 = arith.constant 0 : i32
      %dma_wait3A_554 = arith.constant 0 : i32
      %dma_wait3A_555 = arith.constant 0 : i32
      %dma_wait3A_556 = tpu.memref_slice %arg13[%dma_wait3A_554, %dma_wait3A_555] : memref<256x128xf32, #tpu.memory_space<vmem>> -> memref<128x128xf32, #tpu.memory_space<vmem>>
      %dma_wait3A_557 = arith.constant 256 : i32
      %dma_wait3A_558 = tpu.memref_slice %arg11[%dma_wait3A_553, %dma_wait3A_557] : memref<2x512xi32, #tpu.memory_space<vmem>> -> memref<1x128xi32, #tpu.memory_space<vmem>>
      %dma_wait3A_559 = tpu.memref_squeeze %dma_wait3A_558 : memref<1x128xi32, #tpu.memory_space<vmem>> -> memref<128xi32, #tpu.memory_space<vmem>>
      %dma_wait3A_560 = arith.constant 0 : i32
      %dma_wait3A_561 = arith.constant 0 : i32
      %dma_wait3A_562 = tpu.memref_slice %arg3[%dma_wait3A_560, %dma_wait3A_561] : memref<10000x128xf32, #tpu.memory_space<hbm>> -> memref<10000x128xf32, #tpu.memory_space<hbm>>
      tpu.wait_indirect_dma semaphore(%arg17 : memref<!tpu.dma_semaphore, #tpu.memory_space<semaphore_mem>>) src(%dma_wait3A_562 : memref<10000x128xf32, #tpu.memory_space<hbm>>) dst(%dma_wait3A_556 : memref<128x128xf32, #tpu.memory_space<vmem>>)
      "tpu.region"() ({
        %run_scoped3A_563 = tpu.sem_alloc : memref<!tpu.dma_semaphore, #tpu.memory_space<semaphore_mem>>
        %dma_start3A_564 = arith.constant 0 : i32
        %dma_start3A_565 = arith.constant 0 : i32
        %dma_start3A_566 = tpu.memref_slice %arg12[%dma_start3A_564, %dma_start3A_565] : memref<256x128xf32, #tpu.memory_space<vmem>> -> memref<128x128xf32, #tpu.memory_space<vmem>>
        %dma_start3A_567 = arith.constant 0 : i32
        %dma_start3A_568 = tpu.memref_slice %arg8[%mul3A_52, %dma_start3A_567] : memref<80000x128xf32, #tpu.memory_space<hbm>> -> memref<128x128xf32, #tpu.memory_space<hbm>>
        %dma_start3A_569 = arith.constant 0 : i32
        %dma_start3A_570 = tpu.memref_slice %arg8[%mul3A_52, %dma_start3A_569] : memref<80000x128xf32, #tpu.memory_space<hbm>> -> memref<128x128xf32, #tpu.memory_space<hbm>>
        %dma_start3A_571 = arith.constant 0 : i32
        %dma_start3A_572 = arith.constant 0 : i32
        %dma_start3A_573 = tpu.memref_slice %arg12[%dma_start3A_571, %dma_start3A_572] : memref<256x128xf32, #tpu.memory_space<vmem>> -> memref<128x128xf32, #tpu.memory_space<vmem>>
        tpu.enqueue_dma source(%dma_start3A_573 : memref<128x128xf32, #tpu.memory_space<vmem>>) target(%dma_start3A_570 : memref<128x128xf32, #tpu.memory_space<hbm>>) target_semaphore(%run_scoped3A_563 : memref<!tpu.dma_semaphore, #tpu.memory_space<semaphore_mem>>)
        %dma_wait3A_574 = arith.constant 0 : i32
        %dma_wait3A_575 = arith.constant 0 : i32
        %dma_wait3A_576 = tpu.memref_slice %arg12[%dma_wait3A_574, %dma_wait3A_575] : memref<256x128xf32, #tpu.memory_space<vmem>> -> memref<128x128xf32, #tpu.memory_space<vmem>>
        %dma_wait3A_577 = arith.constant 0 : i32
        %dma_wait3A_578 = tpu.memref_slice %arg8[%mul3A_52, %dma_wait3A_577] : memref<80000x128xf32, #tpu.memory_space<hbm>> -> memref<128x128xf32, #tpu.memory_space<hbm>>
        %dma_wait3A_579 = arith.constant 0 : i32
        %dma_wait3A_580 = tpu.memref_slice %arg8[%mul3A_52, %dma_wait3A_579] : memref<80000x128xf32, #tpu.memory_space<hbm>> -> memref<128x128xf32, #tpu.memory_space<hbm>>
        %dma_wait3A_581 = arith.constant 0 : i32
        %dma_wait3A_582 = arith.constant 0 : i32
        %dma_wait3A_583 = tpu.memref_slice %arg12[%dma_wait3A_581, %dma_wait3A_582] : memref<256x128xf32, #tpu.memory_space<vmem>> -> memref<128x128xf32, #tpu.memory_space<vmem>>
        tpu.wait_dma2 semaphore(%run_scoped3A_563 : memref<!tpu.dma_semaphore, #tpu.memory_space<semaphore_mem>>) src(%dma_wait3A_583 : memref<128x128xf32, #tpu.memory_space<vmem>>) dst(%dma_wait3A_580 : memref<128x128xf32, #tpu.memory_space<hbm>>)
        tpu.yield
      }) : () -> ()
      "tpu.region"() ({
        %run_scoped3A_563 = tpu.sem_alloc : memref<!tpu.dma_semaphore, #tpu.memory_space<semaphore_mem>>
        %dma_start3A_564 = arith.constant 0 : i32
        %dma_start3A_565 = arith.constant 0 : i32
        %dma_start3A_566 = tpu.memref_slice %arg13[%dma_start3A_564, %dma_start3A_565] : memref<256x128xf32, #tpu.memory_space<vmem>> -> memref<128x128xf32, #tpu.memory_space<vmem>>
        %dma_start3A_567 = arith.constant 0 : i32
        %dma_start3A_568 = tpu.memref_slice %arg9[%mul3A_52, %dma_start3A_567] : memref<80000x128xf32, #tpu.memory_space<hbm>> -> memref<128x128xf32, #tpu.memory_space<hbm>>
        %dma_start3A_569 = arith.constant 0 : i32
        %dma_start3A_570 = tpu.memref_slice %arg9[%mul3A_52, %dma_start3A_569] : memref<80000x128xf32, #tpu.memory_space<hbm>> -> memref<128x128xf32, #tpu.memory_space<hbm>>
        %dma_start3A_571 = arith.constant 0 : i32
        %dma_start3A_572 = arith.constant 0 : i32
        %dma_start3A_573 = tpu.memref_slice %arg13[%dma_start3A_571, %dma_start3A_572] : memref<256x128xf32, #tpu.memory_space<vmem>> -> memref<128x128xf32, #tpu.memory_space<vmem>>
        tpu.enqueue_dma source(%dma_start3A_573 : memref<128x128xf32, #tpu.memory_space<vmem>>) target(%dma_start3A_570 : memref<128x128xf32, #tpu.memory_space<hbm>>) target_semaphore(%run_scoped3A_563 : memref<!tpu.dma_semaphore, #tpu.memory_space<semaphore_mem>>)
        %dma_wait3A_574 = arith.constant 0 : i32
        %dma_wait3A_575 = arith.constant 0 : i32
        %dma_wait3A_576 = tpu.memref_slice %arg13[%dma_wait3A_574, %dma_wait3A_575] : memref<256x128xf32, #tpu.memory_space<vmem>> -> memref<128x128xf32, #tpu.memory_space<vmem>>
        %dma_wait3A_577 = arith.constant 0 : i32
        %dma_wait3A_578 = tpu.memref_slice %arg9[%mul3A_52, %dma_wait3A_577] : memref<80000x128xf32, #tpu.memory_space<hbm>> -> memref<128x128xf32, #tpu.memory_space<hbm>>
        %dma_wait3A_579 = arith.constant 0 : i32
        %dma_wait3A_580 = tpu.memref_slice %arg9[%mul3A_52, %dma_wait3A_579] : memref<80000x128xf32, #tpu.memory_space<hbm>> -> memref<128x128xf32, #tpu.memory_space<hbm>>
        %dma_wait3A_581 = arith.constant 0 : i32
        %dma_wait3A_582 = arith.constant 0 : i32
        %dma_wait3A_583 = tpu.memref_slice %arg13[%dma_wait3A_581, %dma_wait3A_582] : memref<256x128xf32, #tpu.memory_space<vmem>> -> memref<128x128xf32, #tpu.memory_space<vmem>>
        tpu.wait_dma2 semaphore(%run_scoped3A_563 : memref<!tpu.dma_semaphore, #tpu.memory_space<semaphore_mem>>) src(%dma_wait3A_583 : memref<128x128xf32, #tpu.memory_space<vmem>>) dst(%dma_wait3A_580 : memref<128x128xf32, #tpu.memory_space<hbm>>)
        tpu.yield
      }) : () -> ()
    }
    return
  }
}

</mosaic_0001>

<sc_bundles>
// kernel: _sc_gather.3.cloned.1.call-start
scs
__scs_entry_jumppad:
0x0: {  	(pc) =	sbr.rel $0x88, $3  }
0x1: {  	(tag) =	ssettag $0x0;
	lr =	simm.s32 $0x1  }
0x2: {  	[smem:$0x3F9B] =	sst lr;
	_ =	strace $0xD0000000  }
0x3: {  	_ = 	snop  }
0x4: {  	_ = 	snop  }
0x5: {  	_ = 	snop  }
0x6: {  	_ = 	snop  }
0x7: {  	_ = 	snop  }
__scs_overlays_trampoline_lowered:
0x8: {  	[smem:$0x3FAA] =	sst s0  }
0x9: {  	[smem:$0x3FAB] =	sst s1  }
0xa: {  	[smem:$0x3FAC] =	sst s2  }
0xb: {  	[smem:$0x3FAD] =	sst s3  }
0xc: {  	[smem:$0x3FAE] =	sst s4  }
0xd: {  	[smem:$0x3FAF] =	sst s5  }
0xe: {  	[smem:$0x3FB0] =	sst s6  }
0xf: {  	[smem:$0x3FB1] =	sst s7  }
0x10: {  	[smem:$0x3FB2] =	sst s8  }
0x11: {  	[smem:$0x3FB3] =	sst s9;
	s0 =	simm.s32 @!p0 $0x0  }
0x12: {  	s1 =	sld [smem:$0x3F99];
	s0 =	simm.s32 @p0 $0x1  }
0x13: {  	[smem:$0x3FB4] =	sst s0;
	s0 =	simm.s32 @!p1 $0x0  }
0x14: {  	s2 =	sld [smem:$0x3F98];
	s0 =	simm.s32 @p1 $0x1  }
0x15: {  	[smem:$0x3FB5] =	sst s0;
	s0 =	simm.s32 @!p2 $0x0  }
0x16: {  	s3 =	sld [smem:$0x3FDB];
	s0 =	simm.s32 @p2 $0x1  }
0x17: {  	s4 =	simm.s32 $0x1BF5;
	[smem:$0x3FB7] =	sst s0  }
0x18: {  	s0 =	sld [smem:$0x3F9A];
	_ =	swait.ge [sflag:s4], $0x0  }
0x19: {  	s7 =	sld [smem:$0x3F9B]  }
0x1a: {  	s8 =	sadd.s32 $0xFFFFE003, lr  }
0x1b: {  	s9 =	sadd.s32 $0xFFFFFEF7, lr;
	s5 =	simm.s32 $0xFFFFFFFF;
	p2 =	slt.u32 s8, $0xFFFFF086  }
0x1c: {  	p1 =	slt.u32 s9, $0xF7A;
	s5 =	simm.s32 @!p2 $0x0  }
0x1d: {  	s5 =	simm.s32 @p1 $0x1;
	p0 =	seq.s32 s7, s2  }
0x1e: {  	s7 =	smul.u32 @!p0 $0xF7A, s2;
	p2 =	seq.s32 @!p0 s5, $0x0  }
0x1f: {  	s9 =	smul.u32 $0xF7A, s1;
	s8 =	simm.s32 @!p0 $0x1BF5;
	p2 =	por !p2, p0  }
0x20: {  	[sflag:s8] =	ssyncset.s32 @!p0 $0xFFFFF086;
	s6 =	sadd.s32 @!p0 s3, s7;
	s7 =	simm.s32 @!p0 $0x108  }
0x21: {  	s3 =	sadd.s32 s3, s9;
	s6 =	sadd.s32 @!p0 $0x88, s6;
	s7 =	simm.s32 @p2 $0x1082  }
0x22: {  	[simem:s7], [sflag:s8] =	dma.local @!p0 [hbm:s6], $0xF7A  }
0x23: {  	s9 =	sor.u32 $0xD0000000, s2;
	s6 =	simm.s32 $0x108;
	_ =	swait.ge @!p0 [sflag:s8], $0x0  }
0x24: {  	s3 =	sadd.s32 $0x88, s3;
	s6 =	simm.s32 @!p1 $0x1082;
	[sflag:s4] =	ssyncset.s32 $0xFFFFF086  }
0x25: {  	[simem:s6], [sflag:s4] =	dma.local [hbm:s3], $0xF7A  }
0x26: {  	[smem:$0x3F9B] =	sst s1;
	(tag) =	ssettag s2;
	_ =	strace s9  }
0x27: {  	s1 =	sld [smem:$0x3FAB]  }
0x28: {  	s2 =	sld [smem:$0x3FAC]  }
0x29: {  	s4 =	sld [smem:$0x3FAE]  }
0x2a: {  	p0 =	seq.s32 s5, $0x0;
	s5 =	sld [smem:$0x3FAF]  }
0x2b: {  	s6 =	sld [smem:$0x3FB0]  }
0x2c: {  	s7 =	sld [smem:$0x3FB1]  }
0x2d: {  	s3 =	simm.s32 $0x108;
	s8 =	sld [smem:$0x3FB2]  }
0x2e: {  	s3 =	simm.s32 @!p0 $0x1082;
	s9 =	sld [smem:$0x3FB3]  }
0x2f: {  	lr =	sadd.s32 s0, s3;
	s0 =	sld [smem:$0x3FAA]  }
0x30: {  	s3 =	sld [smem:$0x3FAD]  }
0x31: {  	[smem:$0x3FB6] =	sst s10  }
0x32: {  	s10 =	sld [smem:$0x3FB4];
	_ =	sdelay $0x3  }
0x33: {  	p0 =	seq.s32 s10, $0x1;
	s10 =	sld [smem:$0x3FB6];
	_ =	sdelay $0x3  }
0x34: {  	[smem:$0x3FB6] =	sst s10  }
0x35: {  	s10 =	sld [smem:$0x3FB5];
	_ =	sdelay $0x3  }
0x36: {  	p1 =	seq.s32 s10, $0x1;
	s10 =	sld [smem:$0x3FB6];
	_ =	sdelay $0x3  }
0x37: {  	[smem:$0x3FB6] =	sst s10  }
0x38: {  	s10 =	sld [smem:$0x3FB7]  }
0x39: {  	_ = 	snop;
	(pc) =	sbr.ind lr, $3  }
0x3a: {  	_ = 	snop  }
0x3b: {  	_ = 	snop  }
0x3c: {  	p2 =	seq.s32 s10, $0x1;
	s10 =	sld [smem:$0x3FB6]  }
0x3d: {  	_ =	shalt  }
0x3e: {  	_ =	shalt  }
0x3f: {  	_ =	shalt  }
0x40: {  	_ =	shalt  }
0x41: {  	_ =	shalt  }
0x42: {  	_ =	shalt  }
0x43: {  	_ =	shalt  }
0x44: {  	_ =	shalt  }
0x45: {  	_ =	shalt  }
0x46: {  	_ =	shalt  }
0x47: {  	_ =	shalt  }
0x48: {  	_ =	shalt  }
0x49: {  	_ =	shalt  }
0x4a: {  	_ =	shalt  }
0x4b: {  	_ =	shalt  }
0x4c: {  	_ =	shalt  }
0x4d: {  	_ =	shalt  }
0x4e: {  	_ =	shalt  }
0x4f: {  	_ =	shalt  }
0x50: {  	_ =	shalt  }
0x51: {  	_ =	shalt  }
0x52: {  	_ =	shalt  }
0x53: {  	_ =	shalt  }
0x54: {  	_ =	shalt  }
0x55: {  	_ =	shalt  }
0x56: {  	_ =	shalt  }
0x57: {  	_ =	shalt  }
0x58: {  	_ =	shalt  }
0x59: {  	_ =	shalt  }
0x5a: {  	_ =	shalt  }
0x5b: {  	_ =	shalt  }
0x5c: {  	_ =	shalt  }
0x5d: {  	_ =	shalt  }
0x5e: {  	_ =	shalt  }
0x5f: {  	_ =	shalt  }
0x60: {  	_ =	shalt  }
0x61: {  	_ =	shalt  }
0x62: {  	_ =	shalt  }
0x63: {  	_ =	shalt  }
0x64: {  	_ =	shalt  }
0x65: {  	_ =	shalt  }
0x66: {  	_ =	shalt  }
0x67: {  	_ =	shalt  }
0x68: {  	_ =	shalt  }
0x69: {  	_ =	shalt  }
0x6a: {  	_ =	shalt  }
0x6b: {  	_ =	shalt  }
0x6c: {  	_ =	shalt  }
0x6d: {  	_ =	shalt  }
0x6e: {  	_ =	shalt  }
0x6f: {  	_ =	shalt  }
0x70: {  	_ =	shalt  }
0x71: {  	_ =	shalt  }
0x72: {  	_ =	shalt  }
0x73: {  	_ =	shalt  }
0x74: {  	_ =	shalt  }
0x75: {  	_ =	shalt  }
0x76: {  	_ =	shalt  }
0x77: {  	_ =	shalt  }
0x78: {  	_ =	shalt  }
0x79: {  	_ =	shalt  }
0x7a: {  	_ =	shalt  }
0x7b: {  	_ =	shalt  }
0x7c: {  	_ =	shalt  }
0x7d: {  	_ =	shalt  }
0x7e: {  	_ =	shalt  }
0x7f: {  	_ =	shalt  }
0x80: {  	_ =	shalt  }
0x81: {  	_ =	shalt  }
0x82: {  	_ =	shalt  }
0x83: {  	_ =	shalt  }
0x84: {  	_ =	shalt  }
0x85: {  	_ =	shalt  }
0x86: {  	_ =	shalt  }
0x87: {  	_ =	shalt  }
.Lfunc_end0:
.L_simem_size_0:
called_computation_lowered:
.L_overlay_start_0:
0x88: {  	s2 =	sld [smem:$0x3FD9]  }
0x89: {  	s3 =	sld [smem:$0x3FFE];
	_ =	sdelay $0x1  }
0x8a: {  	s1 =	srdreg.scid  }
0x8b: {  	s0 =	sand.u32 $0x1, s1  }
0x8c: {  	s15 =	sshll.u32 s0, $0xA;
	s2 =	sadd.s32 s3, s2  }
0x8d: {  	s2 =	sadd.s32 s2, s15  }
0x8e: {  	[smem:$0x3FC2] =	sst s2  }
0x8f: {  	_ = 	snop  }
0x90: {  	s2 =	sld [smem:$0x3FC9]  }
0x91: {  	s16 =	sld [smem:$0x3FC8]  }
0x92: {  	s4 =	sld [smem:$0x3FC7]  }
0x93: {  	s5 =	sld [smem:$0x3FD0]  }
0x94: {  	s6 =	sld [smem:$0x3FC6]  }
0x95: {  	s7 =	sld [smem:$0x3FC5]  }
0x96: {  	s9 =	simm.s32 $0xA;
	s10 =	simm.s32 $0x10;
	s8 =	sld [smem:$0x3FC4]  }
0x97: {  	[smem:s10], [sflag:s9] =	dma.local [hbm:s5], $0x1  }
0x98: {  	_ =	swait.eq [sflag:s9], $0x1  }
0x99: {  	s17 =	sld [smem:$0x10];
	[sflag:s9] =	ssyncset.done $0x0  }
0x9a: {  	s18 =	sld [smem:$0x11];
	[sflag:s9] =	ssyncadd.s32 $0xFFFFFFFF  }
0x9b: {  	s19 =	sld [smem:$0x12];
	(tm) =	ssettm $0x1  }
0x9c: {  	s11 =	sld [smem:$0x3FFB];
	_ =	sdelay $0x3  }
0x9d: {  	_ =	strace s11  }
0x9e: {  	s11 =	sld [smem:$0x3FFC];
	_ =	sdelay $0x3  }
0x9f: {  	_ =	strace s11  }
0xa0: {  	s11 =	sld [smem:$0x3FFD];
	_ =	sdelay $0x3  }
0xa1: {  	_ =	strace s11  }
0xa2: {  	_ =	strace $0x8FFFFFFF  }
0xa3: {  	s20 =	sld [smem:$0x3FDB];
	_ =	sdelay $0x1  }
0xa4: {  	s12 =	simm.s32 $_scs_section_size  }
0xa5: {  	s13 =	simm.s32 $_size__tile_overlayer_lowered;
	s14 =	simm.s32 $_tile_overlayer_lowered  }
0xa6: {  	s23 =	simm.s32 $0x1BFF;
	s22 =	sshll.u32 s14, $0x1;
	s11 =	sadd.s32 s12, s20  }
0xa7: {  	s21 =	sshll.u32 s13, $0x1;
	s15 =	simm.s32 $0x0;
	s13 =	sadd.s32 s22, s11  }
0xa8: {  	[timem:s15], [sflag:s23] =	dma.local [hbm:s13], s21  }
0xa9: {  	_ =	swait.ge [sflag:s23], s21  }
0xaa: {  	s12 =	ssub.s32 $0x0, s21;
	[sflag:s23] =	ssyncset.done $0x0  }
0xab: {  	[sflag:s23] =	ssyncadd.s32 s12;
	_ =	sdelay $0x1  }
0xac: {  	s24 =	simm.s32 $0x1B8B  }
0xad: {  	_ =	swait.ge [sflag:s24], $0x1  }
0xae: {  	[sflag:s24] =	ssyncset.done $0x0  }
0xaf: {  	s25 =	simm.s32 $0x1B8E;
	[sflag:s24] =	ssyncadd.s32 $0xFFFFFFFF  }
0xb0: {  	s26 =	simm.s32 $execute0_lowered;
	[smem:$0x3FD2] =	sst s25  }
0xb1: {  	s12 =	sshll.u32 s26, $0x1;
	_ =	strace $0x80000046;
	[dreg:$0x1] =	wrdreg $0xFFFFFFFF  }
0xb2: {  	s28 =	simm.s32 $_size_execute0_lowered;
	s11 =	sadd.s32 s11, s12;
	[dreg:$0x0] =	wrdreg $0x0  }
0xb3: {  	s12 =	sshll.u32 s28, $0x1;
	[dreg:$0x2] =	wrdreg s11  }
0xb4: {  	[dreg:$0x3] =	wrdreg s12  }
0xb5: {  	[dreg:$0x4] =	wrdreg $0xC0  }
0xb6: {  	_ =	task [dreg:s15], $0x5FFFF  }
0xb7: {  	[dreg:$0x1] =	wrdreg $0xFFFFFFFF  }
0xb8: {  	[dreg:$0x0] =	wrdreg $0x60  }
0xb9: {  	[dreg:$0x2] =	wrdreg s2  }
0xba: {  	[dreg:$0x3] =	wrdreg s16  }
0xbb: {  	[dreg:$0x4] =	wrdreg s4  }
0xbc: {  	[dreg:$0x5] =	wrdreg s6  }
0xbd: {  	[dreg:$0x6] =	wrdreg s7  }
0xbe: {  	[dreg:$0x7] =	wrdreg s8  }
0xbf: {  	[dreg:$0x8] =	wrdreg s17  }
0xc0: {  	[dreg:$0x9] =	wrdreg s18  }
0xc1: {  	[dreg:$0xa] =	wrdreg s19  }
0xc2: {  	[dreg:$0xb] =	wrdreg $0x9  }
0xc3: {  	_ =	task.clear_ibuf [dreg:s15], $0xCFFFF;
	_ =	strace $0x90000046  }
0xc4: {  	s29 =	simm.s32 $0x9;
	_ =	strace $0x80000048  }
0xc5: {  	_ =	swait.ge [sflag:s29], $0x1  }
0xc6: {  	[sflag:s29] =	ssyncadd.s32 $0xFFFFFFFF  }
0xc7: {  	_ =	strace $0x90000048  }
0xc8: {  	_ =	sfence  }
0xc9: {  	s30 =	sld [smem:$0x0];
	_ =	sdelay $0x2  }
0xca: {  	s31 =	sshll.u32 s1, $0xD;
	s1 =	sshrl.u32 s1, $0x2  }
0xcb: {  	s3 =	sand.u32 $0x4000, s31;
	s1 =	sadd.s32 s1, s30  }
0xcc: {  	s0 =	sor.u32 s3, s0;
	s1 =	sshll.u32 s1, $0x11  }
0xcd: {  	s0 =	sor.u32 s1, s0  }
0xce: {  	s0 =	sadd.s32 $0x8F2B, s0  }
0xcf: {  	[sflag:s0] =	ssyncadd.remote.s32 $0x1  }
0xd0: {  	_ =	sfence.sel $0xFFFF  }
0xd1: {  	[dreg:$0x0] =	wrdreg $0xFFFFFFFF;
	(pc) =	sbr.abs _section_cstart, $3  }
0xd2: {  	[dreg:$0x1] =	wrdreg $0xFFFFFFFF  }
0xd3: {  	_ =	task.clear_ibuf [dreg:s15], $0x2FFFF;
	_ =	strace $0x9FFFFFFF  }
0xd4: {  	(tm) =	ssettm $0x7FFFFFFF  }
0xd5: {  	_ =	shalt  }
tec
execute0_lowered:
.L_overlay_start_1:
0x0: {  	(tag) =	ssettag $0x1  }
0x1: {  	s0 =	rddreg [dreg:$0x0]  }
0x2: {  	s1 =	rddreg [dreg:$0x1]  }
0x3: {  	s4 =	rddreg [dreg:$0x3]  }
0x4: {  	s2 =	rddreg [dreg:$0x4]  }
0x5: {  	s3 =	rddreg [dreg:$0x5]  }
0x6: {  	s5 =	rddreg [dreg:$0x6]  }
0x7: {  	s7 =	rddreg [dreg:$0x7]  }
0x8: {  	s8 =	rddreg [dreg:$0x8]  }
0x9: {  	s6 =	srdreg.scid;
	s16 =	stileid.u32  }
0xa: {  	s9 =	simm.s32 $0x0;
	s30 =	simm.s32 $0x3;
	s31 =	simm.s32 $0x4  }
0xb: {  	s6 =	sand.u32 $0x1, s6;
	s10 =	sshll.u32 s16, $0x1;
	[smem:$0x7FF] =	sst s9  }
0xc: {  	s12 =	sshll.u32 s16, $0xA;
	s22 =	sshll.u32 s16, $0x9;
	s24 =	sshll.u32 s16, $0xD  }
0xd: {  	s11 =	sor.u32 s6, s10;
	s25 =	ssub.s32 $0x2, s6;
	_ =	strace $0x80000047  }
0xe: {  	s23 =	sshll.u32 s6, $0x8;
	s6 =	sshll.u32 s6, $0xC;
	s13 =	sshll.u32 s11, $0x7  }
0xf: {  	s14 =	sshrl.u32 s25, $0x1;
	s28 =	sadd.s32 $0x270, s11;
	s21 =	ssub.s32 $0x157, s11  }
0x10: {  	s12 =	sor.u32 s12, s13;
	s14 =	ssub.s32 s25, s14;
	s13 =	sand.u32 $0x380, s13  }
0x11: {  	s15 =	sshll.u32 s28, $0x4;
	s25 =	sor.u32 s6, s24;
	[dreg:$0xa] =	wrdreg s13  }
0x12: {  	p0 =	sne.s32 s11, $0x0;
	s2 =	sadd.s32 s2, s15;
	[dreg:$0x17] =	wrdreg s25  }
0x13: {  	s26 =	sand.u32 $0x3380, s12;
	s29 =	sadd.s32 s3, s15;
	[dreg:$0xd] =	wrdreg s2  }
0x14: {  	s3 =	sshll.u32 s28, $0x7;
	s17 =	smax.u32 s14, $0x1;
	[dreg:$0xe] =	wrdreg s29  }
0x15: {  	s12 =	sshll.u32 s28, $0xB;
	s28 =	simm.s32 $0xC400;
	[dreg:$0x12] =	wrdreg s17  }
0x16: {  	s6 =	simm.s32 $0x400;
	s2 =	sadd.s32 s8, s3;
	[dreg:$0xc] =	wrdreg s28  }
0x17: {  	s25 =	simm.s32 $0x10400;
	s13 =	sadd.s32 s5, s12;
	[dreg:$0xf] =	wrdreg s2  }
0x18: {  	s14 =	simm.s32 $0x1;
	s15 =	sadd.s32 s7, s12;
	[dreg:$0x10] =	wrdreg s13  }
0x19: {  	s10 =	sshrl.u32 s26, $0x3;
	s3 =	sor.u32 s23, s22;
	[dreg:$0x11] =	wrdreg s15  }
0x1a: {  	s26 =	simm.s32 $0x4400;
	s22 =	sor.u32 $0x20, s11;
	[dreg:$0x16] =	wrdreg s3  }
0x1b: {  	s11 =	simm.s32 $0x8400;
	s10 =	sadd.s32 s4, s10;
	[dreg:$0xb] =	wrdreg s26  }
0x1c: {  	s12 =	simm.s32 $0x17980;
	s2 =	sshrl.u32 s21, $0x5;
	[dreg:$0x1a] =	wrdreg s10  }
.Ltmp0:
0x1d: {  	s29 =	sshll.u32 s22, $0x9;
	[dreg:$0x18] =	wrdreg s2;
	(pc) =	sbr.rel .LBB2_1-.Ltmp0, $4  }
0x1e: {  	s3 =	simm.s32 $0x80;
	s18 =	sadd.s32 $0x80, s10;
	[dreg:$0x19] =	wrdreg s29  }
0x1f: {  	s13 =	simm.s32 $0x5;
	s19 =	sadd.s32 $0x100, s10;
	[dreg:$0x13] =	wrdreg s18  }
0x20: {  	s15 =	simm.s32 $0x2;
	s20 =	sadd.s32 $0x180, s10;
	[dreg:$0x14] =	wrdreg s19  }
0x21: {  	s10 =	simm.s32 $0x200;
	s2 =	simm.s32 $0x0;
	[dreg:$0x15] =	wrdreg s20  }
.LBB2_5:
0x22: {  	s2 =	sadd.s32 $0x1, s2;
	s16 =	rddreg [dreg:$0x12]  }
0x23: {  	p1 =	sne.s32 s2, s16  }
.Ltmp1:
0x24: {  	_ = 	snop;
	(pc) =	sbr.rel @!p1 .LBB2_6-.Ltmp1, $1  }
0x25: {  	_ =	sdelay $0x3  }
.LBB2_1:
0x26: {  	s16 =	rddreg [dreg:$0x2]  }
0x27: {  	[tilespmem:s25], [sflag:$0x3] =	stream.linear.gather [hbm4b:s16+s9], $0x7580, $0x38;
	[tilespmem:$0x18180] =	vst v63  }
0x28: {  	s21 =	rddreg [dreg:$0x1a]  }
0x29: {  	[tilespmem:s9], [sflag:$0x4] =	stream.linear.gather [hbm4b:s21+s9], $0x80, $0x38;
	[tilespmem:$0x18180] =	vst v63  }
0x2a: {  	s23 =	rddreg [dreg:$0x13];
	s17 =	simm.s32 $0x100  }
0x2b: {  	[tilespmem:s17], [sflag:$0x4] =	stream.linear.gather [hbm4b:s23+s9], $0x80, $0x38;
	[tilespmem:$0x18180] =	vst v63  }
0x2c: {  	s24 =	rddreg [dreg:$0x14]  }
0x2d: {  	[tilespmem:s10], [sflag:$0x4] =	stream.linear.gather [hbm4b:s24+s9], $0x80, $0x38;
	[tilespmem:$0x18180] =	vst v63  }
0x2e: {  	s26 =	rddreg [dreg:$0x15];
	s29 =	simm.s32 $0x300  }
0x2f: {  	[tilespmem:s29], [sflag:$0x4] =	stream.linear.gather [hbm4b:s26+s9], $0x80, $0x38;
	[tilespmem:$0x18180] =	vst v63  }
0x30: {  	_ =	swait.ge [sflag:s30], $0x7580  }
0x31: {  	s21 =	rddreg [dreg:$0x17]  }
0x32: {  	s20 =	rddreg [dreg:$0x16]  }
0x33: {  	[sflag:s30] =	ssyncset.done $0x0;
	s24 =	rddreg [dreg:$0x19]  }
0x34: {  	s28 =	simm.s32 $0x0;
	s23 =	rddreg [dreg:$0x18];
	[sflag:s30] =	ssyncadd.s32 $0xFFFF8A80  }
.LBB2_2:
0x35: {  	s18 =	sshra.s32 s28, $0x5;
	s19 =	sshrl.u32 s28, $0x1F  }
0x36: {  	_ =	swait.ge [sflag:s31], $0x200;
	s19 =	sadd.s32 s19, s18  }
0x37: {  	s29 =	sadd.s32 s28, s22;
	s26 =	rddreg [dreg:$0xa];
	s19 =	sand.u32 $0xFFFFFFFE, s19  }
0x38: {  	[sflag:s31] =	ssyncset.done $0x0;
	p1 =	sgt.s32 s29, $0x137;
	s18 =	ssub.s32 s18, s19  }
0x39: {  	[sflag:s31] =	ssyncadd.s32 $0xFFFFFE00;
	s29 =	sand.u32 @!p1 $0xFFFFF000, s24;
	s19 =	ssub.s32 @!p1 $0x1, s18  }
0x3a: {  	s26 =	sor.u32 @!p1 s26, s29;
	s17 =	sshll.u32 @!p1 s19, $0x9;
	s19 =	sshll.u32 @!p1 s19, $0x7  }
0x3b: {  	s26 =	sshrl.u32 @!p1 s26, $0x3;
	s17 =	sand.u32 @!p1 $0x7FFFFC00, s17;
	s19 =	sand.u32 @!p1 $0x80, s19  }
0x3c: {  	s17 =	sor.u32 @!p1 s19, s17;
	s19 =	sadd.s32 @!p1 s4, s26;
	s26 =	simm.s32 @!p1 $0x0  }
0x3d: {  	[tilespmem:s17], [sflag:$0x4] =	stream.linear.gather @!p1 [hbm4b:s19+s26], $0x80, $0x38;
	[tilespmem:$0x18180] =	vst v63  }
0x3e: {  	s29 =	sadd.s32 @!p1 $0x80, s19;
	s16 =	sor.u32 @!p1 $0x100, s17  }
0x3f: {  	[tilespmem:s16], [sflag:$0x4] =	stream.linear.gather @!p1 [hbm4b:s29+s26], $0x80, $0x38;
	[tilespmem:$0x18180] =	vst v63  }
0x40: {  	s16 =	sadd.s32 @!p1 $0x100, s19;
	s29 =	sor.u32 @!p1 $0x200, s17  }
0x41: {  	[tilespmem:s29], [sflag:$0x4] =	stream.linear.gather @!p1 [hbm4b:s16+s26], $0x80, $0x38;
	[tilespmem:$0x18180] =	vst v63  }
0x42: {  	s17 =	sor.u32 @!p1 $0x300, s17;
	s16 =	sadd.s32 @!p1 $0x180, s19;
	s19 =	sshll.u32 s18, $0x7  }
0x43: {  	[tilespmem:s17], [sflag:$0x4] =	stream.linear.gather @!p1 [hbm4b:s16+s26], $0x80, $0x38;
	[tilespmem:$0x18180] =	vst v63  }
0x44: {  	s26 =	sand.u32 $0xFFFFFC00, s18;
	s16 =	sand.u32 $0x80, s19  }
0x45: {  	s18 =	sadd.s32 s16, s26  }
0x46: {  	[tilespmem:s6], [sflag:$0x1] =	stream.indirect.gather [hbm4b:s0+s3], $0x80, s18, s3, $0xb8;
	[tilespmem:$0x18180] =	vst v63  }
0x47: {  	s29 =	rddreg [dreg:$0xb];
	s17 =	sadd.s32 $0x100, s18  }
0x48: {  	[tilespmem:s29], [sflag:$0x1] =	stream.indirect.gather [hbm4b:s0+s3], $0x80, s17, s3, $0xb8;
	[tilespmem:$0x18180] =	vst v63  }
0x49: {  	s19 =	sadd.s32 $0x200, s18  }
0x4a: {  	[tilespmem:s11], [sflag:$0x2] =	stream.indirect.gather [hbm4b:s1+s3], $0x80, s19, s3, $0xb8;
	[tilespmem:$0x18180] =	vst v63  }
0x4b: {  	s26 =	rddreg [dreg:$0xc];
	s29 =	sadd.s32 $0x300, s18  }
0x4c: {  	[tilespmem:s26], [sflag:$0x2] =	stream.indirect.gather [hbm4b:s1+s3], $0x80, s29, s3, $0xb8;
	[tilespmem:$0x18180] =	vst v63  }
0x4d: {  	v0 =	vld [tilespmem:s18+$0x0]  }
0x4e: {  	v1 =	vld [tilespmem:s18+$0x200];
	_ =	sdelay $0x3  }
0x4f: {  	v0 =	vmul.u32 $0x3, v0  }
0x50: {  	v1 =	vmul.u32 $0x3, v1;
	_ =	sdelay $0x4  }
0x51: {  	v2 =	vld.idx.msk [tilespmem:v0+s25+$0x0], $0xffff  }
0x52: {  	v3 =	vld.idx.msk [tilespmem:v1+s25+$0x0], $0xffff;
	_ =	sdelay $0x2  }
0x53: {  	v4 =	vadd.s32 $0x1, v0  }
0x54: {  	v5 =	vadd.s32 $0x1, v1  }
0x55: {  	v2 =	vsub.f32 v2, v3;
	_ =	sdelay $0x1  }
0x56: {  	[tilespmem:$0x17980] =	vst v2  }
0x57: {  	v54 =	vld.idx.msk [tilespmem:v4+s25+$0x0], $0xffff  }
0x58: {  	v55 =	vld.idx.msk [tilespmem:v5+s25+$0x0], $0xffff;
	_ =	sdelay $0x2  }
0x59: {  	v0 =	vadd.s32 $0x2, v0  }
0x5a: {  	v1 =	vadd.s32 $0x2, v1  }
0x5b: {  	v3 =	vsub.f32 v54, v55;
	_ =	sdelay $0x1  }
0x5c: {  	[tilespmem:$0x17A00] =	vst v3  }
0x5d: {  	v0 =	vld.idx.msk [tilespmem:v0+s25+$0x0], $0xffff  }
0x5e: {  	v1 =	vld.idx.msk [tilespmem:v1+s25+$0x0], $0xffff;
	_ =	sdelay $0x4  }
0x5f: {  	v2 =	vmul.f32 v2, v2;
	v3 =	vmul.f32 v3, v3;
	v0 =	vsub.f32 v0, v1;
	_ =	sdelay $0x1  }
0x60: {  	v56 =	vadd.f32 v3, v2;
	v57 =	vmul.f32 v0, v0;
	_ =	sdelay $0x1  }
0x61: {  	v1 =	vadd.f32 v57, v56  }
0x62: {  	[tilespmem:$0x17A80] =	vst v0  }
0x63: {  	[tilespmem:$0x17B00] =	vst v1  }
0x64: {  	v0 =	vld [tilespmem:s18+$0x10]  }
0x65: {  	v1 =	vld [tilespmem:s18+$0x210];
	_ =	sdelay $0x3  }
0x66: {  	v0 =	vmul.u32 $0x3, v0  }
0x67: {  	v1 =	vmul.u32 $0x3, v1;
	_ =	sdelay $0x4  }
0x68: {  	v58 =	vld.idx.msk [tilespmem:v0+s25+$0x0], $0xffff  }
0x69: {  	v59 =	vld.idx.msk [tilespmem:v1+s25+$0x0], $0xffff;
	_ =	sdelay $0x2  }
0x6a: {  	v60 =	vadd.s32 $0x1, v0  }
0x6b: {  	v61 =	vadd.s32 $0x1, v1  }
0x6c: {  	v2 =	vsub.f32 v58, v59;
	_ =	sdelay $0x1  }
0x6d: {  	[tilespmem:$0x17990] =	vst v2  }
0x6e: {  	v62 =	vld.idx.msk [tilespmem:v60+s25+$0x0], $0xffff  }
0x6f: {  	v63 =	vld.idx.msk [tilespmem:v61+s25+$0x0], $0xffff;
	_ =	sdelay $0x2  }
0x70: {  	v0 =	vadd.s32 $0x2, v0  }
0x71: {  	v1 =	vadd.s32 $0x2, v1  }
0x72: {  	v3 =	vsub.f32 v62, v63;
	_ =	sdelay $0x1  }
0x73: {  	[tilespmem:$0x17A10] =	vst v3  }
0x74: {  	v0 =	vld.idx.msk [tilespmem:v0+s25+$0x0], $0xffff  }
0x75: {  	v1 =	vld.idx.msk [tilespmem:v1+s25+$0x0], $0xffff;
	_ =	sdelay $0x4  }
0x76: {  	v2 =	vmul.f32 v2, v2;
	v3 =	vmul.f32 v3, v3;
	v0 =	vsub.f32 v0, v1;
	_ =	sdelay $0x1  }
0x77: {  	v8 =	vadd.f32 v3, v2;
	v9 =	vmul.f32 v0, v0;
	_ =	sdelay $0x1  }
0x78: {  	v1 =	vadd.f32 v9, v8  }
0x79: {  	[tilespmem:$0x17A90] =	vst v0  }
0x7a: {  	[tilespmem:$0x17B10] =	vst v1  }
0x7b: {  	v0 =	vld [tilespmem:s18+$0x20]  }
0x7c: {  	v1 =	vld [tilespmem:s18+$0x220];
	_ =	sdelay $0x3  }
0x7d: {  	v0 =	vmul.u32 $0x3, v0  }
0x7e: {  	v1 =	vmul.u32 $0x3, v1;
	_ =	sdelay $0x4  }
0x7f: {  	v10 =	vld.idx.msk [tilespmem:v0+s25+$0x0], $0xffff  }
0x80: {  	v11 =	vld.idx.msk [tilespmem:v1+s25+$0x0], $0xffff;
	_ =	sdelay $0x2  }
0x81: {  	v12 =	vadd.s32 $0x1, v0  }
0x82: {  	v13 =	vadd.s32 $0x1, v1  }
0x83: {  	v2 =	vsub.f32 v10, v11;
	_ =	sdelay $0x1  }
0x84: {  	[tilespmem:$0x179A0] =	vst v2  }
0x85: {  	v14 =	vld.idx.msk [tilespmem:v12+s25+$0x0], $0xffff  }
0x86: {  	v15 =	vld.idx.msk [tilespmem:v13+s25+$0x0], $0xffff;
	_ =	sdelay $0x2  }
0x87: {  	v0 =	vadd.s32 $0x2, v0  }
0x88: {  	v1 =	vadd.s32 $0x2, v1  }
0x89: {  	v3 =	vsub.f32 v14, v15;
	_ =	sdelay $0x1  }
0x8a: {  	[tilespmem:$0x17A20] =	vst v3  }
0x8b: {  	v0 =	vld.idx.msk [tilespmem:v0+s25+$0x0], $0xffff  }
0x8c: {  	v1 =	vld.idx.msk [tilespmem:v1+s25+$0x0], $0xffff;
	_ =	sdelay $0x4  }
0x8d: {  	v2 =	vmul.f32 v2, v2;
	v3 =	vmul.f32 v3, v3;
	v0 =	vsub.f32 v0, v1;
	_ =	sdelay $0x1  }
0x8e: {  	v16 =	vadd.f32 v3, v2;
	v17 =	vmul.f32 v0, v0;
	_ =	sdelay $0x1  }
0x8f: {  	v1 =	vadd.f32 v17, v16  }
0x90: {  	[tilespmem:$0x17AA0] =	vst v0  }
0x91: {  	[tilespmem:$0x17B20] =	vst v1  }
0x92: {  	v0 =	vld [tilespmem:s18+$0x30]  }
0x93: {  	v1 =	vld [tilespmem:s18+$0x230];
	_ =	sdelay $0x3  }
0x94: {  	v0 =	vmul.u32 $0x3, v0  }
0x95: {  	v1 =	vmul.u32 $0x3, v1;
	_ =	sdelay $0x4  }
0x96: {  	v18 =	vld.idx.msk [tilespmem:v0+s25+$0x0], $0xffff  }
0x97: {  	v19 =	vld.idx.msk [tilespmem:v1+s25+$0x0], $0xffff;
	_ =	sdelay $0x2  }
0x98: {  	v20 =	vadd.s32 $0x1, v0  }
0x99: {  	v21 =	vadd.s32 $0x1, v1  }
0x9a: {  	v2 =	vsub.f32 v18, v19;
	_ =	sdelay $0x1  }
0x9b: {  	[tilespmem:$0x179B0] =	vst v2  }
0x9c: {  	v22 =	vld.idx.msk [tilespmem:v20+s25+$0x0], $0xffff  }
0x9d: {  	v23 =	vld.idx.msk [tilespmem:v21+s25+$0x0], $0xffff;
	_ =	sdelay $0x2  }
0x9e: {  	v0 =	vadd.s32 $0x2, v0  }
0x9f: {  	v1 =	vadd.s32 $0x2, v1  }
0xa0: {  	v3 =	vsub.f32 v22, v23;
	_ =	sdelay $0x1  }
0xa1: {  	[tilespmem:$0x17A30] =	vst v3  }
0xa2: {  	v0 =	vld.idx.msk [tilespmem:v0+s25+$0x0], $0xffff  }
0xa3: {  	v1 =	vld.idx.msk [tilespmem:v1+s25+$0x0], $0xffff;
	_ =	sdelay $0x4  }
0xa4: {  	v2 =	vmul.f32 v2, v2;
	v3 =	vmul.f32 v3, v3;
	v0 =	vsub.f32 v0, v1;
	_ =	sdelay $0x1  }
0xa5: {  	v24 =	vadd.f32 v3, v2;
	v25 =	vmul.f32 v0, v0;
	_ =	sdelay $0x1  }
0xa6: {  	v1 =	vadd.f32 v25, v24  }
0xa7: {  	[tilespmem:$0x17AB0] =	vst v0  }
0xa8: {  	[tilespmem:$0x17B30] =	vst v1  }
0xa9: {  	v0 =	vld [tilespmem:s18+$0x40]  }
0xaa: {  	v1 =	vld [tilespmem:s18+$0x240];
	_ =	sdelay $0x3  }
0xab: {  	v0 =	vmul.u32 $0x3, v0  }
0xac: {  	v1 =	vmul.u32 $0x3, v1;
	_ =	sdelay $0x4  }
0xad: {  	v26 =	vld.idx.msk [tilespmem:v0+s25+$0x0], $0xffff  }
0xae: {  	v27 =	vld.idx.msk [tilespmem:v1+s25+$0x0], $0xffff;
	_ =	sdelay $0x2  }
0xaf: {  	v28 =	vadd.s32 $0x1, v0  }
0xb0: {  	v29 =	vadd.s32 $0x1, v1  }
0xb1: {  	v2 =	vsub.f32 v26, v27;
	_ =	sdelay $0x1  }
0xb2: {  	[tilespmem:$0x179C0] =	vst v2  }
0xb3: {  	v30 =	vld.idx.msk [tilespmem:v28+s25+$0x0], $0xffff  }
0xb4: {  	v31 =	vld.idx.msk [tilespmem:v29+s25+$0x0], $0xffff;
	_ =	sdelay $0x2  }
0xb5: {  	v0 =	vadd.s32 $0x2, v0  }
0xb6: {  	v1 =	vadd.s32 $0x2, v1  }
0xb7: {  	v3 =	vsub.f32 v30, v31;
	_ =	sdelay $0x1  }
0xb8: {  	[tilespmem:$0x17A40] =	vst v3  }
0xb9: {  	v0 =	vld.idx.msk [tilespmem:v0+s25+$0x0], $0xffff  }
0xba: {  	v1 =	vld.idx.msk [tilespmem:v1+s25+$0x0], $0xffff;
	_ =	sdelay $0x4  }
0xbb: {  	v2 =	vmul.f32 v2, v2;
	v3 =	vmul.f32 v3, v3;
	v0 =	vsub.f32 v0, v1;
	_ =	sdelay $0x1  }
0xbc: {  	v32 =	vadd.f32 v3, v2;
	v33 =	vmul.f32 v0, v0;
	_ =	sdelay $0x1  }
0xbd: {  	v1 =	vadd.f32 v33, v32  }
0xbe: {  	[tilespmem:$0x17AC0] =	vst v0  }
0xbf: {  	[tilespmem:$0x17B40] =	vst v1  }
0xc0: {  	v0 =	vld [tilespmem:s18+$0x50]  }
0xc1: {  	v1 =	vld [tilespmem:s18+$0x250];
	_ =	sdelay $0x3  }
0xc2: {  	v0 =	vmul.u32 $0x3, v0  }
0xc3: {  	v1 =	vmul.u32 $0x3, v1;
	_ =	sdelay $0x4  }
0xc4: {  	v34 =	vld.idx.msk [tilespmem:v0+s25+$0x0], $0xffff  }
0xc5: {  	v35 =	vld.idx.msk [tilespmem:v1+s25+$0x0], $0xffff;
	_ =	sdelay $0x2  }
0xc6: {  	v36 =	vadd.s32 $0x1, v0  }
0xc7: {  	v37 =	vadd.s32 $0x1, v1  }
0xc8: {  	v2 =	vsub.f32 v34, v35;
	_ =	sdelay $0x1  }
0xc9: {  	[tilespmem:$0x179D0] =	vst v2  }
0xca: {  	v38 =	vld.idx.msk [tilespmem:v36+s25+$0x0], $0xffff  }
0xcb: {  	v39 =	vld.idx.msk [tilespmem:v37+s25+$0x0], $0xffff;
	_ =	sdelay $0x2  }
0xcc: {  	v0 =	vadd.s32 $0x2, v0  }
0xcd: {  	v1 =	vadd.s32 $0x2, v1  }
0xce: {  	v3 =	vsub.f32 v38, v39;
	_ =	sdelay $0x1  }
0xcf: {  	[tilespmem:$0x17A50] =	vst v3  }
0xd0: {  	v0 =	vld.idx.msk [tilespmem:v0+s25+$0x0], $0xffff  }
0xd1: {  	v1 =	vld.idx.msk [tilespmem:v1+s25+$0x0], $0xffff;
	_ =	sdelay $0x4  }
0xd2: {  	v2 =	vmul.f32 v2, v2;
	v3 =	vmul.f32 v3, v3;
	v0 =	vsub.f32 v0, v1;
	_ =	sdelay $0x1  }
0xd3: {  	v40 =	vadd.f32 v3, v2;
	v41 =	vmul.f32 v0, v0;
	_ =	sdelay $0x1  }
0xd4: {  	v1 =	vadd.f32 v41, v40  }
0xd5: {  	[tilespmem:$0x17AD0] =	vst v0  }
0xd6: {  	[tilespmem:$0x17B50] =	vst v1  }
0xd7: {  	v0 =	vld [tilespmem:s18+$0x60]  }
0xd8: {  	v1 =	vld [tilespmem:s18+$0x260];
	_ =	sdelay $0x3  }
0xd9: {  	v0 =	vmul.u32 $0x3, v0  }
0xda: {  	v1 =	vmul.u32 $0x3, v1;
	_ =	sdelay $0x4  }
0xdb: {  	v42 =	vld.idx.msk [tilespmem:v0+s25+$0x0], $0xffff  }
0xdc: {  	v43 =	vld.idx.msk [tilespmem:v1+s25+$0x0], $0xffff;
	_ =	sdelay $0x2  }
0xdd: {  	v44 =	vadd.s32 $0x1, v0  }
0xde: {  	v45 =	vadd.s32 $0x1, v1  }
0xdf: {  	v2 =	vsub.f32 v42, v43;
	_ =	sdelay $0x1  }
0xe0: {  	[tilespmem:$0x179E0] =	vst v2  }
0xe1: {  	v46 =	vld.idx.msk [tilespmem:v44+s25+$0x0], $0xffff  }
0xe2: {  	v47 =	vld.idx.msk [tilespmem:v45+s25+$0x0], $0xffff;
	_ =	sdelay $0x2  }
0xe3: {  	v0 =	vadd.s32 $0x2, v0  }
0xe4: {  	v1 =	vadd.s32 $0x2, v1  }
0xe5: {  	v3 =	vsub.f32 v46, v47;
	_ =	sdelay $0x1  }
0xe6: {  	[tilespmem:$0x17A60] =	vst v3  }
0xe7: {  	v0 =	vld.idx.msk [tilespmem:v0+s25+$0x0], $0xffff  }
0xe8: {  	v1 =	vld.idx.msk [tilespmem:v1+s25+$0x0], $0xffff;
	_ =	sdelay $0x4  }
0xe9: {  	v2 =	vmul.f32 v2, v2;
	v3 =	vmul.f32 v3, v3;
	v0 =	vsub.f32 v0, v1;
	_ =	sdelay $0x1  }
0xea: {  	v48 =	vadd.f32 v3, v2;
	v49 =	vmul.f32 v0, v0;
	_ =	sdelay $0x1  }
0xeb: {  	v1 =	vadd.f32 v49, v48  }
0xec: {  	[tilespmem:$0x17AE0] =	vst v0  }
0xed: {  	[tilespmem:$0x17B60] =	vst v1  }
0xee: {  	v0 =	vld [tilespmem:s18+$0x70]  }
0xef: {  	v1 =	vld [tilespmem:s18+$0x270];
	_ =	sdelay $0x3  }
0xf0: {  	v0 =	vmul.u32 $0x3, v0  }
0xf1: {  	v1 =	vmul.u32 $0x3, v1;
	_ =	sdelay $0x4  }
0xf2: {  	v50 =	vld.idx.msk [tilespmem:v0+s25+$0x0], $0xffff  }
0xf3: {  	v51 =	vld.idx.msk [tilespmem:v1+s25+$0x0], $0xffff;
	_ =	sdelay $0x2  }
0xf4: {  	v52 =	vadd.s32 $0x1, v0  }
0xf5: {  	v53 =	vadd.s32 $0x1, v1  }
0xf6: {  	v2 =	vsub.f32 v50, v51;
	_ =	sdelay $0x1  }
0xf7: {  	[tilespmem:$0x179F0] =	vst v2  }
0xf8: {  	v54 =	vld.idx.msk [tilespmem:v52+s25+$0x0], $0xffff  }
0xf9: {  	v55 =	vld.idx.msk [tilespmem:v53+s25+$0x0], $0xffff;
	_ =	sdelay $0x2  }
0xfa: {  	v0 =	vadd.s32 $0x2, v0  }
0xfb: {  	v1 =	vadd.s32 $0x2, v1  }
0xfc: {  	v3 =	vsub.f32 v54, v55;
	_ =	sdelay $0x1  }
0xfd: {  	[tilespmem:$0x17A70] =	vst v3  }
0xfe: {  	v0 =	vld.idx.msk [tilespmem:v0+s25+$0x0], $0xffff  }
0xff: {  	v1 =	vld.idx.msk [tilespmem:v1+s25+$0x0], $0xffff;
	_ =	sdelay $0x4  }
0x100: {  	v2 =	vmul.f32 v2, v2;
	v3 =	vmul.f32 v3, v3;
	v0 =	vsub.f32 v0, v1;
	_ =	sdelay $0x1  }
0x101: {  	v56 =	vadd.f32 v3, v2;
	v57 =	vmul.f32 v0, v0;
	_ =	sdelay $0x1  }
0x102: {  	v1 =	vadd.f32 v57, v56  }
0x103: {  	[tilespmem:$0x17AF0] =	vst v0  }
0x104: {  	[tilespmem:$0x17B70] =	vst v1  }
0x105: {  	v0 =	vld [tilespmem:s18+$0x100]  }
0x106: {  	v1 =	vld [tilespmem:s18+$0x300];
	_ =	sdelay $0x3  }
0x107: {  	v0 =	vmul.u32 $0x3, v0  }
0x108: {  	v1 =	vmul.u32 $0x3, v1;
	_ =	sdelay $0x4  }
0x109: {  	v58 =	vld.idx.msk [tilespmem:v0+s25+$0x0], $0xffff  }
0x10a: {  	v59 =	vld.idx.msk [tilespmem:v1+s25+$0x0], $0xffff;
	_ =	sdelay $0x2  }
0x10b: {  	v60 =	vadd.s32 $0x1, v0  }
0x10c: {  	v61 =	vadd.s32 $0x1, v1  }
0x10d: {  	v2 =	vsub.f32 v58, v59;
	_ =	sdelay $0x1  }
0x10e: {  	[tilespmem:$0x17D80] =	vst v2  }
0x10f: {  	v62 =	vld.idx.msk [tilespmem:v60+s25+$0x0], $0xffff  }
0x110: {  	v63 =	vld.idx.msk [tilespmem:v61+s25+$0x0], $0xffff;
	_ =	sdelay $0x2  }
0x111: {  	v0 =	vadd.s32 $0x2, v0  }
0x112: {  	v1 =	vadd.s32 $0x2, v1  }
0x113: {  	v3 =	vsub.f32 v62, v63;
	_ =	sdelay $0x1  }
0x114: {  	[tilespmem:$0x17E00] =	vst v3  }
0x115: {  	v0 =	vld.idx.msk [tilespmem:v0+s25+$0x0], $0xffff  }
0x116: {  	v1 =	vld.idx.msk [tilespmem:v1+s25+$0x0], $0xffff;
	_ =	sdelay $0x4  }
0x117: {  	v2 =	vmul.f32 v2, v2;
	v3 =	vmul.f32 v3, v3;
	v0 =	vsub.f32 v0, v1;
	_ =	sdelay $0x1  }
0x118: {  	v6 =	vadd.f32 v3, v2;
	v7 =	vmul.f32 v0, v0;
	_ =	sdelay $0x1  }
0x119: {  	v1 =	vadd.f32 v7, v6  }
0x11a: {  	[tilespmem:$0x17E80] =	vst v0  }
0x11b: {  	[tilespmem:$0x17F00] =	vst v1  }
0x11c: {  	v0 =	vld [tilespmem:s18+$0x110]  }
0x11d: {  	v1 =	vld [tilespmem:s18+$0x310];
	_ =	sdelay $0x3  }
0x11e: {  	v0 =	vmul.u32 $0x3, v0  }
0x11f: {  	v1 =	vmul.u32 $0x3, v1;
	_ =	sdelay $0x4  }
0x120: {  	v8 =	vld.idx.msk [tilespmem:v0+s25+$0x0], $0xffff  }
0x121: {  	v9 =	vld.idx.msk [tilespmem:v1+s25+$0x0], $0xffff;
	_ =	sdelay $0x2  }
0x122: {  	v10 =	vadd.s32 $0x1, v0  }
0x123: {  	v11 =	vadd.s32 $0x1, v1  }
0x124: {  	v2 =	vsub.f32 v8, v9;
	_ =	sdelay $0x1  }
0x125: {  	[tilespmem:$0x17D90] =	vst v2  }
0x126: {  	v12 =	vld.idx.msk [tilespmem:v10+s25+$0x0], $0xffff  }
0x127: {  	v13 =	vld.idx.msk [tilespmem:v11+s25+$0x0], $0xffff;
	_ =	sdelay $0x2  }
0x128: {  	v0 =	vadd.s32 $0x2, v0  }
0x129: {  	v1 =	vadd.s32 $0x2, v1  }
0x12a: {  	v3 =	vsub.f32 v12, v13;
	_ =	sdelay $0x1  }
0x12b: {  	[tilespmem:$0x17E10] =	vst v3  }
0x12c: {  	v0 =	vld.idx.msk [tilespmem:v0+s25+$0x0], $0xffff  }
0x12d: {  	v1 =	vld.idx.msk [tilespmem:v1+s25+$0x0], $0xffff;
	_ =	sdelay $0x4  }
0x12e: {  	v2 =	vmul.f32 v2, v2;
	v3 =	vmul.f32 v3, v3;
	v0 =	vsub.f32 v0, v1;
	_ =	sdelay $0x1  }
0x12f: {  	v14 =	vadd.f32 v3, v2;
	v15 =	vmul.f32 v0, v0;
	_ =	sdelay $0x1  }
0x130: {  	v1 =	vadd.f32 v15, v14  }
0x131: {  	[tilespmem:$0x17E90] =	vst v0  }
0x132: {  	[tilespmem:$0x17F10] =	vst v1  }
0x133: {  	v0 =	vld [tilespmem:s18+$0x120]  }
0x134: {  	v1 =	vld [tilespmem:s18+$0x320];
	_ =	sdelay $0x3  }
0x135: {  	v0 =	vmul.u32 $0x3, v0  }
0x136: {  	v1 =	vmul.u32 $0x3, v1;
	_ =	sdelay $0x4  }
0x137: {  	v16 =	vld.idx.msk [tilespmem:v0+s25+$0x0], $0xffff  }
0x138: {  	v17 =	vld.idx.msk [tilespmem:v1+s25+$0x0], $0xffff;
	_ =	sdelay $0x2  }
0x139: {  	v18 =	vadd.s32 $0x1, v0  }
0x13a: {  	v19 =	vadd.s32 $0x1, v1  }
0x13b: {  	v2 =	vsub.f32 v16, v17;
	_ =	sdelay $0x1  }
0x13c: {  	[tilespmem:$0x17DA0] =	vst v2  }
0x13d: {  	v20 =	vld.idx.msk [tilespmem:v18+s25+$0x0], $0xffff  }
0x13e: {  	v21 =	vld.idx.msk [tilespmem:v19+s25+$0x0], $0xffff;
	_ =	sdelay $0x2  }
0x13f: {  	v0 =	vadd.s32 $0x2, v0  }
0x140: {  	v1 =	vadd.s32 $0x2, v1  }
0x141: {  	v3 =	vsub.f32 v20, v21;
	_ =	sdelay $0x1  }
0x142: {  	[tilespmem:$0x17E20] =	vst v3  }
0x143: {  	v0 =	vld.idx.msk [tilespmem:v0+s25+$0x0], $0xffff  }
0x144: {  	v1 =	vld.idx.msk [tilespmem:v1+s25+$0x0], $0xffff;
	_ =	sdelay $0x4  }
0x145: {  	v2 =	vmul.f32 v2, v2;
	v3 =	vmul.f32 v3, v3;
	v0 =	vsub.f32 v0, v1;
	_ =	sdelay $0x1  }
0x146: {  	v22 =	vadd.f32 v3, v2;
	v23 =	vmul.f32 v0, v0;
	_ =	sdelay $0x1  }
0x147: {  	v1 =	vadd.f32 v23, v22  }
0x148: {  	[tilespmem:$0x17EA0] =	vst v0  }
0x149: {  	[tilespmem:$0x17F20] =	vst v1  }
0x14a: {  	v0 =	vld [tilespmem:s18+$0x130]  }
0x14b: {  	v1 =	vld [tilespmem:s18+$0x330];
	_ =	sdelay $0x3  }
0x14c: {  	v0 =	vmul.u32 $0x3, v0  }
0x14d: {  	v1 =	vmul.u32 $0x3, v1;
	_ =	sdelay $0x4  }
0x14e: {  	v24 =	vld.idx.msk [tilespmem:v0+s25+$0x0], $0xffff  }
0x14f: {  	v25 =	vld.idx.msk [tilespmem:v1+s25+$0x0], $0xffff;
	_ =	sdelay $0x2  }
0x150: {  	v26 =	vadd.s32 $0x1, v0  }
0x151: {  	v27 =	vadd.s32 $0x1, v1  }
0x152: {  	v2 =	vsub.f32 v24, v25;
	_ =	sdelay $0x1  }
0x153: {  	[tilespmem:$0x17DB0] =	vst v2  }
0x154: {  	v28 =	vld.idx.msk [tilespmem:v26+s25+$0x0], $0xffff  }
0x155: {  	v29 =	vld.idx.msk [tilespmem:v27+s25+$0x0], $0xffff;
	_ =	sdelay $0x2  }
0x156: {  	v0 =	vadd.s32 $0x2, v0  }
0x157: {  	v1 =	vadd.s32 $0x2, v1  }
0x158: {  	v3 =	vsub.f32 v28, v29;
	_ =	sdelay $0x1  }
0x159: {  	[tilespmem:$0x17E30] =	vst v3  }
0x15a: {  	v0 =	vld.idx.msk [tilespmem:v0+s25+$0x0], $0xffff  }
0x15b: {  	v1 =	vld.idx.msk [tilespmem:v1+s25+$0x0], $0xffff;
	_ =	sdelay $0x4  }
0x15c: {  	v2 =	vmul.f32 v2, v2;
	v3 =	vmul.f32 v3, v3;
	v0 =	vsub.f32 v0, v1;
	_ =	sdelay $0x1  }
0x15d: {  	v30 =	vadd.f32 v3, v2;
	v31 =	vmul.f32 v0, v0;
	_ =	sdelay $0x1  }
0x15e: {  	v1 =	vadd.f32 v31, v30  }
0x15f: {  	[tilespmem:$0x17EB0] =	vst v0  }
0x160: {  	[tilespmem:$0x17F30] =	vst v1  }
0x161: {  	v0 =	vld [tilespmem:s18+$0x140]  }
0x162: {  	v1 =	vld [tilespmem:s18+$0x340];
	_ =	sdelay $0x3  }
0x163: {  	v0 =	vmul.u32 $0x3, v0  }
0x164: {  	v1 =	vmul.u32 $0x3, v1;
	_ =	sdelay $0x4  }
0x165: {  	v32 =	vld.idx.msk [tilespmem:v0+s25+$0x0], $0xffff  }
0x166: {  	v33 =	vld.idx.msk [tilespmem:v1+s25+$0x0], $0xffff;
	_ =	sdelay $0x2  }
0x167: {  	v34 =	vadd.s32 $0x1, v0  }
0x168: {  	v35 =	vadd.s32 $0x1, v1  }
0x169: {  	v2 =	vsub.f32 v32, v33;
	_ =	sdelay $0x1  }
0x16a: {  	[tilespmem:$0x17DC0] =	vst v2  }
0x16b: {  	v36 =	vld.idx.msk [tilespmem:v34+s25+$0x0], $0xffff  }
0x16c: {  	v37 =	vld.idx.msk [tilespmem:v35+s25+$0x0], $0xffff;
	_ =	sdelay $0x2  }
0x16d: {  	v0 =	vadd.s32 $0x2, v0  }
0x16e: {  	v1 =	vadd.s32 $0x2, v1  }
0x16f: {  	v3 =	vsub.f32 v36, v37;
	_ =	sdelay $0x1  }
0x170: {  	[tilespmem:$0x17E40] =	vst v3  }
0x171: {  	v0 =	vld.idx.msk [tilespmem:v0+s25+$0x0], $0xffff  }
0x172: {  	v1 =	vld.idx.msk [tilespmem:v1+s25+$0x0], $0xffff;
	_ =	sdelay $0x4  }
0x173: {  	v2 =	vmul.f32 v2, v2;
	v3 =	vmul.f32 v3, v3;
	v0 =	vsub.f32 v0, v1;
	_ =	sdelay $0x1  }
0x174: {  	v38 =	vadd.f32 v3, v2;
	v39 =	vmul.f32 v0, v0;
	_ =	sdelay $0x1  }
0x175: {  	v1 =	vadd.f32 v39, v38  }
0x176: {  	[tilespmem:$0x17EC0] =	vst v0  }
0x177: {  	[tilespmem:$0x17F40] =	vst v1  }
0x178: {  	v0 =	vld [tilespmem:s18+$0x150]  }
0x179: {  	v1 =	vld [tilespmem:s18+$0x350];
	_ =	sdelay $0x3  }
0x17a: {  	v0 =	vmul.u32 $0x3, v0  }
0x17b: {  	v1 =	vmul.u32 $0x3, v1;
	_ =	sdelay $0x4  }
0x17c: {  	v40 =	vld.idx.msk [tilespmem:v0+s25+$0x0], $0xffff  }
0x17d: {  	v41 =	vld.idx.msk [tilespmem:v1+s25+$0x0], $0xffff;
	_ =	sdelay $0x2  }
0x17e: {  	v42 =	vadd.s32 $0x1, v0  }
0x17f: {  	v43 =	vadd.s32 $0x1, v1  }
0x180: {  	v2 =	vsub.f32 v40, v41;
	_ =	sdelay $0x1  }
0x181: {  	[tilespmem:$0x17DD0] =	vst v2  }
0x182: {  	v44 =	vld.idx.msk [tilespmem:v42+s25+$0x0], $0xffff  }
0x183: {  	v45 =	vld.idx.msk [tilespmem:v43+s25+$0x0], $0xffff;
	_ =	sdelay $0x2  }
0x184: {  	v0 =	vadd.s32 $0x2, v0  }
0x185: {  	v1 =	vadd.s32 $0x2, v1  }
0x186: {  	v3 =	vsub.f32 v44, v45;
	_ =	sdelay $0x1  }
0x187: {  	[tilespmem:$0x17E50] =	vst v3  }
0x188: {  	v0 =	vld.idx.msk [tilespmem:v0+s25+$0x0], $0xffff  }
0x189: {  	v1 =	vld.idx.msk [tilespmem:v1+s25+$0x0], $0xffff;
	_ =	sdelay $0x4  }
0x18a: {  	v2 =	vmul.f32 v2, v2;
	v3 =	vmul.f32 v3, v3;
	v0 =	vsub.f32 v0, v1;
	_ =	sdelay $0x1  }
0x18b: {  	v46 =	vadd.f32 v3, v2;
	v47 =	vmul.f32 v0, v0;
	_ =	sdelay $0x1  }
0x18c: {  	v1 =	vadd.f32 v47, v46  }
0x18d: {  	[tilespmem:$0x17ED0] =	vst v0  }
0x18e: {  	[tilespmem:$0x17F50] =	vst v1  }
0x18f: {  	v0 =	vld [tilespmem:s18+$0x160]  }
0x190: {  	v1 =	vld [tilespmem:s18+$0x360];
	_ =	sdelay $0x3  }
0x191: {  	v0 =	vmul.u32 $0x3, v0  }
0x192: {  	v1 =	vmul.u32 $0x3, v1;
	_ =	sdelay $0x4  }
0x193: {  	v48 =	vld.idx.msk [tilespmem:v0+s25+$0x0], $0xffff  }
0x194: {  	v49 =	vld.idx.msk [tilespmem:v1+s25+$0x0], $0xffff;
	_ =	sdelay $0x2  }
0x195: {  	v50 =	vadd.s32 $0x1, v0  }
0x196: {  	v51 =	vadd.s32 $0x1, v1  }
0x197: {  	v2 =	vsub.f32 v48, v49;
	_ =	sdelay $0x1  }
0x198: {  	[tilespmem:$0x17DE0] =	vst v2  }
0x199: {  	v52 =	vld.idx.msk [tilespmem:v50+s25+$0x0], $0xffff  }
0x19a: {  	v53 =	vld.idx.msk [tilespmem:v51+s25+$0x0], $0xffff;
	_ =	sdelay $0x2  }
0x19b: {  	v0 =	vadd.s32 $0x2, v0  }
0x19c: {  	v1 =	vadd.s32 $0x2, v1  }
0x19d: {  	v3 =	vsub.f32 v52, v53;
	_ =	sdelay $0x1  }
0x19e: {  	[tilespmem:$0x17E60] =	vst v3  }
0x19f: {  	v0 =	vld.idx.msk [tilespmem:v0+s25+$0x0], $0xffff  }
0x1a0: {  	v1 =	vld.idx.msk [tilespmem:v1+s25+$0x0], $0xffff;
	_ =	sdelay $0x4  }
0x1a1: {  	v2 =	vmul.f32 v2, v2;
	v3 =	vmul.f32 v3, v3;
	v0 =	vsub.f32 v0, v1;
	_ =	sdelay $0x1  }
0x1a2: {  	v54 =	vadd.f32 v3, v2;
	v55 =	vmul.f32 v0, v0;
	_ =	sdelay $0x1  }
0x1a3: {  	v1 =	vadd.f32 v55, v54  }
0x1a4: {  	[tilespmem:$0x17EE0] =	vst v0  }
0x1a5: {  	[tilespmem:$0x17F60] =	vst v1  }
0x1a6: {  	v0 =	vld [tilespmem:s18+$0x170]  }
0x1a7: {  	v1 =	vld [tilespmem:s18+$0x370];
	_ =	sdelay $0x3  }
0x1a8: {  	v0 =	vmul.u32 $0x3, v0  }
0x1a9: {  	v1 =	vmul.u32 $0x3, v1;
	_ =	sdelay $0x4  }
0x1aa: {  	v56 =	vld.idx.msk [tilespmem:v0+s25+$0x0], $0xffff  }
0x1ab: {  	v57 =	vld.idx.msk [tilespmem:v1+s25+$0x0], $0xffff;
	_ =	sdelay $0x2  }
0x1ac: {  	v58 =	vadd.s32 $0x1, v0  }
0x1ad: {  	v59 =	vadd.s32 $0x1, v1  }
0x1ae: {  	v2 =	vsub.f32 v56, v57;
	_ =	sdelay $0x1  }
0x1af: {  	[tilespmem:$0x17DF0] =	vst v2  }
0x1b0: {  	v60 =	vld.idx.msk [tilespmem:v58+s25+$0x0], $0xffff  }
0x1b1: {  	v61 =	vld.idx.msk [tilespmem:v59+s25+$0x0], $0xffff;
	_ =	sdelay $0x2  }
0x1b2: {  	v0 =	vadd.s32 $0x2, v0  }
0x1b3: {  	v1 =	vadd.s32 $0x2, v1  }
0x1b4: {  	v3 =	vsub.f32 v60, v61;
	_ =	sdelay $0x1  }
0x1b5: {  	[tilespmem:$0x17E70] =	vst v3  }
0x1b6: {  	v0 =	vld.idx.msk [tilespmem:v0+s25+$0x0], $0xffff  }
0x1b7: {  	v1 =	vld.idx.msk [tilespmem:v1+s25+$0x0], $0xffff;
	_ =	sdelay $0x4  }
0x1b8: {  	v2 =	vmul.f32 v2, v2;
	v3 =	vmul.f32 v3, v3;
	v0 =	vsub.f32 v0, v1;
	_ =	sdelay $0x1  }
0x1b9: {  	v62 =	vadd.f32 v3, v2;
	v63 =	vmul.f32 v0, v0;
	_ =	sdelay $0x1  }
0x1ba: {  	v1 =	vadd.f32 v63, v62  }
0x1bb: {  	s19 =	sand.u32 $0x1FFFFF00, s20;
	[tilespmem:$0x17EF0] =	vst v0  }
0x1bc: {  	s16 =	sadd.s32 s8, s19;
	[tilespmem:$0x17F70] =	vst v1  }
0x1bd: {  	[hbm4b:s16+s9] =	stream.linear.scatter [tilespmem:s12], [sflag:$0x5], $0x800, $0x38;
	[tilespmem:$0x18180] =	vst v63  }
0x1be: {  	_ =	swait.ge [sflag:s13], $0x800  }
0x1bf: {  	[sflag:s13] =	ssyncset.done $0x0  }
0x1c0: {  	[sflag:s13] =	ssyncadd.s32 $0xFFFFF800  }
0x1c1: {  	_ =	swait.ge [sflag:s14], $0x4000  }
0x1c2: {  	[sflag:s14] =	ssyncset.done $0x0  }
0x1c3: {  	[sflag:s14] =	ssyncadd.s32 $0xFFFFC000  }
0x1c4: {  	_ =	swait.ge [sflag:s14], $0x4000  }
0x1c5: {  	[sflag:s14] =	ssyncset.done $0x0  }
0x1c6: {  	[sflag:s14] =	ssyncadd.s32 $0xFFFFC000  }
0x1c7: {  	_ =	swait.ge [sflag:s15], $0x4000  }
0x1c8: {  	[sflag:s15] =	ssyncset.done $0x0  }
0x1c9: {  	[sflag:s15] =	ssyncadd.s32 $0xFFFFC000  }
0x1ca: {  	_ =	swait.ge [sflag:s15], $0x4000  }
0x1cb: {  	s26 =	sand.u32 $0x1FFFF000, s21;
	[sflag:s15] =	ssyncset.done $0x0  }
0x1cc: {  	s29 =	sadd.s32 s5, s26;
	[sflag:s15] =	ssyncadd.s32 $0xFFFFC000  }
0x1cd: {  	[hbm4b:s29+s9] =	stream.linear.scatter [tilespmem:s6], [sflag:$0x5], $0x8000, $0x38;
	[tilespmem:$0x18180] =	vst v63  }
0x1ce: {  	s23 =	sadd.s32 $0xFFFFFFFF, s23;
	_ =	swait.ge [sflag:s13], $0x8000  }
0x1cf: {  	p1 =	sne.s32 s23, $0x0;
	[sflag:s13] =	ssyncset.done $0x0  }
.Ltmp2:
0x1d0: {  	s16 =	sadd.s32 s7, s26;
	[sflag:s13] =	ssyncadd.s32 $0xFFFF8000;
	(pc) =	sbr.rel @p1 .LBB2_2-.Ltmp2, $4  }
0x1d1: {  	[hbm4b:s16+s9] =	stream.linear.scatter [tilespmem:s11], [sflag:$0x5], $0x8000, $0x38;
	[tilespmem:$0x18180] =	vst v63  }
0x1d2: {  	_ =	swait.ge [sflag:s13], $0x8000  }
0x1d3: {  	s28 =	sadd.s32 $0x20, s28;
	s24 =	sadd.s32 $0x4000, s24;
	[sflag:s13] =	ssyncset.done $0x0  }
0x1d4: {  	s20 =	sadd.s32 $0x2000, s20;
	s21 =	sadd.s32 $0x20000, s21;
	[sflag:s13] =	ssyncadd.s32 $0xFFFF8000  }
.Ltmp3:
0x1d5: {  	(pc) =	sbr.rel @p0 .LBB2_5-.Ltmp3, $1  }
0x1d6: {  	_ =	sdelay $0x3  }
0x1d7: {  	s16 =	rddreg [dreg:$0xd]  }
0x1d8: {  	[tilespmem:s9], [sflag:$0x5] =	stream.linear.gather [hbm4b:s16+s9], $0x80, $0x38;
	[tilespmem:$0x18180] =	vst v63  }
0x1d9: {  	_ =	swait.ge [sflag:s13], $0x80  }
0x1da: {  	[sflag:s13] =	ssyncset.done $0x0  }
0x1db: {  	s17 =	simm.s32 $0x200;
	s24 =	rddreg [dreg:$0xe];
	[sflag:s13] =	ssyncadd.s32 $0xFFFFFF80  }
0x1dc: {  	[tilespmem:s17], [sflag:$0x5] =	stream.linear.gather [hbm4b:s24+s9], $0x80, $0x38;
	[tilespmem:$0x18180] =	vst v63  }
0x1dd: {  	_ =	swait.ge [sflag:s13], $0x80  }
0x1de: {  	[sflag:s13] =	ssyncset.done $0x0  }
0x1df: {  	[sflag:s13] =	ssyncadd.s32 $0xFFFFFF80  }
0x1e0: {  	[tilespmem:s6], [sflag:$0x1] =	stream.indirect.gather [hbm4b:s0+s3], $0x80, s9, s3, $0xb8;
	[tilespmem:$0x18180] =	vst v63  }
0x1e1: {  	_ = 	snop  }
0x1e2: {  	[tilespmem:s11], [sflag:$0x2] =	stream.indirect.gather [hbm4b:s1+s3], $0x80, s17, s3, $0xb8;
	[tilespmem:$0x18180] =	vst v63  }
0x1e3: {  	v0 =	vld [tilespmem:$0x0]  }
0x1e4: {  	v1 =	vld [tilespmem:$0x200];
	_ =	sdelay $0x3  }
0x1e5: {  	v0 =	vmul.u32 $0x3, v0  }
0x1e6: {  	v1 =	vmul.u32 $0x3, v1;
	_ =	sdelay $0x4  }
0x1e7: {  	v2 =	vld.idx.msk [tilespmem:v0+s25+$0x0], $0xffff  }
0x1e8: {  	v3 =	vld.idx.msk [tilespmem:v1+s25+$0x0], $0xffff;
	_ =	sdelay $0x2  }
0x1e9: {  	v4 =	vadd.s32 $0x1, v0  }
0x1ea: {  	v5 =	vadd.s32 $0x1, v1  }
0x1eb: {  	v2 =	vsub.f32 v2, v3;
	_ =	sdelay $0x1  }
0x1ec: {  	[tilespmem:$0x17980] =	vst v2  }
0x1ed: {  	v43 =	vld.idx.msk [tilespmem:v4+s25+$0x0], $0xffff  }
0x1ee: {  	v44 =	vld.idx.msk [tilespmem:v5+s25+$0x0], $0xffff;
	_ =	sdelay $0x2  }
0x1ef: {  	v0 =	vadd.s32 $0x2, v0  }
0x1f0: {  	v1 =	vadd.s32 $0x2, v1  }
0x1f1: {  	v3 =	vsub.f32 v43, v44;
	_ =	sdelay $0x1  }
0x1f2: {  	[tilespmem:$0x17A00] =	vst v3  }
0x1f3: {  	v0 =	vld.idx.msk [tilespmem:v0+s25+$0x0], $0xffff  }
0x1f4: {  	v1 =	vld.idx.msk [tilespmem:v1+s25+$0x0], $0xffff  }
0x1f5: {  	v45 =	vld [tilespmem:$0x10]  }
0x1f6: {  	v46 =	vld [tilespmem:$0x210];
	_ =	sdelay $0x2  }
0x1f7: {  	v2 =	vmul.f32 v2, v2;
	v3 =	vmul.f32 v3, v3;
	v0 =	vsub.f32 v0, v1  }
0x1f8: {  	v47 =	vmul.u32 $0x3, v45  }
0x1f9: {  	v49 =	vmul.u32 $0x3, v46;
	v2 =	vadd.f32 v3, v2;
	v48 =	vmul.f32 v0, v0;
	_ =	sdelay $0x1  }
0x1fa: {  	v2 =	vadd.f32 v48, v2  }
0x1fb: {  	[tilespmem:$0x17A80] =	vst v0  }
0x1fc: {  	[tilespmem:$0x17B00] =	vst v2  }
0x1fd: {  	v0 =	vld.idx.msk [tilespmem:v47+s25+$0x0], $0xffff  }
0x1fe: {  	v2 =	vld.idx.msk [tilespmem:v49+s25+$0x0], $0xffff;
	_ =	sdelay $0x2  }
0x1ff: {  	v50 =	vadd.s32 $0x1, v47  }
0x200: {  	v5 =	vadd.s32 $0x1, v49  }
0x201: {  	v0 =	vsub.f32 v0, v2;
	_ =	sdelay $0x1  }
0x202: {  	[tilespmem:$0x17990] =	vst v0  }
0x203: {  	v51 =	vld.idx.msk [tilespmem:v50+s25+$0x0], $0xffff  }
0x204: {  	v52 =	vld.idx.msk [tilespmem:v5+s25+$0x0], $0xffff;
	_ =	sdelay $0x2  }
0x205: {  	v1 =	vadd.s32 $0x2, v47  }
0x206: {  	v4 =	vadd.s32 $0x2, v49  }
0x207: {  	v2 =	vsub.f32 v51, v52;
	_ =	sdelay $0x1  }
0x208: {  	[tilespmem:$0x17A10] =	vst v2  }
0x209: {  	v1 =	vld.idx.msk [tilespmem:v1+s25+$0x0], $0xffff  }
0x20a: {  	v53 =	vld.idx.msk [tilespmem:v4+s25+$0x0], $0xffff  }
0x20b: {  	v54 =	vld [tilespmem:$0x20]  }
0x20c: {  	v55 =	vld [tilespmem:$0x220];
	_ =	sdelay $0x2  }
0x20d: {  	v0 =	vmul.f32 v0, v0;
	v2 =	vmul.f32 v2, v2;
	v1 =	vsub.f32 v1, v53  }
0x20e: {  	v56 =	vmul.u32 $0x3, v54  }
0x20f: {  	v58 =	vmul.u32 $0x3, v55;
	v0 =	vadd.f32 v2, v0;
	v57 =	vmul.f32 v1, v1;
	_ =	sdelay $0x1  }
0x210: {  	v0 =	vadd.f32 v57, v0  }
0x211: {  	[tilespmem:$0x17A90] =	vst v1  }
0x212: {  	[tilespmem:$0x17B10] =	vst v0  }
0x213: {  	v0 =	vld.idx.msk [tilespmem:v56+s25+$0x0], $0xffff  }
0x214: {  	v1 =	vld.idx.msk [tilespmem:v58+s25+$0x0], $0xffff;
	_ =	sdelay $0x2  }
0x215: {  	v59 =	vadd.s32 $0x1, v56  }
0x216: {  	v5 =	vadd.s32 $0x1, v58  }
0x217: {  	v0 =	vsub.f32 v0, v1;
	_ =	sdelay $0x1  }
0x218: {  	[tilespmem:$0x179A0] =	vst v0  }
0x219: {  	v60 =	vld.idx.msk [tilespmem:v59+s25+$0x0], $0xffff  }
0x21a: {  	v61 =	vld.idx.msk [tilespmem:v5+s25+$0x0], $0xffff;
	_ =	sdelay $0x2  }
0x21b: {  	v3 =	vadd.s32 $0x2, v56  }
0x21c: {  	v4 =	vadd.s32 $0x2, v58  }
0x21d: {  	v1 =	vsub.f32 v60, v61;
	_ =	sdelay $0x1  }
0x21e: {  	[tilespmem:$0x17A20] =	vst v1  }
0x21f: {  	v62 =	vld.idx.msk [tilespmem:v3+s25+$0x0], $0xffff  }
0x220: {  	v63 =	vld.idx.msk [tilespmem:v4+s25+$0x0], $0xffff  }
0x221: {  	v8 =	vld [tilespmem:$0x30]  }
0x222: {  	v9 =	vld [tilespmem:$0x230];
	_ =	sdelay $0x2  }
0x223: {  	v0 =	vmul.f32 v0, v0;
	v1 =	vmul.f32 v1, v1;
	v2 =	vsub.f32 v62, v63  }
0x224: {  	v10 =	vmul.u32 $0x3, v8  }
0x225: {  	v12 =	vmul.u32 $0x3, v9;
	v0 =	vadd.f32 v1, v0;
	v11 =	vmul.f32 v2, v2;
	_ =	sdelay $0x1  }
0x226: {  	v0 =	vadd.f32 v11, v0  }
0x227: {  	[tilespmem:$0x17AA0] =	vst v2  }
0x228: {  	[tilespmem:$0x17B20] =	vst v0  }
0x229: {  	v0 =	vld.idx.msk [tilespmem:v10+s25+$0x0], $0xffff  }
0x22a: {  	v13 =	vld.idx.msk [tilespmem:v12+s25+$0x0], $0xffff;
	_ =	sdelay $0x2  }
0x22b: {  	v14 =	vadd.s32 $0x1, v10  }
0x22c: {  	v5 =	vadd.s32 $0x1, v12  }
0x22d: {  	v0 =	vsub.f32 v0, v13;
	_ =	sdelay $0x1  }
0x22e: {  	[tilespmem:$0x179B0] =	vst v0  }
0x22f: {  	v15 =	vld.idx.msk [tilespmem:v14+s25+$0x0], $0xffff  }
0x230: {  	v16 =	vld.idx.msk [tilespmem:v5+s25+$0x0], $0xffff;
	_ =	sdelay $0x2  }
0x231: {  	v3 =	vadd.s32 $0x2, v10  }
0x232: {  	v4 =	vadd.s32 $0x2, v12  }
0x233: {  	v1 =	vsub.f32 v15, v16;
	_ =	sdelay $0x1  }
0x234: {  	[tilespmem:$0x17A30] =	vst v1  }
0x235: {  	v17 =	vld.idx.msk [tilespmem:v3+s25+$0x0], $0xffff  }
0x236: {  	v18 =	vld.idx.msk [tilespmem:v4+s25+$0x0], $0xffff  }
0x237: {  	v19 =	vld [tilespmem:$0x40]  }
0x238: {  	v20 =	vld [tilespmem:$0x240];
	_ =	sdelay $0x2  }
0x239: {  	v0 =	vmul.f32 v0, v0;
	v1 =	vmul.f32 v1, v1;
	v2 =	vsub.f32 v17, v18  }
0x23a: {  	v21 =	vmul.u32 $0x3, v19  }
0x23b: {  	v23 =	vmul.u32 $0x3, v20;
	v0 =	vadd.f32 v1, v0;
	v22 =	vmul.f32 v2, v2;
	_ =	sdelay $0x1  }
0x23c: {  	v0 =	vadd.f32 v22, v0  }
0x23d: {  	[tilespmem:$0x17AB0] =	vst v2  }
0x23e: {  	[tilespmem:$0x17B30] =	vst v0  }
0x23f: {  	v0 =	vld.idx.msk [tilespmem:v21+s25+$0x0], $0xffff  }
0x240: {  	v24 =	vld.idx.msk [tilespmem:v23+s25+$0x0], $0xffff;
	_ =	sdelay $0x2  }
0x241: {  	v25 =	vadd.s32 $0x1, v21  }
0x242: {  	v5 =	vadd.s32 $0x1, v23  }
0x243: {  	v0 =	vsub.f32 v0, v24;
	_ =	sdelay $0x1  }
0x244: {  	[tilespmem:$0x179C0] =	vst v0  }
0x245: {  	v26 =	vld.idx.msk [tilespmem:v25+s25+$0x0], $0xffff  }
0x246: {  	v27 =	vld.idx.msk [tilespmem:v5+s25+$0x0], $0xffff;
	_ =	sdelay $0x2  }
0x247: {  	v3 =	vadd.s32 $0x2, v21  }
0x248: {  	v4 =	vadd.s32 $0x2, v23  }
0x249: {  	v1 =	vsub.f32 v26, v27;
	_ =	sdelay $0x1  }
0x24a: {  	[tilespmem:$0x17A40] =	vst v1  }
0x24b: {  	v28 =	vld.idx.msk [tilespmem:v3+s25+$0x0], $0xffff  }
0x24c: {  	v29 =	vld.idx.msk [tilespmem:v4+s25+$0x0], $0xffff  }
0x24d: {  	v30 =	vld [tilespmem:$0x50]  }
0x24e: {  	v31 =	vld [tilespmem:$0x250];
	_ =	sdelay $0x2  }
0x24f: {  	v0 =	vmul.f32 v0, v0;
	v1 =	vmul.f32 v1, v1;
	v2 =	vsub.f32 v28, v29  }
0x250: {  	v32 =	vmul.u32 $0x3, v30  }
0x251: {  	v34 =	vmul.u32 $0x3, v31;
	v0 =	vadd.f32 v1, v0;
	v33 =	vmul.f32 v2, v2;
	_ =	sdelay $0x1  }
0x252: {  	v0 =	vadd.f32 v33, v0  }
0x253: {  	[tilespmem:$0x17AC0] =	vst v2  }
0x254: {  	[tilespmem:$0x17B40] =	vst v0  }
0x255: {  	v0 =	vld.idx.msk [tilespmem:v32+s25+$0x0], $0xffff  }
0x256: {  	v35 =	vld.idx.msk [tilespmem:v34+s25+$0x0], $0xffff;
	_ =	sdelay $0x2  }
0x257: {  	v36 =	vadd.s32 $0x1, v32  }
0x258: {  	v5 =	vadd.s32 $0x1, v34  }
0x259: {  	v0 =	vsub.f32 v0, v35;
	_ =	sdelay $0x1  }
0x25a: {  	[tilespmem:$0x179D0] =	vst v0  }
0x25b: {  	v37 =	vld.idx.msk [tilespmem:v36+s25+$0x0], $0xffff  }
0x25c: {  	v38 =	vld.idx.msk [tilespmem:v5+s25+$0x0], $0xffff;
	_ =	sdelay $0x2  }
0x25d: {  	v3 =	vadd.s32 $0x2, v32  }
0x25e: {  	v4 =	vadd.s32 $0x2, v34  }
0x25f: {  	v1 =	vsub.f32 v37, v38;
	_ =	sdelay $0x1  }
0x260: {  	[tilespmem:$0x17A50] =	vst v1  }
0x261: {  	v39 =	vld.idx.msk [tilespmem:v3+s25+$0x0], $0xffff  }
0x262: {  	v40 =	vld.idx.msk [tilespmem:v4+s25+$0x0], $0xffff  }
0x263: {  	v41 =	vld [tilespmem:$0x60]  }
0x264: {  	v42 =	vld [tilespmem:$0x260];
	_ =	sdelay $0x2  }
0x265: {  	v0 =	vmul.f32 v0, v0;
	v1 =	vmul.f32 v1, v1;
	v2 =	vsub.f32 v39, v40  }
0x266: {  	v43 =	vmul.u32 $0x3, v41  }
0x267: {  	v45 =	vmul.u32 $0x3, v42;
	v0 =	vadd.f32 v1, v0;
	v44 =	vmul.f32 v2, v2;
	_ =	sdelay $0x1  }
0x268: {  	v0 =	vadd.f32 v44, v0  }
0x269: {  	[tilespmem:$0x17AD0] =	vst v2  }
0x26a: {  	[tilespmem:$0x17B50] =	vst v0  }
0x26b: {  	v0 =	vld.idx.msk [tilespmem:v43+s25+$0x0], $0xffff  }
0x26c: {  	v46 =	vld.idx.msk [tilespmem:v45+s25+$0x0], $0xffff;
	_ =	sdelay $0x2  }
0x26d: {  	v47 =	vadd.s32 $0x1, v43  }
0x26e: {  	v5 =	vadd.s32 $0x1, v45  }
0x26f: {  	v0 =	vsub.f32 v0, v46;
	_ =	sdelay $0x1  }
0x270: {  	[tilespmem:$0x179E0] =	vst v0  }
0x271: {  	v48 =	vld.idx.msk [tilespmem:v47+s25+$0x0], $0xffff  }
0x272: {  	v49 =	vld.idx.msk [tilespmem:v5+s25+$0x0], $0xffff;
	_ =	sdelay $0x2  }
0x273: {  	v3 =	vadd.s32 $0x2, v43  }
0x274: {  	v4 =	vadd.s32 $0x2, v45  }
0x275: {  	v1 =	vsub.f32 v48, v49;
	_ =	sdelay $0x1  }
0x276: {  	[tilespmem:$0x17A60] =	vst v1  }
0x277: {  	v50 =	vld.idx.msk [tilespmem:v3+s25+$0x0], $0xffff  }
0x278: {  	v51 =	vld.idx.msk [tilespmem:v4+s25+$0x0], $0xffff  }
0x279: {  	v52 =	vld [tilespmem:$0x70]  }
0x27a: {  	v53 =	vld [tilespmem:$0x270];
	_ =	sdelay $0x2  }
0x27b: {  	v0 =	vmul.f32 v0, v0;
	v1 =	vmul.f32 v1, v1;
	v2 =	vsub.f32 v50, v51  }
0x27c: {  	v54 =	vmul.u32 $0x3, v52  }
0x27d: {  	v56 =	vmul.u32 $0x3, v53;
	v0 =	vadd.f32 v1, v0;
	v55 =	vmul.f32 v2, v2;
	_ =	sdelay $0x1  }
0x27e: {  	v0 =	vadd.f32 v55, v0  }
0x27f: {  	[tilespmem:$0x17AE0] =	vst v2  }
0x280: {  	[tilespmem:$0x17B60] =	vst v0  }
0x281: {  	v0 =	vld.idx.msk [tilespmem:v54+s25+$0x0], $0xffff  }
0x282: {  	v57 =	vld.idx.msk [tilespmem:v56+s25+$0x0], $0xffff;
	_ =	sdelay $0x2  }
0x283: {  	v58 =	vadd.s32 $0x1, v54  }
0x284: {  	v5 =	vadd.s32 $0x1, v56  }
0x285: {  	v0 =	vsub.f32 v0, v57;
	_ =	sdelay $0x1  }
0x286: {  	[tilespmem:$0x179F0] =	vst v0  }
0x287: {  	v59 =	vld.idx.msk [tilespmem:v58+s25+$0x0], $0xffff  }
0x288: {  	v60 =	vld.idx.msk [tilespmem:v5+s25+$0x0], $0xffff;
	_ =	sdelay $0x2  }
0x289: {  	v3 =	vadd.s32 $0x2, v54  }
0x28a: {  	v4 =	vadd.s32 $0x2, v56  }
0x28b: {  	v1 =	vsub.f32 v59, v60;
	_ =	sdelay $0x1  }
0x28c: {  	[tilespmem:$0x17A70] =	vst v1  }
0x28d: {  	v61 =	vld.idx.msk [tilespmem:v3+s25+$0x0], $0xffff  }
0x28e: {  	v62 =	vld.idx.msk [tilespmem:v4+s25+$0x0], $0xffff;
	_ =	sdelay $0x4  }
0x28f: {  	v0 =	vmul.f32 v0, v0;
	v1 =	vmul.f32 v1, v1;
	v2 =	vsub.f32 v61, v62;
	_ =	sdelay $0x1  }
0x290: {  	v0 =	vadd.f32 v1, v0;
	v63 =	vmul.f32 v2, v2;
	_ =	sdelay $0x1  }
0x291: {  	v0 =	vadd.f32 v63, v0  }
0x292: {  	[tilespmem:$0x17AF0] =	vst v2  }
0x293: {  	s26 =	rddreg [dreg:$0xf];
	[tilespmem:$0x17B70] =	vst v0  }
0x294: {  	[hbm4b:s26+s9] =	stream.linear.scatter [tilespmem:s12], [sflag:$0x5], $0x400, $0x38;
	[tilespmem:$0x18180] =	vst v63  }
0x295: {  	_ =	swait.ge [sflag:s13], $0x400  }
0x296: {  	[sflag:s13] =	ssyncset.done $0x0  }
0x297: {  	[sflag:s13] =	ssyncadd.s32 $0xFFFFFC00  }
0x298: {  	_ =	swait.ge [sflag:s14], $0x4000  }
0x299: {  	[sflag:s14] =	ssyncset.done $0x0  }
0x29a: {  	[sflag:s14] =	ssyncadd.s32 $0xFFFFC000  }
0x29b: {  	_ =	swait.ge [sflag:s15], $0x4000  }
0x29c: {  	[sflag:s15] =	ssyncset.done $0x0  }
0x29d: {  	s28 =	rddreg [dreg:$0x10];
	[sflag:s15] =	ssyncadd.s32 $0xFFFFC000  }
0x29e: {  	[hbm4b:s28+s9] =	stream.linear.scatter [tilespmem:s6], [sflag:$0x5], $0x4000, $0x38;
	[tilespmem:$0x18180] =	vst v63  }
0x29f: {  	_ =	swait.ge [sflag:s13], $0x4000  }
0x2a0: {  	[sflag:s13] =	ssyncset.done $0x0  }
.Ltmp4:
0x2a1: {  	s29 =	rddreg [dreg:$0x11];
	[sflag:s13] =	ssyncadd.s32 $0xFFFFC000;
	(pc) =	sbr.rel .LBB2_5-.Ltmp4, $4  }
0x2a2: {  	[hbm4b:s29+s9] =	stream.linear.scatter [tilespmem:s11], [sflag:$0x5], $0x4000, $0x38;
	[tilespmem:$0x18180] =	vst v63  }
0x2a3: {  	_ =	swait.ge [sflag:s13], $0x4000  }
0x2a4: {  	[sflag:s13] =	ssyncset.done $0x0  }
0x2a5: {  	s10 =	simm.s32 $0x200;
	[sflag:s13] =	ssyncadd.s32 $0xFFFFC000  }
.LBB2_6:
0x2a6: {  	_ =	sfence.sel $0x180000  }
0x2a7: {  	[bflag:$0x0] =	sbarrier.arrive $0xFFFF  }
0x2a8: {  	_ =	strace $0x90000047  }
0x2a9: {  	s0 =	stileid.u32;
	[bflag:$0x2] =	sbarrier.arrive $0xFFFF  }
0x2aa: {  	p0 =	sne.s32 s0, $0x0;
	s0 =	rddreg [dreg:$0x9]  }
0x2ab: {  	s0 =	sadd.s32 @!p0 $0x100000, s0  }
0x2ac: {  	[sflag:s0] =	ssyncadd.tile.s32 @!p0 $0x1;
	_ =	shalt  }
.Lfunc_end2:
_tile_overlayer_lowered:
.L_overlay_start_2:
0x2ad: {  	(tag) =	ssettag $0x2  }
0x2ae: {  	s0 =	rddreg [dreg:$0x0];
	s2 =	stileid.u32  }
0x2af: {  	s1 =	rddreg [dreg:$0x1];
	p0 =	sne.s32 s2, $0x0  }
0x2b0: {  	s3 =	rddreg [dreg:$0x2];
	[bflag:$0x3] =	sbarrier.arrive $0xFFFF;
	s2 =	simm.s32 @!p0 $0x1C05  }
0x2b1: {  	[timem:s3], [sflag:s2] =	dma.local @!p0 [hbm:s0], s1  }
0x2b2: {  	s0 =	simm.s32 @!p0 $0x5  }
0x2b3: {  	_ =	swait.ge @!p0 [sflag:s0], s1  }
0x2b4: {  	s1 =	ssub.s32 @!p0 $0x0, s1;
	[sflag:s0] =	ssyncset.done @!p0 $0x0  }
0x2b5: {  	[sflag:s0] =	ssyncadd.s32 @!p0 s1  }
0x2b6: {  	[bflag:$0x3] =	sbarrier.arrive $0xFFFF  }
0x2b7: {  	_ =	shalt  }

</sc_bundles>
